<compile_context>
chip_gen: v7x
topology: tpu7x:2x2x1
jax: 0.10.2.dev20260603
libtpu: 0.0.44.dev20260713+nightly
codegen_flags: <defaults>
</compile_context>

<pallas_src>
import functools

import jax
import jax.numpy as jnp
import numpy as np
from jax import lax
from jax.experimental import pallas as pl
from jax.experimental.pallas import tpu as pltpu
from jax.experimental.pallas import tpu_sc as plsc

N = 10000
NPAD = 10000
E = 320000
NC, NS = 2, 16

_f32 = jnp.float32


def _eye_embed(rows, cols, r0, c0, n):
    m = np.zeros((rows, cols), np.float32)
    for i in range(n):
        m[r0 + i, c0 + i] = 1.0
    return m


_SEL0 = _eye_embed(128, 64, 0, 0, 64)
_SEL1 = _eye_embed(128, 64, 64, 0, 64)
_E00 = _eye_embed(128, 128, 0, 0, 64)
_E01 = _eye_embed(128, 128, 0, 64, 64)
_E10 = _eye_embed(128, 128, 64, 0, 64)
_E11 = _eye_embed(128, 128, 64, 64, 64)
_E0_80_128 = _eye_embed(80, 128, 0, 0, 64)
_E1_80_128 = _eye_embed(80, 128, 0, 64, 64)
_E0_64_128 = _eye_embed(64, 128, 0, 0, 64)
_E1_64_128 = _eye_embed(64, 128, 0, 64, 64)
_GS128_8 = _eye_embed(128, 8, 64, 0, 8)
_GE80_64 = _eye_embed(80, 64, 0, 0, 64)
_GS80_16 = _eye_embed(80, 16, 64, 0, 16)

_gd = np.zeros((80, 64), np.float32)
_g8 = np.zeros((16, 64), np.float32)
for _h in range(8):
    _gd[64 + _h, 8 * _h:8 * _h + 8] = 1.0
    _g8[_h, 8 * _h:8 * _h + 8] = 1.0
_GD80_64 = _gd
_G8B = _g8
_s64a = np.zeros((80, 128), np.float32)
_s64a[64, :] = 1.0
_S64_80 = _s64a
_s64b = np.zeros((80, 128), np.float32)
_s64b[64, :] = 1.0
_S64_80b = _s64b
_s08 = np.zeros((16, 128), np.float32)
_s08[0, :] = 1.0
_S0_8 = _s08


def _elu(x):
    return jnp.where(x > 0, x, jnp.exp(jnp.minimum(x, 0.0)) - 1.0)



def _dot(a, b):
    return jnp.dot(a, b, preferred_element_type=_f32)


def _prep1_body(x_ref, w1_ref, k128_ref, md_ref, t1s_ref, t1d_ref):
    h = _dot(x_ref[...], w1_ref[...])
    t1s_ref[...] = _dot(h, k128_ref[...])
    t1d_ref[...] = _dot(h, md_ref[...])


def _prep1(x, W1, K128, Md):
    nb = 10
    bs = N // nb
    return pl.pallas_call(
        _prep1_body,
        grid=(nb,),
        in_specs=[
            pl.BlockSpec((bs, 128), lambda i: (i, 0)),
            pl.BlockSpec((128, 64), lambda i: (0, 0)),
            pl.BlockSpec((64, 80), lambda i: (0, 0)),
            pl.BlockSpec((64, 16), lambda i: (0, 0)),
        ],
        out_specs=[
            pl.BlockSpec((bs, 80), lambda i: (i, 0)),
            pl.BlockSpec((bs, 16), lambda i: (i, 0)),
        ],
        out_shape=[
            jax.ShapeDtypeStruct((N, 80), _f32),
            jax.ShapeDtypeStruct((N, 16), _f32),
        ],
    )(x, W1, K128, Md)


def _mid_body(acc_ref, t1s_ref, t1d_ref, w2_ref, b1_ref, pa_ref, pb_ref,
              pd_ref, sel0_ref, gs_ref, g8_ref, gd_ref,
              t2a_ref, t2b_ref, t2d_ref):
    acc = acc_ref[0] + acc_ref[1]
    t1 = t1s_ref[...]
    h1 = _dot(t1, sel0_ref[...])
    a = _dot(t1, gs_ref[...]) + t1d_ref[...]
    ws = jnp.exp(jnp.maximum(a, 0.2 * a))
    wb = _dot(ws, g8_ref[...])
    msg = _dot(acc, gd_ref[0]) + h1 * wb
    den = _dot(acc, gd_ref[1]) + wb + 1e-16
    out1 = msg / den + b1_ref[...]
    hm = _elu(out1)
    h2 = _dot(hm, w2_ref[...])
    t2a_ref[...] = _dot(h2, pa_ref[...])
    t2b_ref[...] = _dot(h2, pb_ref[...])
    t2d_ref[...] = _dot(h2, pd_ref[...])


def _mid(acc1, t1s, t1d, W2, b1, Pa, Pb, Pd, GdPair):
    nb = 10
    bs = N // nb
    return pl.pallas_call(
        _mid_body,
        grid=(nb,),
        in_specs=[
            pl.BlockSpec((2, bs, 80), lambda i: (0, i, 0)),
            pl.BlockSpec((bs, 80), lambda i: (i, 0)),
            pl.BlockSpec((bs, 16), lambda i: (i, 0)),
            pl.BlockSpec((64, 128), lambda i: (0, 0)),
            pl.BlockSpec((1, 64), lambda i: (0, 0)),
            pl.BlockSpec((128, 80), lambda i: (0, 0)),
            pl.BlockSpec((128, 80), lambda i: (0, 0)),
            pl.BlockSpec((128, 16), lambda i: (0, 0)),
            pl.BlockSpec((80, 64), lambda i: (0, 0)),
            pl.BlockSpec((80, 16), lambda i: (0, 0)),
            pl.BlockSpec((16, 64), lambda i: (0, 0)),
            pl.BlockSpec((2, 80, 64), lambda i: (0, 0, 0)),
        ],
        out_specs=[
            pl.BlockSpec((bs, 80), lambda i: (i, 0)),
            pl.BlockSpec((bs, 80), lambda i: (i, 0)),
            pl.BlockSpec((bs, 16), lambda i: (i, 0)),
        ],
        out_shape=[
            jax.ShapeDtypeStruct((N, 80), _f32),
            jax.ShapeDtypeStruct((N, 80), _f32),
            jax.ShapeDtypeStruct((N, 16), _f32),
        ],
    )(acc1, t1s, t1d, W2, b1.reshape(1, 64), Pa, Pb, Pd,
      _GE80_64, _GS80_16, _G8B, GdPair)


def _fin2_body(acca_ref, accb_ref, t2a_ref, t2b_ref, t2d_ref, b2_ref,
               wl_ref, bl_ref, wea_ref, web_ref, e_ref, eab_ref, ea80_ref,
               s64a_ref, s64b_ref, s08_ref, ta0_ref, tb0_ref, ta1_ref,
               tb1_ref):
    acc0 = acca_ref[0] + acca_ref[1]
    acc1 = accb_ref[0] + accb_ref[1]
    t2a = t2a_ref[...]
    t2b = t2b_ref[...]
    e00 = e_ref[0]
    e01 = e_ref[1]
    h2 = _dot(t2a, e00) + _dot(t2b, e01)
    a = _dot(t2a, s64b_ref[...]) + _dot(t2d_ref[...], s08_ref[...])
    ws = jnp.exp(jnp.maximum(a, 0.2 * a))
    msg = _dot(acc0, ea80_ref[0]) + _dot(acc1, ea80_ref[1])
    den = _dot(acc0, s64a_ref[...]) + ws + 1e-16
    out2 = (msg + h2 * ws) / den + b2_ref[...]
    h = _elu(out2)
    hf = _dot(h, wl_ref[...]) + bl_ref[...]
    A = _dot(hf, wea_ref[...])
    B = _dot(hf, web_ref[...])
    ta0_ref[...] = _dot(A, eab_ref[0])
    tb0_ref[...] = _dot(B, eab_ref[0])
    ta1_ref[...] = _dot(A, eab_ref[1])
    tb1_ref[...] = _dot(B, eab_ref[1])


def _fin2(acc2a, acc2b, t2a, t2b, t2d, b2, Wl, bl, We1a, We1b, Equad,
          Eab, Ea80):
    nb = 10
    bs = N // nb
    return pl.pallas_call(
        _fin2_body,
        grid=(nb,),
        in_specs=[
            pl.BlockSpec((2, bs, 80), lambda i: (0, i, 0)),
            pl.BlockSpec((2, bs, 80), lambda i: (0, i, 0)),
            pl.BlockSpec((bs, 80), lambda i: (i, 0)),
            pl.BlockSpec((bs, 80), lambda i: (i, 0)),
            pl.BlockSpec((bs, 16), lambda i: (i, 0)),
            pl.BlockSpec((1, 128), lambda i: (0, 0)),
            pl.BlockSpec((128, 128), lambda i: (0, 0)),
            pl.BlockSpec((1, 128), lambda i: (0, 0)),
            pl.BlockSpec((128, 128), lambda i: (0, 0)),
            pl.BlockSpec((128, 128), lambda i: (0, 0)),
            pl.BlockSpec((4, 80, 128), lambda i: (0, 0, 0)),
            pl.BlockSpec((2, 128, 64), lambda i: (0, 0, 0)),
            pl.BlockSpec((2, 80, 128), lambda i: (0, 0, 0)),
            pl.BlockSpec((80, 128), lambda i: (0, 0)),
            pl.BlockSpec((80, 128), lambda i: (0, 0)),
            pl.BlockSpec((16, 128), lambda i: (0, 0)),
        ],
        out_specs=[pl.BlockSpec((bs, 64), lambda i: (i, 0))] * 4,
        out_shape=[jax.ShapeDtypeStruct((N, 64), _f32)] * 4,
    )(acc2a, acc2b, t2a, t2b, t2d, b2.reshape(1, 128), Wl,
      bl.reshape(1, 128), We1a, We1b, Equad, Eab, Ea80, _S64_80,
      _S64_80b, _S0_8)


def _mlp_body(s0_ref, s1_ref, ea_ref, wec_ref, be1_ref, we2_ref, be2_ref,
              e0_ref, e1_ref, out_ref):
    c = _dot(ea_ref[...], wec_ref[...])
    pre = _dot(s0_ref[...], e0_ref[...]) + _dot(s1_ref[...], e1_ref[...])
    pre = pre + c + be1_ref[...]
    hid = jnp.maximum(pre, 0.0)
    eo = _dot(hid, we2_ref[...]) + be2_ref[...]
    m = jnp.max(eo, axis=1, keepdims=True)
    lse = m + jnp.log(jnp.sum(jnp.exp(eo - m), axis=1, keepdims=True))
    out_ref[...] = eo - lse


def _mlp(s0, s1, ea, We1c, be1, We2, be2):
    nb = 160
    bs = E // nb
    return pl.pallas_call(
        _mlp_body,
        grid=(nb,),
        in_specs=[
            pl.BlockSpec((bs, 64), lambda i: (i, 0)),
            pl.BlockSpec((bs, 64), lambda i: (i, 0)),
            pl.BlockSpec((bs, 16), lambda i: (i, 0)),
            pl.BlockSpec((16, 128), lambda i: (0, 0)),
            pl.BlockSpec((1, 128), lambda i: (0, 0)),
            pl.BlockSpec((128, 2), lambda i: (0, 0)),
            pl.BlockSpec((1, 2), lambda i: (0, 0)),
            pl.BlockSpec((64, 128), lambda i: (0, 0)),
            pl.BlockSpec((64, 128), lambda i: (0, 0)),
        ],
        out_specs=[pl.BlockSpec((bs, 2), lambda i: (i, 0))],
        out_shape=[jax.ShapeDtypeStruct((E, 2), _f32)],
    )(s0, s1, ea, We1c, be1.reshape(1, 128), We2, be2.reshape(1, 2),
      _E0_64_128, _E1_64_128)[0]



def _lane_gather(v, idx):
    return lax.gather(
        v, idx[:, None],
        dimension_numbers=lax.GatherDimensionNumbers(
            offset_dims=(), collapsed_slice_dims=(0,), start_index_map=(0,)),
        slice_sizes=(1,),
        mode=lax.GatherScatterMode.PROMISE_IN_BOUNDS)


def _zero_fill(buf, nrow, nlane16):
    def zb(i, _):
        r = i // nlane16
        q = (i % nlane16) * 16
        buf[r, pl.ds(q, 16)] = jnp.zeros((16,), _f32)
        return 0
    lax.fori_loop(0, nrow * nlane16, zb, 0)


def _mesh():
    return plsc.VectorSubcoreMesh(core_axis_name="c", subcore_axis_name="s")


def _sc_layer1(t1s, t1d16, src, dst):
    ch = 80
    nch = E // (NC * NS) // ch

    @functools.partial(
        pl.kernel,
        out_type=jax.ShapeDtypeStruct((NC, NPAD, 80), _f32),
        mesh=_mesh(),
        compiler_params=pltpu.CompilerParams(use_tc_tiling_on_sc=False),
        scratch_types=[
            pltpu.VMEM_SHARED((NPAD, 80), _f32),
            pltpu.VMEM((ch,), jnp.int32),
            pltpu.VMEM((ch,), jnp.int32),
            pltpu.VMEM((ch,), jnp.int32),
            pltpu.VMEM((ch,), jnp.int32),
            pltpu.VMEM((ch, 80), _f32),
            pltpu.VMEM((ch, 80), _f32),
            pltpu.VMEM((ch, 16), _f32),
            pltpu.VMEM((ch, 16), _f32),
            pltpu.VMEM((ch, 80), _f32),
            pltpu.VMEM((ch, 80), _f32),
            pltpu.SemaphoreType.DMA,
            pltpu.SemaphoreType.DMA,
            pltpu.SemaphoreType.DMA,
            pltpu.SemaphoreType.DMA,
        ],
    )
    def k(t1s_hbm, t1d_hbm, src_hbm, dst_hbm, acc_hbm,
          spm_acc, sidx0, sidx1, didx0, didx1, rows0, rows1, drows0,
          drows1, sbuf0, sbuf1, semA, semB, semC, semD):
        c = lax.axis_index("c")
        s = lax.axis_index("s")
        wid = c * NS + s
        nb = s * 625
        _zero_fill(sbuf0, ch, 5)
        for z in range(7):
            pltpu.sync_copy(sbuf0, spm_acc.at[pl.ds(nb + 80 * z, 80)])
        pltpu.sync_copy(sbuf0.at[pl.ds(0, 65)],
                        spm_acc.at[pl.ds(nb + 560, 65)])
        plsc.subcore_barrier()
        hsel = lax.iota(jnp.int32, 16) >> 3

        def compute(rows, drows, sbuf):
            def edge(e, _):
                a = rows[e, pl.ds(64, 16)] + drows[e, pl.ds(0, 16)]
                w = jnp.exp(jnp.maximum(a, a * 0.2))
                sbuf[e, pl.ds(64, 16)] = w
                for j in range(4):
                    wb = _lane_gather(w, hsel + 2 * j)
                    sbuf[e, pl.ds(16 * j, 16)] = (
                        rows[e, pl.ds(16 * j, 16)] * wb)
                return 0

            lax.fori_loop(0, ch, edge, 0)

        def pair(i, _):
            e0 = wid * (E // (NC * NS)) + 2 * i * ch
            e1 = e0 + ch
            i0s = pltpu.async_copy(src_hbm.at[pl.ds(e0, ch)], sidx0, semA)
            i0d = pltpu.async_copy(dst_hbm.at[pl.ds(e0, ch)], didx0, semB)
            i1s = pltpu.async_copy(src_hbm.at[pl.ds(e1, ch)], sidx1, semC)
            i1d = pltpu.async_copy(dst_hbm.at[pl.ds(e1, ch)], didx1, semD)
            i0s.wait()
            i0d.wait()
            g0a = pltpu.async_copy(t1s_hbm.at[sidx0], rows0, semA)
            g0b = pltpu.async_copy(t1d_hbm.at[didx0], drows0, semB)
            i1s.wait()
            i1d.wait()
            g1a = pltpu.async_copy(t1s_hbm.at[sidx1], rows1, semC)
            g1b = pltpu.async_copy(t1d_hbm.at[didx1], drows1, semD)
            g0a.wait()
            g0b.wait()
            compute(rows0, drows0, sbuf0)
            s0 = pltpu.async_copy(sbuf0, spm_acc.at[didx0], semA, add=True)
            g1a.wait()
            g1b.wait()
            compute(rows1, drows1, sbuf1)
            s1 = pltpu.async_copy(sbuf1, spm_acc.at[didx1], semB, add=True)
            s0.wait()
            s1.wait()
            return 0

        lax.fori_loop(0, nch // 2, pair, 0)
        et = wid * (E // (NC * NS)) + (nch - 1) * ch
        c1 = pltpu.async_copy(src_hbm.at[pl.ds(et, ch)], sidx0, semA)
        c2 = pltpu.async_copy(dst_hbm.at[pl.ds(et, ch)], didx0, semB)
        c1.wait()
        c2.wait()
        g1 = pltpu.async_copy(t1s_hbm.at[sidx0], rows0, semA)
        g2 = pltpu.async_copy(t1d_hbm.at[didx0], drows0, semB)
        g1.wait()
        g2.wait()
        compute(rows0, drows0, sbuf0)
        pltpu.sync_copy(sbuf0, spm_acc.at[didx0], add=True)
        plsc.subcore_barrier()
        nb8 = s * 624
        pltpu.sync_copy(spm_acc.at[pl.ds(nb8, 624)],
                        acc_hbm.at[c, pl.ds(nb8, 624)])

        @pl.when(s == NS - 1)
        def _():
            pltpu.sync_copy(spm_acc.at[pl.ds(9984, 16)],
                            acc_hbm.at[c, pl.ds(9984, 16)])

    return k(t1s, t1d16, src, dst)


def _sc_layer2_half(tab, t2d16, src, dst):
    ch = 80
    nch = E // (NC * NS) // ch

    @functools.partial(
        pl.kernel,
        out_type=jax.ShapeDtypeStruct((NC, NPAD, 80), _f32),
        mesh=_mesh(),
        compiler_params=pltpu.CompilerParams(use_tc_tiling_on_sc=False),
        scratch_types=[
            pltpu.VMEM_SHARED((NPAD, 80), _f32),
            pltpu.VMEM((ch,), jnp.int32),
            pltpu.VMEM((ch,), jnp.int32),
            pltpu.VMEM((ch,), jnp.int32),
            pltpu.VMEM((ch,), jnp.int32),
            pltpu.VMEM((ch, 80), _f32),
            pltpu.VMEM((ch, 80), _f32),
            pltpu.VMEM((ch, 16), _f32),
            pltpu.VMEM((ch, 16), _f32),
            pltpu.VMEM((ch, 80), _f32),
            pltpu.VMEM((ch, 80), _f32),
            pltpu.SemaphoreType.DMA,
            pltpu.SemaphoreType.DMA,
            pltpu.SemaphoreType.DMA,
            pltpu.SemaphoreType.DMA,
        ],
    )
    def k(tab_hbm, t2d_hbm, src_hbm, dst_hbm, acc_hbm,
          spm_acc, sidx0, sidx1, didx0, didx1, rows0, rows1, drows0,
          drows1, sbuf0, sbuf1, semA, semB, semC, semD):
        c = lax.axis_index("c")
        s = lax.axis_index("s")
        wid = c * NS + s
        nb = s * 625
        _zero_fill(sbuf0, ch, 5)
        for z in range(7):
            pltpu.sync_copy(sbuf0, spm_acc.at[pl.ds(nb + 80 * z, 80)])
        pltpu.sync_copy(sbuf0.at[pl.ds(0, 65)],
                        spm_acc.at[pl.ds(nb + 560, 65)])
        plsc.subcore_barrier()

        def compute(rows, drows, sbuf):
            def edge(e, _):
                a = rows[e, pl.ds(64, 16)] + drows[e, pl.ds(0, 16)]
                wb = jnp.exp(jnp.maximum(a, a * 0.2))
                sbuf[e, pl.ds(64, 16)] = wb
                for j in range(4):
                    sbuf[e, pl.ds(16 * j, 16)] = (
                        rows[e, pl.ds(16 * j, 16)] * wb)
                return 0

            lax.fori_loop(0, ch, edge, 0)

        def pair(i, _):
            e0 = wid * (E // (NC * NS)) + 2 * i * ch
            e1 = e0 + ch
            i0s = pltpu.async_copy(src_hbm.at[pl.ds(e0, ch)], sidx0, semA)
            i0d = pltpu.async_copy(dst_hbm.at[pl.ds(e0, ch)], didx0, semB)
            i1s = pltpu.async_copy(src_hbm.at[pl.ds(e1, ch)], sidx1, semC)
            i1d = pltpu.async_copy(dst_hbm.at[pl.ds(e1, ch)], didx1, semD)
            i0s.wait()
            i0d.wait()
            g0a = pltpu.async_copy(tab_hbm.at[sidx0], rows0, semA)
            g0b = pltpu.async_copy(t2d_hbm.at[didx0], drows0, semB)
            i1s.wait()
            i1d.wait()
            g1a = pltpu.async_copy(tab_hbm.at[sidx1], rows1, semC)
            g1b = pltpu.async_copy(t2d_hbm.at[didx1], drows1, semD)
            g0a.wait()
            g0b.wait()
            compute(rows0, drows0, sbuf0)
            s0 = pltpu.async_copy(sbuf0, spm_acc.at[didx0], semA, add=True)
            g1a.wait()
            g1b.wait()
            compute(rows1, drows1, sbuf1)
            s1 = pltpu.async_copy(sbuf1, spm_acc.at[didx1], semB, add=True)
            s0.wait()
            s1.wait()
            return 0

        lax.fori_loop(0, nch // 2, pair, 0)
        et = wid * (E // (NC * NS)) + (nch - 1) * ch
        c1 = pltpu.async_copy(src_hbm.at[pl.ds(et, ch)], sidx0, semA)
        c2 = pltpu.async_copy(dst_hbm.at[pl.ds(et, ch)], didx0, semB)
        c1.wait()
        c2.wait()
        g1 = pltpu.async_copy(tab_hbm.at[sidx0], rows0, semA)
        g2 = pltpu.async_copy(t2d_hbm.at[didx0], drows0, semB)
        g1.wait()
        g2.wait()
        compute(rows0, drows0, sbuf0)
        pltpu.sync_copy(sbuf0, spm_acc.at[didx0], add=True)
        plsc.subcore_barrier()
        nb8 = s * 624
        pltpu.sync_copy(spm_acc.at[pl.ds(nb8, 624)],
                        acc_hbm.at[c, pl.ds(nb8, 624)])

        @pl.when(s == NS - 1)
        def _():
            pltpu.sync_copy(spm_acc.at[pl.ds(9984, 16)],
                            acc_hbm.at[c, pl.ds(9984, 16)])

    return k(tab, t2d16, src, dst)


def _sc_mlp_half(taba, tabb, src, dst):
    ch = 200
    nch = E // (NC * NS) // ch

    @functools.partial(
        pl.kernel,
        out_type=jax.ShapeDtypeStruct((E, 64), _f32),
        mesh=_mesh(),
        compiler_params=pltpu.CompilerParams(use_tc_tiling_on_sc=False),
        scratch_types=[
            pltpu.VMEM((ch,), jnp.int32),
            pltpu.VMEM((ch,), jnp.int32),
            pltpu.VMEM((ch,), jnp.int32),
            pltpu.VMEM((ch,), jnp.int32),
            pltpu.VMEM((ch, 64), _f32),
            pltpu.VMEM((ch, 64), _f32),
            pltpu.VMEM((ch, 64), _f32),
            pltpu.VMEM((ch, 64), _f32),
            pltpu.VMEM((ch, 64), _f32),
            pltpu.VMEM((ch, 64), _f32),
            pltpu.SemaphoreType.DMA,
            pltpu.SemaphoreType.DMA,
            pltpu.SemaphoreType.DMA,
            pltpu.SemaphoreType.DMA,
        ],
    )
    def k(taba_hbm, tabb_hbm, src_hbm, dst_hbm, s_hbm,
          sidx0, sidx1, didx0, didx1, ra0, ra1, rb0, rb1, sbuf0, sbuf1,
          semA, semB, semC, semD):
        c = lax.axis_index("c")
        s = lax.axis_index("s")
        wid = c * NS + s

        def compute(ra, rb, sbuf):
            def edge(e, _):
                for j in range(4):
                    sbuf[e, pl.ds(16 * j, 16)] = (
                        ra[e, pl.ds(16 * j, 16)]
                        + rb[e, pl.ds(16 * j, 16)])
                return 0

            lax.fori_loop(0, ch, edge, 0)

        def pair(i, _):
            e0 = wid * (E // (NC * NS)) + 2 * i * ch
            e1 = e0 + ch
            i0s = pltpu.async_copy(src_hbm.at[pl.ds(e0, ch)], sidx0, semA)
            i0d = pltpu.async_copy(dst_hbm.at[pl.ds(e0, ch)], didx0, semB)
            i1s = pltpu.async_copy(src_hbm.at[pl.ds(e1, ch)], sidx1, semC)
            i1d = pltpu.async_copy(dst_hbm.at[pl.ds(e1, ch)], didx1, semD)
            i0s.wait()
            i0d.wait()
            g0a = pltpu.async_copy(taba_hbm.at[sidx0], ra0, semA)
            g0b = pltpu.async_copy(tabb_hbm.at[didx0], rb0, semB)
            i1s.wait()
            i1d.wait()
            g1a = pltpu.async_copy(taba_hbm.at[sidx1], ra1, semC)
            g1b = pltpu.async_copy(tabb_hbm.at[didx1], rb1, semD)
            g0a.wait()
            g0b.wait()
            compute(ra0, rb0, sbuf0)
            s0 = pltpu.async_copy(sbuf0, s_hbm.at[pl.ds(e0, ch)], semA)
            g1a.wait()
            g1b.wait()
            compute(ra1, rb1, sbuf1)
            s1 = pltpu.async_copy(sbuf1, s_hbm.at[pl.ds(e1, ch)], semB)
            s0.wait()
            s1.wait()
            return 0

        lax.fori_loop(0, nch // 2, pair, 0)

    return k(taba, tabb, src, dst)



@jax.jit
def kernel(x, edge_index, edge_attr, W1, att_src1, att_dst1, b1, W2,
           att_src2, att_dst2, b2, Wl, bl, We1, be1, We2, be2):
    src = edge_index[0].astype(jnp.int32)
    dst = edge_index[1].astype(jnp.int32)

    msrc = jax.scipy.linalg.block_diag(*[att_src1[h][:, None]
                                         for h in range(8)])
    mdst = jax.scipy.linalg.block_diag(*[att_dst1[h][:, None]
                                         for h in range(8)])
    K128 = jnp.concatenate(
        [jnp.eye(64, dtype=_f32), msrc, jnp.zeros((64, 8), _f32)], axis=1)

    s2rep = jnp.broadcast_to(att_src2[0][:, None], (128, 16))
    pa = jnp.asarray(_eye_embed(128, 80, 0, 0, 64)).at[:, 64:80].set(s2rep)
    pb = jnp.asarray(_eye_embed(128, 80, 64, 0, 64)).at[:, 64:80].set(s2rep)
    mdst16 = jnp.pad(mdst, ((0, 0), (0, 8)))
    pd = jnp.broadcast_to(att_dst2[0][:, None], (128, 16))

    gd_pair = jnp.stack([jnp.asarray(_eye_embed(80, 64, 0, 0, 64)),
                         jnp.asarray(_GD80_64)])
    equad = jnp.stack([jnp.asarray(_E0_80_128), jnp.asarray(_E1_80_128),
                       jnp.asarray(_E0_80_128), jnp.asarray(_E1_80_128)])
    ea80 = jnp.stack([jnp.asarray(_E0_80_128), jnp.asarray(_E1_80_128)])

    t1s, t1d = _prep1(x, W1, K128, mdst16)
    acc1 = _sc_layer1(t1s, t1d, src, dst)
    t2a, t2b, t2d = _mid(acc1, t1s, t1d, W2, b1, pa, pb, pd, gd_pair)
    acc2a = _sc_layer2_half(t2a, t2d, src, dst)
    acc2b = _sc_layer2_half(t2b, t2d, src, dst)
    eab = jnp.stack([jnp.asarray(_SEL0), jnp.asarray(_SEL1)])
    ta0, tb0, ta1, tb1 = _fin2(acc2a, acc2b, t2a, t2b, t2d, b2, Wl, bl,
                               We1[:128], We1[128:256], equad, eab, ea80)
    s0 = _sc_mlp_half(ta0, tb0, src, dst)
    s1 = _sc_mlp_half(ta1, tb1, src, dst)
    return _mlp(s0, s1, edge_attr, We1[256:], be1, We2, be2)

# --- scband reference (transcript-rebuilt; emitter-appended) ---
"""Pipeline reference for scband-edge-gat-36867999268938 (READ-ONLY COPY).

The authoritative reference and input builder live on the scoring server;
editing this copy changes nothing except your own understanding.
"""

import jax, jax.numpy as jnp
import numpy as np


def gat_conv(x, edge_index, W, att_src, att_dst, bias, heads, out_ch, concat):
    N = x.shape[0]
    src = edge_index[0]
    dst = edge_index[1]
    loop = jnp.arange(N, dtype=src.dtype)
    src = jnp.concatenate([src, loop])
    dst = jnp.concatenate([dst, loop])
    h = (x @ W).reshape(N, heads, out_ch)
    a_src = jnp.sum(h * att_src[None, :, :], axis=-1)
    a_dst = jnp.sum(h * att_dst[None, :, :], axis=-1)
    alpha = a_src[src] + a_dst[dst]
    alpha = jax.nn.leaky_relu(alpha, negative_slope=0.2)
    amax = jax.lax.stop_gradient(jax.ops.segment_max(alpha, dst, num_segments=N))
    alpha = jnp.exp(alpha - amax[dst])
    denom = jax.ops.segment_sum(alpha, dst, num_segments=N)
    alpha = alpha / (denom[dst] + 1e-16)
    msg = h[src] * alpha[:, :, None]
    out = jax.ops.segment_sum(msg, dst, num_segments=N)
    if concat:
        out = out.reshape(N, heads * out_ch)
    else:
        out = jnp.mean(out, axis=1)
    return out + bias


def setup_inputs(seed: int = 0):
    key = jax.random.key(seed)
    ks = jax.random.split(key, 20)
    N, E, D, DE, OUT = 10000, 320000, 128, 16, 128
    x = jax.random.normal(ks[0], (N, D), dtype=jnp.float32)
    edge_index = jax.random.randint(ks[1], (2, E), 0, N)
    edge_attr = jax.random.normal(ks[2], (E, DE), dtype=jnp.float32)
    W1 = jax.random.normal(ks[3], (D, 64), dtype=jnp.float32) * (1.0 / np.sqrt(D))
    att_src1 = jax.random.normal(ks[4], (8, 8), dtype=jnp.float32) * 0.1
    att_dst1 = jax.random.normal(ks[5], (8, 8), dtype=jnp.float32) * 0.1
    b1 = jnp.zeros((64,), dtype=jnp.float32)
    W2 = jax.random.normal(ks[6], (64, OUT), dtype=jnp.float32) * (1.0 / np.sqrt(64))
    att_src2 = jax.random.normal(ks[7], (1, OUT), dtype=jnp.float32) * 0.1
    att_dst2 = jax.random.normal(ks[8], (1, OUT), dtype=jnp.float32) * 0.1
    b2 = jnp.zeros((OUT,), dtype=jnp.float32)
    Wl = jax.random.normal(ks[9], (OUT, OUT), dtype=jnp.float32) * (1.0 / np.sqrt(OUT))
    bl = jnp.zeros((OUT,), dtype=jnp.float32)
    We1 = jax.random.normal(ks[10], (2 * OUT + DE, 128), dtype=jnp.float32) * (1.0 / np.sqrt(2 * OUT + DE))
    be1 = jnp.zeros((128,), dtype=jnp.float32)
    We2 = jax.random.normal(ks[11], (128, 2), dtype=jnp.float32) * (1.0 / np.sqrt(128))
    be2 = jnp.zeros((2,), dtype=jnp.float32)
    return {"x": x, "edge_index": edge_index, "edge_attr": edge_attr,
            "W1": W1, "att_src1": att_src1, "att_dst1": att_dst1, "b1": b1,
            "W2": W2, "att_src2": att_src2, "att_dst2": att_dst2, "b2": b2,
            "Wl": Wl, "bl": bl, "We1": We1, "be1": be1, "We2": We2, "be2": be2}


def reference(x, edge_index, edge_attr, W1, att_src1, att_dst1, b1, W2, att_src2, att_dst2, b2, Wl, bl, We1, be1, We2, be2):
    h = gat_conv(x, edge_index, W1, att_src1, att_dst1, b1, heads=8, out_ch=8, concat=True)
    h = jax.nn.elu(h)
    h = gat_conv(h, edge_index, W2, att_src2, att_dst2, b2, heads=1, out_ch=128, concat=False)
    h = jax.nn.elu(h)
    h = h @ Wl + bl
    src = edge_index[0]
    dst = edge_index[1]
    ef = jnp.concatenate([h[src], h[dst], edge_attr], axis=1)
    hid = jax.nn.relu(ef @ We1 + be1)
    eo = hid @ We2 + be2
    return jax.nn.log_softmax(eo, axis=1)

if __name__ == "__main__":
    import jax
    _d = setup_inputs()
    print(jax.jit(kernel)(*tuple(_d.values())))

</pallas_src>

<mosaic_0001>
#map = affine_map<(d0, d1) -> (0, 0)>
#map1 = affine_map<(d0, d1) -> (0)>
module attributes {stable_mosaic.version = 14 : i64} {
  func.func @k(%arg0: i32, %arg1: i32, %arg2: memref<10000x64xf32, #tpu.memory_space<hbm>>, %arg3: memref<10000x64xf32, #tpu.memory_space<hbm>>, %arg4: memref<320000xi32, #tpu.memory_space<hbm>>, %arg5: memref<320000xi32, #tpu.memory_space<hbm>>, %arg6: memref<320000x64xf32, #tpu.memory_space<hbm>>, %arg7: memref<200xi32, #tpu.memory_space<vmem>>, %arg8: memref<200xi32, #tpu.memory_space<vmem>>, %arg9: memref<200xi32, #tpu.memory_space<vmem>>, %arg10: memref<200xi32, #tpu.memory_space<vmem>>, %arg11: memref<200x64xf32, #tpu.memory_space<vmem>>, %arg12: memref<200x64xf32, #tpu.memory_space<vmem>>, %arg13: memref<200x64xf32, #tpu.memory_space<vmem>>, %arg14: memref<200x64xf32, #tpu.memory_space<vmem>>, %arg15: memref<200x64xf32, #tpu.memory_space<vmem>>, %arg16: memref<200x64xf32, #tpu.memory_space<vmem>>, %arg17: memref<!tpu.dma_semaphore, #tpu.memory_space<semaphore_mem>>, %arg18: memref<!tpu.dma_semaphore, #tpu.memory_space<semaphore_mem>>, %arg19: memref<!tpu.dma_semaphore, #tpu.memory_space<semaphore_mem>>, %arg20: memref<!tpu.dma_semaphore, #tpu.memory_space<semaphore_mem>>) attributes {dimension_semantics = [#tpu.dimension_semantics<core_parallel>, #tpu.dimension_semantics<subcore_parallel>], iteration_bounds = array<i64: 2, 16>, scalar_prefetch = 0 : i64, scratch_operands = 14 : i64, tpu.core_type = #tpu.core_type<sc_vector_subcore>, window_params = [{transform_indices = #map}, {transform_indices = #map}, {transform_indices = #map1}, {transform_indices = #map1}, {transform_indices = #map}]} {
    %mul3A = arith.constant 16 : i32
    %mul3A_0 = arith.muli %arg0, %mul3A : i32
    %add3A = arith.addi %mul3A_0, %arg1 : i32
    %scan3A = arith.constant 0 : i32
    %scan3A_1 = arith.constant 0 : i32
    %scan3A_2 = arith.constant 25 : i32
    %scan3A_3 = arith.addi %scan3A_1, %scan3A_2 : i32
    %scan3A_4 = arith.constant 1 : i32
    %scan3A_5 = scf.for %scan3A_7 = %scan3A_1 to %scan3A_3 step %scan3A_4 iter_args(%scan3A_8 = %scan3A) -> (i32)  : i32 {
      %mul3A_9 = arith.constant 10000 : i32
      %mul3A_10 = arith.muli %add3A, %mul3A_9 : i32
      %mul3A_11 = arith.constant 2 : i32
      %mul3A_12 = arith.muli %mul3A_11, %scan3A_7 : i32
      %mul3A_13 = arith.constant 200 : i32
      %mul3A_14 = arith.muli %mul3A_12, %mul3A_13 : i32
      %add3A_15 = arith.addi %mul3A_10, %mul3A_14 : i32
      %add3A_16 = arith.constant 200 : i32
      %add3A_17 = arith.addi %add3A_15, %add3A_16 : i32
      %dma_start3A = tpu.memref_slice %arg4[%add3A_15] : memref<320000xi32, #tpu.memory_space<hbm>> -> memref<200xi32, #tpu.memory_space<hbm>>
      %dma_start3A_18 = tpu.memref_slice %arg4[%add3A_15] : memref<320000xi32, #tpu.memory_space<hbm>> -> memref<200xi32, #tpu.memory_space<hbm>>
      tpu.enqueue_dma source(%dma_start3A_18 : memref<200xi32, #tpu.memory_space<hbm>>) target(%arg7 : memref<200xi32, #tpu.memory_space<vmem>>) target_semaphore(%arg17 : memref<!tpu.dma_semaphore, #tpu.memory_space<semaphore_mem>>)
      %dma_start3A_19 = tpu.memref_slice %arg5[%add3A_15] : memref<320000xi32, #tpu.memory_space<hbm>> -> memref<200xi32, #tpu.memory_space<hbm>>
      %dma_start3A_20 = tpu.memref_slice %arg5[%add3A_15] : memref<320000xi32, #tpu.memory_space<hbm>> -> memref<200xi32, #tpu.memory_space<hbm>>
      tpu.enqueue_dma source(%dma_start3A_20 : memref<200xi32, #tpu.memory_space<hbm>>) target(%arg9 : memref<200xi32, #tpu.memory_space<vmem>>) target_semaphore(%arg18 : memref<!tpu.dma_semaphore, #tpu.memory_space<semaphore_mem>>)
      %dma_start3A_21 = tpu.memref_slice %arg4[%add3A_17] : memref<320000xi32, #tpu.memory_space<hbm>> -> memref<200xi32, #tpu.memory_space<hbm>>
      %dma_start3A_22 = tpu.memref_slice %arg4[%add3A_17] : memref<320000xi32, #tpu.memory_space<hbm>> -> memref<200xi32, #tpu.memory_space<hbm>>
      tpu.enqueue_dma source(%dma_start3A_22 : memref<200xi32, #tpu.memory_space<hbm>>) target(%arg8 : memref<200xi32, #tpu.memory_space<vmem>>) target_semaphore(%arg19 : memref<!tpu.dma_semaphore, #tpu.memory_space<semaphore_mem>>)
      %dma_start3A_23 = tpu.memref_slice %arg5[%add3A_17] : memref<320000xi32, #tpu.memory_space<hbm>> -> memref<200xi32, #tpu.memory_space<hbm>>
      %dma_start3A_24 = tpu.memref_slice %arg5[%add3A_17] : memref<320000xi32, #tpu.memory_space<hbm>> -> memref<200xi32, #tpu.memory_space<hbm>>
      tpu.enqueue_dma source(%dma_start3A_24 : memref<200xi32, #tpu.memory_space<hbm>>) target(%arg10 : memref<200xi32, #tpu.memory_space<vmem>>) target_semaphore(%arg20 : memref<!tpu.dma_semaphore, #tpu.memory_space<semaphore_mem>>)
      %dma_wait3A = tpu.memref_slice %arg4[%add3A_15] : memref<320000xi32, #tpu.memory_space<hbm>> -> memref<200xi32, #tpu.memory_space<hbm>>
      %dma_wait3A_25 = tpu.memref_slice %arg4[%add3A_15] : memref<320000xi32, #tpu.memory_space<hbm>> -> memref<200xi32, #tpu.memory_space<hbm>>
      tpu.wait_dma2 semaphore(%arg17 : memref<!tpu.dma_semaphore, #tpu.memory_space<semaphore_mem>>) src(%dma_wait3A_25 : memref<200xi32, #tpu.memory_space<hbm>>) dst(%arg7 : memref<200xi32, #tpu.memory_space<vmem>>)
      %dma_wait3A_26 = tpu.memref_slice %arg5[%add3A_15] : memref<320000xi32, #tpu.memory_space<hbm>> -> memref<200xi32, #tpu.memory_space<hbm>>
      %dma_wait3A_27 = tpu.memref_slice %arg5[%add3A_15] : memref<320000xi32, #tpu.memory_space<hbm>> -> memref<200xi32, #tpu.memory_space<hbm>>
      tpu.wait_dma2 semaphore(%arg18 : memref<!tpu.dma_semaphore, #tpu.memory_space<semaphore_mem>>) src(%dma_wait3A_27 : memref<200xi32, #tpu.memory_space<hbm>>) dst(%arg9 : memref<200xi32, #tpu.memory_space<vmem>>)
      %dma_start3A_28 = arith.constant 0 : i32
      %dma_start3A_29 = arith.constant 0 : i32
      %dma_start3A_30 = tpu.memref_slice %arg2[%dma_start3A_28, %dma_start3A_29] : memref<10000x64xf32, #tpu.memory_space<hbm>> -> memref<10000x64xf32, #tpu.memory_space<hbm>>
      tpu.enqueue_indirect_dma source(%dma_start3A_30 : memref<10000x64xf32, #tpu.memory_space<hbm>>) target(%arg11 : memref<200x64xf32, #tpu.memory_space<vmem>>) offsets(%arg7 : memref<200xi32, #tpu.memory_space<vmem>>) semaphore(%arg17 : memref<!tpu.dma_semaphore, #tpu.memory_space<semaphore_mem>>)
      %dma_start3A_31 = arith.constant 0 : i32
      %dma_start3A_32 = arith.constant 0 : i32
      %dma_start3A_33 = tpu.memref_slice %arg3[%dma_start3A_31, %dma_start3A_32] : memref<10000x64xf32, #tpu.memory_space<hbm>> -> memref<10000x64xf32, #tpu.memory_space<hbm>>
      tpu.enqueue_indirect_dma source(%dma_start3A_33 : memref<10000x64xf32, #tpu.memory_space<hbm>>) target(%arg13 : memref<200x64xf32, #tpu.memory_space<vmem>>) offsets(%arg9 : memref<200xi32, #tpu.memory_space<vmem>>) semaphore(%arg18 : memref<!tpu.dma_semaphore, #tpu.memory_space<semaphore_mem>>)
      %dma_wait3A_34 = tpu.memref_slice %arg4[%add3A_17] : memref<320000xi32, #tpu.memory_space<hbm>> -> memref<200xi32, #tpu.memory_space<hbm>>
      %dma_wait3A_35 = tpu.memref_slice %arg4[%add3A_17] : memref<320000xi32, #tpu.memory_space<hbm>> -> memref<200xi32, #tpu.memory_space<hbm>>
      tpu.wait_dma2 semaphore(%arg19 : memref<!tpu.dma_semaphore, #tpu.memory_space<semaphore_mem>>) src(%dma_wait3A_35 : memref<200xi32, #tpu.memory_space<hbm>>) dst(%arg8 : memref<200xi32, #tpu.memory_space<vmem>>)
      %dma_wait3A_36 = tpu.memref_slice %arg5[%add3A_17] : memref<320000xi32, #tpu.memory_space<hbm>> -> memref<200xi32, #tpu.memory_space<hbm>>
      %dma_wait3A_37 = tpu.memref_slice %arg5[%add3A_17] : memref<320000xi32, #tpu.memory_space<hbm>> -> memref<200xi32, #tpu.memory_space<hbm>>
      tpu.wait_dma2 semaphore(%arg20 : memref<!tpu.dma_semaphore, #tpu.memory_space<semaphore_mem>>) src(%dma_wait3A_37 : memref<200xi32, #tpu.memory_space<hbm>>) dst(%arg10 : memref<200xi32, #tpu.memory_space<vmem>>)
      %dma_start3A_38 = arith.constant 0 : i32
      %dma_start3A_39 = arith.constant 0 : i32
      %dma_start3A_40 = tpu.memref_slice %arg2[%dma_start3A_38, %dma_start3A_39] : memref<10000x64xf32, #tpu.memory_space<hbm>> -> memref<10000x64xf32, #tpu.memory_space<hbm>>
      tpu.enqueue_indirect_dma source(%dma_start3A_40 : memref<10000x64xf32, #tpu.memory_space<hbm>>) target(%arg12 : memref<200x64xf32, #tpu.memory_space<vmem>>) offsets(%arg8 : memref<200xi32, #tpu.memory_space<vmem>>) semaphore(%arg19 : memref<!tpu.dma_semaphore, #tpu.memory_space<semaphore_mem>>)
      %dma_start3A_41 = arith.constant 0 : i32
      %dma_start3A_42 = arith.constant 0 : i32
      %dma_start3A_43 = tpu.memref_slice %arg3[%dma_start3A_41, %dma_start3A_42] : memref<10000x64xf32, #tpu.memory_space<hbm>> -> memref<10000x64xf32, #tpu.memory_space<hbm>>
      tpu.enqueue_indirect_dma source(%dma_start3A_43 : memref<10000x64xf32, #tpu.memory_space<hbm>>) target(%arg14 : memref<200x64xf32, #tpu.memory_space<vmem>>) offsets(%arg10 : memref<200xi32, #tpu.memory_space<vmem>>) semaphore(%arg20 : memref<!tpu.dma_semaphore, #tpu.memory_space<semaphore_mem>>)
      %dma_wait3A_44 = arith.constant 0 : i32
      %dma_wait3A_45 = arith.constant 0 : i32
      %dma_wait3A_46 = tpu.memref_slice %arg2[%dma_wait3A_44, %dma_wait3A_45] : memref<10000x64xf32, #tpu.memory_space<hbm>> -> memref<10000x64xf32, #tpu.memory_space<hbm>>
      tpu.wait_indirect_dma semaphore(%arg17 : memref<!tpu.dma_semaphore, #tpu.memory_space<semaphore_mem>>) src(%dma_wait3A_46 : memref<10000x64xf32, #tpu.memory_space<hbm>>) dst(%arg11 : memref<200x64xf32, #tpu.memory_space<vmem>>)
      %dma_wait3A_47 = arith.constant 0 : i32
      %dma_wait3A_48 = arith.constant 0 : i32
      %dma_wait3A_49 = tpu.memref_slice %arg3[%dma_wait3A_47, %dma_wait3A_48] : memref<10000x64xf32, #tpu.memory_space<hbm>> -> memref<10000x64xf32, #tpu.memory_space<hbm>>
      tpu.wait_indirect_dma semaphore(%arg18 : memref<!tpu.dma_semaphore, #tpu.memory_space<semaphore_mem>>) src(%dma_wait3A_49 : memref<10000x64xf32, #tpu.memory_space<hbm>>) dst(%arg13 : memref<200x64xf32, #tpu.memory_space<vmem>>)
      %scan3A_50 = arith.constant 0 : i32
      %scan3A_51 = arith.constant 0 : i32
      %scan3A_52 = arith.constant 200 : i32
      %scan3A_53 = arith.addi %scan3A_51, %scan3A_52 : i32
      %scan3A_54 = arith.constant 1 : i32
      %scan3A_55 = scf.for %scan3A_87 = %scan3A_51 to %scan3A_53 step %scan3A_54 iter_args(%scan3A_88 = %scan3A_50) -> (i32)  : i32 {
        %get3A = arith.index_cast %scan3A_87 : i32 to index
        %get3A_89 = arith.constant 0 : index
        %get3A_90 = tpu.vector_load %arg11[%get3A, %get3A_89] {strides = array<i32>} : memref<200x64xf32, #tpu.memory_space<vmem>>, vector<1x16xf32>,
        %get3A_91 = vector.shape_cast %get3A_90 : vector<1x16xf32> to vector<16xf32>
        %get3A_92 = arith.index_cast %scan3A_87 : i32 to index
        %get3A_93 = arith.constant 0 : index
        %get3A_94 = tpu.vector_load %arg13[%get3A_92, %get3A_93] {strides = array<i32>} : memref<200x64xf32, #tpu.memory_space<vmem>>, vector<1x16xf32>,
        %get3A_95 = vector.shape_cast %get3A_94 : vector<1x16xf32> to vector<16xf32>
        %add3A_96 = arith.addf %get3A_91, %get3A_95 : vector<16xf32>
        %swap3A = arith.index_cast %scan3A_87 : i32 to index
        %swap3A_97 = arith.constant 0 : index
        %swap3A_98 = tpu.vector_load %arg15[%swap3A, %swap3A_97] {strides = array<i32>} : memref<200x64xf32, #tpu.memory_space<vmem>>, vector<1x16xf32>,
        %swap3A_99 = vector.shape_cast %swap3A_98 : vector<1x16xf32> to vector<16xf32>
        %swap3A_100 = vector.shape_cast %add3A_96 : vector<16xf32> to vector<1x16xf32>
        tpu.vector_store %arg15[%swap3A, %swap3A_97], %swap3A_100 {strides = array<i32>} : memref<200x64xf32, #tpu.memory_space<vmem>>, vector<1x16xf32>,
        %get3A_101 = arith.index_cast %scan3A_87 : i32 to index
        %get3A_102 = arith.constant 16 : index
        %get3A_103 = tpu.vector_load %arg11[%get3A_101, %get3A_102] {strides = array<i32>} : memref<200x64xf32, #tpu.memory_space<vmem>>, vector<1x16xf32>,
        %get3A_104 = vector.shape_cast %get3A_103 : vector<1x16xf32> to vector<16xf32>
        %get3A_105 = arith.index_cast %scan3A_87 : i32 to index
        %get3A_106 = arith.constant 16 : index
        %get3A_107 = tpu.vector_load %arg13[%get3A_105, %get3A_106] {strides = array<i32>} : memref<200x64xf32, #tpu.memory_space<vmem>>, vector<1x16xf32>,
        %get3A_108 = vector.shape_cast %get3A_107 : vector<1x16xf32> to vector<16xf32>
        %add3A_109 = arith.addf %get3A_104, %get3A_108 : vector<16xf32>
        %swap3A_110 = arith.index_cast %scan3A_87 : i32 to index
        %swap3A_111 = arith.constant 16 : index
        %swap3A_112 = tpu.vector_load %arg15[%swap3A_110, %swap3A_111] {strides = array<i32>} : memref<200x64xf32, #tpu.memory_space<vmem>>, vector<1x16xf32>,
        %swap3A_113 = vector.shape_cast %swap3A_112 : vector<1x16xf32> to vector<16xf32>
        %swap3A_114 = vector.shape_cast %add3A_109 : vector<16xf32> to vector<1x16xf32>
        tpu.vector_store %arg15[%swap3A_110, %swap3A_111], %swap3A_114 {strides = array<i32>} : memref<200x64xf32, #tpu.memory_space<vmem>>, vector<1x16xf32>,
        %get3A_115 = arith.index_cast %scan3A_87 : i32 to index
        %get3A_116 = arith.constant 32 : index
        %get3A_117 = tpu.vector_load %arg11[%get3A_115, %get3A_116] {strides = array<i32>} : memref<200x64xf32, #tpu.memory_space<vmem>>, vector<1x16xf32>,
        %get3A_118 = vector.shape_cast %get3A_117 : vector<1x16xf32> to vector<16xf32>
        %get3A_119 = arith.index_cast %scan3A_87 : i32 to index
        %get3A_120 = arith.constant 32 : index
        %get3A_121 = tpu.vector_load %arg13[%get3A_119, %get3A_120] {strides = array<i32>} : memref<200x64xf32, #tpu.memory_space<vmem>>, vector<1x16xf32>,
        %get3A_122 = vector.shape_cast %get3A_121 : vector<1x16xf32> to vector<16xf32>
        %add3A_123 = arith.addf %get3A_118, %get3A_122 : vector<16xf32>
        %swap3A_124 = arith.index_cast %scan3A_87 : i32 to index
        %swap3A_125 = arith.constant 32 : index
        %swap3A_126 = tpu.vector_load %arg15[%swap3A_124, %swap3A_125] {strides = array<i32>} : memref<200x64xf32, #tpu.memory_space<vmem>>, vector<1x16xf32>,
        %swap3A_127 = vector.shape_cast %swap3A_126 : vector<1x16xf32> to vector<16xf32>
        %swap3A_128 = vector.shape_cast %add3A_123 : vector<16xf32> to vector<1x16xf32>
        tpu.vector_store %arg15[%swap3A_124, %swap3A_125], %swap3A_128 {strides = array<i32>} : memref<200x64xf32, #tpu.memory_space<vmem>>, vector<1x16xf32>,
        %get3A_129 = arith.index_cast %scan3A_87 : i32 to index
        %get3A_130 = arith.constant 48 : index
        %get3A_131 = tpu.vector_load %arg11[%get3A_129, %get3A_130] {strides = array<i32>} : memref<200x64xf32, #tpu.memory_space<vmem>>, vector<1x16xf32>,
        %get3A_132 = vector.shape_cast %get3A_131 : vector<1x16xf32> to vector<16xf32>
        %get3A_133 = arith.index_cast %scan3A_87 : i32 to index
        %get3A_134 = arith.constant 48 : index
        %get3A_135 = tpu.vector_load %arg13[%get3A_133, %get3A_134] {strides = array<i32>} : memref<200x64xf32, #tpu.memory_space<vmem>>, vector<1x16xf32>,
        %get3A_136 = vector.shape_cast %get3A_135 : vector<1x16xf32> to vector<16xf32>
        %add3A_137 = arith.addf %get3A_132, %get3A_136 : vector<16xf32>
        %swap3A_138 = arith.index_cast %scan3A_87 : i32 to index
        %swap3A_139 = arith.constant 48 : index
        %swap3A_140 = tpu.vector_load %arg15[%swap3A_138, %swap3A_139] {strides = array<i32>} : memref<200x64xf32, #tpu.memory_space<vmem>>, vector<1x16xf32>,
        %swap3A_141 = vector.shape_cast %swap3A_140 : vector<1x16xf32> to vector<16xf32>
        %swap3A_142 = vector.shape_cast %add3A_137 : vector<16xf32> to vector<1x16xf32>
        tpu.vector_store %arg15[%swap3A_138, %swap3A_139], %swap3A_142 {strides = array<i32>} : memref<200x64xf32, #tpu.memory_space<vmem>>, vector<1x16xf32>,
        %scan3A_143 = arith.constant 0 : i32
        scf.yield %scan3A_143 : i32
      }
      %scan3A_56 = arith.constant 200 : i32
      %dma_start3A_57 = arith.constant 0 : i32
      %dma_start3A_58 = tpu.memref_slice %arg6[%add3A_15, %dma_start3A_57] : memref<320000x64xf32, #tpu.memory_space<hbm>> -> memref<200x64xf32, #tpu.memory_space<hbm>>
      %dma_start3A_59 = arith.constant 0 : i32
      %dma_start3A_60 = tpu.memref_slice %arg6[%add3A_15, %dma_start3A_59] : memref<320000x64xf32, #tpu.memory_space<hbm>> -> memref<200x64xf32, #tpu.memory_space<hbm>>
      tpu.enqueue_dma source(%arg15 : memref<200x64xf32, #tpu.memory_space<vmem>>) target(%dma_start3A_60 : memref<200x64xf32, #tpu.memory_space<hbm>>) target_semaphore(%arg17 : memref<!tpu.dma_semaphore, #tpu.memory_space<semaphore_mem>>)
      %dma_wait3A_61 = arith.constant 0 : i32
      %dma_wait3A_62 = arith.constant 0 : i32
      %dma_wait3A_63 = tpu.memref_slice %arg2[%dma_wait3A_61, %dma_wait3A_62] : memref<10000x64xf32, #tpu.memory_space<hbm>> -> memref<10000x64xf32, #tpu.memory_space<hbm>>
      tpu.wait_indirect_dma semaphore(%arg19 : memref<!tpu.dma_semaphore, #tpu.memory_space<semaphore_mem>>) src(%dma_wait3A_63 : memref<10000x64xf32, #tpu.memory_space<hbm>>) dst(%arg12 : memref<200x64xf32, #tpu.memory_space<vmem>>)
      %dma_wait3A_64 = arith.constant 0 : i32
      %dma_wait3A_65 = arith.constant 0 : i32
      %dma_wait3A_66 = tpu.memref_slice %arg3[%dma_wait3A_64, %dma_wait3A_65] : memref<10000x64xf32, #tpu.memory_space<hbm>> -> memref<10000x64xf32, #tpu.memory_space<hbm>>
      tpu.wait_indirect_dma semaphore(%arg20 : memref<!tpu.dma_semaphore, #tpu.memory_space<semaphore_mem>>) src(%dma_wait3A_66 : memref<10000x64xf32, #tpu.memory_space<hbm>>) dst(%arg14 : memref<200x64xf32, #tpu.memory_space<vmem>>)
      %scan3A_67 = arith.constant 0 : i32
      %scan3A_68 = arith.constant 0 : i32
      %scan3A_69 = arith.constant 200 : i32
      %scan3A_70 = arith.addi %scan3A_68, %scan3A_69 : i32
      %scan3A_71 = arith.constant 1 : i32
      %scan3A_72 = scf.for %scan3A_87 = %scan3A_68 to %scan3A_70 step %scan3A_71 iter_args(%scan3A_88 = %scan3A_67) -> (i32)  : i32 {
        %get3A = arith.index_cast %scan3A_87 : i32 to index
        %get3A_89 = arith.constant 0 : index
        %get3A_90 = tpu.vector_load %arg12[%get3A, %get3A_89] {strides = array<i32>} : memref<200x64xf32, #tpu.memory_space<vmem>>, vector<1x16xf32>,
        %get3A_91 = vector.shape_cast %get3A_90 : vector<1x16xf32> to vector<16xf32>
        %get3A_92 = arith.index_cast %scan3A_87 : i32 to index
        %get3A_93 = arith.constant 0 : index
        %get3A_94 = tpu.vector_load %arg14[%get3A_92, %get3A_93] {strides = array<i32>} : memref<200x64xf32, #tpu.memory_space<vmem>>, vector<1x16xf32>,
        %get3A_95 = vector.shape_cast %get3A_94 : vector<1x16xf32> to vector<16xf32>
        %add3A_96 = arith.addf %get3A_91, %get3A_95 : vector<16xf32>
        %swap3A = arith.index_cast %scan3A_87 : i32 to index
        %swap3A_97 = arith.constant 0 : index
        %swap3A_98 = tpu.vector_load %arg16[%swap3A, %swap3A_97] {strides = array<i32>} : memref<200x64xf32, #tpu.memory_space<vmem>>, vector<1x16xf32>,
        %swap3A_99 = vector.shape_cast %swap3A_98 : vector<1x16xf32> to vector<16xf32>
        %swap3A_100 = vector.shape_cast %add3A_96 : vector<16xf32> to vector<1x16xf32>
        tpu.vector_store %arg16[%swap3A, %swap3A_97], %swap3A_100 {strides = array<i32>} : memref<200x64xf32, #tpu.memory_space<vmem>>, vector<1x16xf32>,
        %get3A_101 = arith.index_cast %scan3A_87 : i32 to index
        %get3A_102 = arith.constant 16 : index
        %get3A_103 = tpu.vector_load %arg12[%get3A_101, %get3A_102] {strides = array<i32>} : memref<200x64xf32, #tpu.memory_space<vmem>>, vector<1x16xf32>,
        %get3A_104 = vector.shape_cast %get3A_103 : vector<1x16xf32> to vector<16xf32>
        %get3A_105 = arith.index_cast %scan3A_87 : i32 to index
        %get3A_106 = arith.constant 16 : index
        %get3A_107 = tpu.vector_load %arg14[%get3A_105, %get3A_106] {strides = array<i32>} : memref<200x64xf32, #tpu.memory_space<vmem>>, vector<1x16xf32>,
        %get3A_108 = vector.shape_cast %get3A_107 : vector<1x16xf32> to vector<16xf32>
        %add3A_109 = arith.addf %get3A_104, %get3A_108 : vector<16xf32>
        %swap3A_110 = arith.index_cast %scan3A_87 : i32 to index
        %swap3A_111 = arith.constant 16 : index
        %swap3A_112 = tpu.vector_load %arg16[%swap3A_110, %swap3A_111] {strides = array<i32>} : memref<200x64xf32, #tpu.memory_space<vmem>>, vector<1x16xf32>,
        %swap3A_113 = vector.shape_cast %swap3A_112 : vector<1x16xf32> to vector<16xf32>
        %swap3A_114 = vector.shape_cast %add3A_109 : vector<16xf32> to vector<1x16xf32>
        tpu.vector_store %arg16[%swap3A_110, %swap3A_111], %swap3A_114 {strides = array<i32>} : memref<200x64xf32, #tpu.memory_space<vmem>>, vector<1x16xf32>,
        %get3A_115 = arith.index_cast %scan3A_87 : i32 to index
        %get3A_116 = arith.constant 32 : index
        %get3A_117 = tpu.vector_load %arg12[%get3A_115, %get3A_116] {strides = array<i32>} : memref<200x64xf32, #tpu.memory_space<vmem>>, vector<1x16xf32>,
        %get3A_118 = vector.shape_cast %get3A_117 : vector<1x16xf32> to vector<16xf32>
        %get3A_119 = arith.index_cast %scan3A_87 : i32 to index
        %get3A_120 = arith.constant 32 : index
        %get3A_121 = tpu.vector_load %arg14[%get3A_119, %get3A_120] {strides = array<i32>} : memref<200x64xf32, #tpu.memory_space<vmem>>, vector<1x16xf32>,
        %get3A_122 = vector.shape_cast %get3A_121 : vector<1x16xf32> to vector<16xf32>
        %add3A_123 = arith.addf %get3A_118, %get3A_122 : vector<16xf32>
        %swap3A_124 = arith.index_cast %scan3A_87 : i32 to index
        %swap3A_125 = arith.constant 32 : index
        %swap3A_126 = tpu.vector_load %arg16[%swap3A_124, %swap3A_125] {strides = array<i32>} : memref<200x64xf32, #tpu.memory_space<vmem>>, vector<1x16xf32>,
        %swap3A_127 = vector.shape_cast %swap3A_126 : vector<1x16xf32> to vector<16xf32>
        %swap3A_128 = vector.shape_cast %add3A_123 : vector<16xf32> to vector<1x16xf32>
        tpu.vector_store %arg16[%swap3A_124, %swap3A_125], %swap3A_128 {strides = array<i32>} : memref<200x64xf32, #tpu.memory_space<vmem>>, vector<1x16xf32>,
        %get3A_129 = arith.index_cast %scan3A_87 : i32 to index
        %get3A_130 = arith.constant 48 : index
        %get3A_131 = tpu.vector_load %arg12[%get3A_129, %get3A_130] {strides = array<i32>} : memref<200x64xf32, #tpu.memory_space<vmem>>, vector<1x16xf32>,
        %get3A_132 = vector.shape_cast %get3A_131 : vector<1x16xf32> to vector<16xf32>
        %get3A_133 = arith.index_cast %scan3A_87 : i32 to index
        %get3A_134 = arith.constant 48 : index
        %get3A_135 = tpu.vector_load %arg14[%get3A_133, %get3A_134] {strides = array<i32>} : memref<200x64xf32, #tpu.memory_space<vmem>>, vector<1x16xf32>,
        %get3A_136 = vector.shape_cast %get3A_135 : vector<1x16xf32> to vector<16xf32>
        %add3A_137 = arith.addf %get3A_132, %get3A_136 : vector<16xf32>
        %swap3A_138 = arith.index_cast %scan3A_87 : i32 to index
        %swap3A_139 = arith.constant 48 : index
        %swap3A_140 = tpu.vector_load %arg16[%swap3A_138, %swap3A_139] {strides = array<i32>} : memref<200x64xf32, #tpu.memory_space<vmem>>, vector<1x16xf32>,
        %swap3A_141 = vector.shape_cast %swap3A_140 : vector<1x16xf32> to vector<16xf32>
        %swap3A_142 = vector.shape_cast %add3A_137 : vector<16xf32> to vector<1x16xf32>
        tpu.vector_store %arg16[%swap3A_138, %swap3A_139], %swap3A_142 {strides = array<i32>} : memref<200x64xf32, #tpu.memory_space<vmem>>, vector<1x16xf32>,
        %scan3A_143 = arith.constant 0 : i32
        scf.yield %scan3A_143 : i32
      }
      %scan3A_73 = arith.constant 200 : i32
      %dma_start3A_74 = arith.constant 0 : i32
      %dma_start3A_75 = tpu.memref_slice %arg6[%add3A_17, %dma_start3A_74] : memref<320000x64xf32, #tpu.memory_space<hbm>> -> memref<200x64xf32, #tpu.memory_space<hbm>>
      %dma_start3A_76 = arith.constant 0 : i32
      %dma_start3A_77 = tpu.memref_slice %arg6[%add3A_17, %dma_start3A_76] : memref<320000x64xf32, #tpu.memory_space<hbm>> -> memref<200x64xf32, #tpu.memory_space<hbm>>
      tpu.enqueue_dma source(%arg16 : memref<200x64xf32, #tpu.memory_space<vmem>>) target(%dma_start3A_77 : memref<200x64xf32, #tpu.memory_space<hbm>>) target_semaphore(%arg18 : memref<!tpu.dma_semaphore, #tpu.memory_space<semaphore_mem>>)
      %dma_wait3A_78 = arith.constant 0 : i32
      %dma_wait3A_79 = tpu.memref_slice %arg6[%add3A_15, %dma_wait3A_78] : memref<320000x64xf32, #tpu.memory_space<hbm>> -> memref<200x64xf32, #tpu.memory_space<hbm>>
      %dma_wait3A_80 = arith.constant 0 : i32
      %dma_wait3A_81 = tpu.memref_slice %arg6[%add3A_15, %dma_wait3A_80] : memref<320000x64xf32, #tpu.memory_space<hbm>> -> memref<200x64xf32, #tpu.memory_space<hbm>>
      tpu.wait_dma2 semaphore(%arg17 : memref<!tpu.dma_semaphore, #tpu.memory_space<semaphore_mem>>) src(%arg15 : memref<200x64xf32, #tpu.memory_space<vmem>>) dst(%dma_wait3A_81 : memref<200x64xf32, #tpu.memory_space<hbm>>)
      %dma_wait3A_82 = arith.constant 0 : i32
      %dma_wait3A_83 = tpu.memref_slice %arg6[%add3A_17, %dma_wait3A_82] : memref<320000x64xf32, #tpu.memory_space<hbm>> -> memref<200x64xf32, #tpu.memory_space<hbm>>
      %dma_wait3A_84 = arith.constant 0 : i32
      %dma_wait3A_85 = tpu.memref_slice %arg6[%add3A_17, %dma_wait3A_84] : memref<320000x64xf32, #tpu.memory_space<hbm>> -> memref<200x64xf32, #tpu.memory_space<hbm>>
      tpu.wait_dma2 semaphore(%arg18 : memref<!tpu.dma_semaphore, #tpu.memory_space<semaphore_mem>>) src(%arg16 : memref<200x64xf32, #tpu.memory_space<vmem>>) dst(%dma_wait3A_85 : memref<200x64xf32, #tpu.memory_space<hbm>>)
      %scan3A_86 = arith.constant 0 : i32
      scf.yield %scan3A_86 : i32
    }
    %scan3A_6 = arith.constant 25 : i32
    return
  }
}

#map = affine_map<(d0, d1) -> (0, 0)>
#map1 = affine_map<(d0, d1) -> (0)>
#map2 = affine_map<(d0, d1) -> (0, 0, 0)>
module attributes {stable_mosaic.version = 14 : i64} {
  func.func @k(%arg0: i32, %arg1: i32, %arg2: memref<10000x80xf32, #tpu.memory_space<hbm>>, %arg3: memref<10000x16xf32, #tpu.memory_space<hbm>>, %arg4: memref<320000xi32, #tpu.memory_space<hbm>>, %arg5: memref<320000xi32, #tpu.memory_space<hbm>>, %arg6: memref<2x10000x80xf32, #tpu.memory_space<hbm>>, %arg7: memref<10000x80xf32, #tpu.memory_space<vmem_shared>>, %arg8: memref<80xi32, #tpu.memory_space<vmem>>, %arg9: memref<80xi32, #tpu.memory_space<vmem>>, %arg10: memref<80xi32, #tpu.memory_space<vmem>>, %arg11: memref<80xi32, #tpu.memory_space<vmem>>, %arg12: memref<80x80xf32, #tpu.memory_space<vmem>>, %arg13: memref<80x80xf32, #tpu.memory_space<vmem>>, %arg14: memref<80x16xf32, #tpu.memory_space<vmem>>, %arg15: memref<80x16xf32, #tpu.memory_space<vmem>>, %arg16: memref<80x80xf32, #tpu.memory_space<vmem>>, %arg17: memref<80x80xf32, #tpu.memory_space<vmem>>, %arg18: memref<!tpu.dma_semaphore, #tpu.memory_space<semaphore_mem>>, %arg19: memref<!tpu.dma_semaphore, #tpu.memory_space<semaphore_mem>>, %arg20: memref<!tpu.dma_semaphore, #tpu.memory_space<semaphore_mem>>, %arg21: memref<!tpu.dma_semaphore, #tpu.memory_space<semaphore_mem>>) attributes {dimension_semantics = [#tpu.dimension_semantics<core_parallel>, #tpu.dimension_semantics<subcore_parallel>], iteration_bounds = array<i64: 2, 16>, scalar_prefetch = 0 : i64, scratch_operands = 15 : i64, tpu.core_type = #tpu.core_type<sc_vector_subcore>, window_params = [{transform_indices = #map}, {transform_indices = #map}, {transform_indices = #map1}, {transform_indices = #map1}, {transform_indices = #map2}]} {
    %mul3A = arith.constant 16 : i32
    %mul3A_0 = arith.muli %arg0, %mul3A : i32
    %add3A = arith.addi %mul3A_0, %arg1 : i32
    %mul3A_1 = arith.constant 625 : i32
    %mul3A_2 = arith.muli %arg1, %mul3A_1 : i32
    %scan3A = arith.constant 0 : i32
    %scan3A_3 = arith.constant 0 : i32
    %scan3A_4 = arith.constant 400 : i32
    %scan3A_5 = arith.addi %scan3A_3, %scan3A_4 : i32
    %scan3A_6 = arith.constant 1 : i32
    %scan3A_7 = scf.for %scan3A_66 = %scan3A_3 to %scan3A_5 step %scan3A_6 iter_args(%scan3A_67 = %scan3A) -> (i32)  : i32 {
      %jit3A = arith.constant 5 : i32
      %div3A = arith.divsi %scan3A_66, %jit3A : i32
      %sign3A = arith.constant 0 : i32
      %sign3A_68 = arith.cmpi sgt, %scan3A_66, %sign3A : i32
      %sign3A_69 = arith.extui %sign3A_68 : i1 to i32
      %sign3A_70 = arith.constant 0 : i32
      %sign3A_71 = arith.cmpi slt, %scan3A_66, %sign3A_70 : i32
      %sign3A_72 = arith.extui %sign3A_71 : i1 to i32
      %sign3A_73 = arith.subi %sign3A_69, %sign3A_72 : i32
      %sign3A_74 = arith.constant 0 : i32
      %sign3A_75 = arith.cmpi sgt, %jit3A, %sign3A_74 : i32
      %sign3A_76 = arith.extui %sign3A_75 : i1 to i32
      %sign3A_77 = arith.constant 0 : i32
      %sign3A_78 = arith.cmpi slt, %jit3A, %sign3A_77 : i32
      %sign3A_79 = arith.extui %sign3A_78 : i1 to i32
      %sign3A_80 = arith.subi %sign3A_76, %sign3A_79 : i32
      %ne3A = arith.cmpi ne, %sign3A_73, %sign3A_80 : i32
      %rem3A = arith.remsi %scan3A_66, %jit3A : i32
      %ne3A_81 = arith.constant 0 : i32
      %ne3A_82 = arith.cmpi ne, %rem3A, %ne3A_81 : i32
      %and3A = arith.andi %ne3A, %ne3A_82 : i1
      %sub3A = arith.constant 1 : i32
      %sub3A_83 = arith.subi %div3A, %sub3A : i32
      %select_n3A = arith.select %and3A, %sub3A_83, %div3A : i32
      %jit3A_84 = arith.constant 5 : i32
      %eq3A_85 = arith.constant 0 : i32
      %eq3A_86 = arith.cmpi eq, %jit3A_84, %eq3A_85 : i32
      %jit3A_87 = arith.constant 1 : i32
      %select_n3A_88 = arith.select %eq3A_86, %jit3A_87, %jit3A_84 : i32
      %rem3A_89 = arith.remsi %scan3A_66, %select_n3A_88 : i32
      %ne3A_90 = arith.constant 0 : i32
      %ne3A_91 = arith.cmpi ne, %rem3A_89, %ne3A_90 : i32
      %lt3A = arith.constant 0 : i32
      %lt3A_92 = arith.cmpi slt, %rem3A_89, %lt3A : i32
      %lt3A_93 = arith.constant 0 : i32
      %lt3A_94 = arith.cmpi slt, %select_n3A_88, %lt3A_93 : i32
      %ne3A_95 = arith.xori %lt3A_92, %lt3A_94 : i1
      %and3A_96 = arith.andi %ne3A_95, %ne3A_91 : i1
      %add3A_97 = arith.addi %rem3A_89, %select_n3A_88 : i32
      %select_n3A_98 = arith.select %and3A_96, %add3A_97, %rem3A_89 : i32
      %mul3A_99 = arith.constant 16 : i32
      %mul3A_100 = arith.muli %select_n3A_98, %mul3A_99 : i32
      %broadcast_in_dim3A = arith.constant 0.000000e+00 : f32
      %broadcast_in_dim3A_101 = vector.broadcast %broadcast_in_dim3A : f32 to vector<16xf32>
      %swap3A = arith.index_cast %select_n3A : i32 to index
      %swap3A_102 = arith.index_cast %mul3A_100 : i32 to index
      %swap3A_103 = tpu.vector_load %arg16[%swap3A, %swap3A_102] {strides = array<i32>} : memref<80x80xf32, #tpu.memory_space<vmem>>, vector<1x16xf32>,
      %swap3A_104 = vector.shape_cast %swap3A_103 : vector<1x16xf32> to vector<16xf32>
      %swap3A_105 = vector.shape_cast %broadcast_in_dim3A_101 : vector<16xf32> to vector<1x16xf32>
      tpu.vector_store %arg16[%swap3A, %swap3A_102], %swap3A_105 {strides = array<i32>} : memref<80x80xf32, #tpu.memory_space<vmem>>, vector<1x16xf32>,
      %scan3A_106 = arith.constant 0 : i32
      scf.yield %scan3A_106 : i32
    }
    %scan3A_8 = arith.constant 400 : i32
    %add3A_9 = arith.constant 0 : i32
    %add3A_10 = arith.addi %mul3A_2, %add3A_9 : i32
    "tpu.region"() ({
      %run_scoped3A = tpu.sem_alloc : memref<!tpu.dma_semaphore, #tpu.memory_space<semaphore_mem>>
      %dma_start3A_66 = arith.constant 0 : i32
      %dma_start3A_67 = tpu.memref_slice %arg7[%add3A_10, %dma_start3A_66] : memref<10000x80xf32, #tpu.memory_space<vmem_shared>> -> memref<80x80xf32, #tpu.memory_space<vmem_shared>>
      %dma_start3A_68 = arith.constant 0 : i32
      %dma_start3A_69 = tpu.memref_slice %arg7[%add3A_10, %dma_start3A_68] : memref<10000x80xf32, #tpu.memory_space<vmem_shared>> -> memref<80x80xf32, #tpu.memory_space<vmem_shared>>
      tpu.enqueue_dma source(%arg16 : memref<80x80xf32, #tpu.memory_space<vmem>>) target(%dma_start3A_69 : memref<80x80xf32, #tpu.memory_space<vmem_shared>>) target_semaphore(%run_scoped3A : memref<!tpu.dma_semaphore, #tpu.memory_space<semaphore_mem>>)
      %dma_wait3A_70 = arith.constant 0 : i32
      %dma_wait3A_71 = tpu.memref_slice %arg7[%add3A_10, %dma_wait3A_70] : memref<10000x80xf32, #tpu.memory_space<vmem_shared>> -> memref<80x80xf32, #tpu.memory_space<vmem_shared>>
      %dma_wait3A_72 = arith.constant 0 : i32
      %dma_wait3A_73 = tpu.memref_slice %arg7[%add3A_10, %dma_wait3A_72] : memref<10000x80xf32, #tpu.memory_space<vmem_shared>> -> memref<80x80xf32, #tpu.memory_space<vmem_shared>>
      tpu.wait_dma2 semaphore(%run_scoped3A : memref<!tpu.dma_semaphore, #tpu.memory_space<semaphore_mem>>) src(%arg16 : memref<80x80xf32, #tpu.memory_space<vmem>>) dst(%dma_wait3A_73 : memref<80x80xf32, #tpu.memory_space<vmem_shared>>)
      tpu.yield
    }) : () -> ()
    %add3A_11 = arith.constant 80 : i32
    %add3A_12 = arith.addi %mul3A_2, %add3A_11 : i32
    "tpu.region"() ({
      %run_scoped3A = tpu.sem_alloc : memref<!tpu.dma_semaphore, #tpu.memory_space<semaphore_mem>>
      %dma_start3A_66 = arith.constant 0 : i32
      %dma_start3A_67 = tpu.memref_slice %arg7[%add3A_12, %dma_start3A_66] : memref<10000x80xf32, #tpu.memory_space<vmem_shared>> -> memref<80x80xf32, #tpu.memory_space<vmem_shared>>
      %dma_start3A_68 = arith.constant 0 : i32
      %dma_start3A_69 = tpu.memref_slice %arg7[%add3A_12, %dma_start3A_68] : memref<10000x80xf32, #tpu.memory_space<vmem_shared>> -> memref<80x80xf32, #tpu.memory_space<vmem_shared>>
      tpu.enqueue_dma source(%arg16 : memref<80x80xf32, #tpu.memory_space<vmem>>) target(%dma_start3A_69 : memref<80x80xf32, #tpu.memory_space<vmem_shared>>) target_semaphore(%run_scoped3A : memref<!tpu.dma_semaphore, #tpu.memory_space<semaphore_mem>>)
      %dma_wait3A_70 = arith.constant 0 : i32
      %dma_wait3A_71 = tpu.memref_slice %arg7[%add3A_12, %dma_wait3A_70] : memref<10000x80xf32, #tpu.memory_space<vmem_shared>> -> memref<80x80xf32, #tpu.memory_space<vmem_shared>>
      %dma_wait3A_72 = arith.constant 0 : i32
      %dma_wait3A_73 = tpu.memref_slice %arg7[%add3A_12, %dma_wait3A_72] : memref<10000x80xf32, #tpu.memory_space<vmem_shared>> -> memref<80x80xf32, #tpu.memory_space<vmem_shared>>
      tpu.wait_dma2 semaphore(%run_scoped3A : memref<!tpu.dma_semaphore, #tpu.memory_space<semaphore_mem>>) src(%arg16 : memref<80x80xf32, #tpu.memory_space<vmem>>) dst(%dma_wait3A_73 : memref<80x80xf32, #tpu.memory_space<vmem_shared>>)
      tpu.yield
    }) : () -> ()
    %add3A_13 = arith.constant 160 : i32
    %add3A_14 = arith.addi %mul3A_2, %add3A_13 : i32
    "tpu.region"() ({
      %run_scoped3A = tpu.sem_alloc : memref<!tpu.dma_semaphore, #tpu.memory_space<semaphore_mem>>
      %dma_start3A_66 = arith.constant 0 : i32
      %dma_start3A_67 = tpu.memref_slice %arg7[%add3A_14, %dma_start3A_66] : memref<10000x80xf32, #tpu.memory_space<vmem_shared>> -> memref<80x80xf32, #tpu.memory_space<vmem_shared>>
      %dma_start3A_68 = arith.constant 0 : i32
      %dma_start3A_69 = tpu.memref_slice %arg7[%add3A_14, %dma_start3A_68] : memref<10000x80xf32, #tpu.memory_space<vmem_shared>> -> memref<80x80xf32, #tpu.memory_space<vmem_shared>>
      tpu.enqueue_dma source(%arg16 : memref<80x80xf32, #tpu.memory_space<vmem>>) target(%dma_start3A_69 : memref<80x80xf32, #tpu.memory_space<vmem_shared>>) target_semaphore(%run_scoped3A : memref<!tpu.dma_semaphore, #tpu.memory_space<semaphore_mem>>)
      %dma_wait3A_70 = arith.constant 0 : i32
      %dma_wait3A_71 = tpu.memref_slice %arg7[%add3A_14, %dma_wait3A_70] : memref<10000x80xf32, #tpu.memory_space<vmem_shared>> -> memref<80x80xf32, #tpu.memory_space<vmem_shared>>
      %dma_wait3A_72 = arith.constant 0 : i32
      %dma_wait3A_73 = tpu.memref_slice %arg7[%add3A_14, %dma_wait3A_72] : memref<10000x80xf32, #tpu.memory_space<vmem_shared>> -> memref<80x80xf32, #tpu.memory_space<vmem_shared>>
      tpu.wait_dma2 semaphore(%run_scoped3A : memref<!tpu.dma_semaphore, #tpu.memory_space<semaphore_mem>>) src(%arg16 : memref<80x80xf32, #tpu.memory_space<vmem>>) dst(%dma_wait3A_73 : memref<80x80xf32, #tpu.memory_space<vmem_shared>>)
      tpu.yield
    }) : () -> ()
    %add3A_15 = arith.constant 240 : i32
    %add3A_16 = arith.addi %mul3A_2, %add3A_15 : i32
    "tpu.region"() ({
      %run_scoped3A = tpu.sem_alloc : memref<!tpu.dma_semaphore, #tpu.memory_space<semaphore_mem>>
      %dma_start3A_66 = arith.constant 0 : i32
      %dma_start3A_67 = tpu.memref_slice %arg7[%add3A_16, %dma_start3A_66] : memref<10000x80xf32, #tpu.memory_space<vmem_shared>> -> memref<80x80xf32, #tpu.memory_space<vmem_shared>>
      %dma_start3A_68 = arith.constant 0 : i32
      %dma_start3A_69 = tpu.memref_slice %arg7[%add3A_16, %dma_start3A_68] : memref<10000x80xf32, #tpu.memory_space<vmem_shared>> -> memref<80x80xf32, #tpu.memory_space<vmem_shared>>
      tpu.enqueue_dma source(%arg16 : memref<80x80xf32, #tpu.memory_space<vmem>>) target(%dma_start3A_69 : memref<80x80xf32, #tpu.memory_space<vmem_shared>>) target_semaphore(%run_scoped3A : memref<!tpu.dma_semaphore, #tpu.memory_space<semaphore_mem>>)
      %dma_wait3A_70 = arith.constant 0 : i32
      %dma_wait3A_71 = tpu.memref_slice %arg7[%add3A_16, %dma_wait3A_70] : memref<10000x80xf32, #tpu.memory_space<vmem_shared>> -> memref<80x80xf32, #tpu.memory_space<vmem_shared>>
      %dma_wait3A_72 = arith.constant 0 : i32
      %dma_wait3A_73 = tpu.memref_slice %arg7[%add3A_16, %dma_wait3A_72] : memref<10000x80xf32, #tpu.memory_space<vmem_shared>> -> memref<80x80xf32, #tpu.memory_space<vmem_shared>>
      tpu.wait_dma2 semaphore(%run_scoped3A : memref<!tpu.dma_semaphore, #tpu.memory_space<semaphore_mem>>) src(%arg16 : memref<80x80xf32, #tpu.memory_space<vmem>>) dst(%dma_wait3A_73 : memref<80x80xf32, #tpu.memory_space<vmem_shared>>)
      tpu.yield
    }) : () -> ()
    %add3A_17 = arith.constant 320 : i32
    %add3A_18 = arith.addi %mul3A_2, %add3A_17 : i32
    "tpu.region"() ({
      %run_scoped3A = tpu.sem_alloc : memref<!tpu.dma_semaphore, #tpu.memory_space<semaphore_mem>>
      %dma_start3A_66 = arith.constant 0 : i32
      %dma_start3A_67 = tpu.memref_slice %arg7[%add3A_18, %dma_start3A_66] : memref<10000x80xf32, #tpu.memory_space<vmem_shared>> -> memref<80x80xf32, #tpu.memory_space<vmem_shared>>
      %dma_start3A_68 = arith.constant 0 : i32
      %dma_start3A_69 = tpu.memref_slice %arg7[%add3A_18, %dma_start3A_68] : memref<10000x80xf32, #tpu.memory_space<vmem_shared>> -> memref<80x80xf32, #tpu.memory_space<vmem_shared>>
      tpu.enqueue_dma source(%arg16 : memref<80x80xf32, #tpu.memory_space<vmem>>) target(%dma_start3A_69 : memref<80x80xf32, #tpu.memory_space<vmem_shared>>) target_semaphore(%run_scoped3A : memref<!tpu.dma_semaphore, #tpu.memory_space<semaphore_mem>>)
      %dma_wait3A_70 = arith.constant 0 : i32
      %dma_wait3A_71 = tpu.memref_slice %arg7[%add3A_18, %dma_wait3A_70] : memref<10000x80xf32, #tpu.memory_space<vmem_shared>> -> memref<80x80xf32, #tpu.memory_space<vmem_shared>>
      %dma_wait3A_72 = arith.constant 0 : i32
      %dma_wait3A_73 = tpu.memref_slice %arg7[%add3A_18, %dma_wait3A_72] : memref<10000x80xf32, #tpu.memory_space<vmem_shared>> -> memref<80x80xf32, #tpu.memory_space<vmem_shared>>
      tpu.wait_dma2 semaphore(%run_scoped3A : memref<!tpu.dma_semaphore, #tpu.memory_space<semaphore_mem>>) src(%arg16 : memref<80x80xf32, #tpu.memory_space<vmem>>) dst(%dma_wait3A_73 : memref<80x80xf32, #tpu.memory_space<vmem_shared>>)
      tpu.yield
    }) : () -> ()
    %add3A_19 = arith.constant 400 : i32
    %add3A_20 = arith.addi %mul3A_2, %add3A_19 : i32
    "tpu.region"() ({
      %run_scoped3A = tpu.sem_alloc : memref<!tpu.dma_semaphore, #tpu.memory_space<semaphore_mem>>
      %dma_start3A_66 = arith.constant 0 : i32
      %dma_start3A_67 = tpu.memref_slice %arg7[%add3A_20, %dma_start3A_66] : memref<10000x80xf32, #tpu.memory_space<vmem_shared>> -> memref<80x80xf32, #tpu.memory_space<vmem_shared>>
      %dma_start3A_68 = arith.constant 0 : i32
      %dma_start3A_69 = tpu.memref_slice %arg7[%add3A_20, %dma_start3A_68] : memref<10000x80xf32, #tpu.memory_space<vmem_shared>> -> memref<80x80xf32, #tpu.memory_space<vmem_shared>>
      tpu.enqueue_dma source(%arg16 : memref<80x80xf32, #tpu.memory_space<vmem>>) target(%dma_start3A_69 : memref<80x80xf32, #tpu.memory_space<vmem_shared>>) target_semaphore(%run_scoped3A : memref<!tpu.dma_semaphore, #tpu.memory_space<semaphore_mem>>)
      %dma_wait3A_70 = arith.constant 0 : i32
      %dma_wait3A_71 = tpu.memref_slice %arg7[%add3A_20, %dma_wait3A_70] : memref<10000x80xf32, #tpu.memory_space<vmem_shared>> -> memref<80x80xf32, #tpu.memory_space<vmem_shared>>
      %dma_wait3A_72 = arith.constant 0 : i32
      %dma_wait3A_73 = tpu.memref_slice %arg7[%add3A_20, %dma_wait3A_72] : memref<10000x80xf32, #tpu.memory_space<vmem_shared>> -> memref<80x80xf32, #tpu.memory_space<vmem_shared>>
      tpu.wait_dma2 semaphore(%run_scoped3A : memref<!tpu.dma_semaphore, #tpu.memory_space<semaphore_mem>>) src(%arg16 : memref<80x80xf32, #tpu.memory_space<vmem>>) dst(%dma_wait3A_73 : memref<80x80xf32, #tpu.memory_space<vmem_shared>>)
      tpu.yield
    }) : () -> ()
    %add3A_21 = arith.constant 480 : i32
    %add3A_22 = arith.addi %mul3A_2, %add3A_21 : i32
    "tpu.region"() ({
      %run_scoped3A = tpu.sem_alloc : memref<!tpu.dma_semaphore, #tpu.memory_space<semaphore_mem>>
      %dma_start3A_66 = arith.constant 0 : i32
      %dma_start3A_67 = tpu.memref_slice %arg7[%add3A_22, %dma_start3A_66] : memref<10000x80xf32, #tpu.memory_space<vmem_shared>> -> memref<80x80xf32, #tpu.memory_space<vmem_shared>>
      %dma_start3A_68 = arith.constant 0 : i32
      %dma_start3A_69 = tpu.memref_slice %arg7[%add3A_22, %dma_start3A_68] : memref<10000x80xf32, #tpu.memory_space<vmem_shared>> -> memref<80x80xf32, #tpu.memory_space<vmem_shared>>
      tpu.enqueue_dma source(%arg16 : memref<80x80xf32, #tpu.memory_space<vmem>>) target(%dma_start3A_69 : memref<80x80xf32, #tpu.memory_space<vmem_shared>>) target_semaphore(%run_scoped3A : memref<!tpu.dma_semaphore, #tpu.memory_space<semaphore_mem>>)
      %dma_wait3A_70 = arith.constant 0 : i32
      %dma_wait3A_71 = tpu.memref_slice %arg7[%add3A_22, %dma_wait3A_70] : memref<10000x80xf32, #tpu.memory_space<vmem_shared>> -> memref<80x80xf32, #tpu.memory_space<vmem_shared>>
      %dma_wait3A_72 = arith.constant 0 : i32
      %dma_wait3A_73 = tpu.memref_slice %arg7[%add3A_22, %dma_wait3A_72] : memref<10000x80xf32, #tpu.memory_space<vmem_shared>> -> memref<80x80xf32, #tpu.memory_space<vmem_shared>>
      tpu.wait_dma2 semaphore(%run_scoped3A : memref<!tpu.dma_semaphore, #tpu.memory_space<semaphore_mem>>) src(%arg16 : memref<80x80xf32, #tpu.memory_space<vmem>>) dst(%dma_wait3A_73 : memref<80x80xf32, #tpu.memory_space<vmem_shared>>)
      tpu.yield
    }) : () -> ()
    %add3A_23 = arith.constant 560 : i32
    %add3A_24 = arith.addi %mul3A_2, %add3A_23 : i32
    "tpu.region"() ({
      %run_scoped3A = tpu.sem_alloc : memref<!tpu.dma_semaphore, #tpu.memory_space<semaphore_mem>>
      %dma_start3A_66 = arith.constant 0 : i32
      %dma_start3A_67 = arith.constant 0 : i32
      %dma_start3A_68 = tpu.memref_slice %arg16[%dma_start3A_66, %dma_start3A_67] : memref<80x80xf32, #tpu.memory_space<vmem>> -> memref<65x80xf32, #tpu.memory_space<vmem>>
      %dma_start3A_69 = arith.constant 0 : i32
      %dma_start3A_70 = tpu.memref_slice %arg7[%add3A_24, %dma_start3A_69] : memref<10000x80xf32, #tpu.memory_space<vmem_shared>> -> memref<65x80xf32, #tpu.memory_space<vmem_shared>>
      %dma_start3A_71 = arith.constant 0 : i32
      %dma_start3A_72 = tpu.memref_slice %arg7[%add3A_24, %dma_start3A_71] : memref<10000x80xf32, #tpu.memory_space<vmem_shared>> -> memref<65x80xf32, #tpu.memory_space<vmem_shared>>
      %dma_start3A_73 = arith.constant 0 : i32
      %dma_start3A_74 = arith.constant 0 : i32
      %dma_start3A_75 = tpu.memref_slice %arg16[%dma_start3A_73, %dma_start3A_74] : memref<80x80xf32, #tpu.memory_space<vmem>> -> memref<65x80xf32, #tpu.memory_space<vmem>>
      tpu.enqueue_dma source(%dma_start3A_75 : memref<65x80xf32, #tpu.memory_space<vmem>>) target(%dma_start3A_72 : memref<65x80xf32, #tpu.memory_space<vmem_shared>>) target_semaphore(%run_scoped3A : memref<!tpu.dma_semaphore, #tpu.memory_space<semaphore_mem>>)
      %dma_wait3A_76 = arith.constant 0 : i32
      %dma_wait3A_77 = arith.constant 0 : i32
      %dma_wait3A_78 = tpu.memref_slice %arg16[%dma_wait3A_76, %dma_wait3A_77] : memref<80x80xf32, #tpu.memory_space<vmem>> -> memref<65x80xf32, #tpu.memory_space<vmem>>
      %dma_wait3A_79 = arith.constant 0 : i32
      %dma_wait3A_80 = tpu.memref_slice %arg7[%add3A_24, %dma_wait3A_79] : memref<10000x80xf32, #tpu.memory_space<vmem_shared>> -> memref<65x80xf32, #tpu.memory_space<vmem_shared>>
      %dma_wait3A_81 = arith.constant 0 : i32
      %dma_wait3A_82 = tpu.memref_slice %arg7[%add3A_24, %dma_wait3A_81] : memref<10000x80xf32, #tpu.memory_space<vmem_shared>> -> memref<65x80xf32, #tpu.memory_space<vmem_shared>>
      %dma_wait3A_83 = arith.constant 0 : i32
      %dma_wait3A_84 = arith.constant 0 : i32
      %dma_wait3A_85 = tpu.memref_slice %arg16[%dma_wait3A_83, %dma_wait3A_84] : memref<80x80xf32, #tpu.memory_space<vmem>> -> memref<65x80xf32, #tpu.memory_space<vmem>>
      tpu.wait_dma2 semaphore(%run_scoped3A : memref<!tpu.dma_semaphore, #tpu.memory_space<semaphore_mem>>) src(%dma_wait3A_85 : memref<65x80xf32, #tpu.memory_space<vmem>>) dst(%dma_wait3A_82 : memref<65x80xf32, #tpu.memory_space<vmem_shared>>)
      tpu.yield
    }) : () -> ()
    %barrier3A = arith.constant 0 : index
    tpu.barrier barrier_id(%barrier3A)
    %scan3A_25 = arith.constant 0 : i32
    %scan3A_26 = arith.constant 0 : i32
    %scan3A_27 = arith.constant 62 : i32
    %scan3A_28 = arith.addi %scan3A_26, %scan3A_27 : i32
    %scan3A_29 = arith.constant 1 : i32
    %scan3A_30 = scf.for %scan3A_66 = %scan3A_26 to %scan3A_28 step %scan3A_29 iter_args(%scan3A_67 = %scan3A_25) -> (i32)  : i32 {
      %mul3A_68 = arith.constant 10000 : i32
      %mul3A_69 = arith.muli %add3A, %mul3A_68 : i32
      %mul3A_70 = arith.constant 2 : i32
      %mul3A_71 = arith.muli %mul3A_70, %scan3A_66 : i32
      %mul3A_72 = arith.constant 80 : i32
      %mul3A_73 = arith.muli %mul3A_71, %mul3A_72 : i32
      %add3A_74 = arith.addi %mul3A_69, %mul3A_73 : i32
      %add3A_75 = arith.constant 80 : i32
      %add3A_76 = arith.addi %add3A_74, %add3A_75 : i32
      %dma_start3A_77 = tpu.memref_slice %arg4[%add3A_74] : memref<320000xi32, #tpu.memory_space<hbm>> -> memref<80xi32, #tpu.memory_space<hbm>>
      %dma_start3A_78 = tpu.memref_slice %arg4[%add3A_74] : memref<320000xi32, #tpu.memory_space<hbm>> -> memref<80xi32, #tpu.memory_space<hbm>>
      tpu.enqueue_dma source(%dma_start3A_78 : memref<80xi32, #tpu.memory_space<hbm>>) target(%arg8 : memref<80xi32, #tpu.memory_space<vmem>>) target_semaphore(%arg18 : memref<!tpu.dma_semaphore, #tpu.memory_space<semaphore_mem>>)
      %dma_start3A_79 = tpu.memref_slice %arg5[%add3A_74] : memref<320000xi32, #tpu.memory_space<hbm>> -> memref<80xi32, #tpu.memory_space<hbm>>
      %dma_start3A_80 = tpu.memref_slice %arg5[%add3A_74] : memref<320000xi32, #tpu.memory_space<hbm>> -> memref<80xi32, #tpu.memory_space<hbm>>
      tpu.enqueue_dma source(%dma_start3A_80 : memref<80xi32, #tpu.memory_space<hbm>>) target(%arg10 : memref<80xi32, #tpu.memory_space<vmem>>) target_semaphore(%arg19 : memref<!tpu.dma_semaphore, #tpu.memory_space<semaphore_mem>>)
      %dma_start3A_81 = tpu.memref_slice %arg4[%add3A_76] : memref<320000xi32, #tpu.memory_space<hbm>> -> memref<80xi32, #tpu.memory_space<hbm>>
      %dma_start3A_82 = tpu.memref_slice %arg4[%add3A_76] : memref<320000xi32, #tpu.memory_space<hbm>> -> memref<80xi32, #tpu.memory_space<hbm>>
      tpu.enqueue_dma source(%dma_start3A_82 : memref<80xi32, #tpu.memory_space<hbm>>) target(%arg9 : memref<80xi32, #tpu.memory_space<vmem>>) target_semaphore(%arg20 : memref<!tpu.dma_semaphore, #tpu.memory_space<semaphore_mem>>)
      %dma_start3A_83 = tpu.memref_slice %arg5[%add3A_76] : memref<320000xi32, #tpu.memory_space<hbm>> -> memref<80xi32, #tpu.memory_space<hbm>>
      %dma_start3A_84 = tpu.memref_slice %arg5[%add3A_76] : memref<320000xi32, #tpu.memory_space<hbm>> -> memref<80xi32, #tpu.memory_space<hbm>>
      tpu.enqueue_dma source(%dma_start3A_84 : memref<80xi32, #tpu.memory_space<hbm>>) target(%arg11 : memref<80xi32, #tpu.memory_space<vmem>>) target_semaphore(%arg21 : memref<!tpu.dma_semaphore, #tpu.memory_space<semaphore_mem>>)
      %dma_wait3A_85 = tpu.memref_slice %arg4[%add3A_74] : memref<320000xi32, #tpu.memory_space<hbm>> -> memref<80xi32, #tpu.memory_space<hbm>>
      %dma_wait3A_86 = tpu.memref_slice %arg4[%add3A_74] : memref<320000xi32, #tpu.memory_space<hbm>> -> memref<80xi32, #tpu.memory_space<hbm>>
      tpu.wait_dma2 semaphore(%arg18 : memref<!tpu.dma_semaphore, #tpu.memory_space<semaphore_mem>>) src(%dma_wait3A_86 : memref<80xi32, #tpu.memory_space<hbm>>) dst(%arg8 : memref<80xi32, #tpu.memory_space<vmem>>)
      %dma_wait3A_87 = tpu.memref_slice %arg5[%add3A_74] : memref<320000xi32, #tpu.memory_space<hbm>> -> memref<80xi32, #tpu.memory_space<hbm>>
      %dma_wait3A_88 = tpu.memref_slice %arg5[%add3A_74] : memref<320000xi32, #tpu.memory_space<hbm>> -> memref<80xi32, #tpu.memory_space<hbm>>
      tpu.wait_dma2 semaphore(%arg19 : memref<!tpu.dma_semaphore, #tpu.memory_space<semaphore_mem>>) src(%dma_wait3A_88 : memref<80xi32, #tpu.memory_space<hbm>>) dst(%arg10 : memref<80xi32, #tpu.memory_space<vmem>>)
      %dma_start3A_89 = arith.constant 0 : i32
      %dma_start3A_90 = arith.constant 0 : i32
      %dma_start3A_91 = tpu.memref_slice %arg2[%dma_start3A_89, %dma_start3A_90] : memref<10000x80xf32, #tpu.memory_space<hbm>> -> memref<10000x80xf32, #tpu.memory_space<hbm>>
      tpu.enqueue_indirect_dma source(%dma_start3A_91 : memref<10000x80xf32, #tpu.memory_space<hbm>>) target(%arg12 : memref<80x80xf32, #tpu.memory_space<vmem>>) offsets(%arg8 : memref<80xi32, #tpu.memory_space<vmem>>) semaphore(%arg18 : memref<!tpu.dma_semaphore, #tpu.memory_space<semaphore_mem>>)
      %dma_start3A_92 = arith.constant 0 : i32
      %dma_start3A_93 = arith.constant 0 : i32
      %dma_start3A_94 = tpu.memref_slice %arg3[%dma_start3A_92, %dma_start3A_93] : memref<10000x16xf32, #tpu.memory_space<hbm>> -> memref<10000x16xf32, #tpu.memory_space<hbm>>
      tpu.enqueue_indirect_dma source(%dma_start3A_94 : memref<10000x16xf32, #tpu.memory_space<hbm>>) target(%arg14 : memref<80x16xf32, #tpu.memory_space<vmem>>) offsets(%arg10 : memref<80xi32, #tpu.memory_space<vmem>>) semaphore(%arg19 : memref<!tpu.dma_semaphore, #tpu.memory_space<semaphore_mem>>)
      %dma_wait3A_95 = tpu.memref_slice %arg4[%add3A_76] : memref<320000xi32, #tpu.memory_space<hbm>> -> memref<80xi32, #tpu.memory_space<hbm>>
      %dma_wait3A_96 = tpu.memref_slice %arg4[%add3A_76] : memref<320000xi32, #tpu.memory_space<hbm>> -> memref<80xi32, #tpu.memory_space<hbm>>
      tpu.wait_dma2 semaphore(%arg20 : memref<!tpu.dma_semaphore, #tpu.memory_space<semaphore_mem>>) src(%dma_wait3A_96 : memref<80xi32, #tpu.memory_space<hbm>>) dst(%arg9 : memref<80xi32, #tpu.memory_space<vmem>>)
      %dma_wait3A_97 = tpu.memref_slice %arg5[%add3A_76] : memref<320000xi32, #tpu.memory_space<hbm>> -> memref<80xi32, #tpu.memory_space<hbm>>
      %dma_wait3A_98 = tpu.memref_slice %arg5[%add3A_76] : memref<320000xi32, #tpu.memory_space<hbm>> -> memref<80xi32, #tpu.memory_space<hbm>>
      tpu.wait_dma2 semaphore(%arg21 : memref<!tpu.dma_semaphore, #tpu.memory_space<semaphore_mem>>) src(%dma_wait3A_98 : memref<80xi32, #tpu.memory_space<hbm>>) dst(%arg11 : memref<80xi32, #tpu.memory_space<vmem>>)
      %dma_start3A_99 = arith.constant 0 : i32
      %dma_start3A_100 = arith.constant 0 : i32
      %dma_start3A_101 = tpu.memref_slice %arg2[%dma_start3A_99, %dma_start3A_100] : memref<10000x80xf32, #tpu.memory_space<hbm>> -> memref<10000x80xf32, #tpu.memory_space<hbm>>
      tpu.enqueue_indirect_dma source(%dma_start3A_101 : memref<10000x80xf32, #tpu.memory_space<hbm>>) target(%arg13 : memref<80x80xf32, #tpu.memory_space<vmem>>) offsets(%arg9 : memref<80xi32, #tpu.memory_space<vmem>>) semaphore(%arg20 : memref<!tpu.dma_semaphore, #tpu.memory_space<semaphore_mem>>)
      %dma_start3A_102 = arith.constant 0 : i32
      %dma_start3A_103 = arith.constant 0 : i32
      %dma_start3A_104 = tpu.memref_slice %arg3[%dma_start3A_102, %dma_start3A_103] : memref<10000x16xf32, #tpu.memory_space<hbm>> -> memref<10000x16xf32, #tpu.memory_space<hbm>>
      tpu.enqueue_indirect_dma source(%dma_start3A_104 : memref<10000x16xf32, #tpu.memory_space<hbm>>) target(%arg15 : memref<80x16xf32, #tpu.memory_space<vmem>>) offsets(%arg11 : memref<80xi32, #tpu.memory_space<vmem>>) semaphore(%arg21 : memref<!tpu.dma_semaphore, #tpu.memory_space<semaphore_mem>>)
      %dma_wait3A_105 = arith.constant 0 : i32
      %dma_wait3A_106 = arith.constant 0 : i32
      %dma_wait3A_107 = tpu.memref_slice %arg2[%dma_wait3A_105, %dma_wait3A_106] : memref<10000x80xf32, #tpu.memory_space<hbm>> -> memref<10000x80xf32, #tpu.memory_space<hbm>>
      tpu.wait_indirect_dma semaphore(%arg18 : memref<!tpu.dma_semaphore, #tpu.memory_space<semaphore_mem>>) src(%dma_wait3A_107 : memref<10000x80xf32, #tpu.memory_space<hbm>>) dst(%arg12 : memref<80x80xf32, #tpu.memory_space<vmem>>)
      %dma_wait3A_108 = arith.constant 0 : i32
      %dma_wait3A_109 = arith.constant 0 : i32
      %dma_wait3A_110 = tpu.memref_slice %arg3[%dma_wait3A_108, %dma_wait3A_109] : memref<10000x16xf32, #tpu.memory_space<hbm>> -> memref<10000x16xf32, #tpu.memory_space<hbm>>
      tpu.wait_indirect_dma semaphore(%arg19 : memref<!tpu.dma_semaphore, #tpu.memory_space<semaphore_mem>>) src(%dma_wait3A_110 : memref<10000x16xf32, #tpu.memory_space<hbm>>) dst(%arg14 : memref<80x16xf32, #tpu.memory_space<vmem>>)
      %scan3A_111 = arith.constant 0 : i32
      %scan3A_112 = arith.constant 0 : i32
      %scan3A_113 = arith.constant 80 : i32
      %scan3A_114 = arith.addi %scan3A_112, %scan3A_113 : i32
      %scan3A_115 = arith.constant 1 : i32
      %scan3A_116 = scf.for %scan3A_144 = %scan3A_112 to %scan3A_114 step %scan3A_115 iter_args(%scan3A_145 = %scan3A_111) -> (i32)  : i32 {
        %get3A = arith.index_cast %scan3A_144 : i32 to index
        %get3A_146 = arith.constant 64 : index
        %get3A_147 = tpu.vector_load %arg12[%get3A, %get3A_146] {strides = array<i32>} : memref<80x80xf32, #tpu.memory_space<vmem>>, vector<1x16xf32>,
        %get3A_148 = vector.shape_cast %get3A_147 : vector<1x16xf32> to vector<16xf32>
        %get3A_149 = arith.index_cast %scan3A_144 : i32 to index
        %get3A_150 = arith.constant 0 : index
        %get3A_151 = tpu.vector_load %arg14[%get3A_149, %get3A_150] {strides = array<i32>} : memref<80x16xf32, #tpu.memory_space<vmem>>, vector<1x16xf32>,
        %get3A_152 = vector.shape_cast %get3A_151 : vector<1x16xf32> to vector<16xf32>
        %add3A_153 = arith.addf %get3A_148, %get3A_152 : vector<16xf32>
        %mul3A_154 = arith.constant 2.000000e-01 : f32
        %mul3A_155 = vector.broadcast %mul3A_154 : f32 to vector<16xf32>
        %mul3A_156 = arith.mulf %add3A_153, %mul3A_155 : vector<16xf32>
        %max3A = arith.maximumf %add3A_153, %mul3A_156 : vector<16xf32>
        %exp3A = math.exp %max3A : vector<16xf32>
        %swap3A = arith.index_cast %scan3A_144 : i32 to index
        %swap3A_157 = arith.constant 64 : index
        %swap3A_158 = tpu.vector_load %arg16[%swap3A, %swap3A_157] {strides = array<i32>} : memref<80x80xf32, #tpu.memory_space<vmem>>, vector<1x16xf32>,
        %swap3A_159 = vector.shape_cast %swap3A_158 : vector<1x16xf32> to vector<16xf32>
        %swap3A_160 = vector.shape_cast %exp3A : vector<16xf32> to vector<1x16xf32>
        tpu.vector_store %arg16[%swap3A, %swap3A_157], %swap3A_160 {strides = array<i32>} : memref<80x80xf32, #tpu.memory_space<vmem>>, vector<1x16xf32>,
        %get3A_161 = arith.index_cast %scan3A_144 : i32 to index
        %get3A_162 = arith.constant 0 : index
        %get3A_163 = tpu.vector_load %arg12[%get3A_161, %get3A_162] {strides = array<i32>} : memref<80x80xf32, #tpu.memory_space<vmem>>, vector<1x16xf32>,
        %get3A_164 = vector.shape_cast %get3A_163 : vector<1x16xf32> to vector<16xf32>
        %mul3A_165 = arith.mulf %get3A_164, %exp3A : vector<16xf32>
        %swap3A_166 = arith.index_cast %scan3A_144 : i32 to index
        %swap3A_167 = arith.constant 0 : index
        %swap3A_168 = tpu.vector_load %arg16[%swap3A_166, %swap3A_167] {strides = array<i32>} : memref<80x80xf32, #tpu.memory_space<vmem>>, vector<1x16xf32>,
        %swap3A_169 = vector.shape_cast %swap3A_168 : vector<1x16xf32> to vector<16xf32>
        %swap3A_170 = vector.shape_cast %mul3A_165 : vector<16xf32> to vector<1x16xf32>
        tpu.vector_store %arg16[%swap3A_166, %swap3A_167], %swap3A_170 {strides = array<i32>} : memref<80x80xf32, #tpu.memory_space<vmem>>, vector<1x16xf32>,
        %get3A_171 = arith.index_cast %scan3A_144 : i32 to index
        %get3A_172 = arith.constant 16 : index
        %get3A_173 = tpu.vector_load %arg12[%get3A_171, %get3A_172] {strides = array<i32>} : memref<80x80xf32, #tpu.memory_space<vmem>>, vector<1x16xf32>,
        %get3A_174 = vector.shape_cast %get3A_173 : vector<1x16xf32> to vector<16xf32>
        %mul3A_175 = arith.mulf %get3A_174, %exp3A : vector<16xf32>
        %swap3A_176 = arith.index_cast %scan3A_144 : i32 to index
        %swap3A_177 = arith.constant 16 : index
        %swap3A_178 = tpu.vector_load %arg16[%swap3A_176, %swap3A_177] {strides = array<i32>} : memref<80x80xf32, #tpu.memory_space<vmem>>, vector<1x16xf32>,
        %swap3A_179 = vector.shape_cast %swap3A_178 : vector<1x16xf32> to vector<16xf32>
        %swap3A_180 = vector.shape_cast %mul3A_175 : vector<16xf32> to vector<1x16xf32>
        tpu.vector_store %arg16[%swap3A_176, %swap3A_177], %swap3A_180 {strides = array<i32>} : memref<80x80xf32, #tpu.memory_space<vmem>>, vector<1x16xf32>,
        %get3A_181 = arith.index_cast %scan3A_144 : i32 to index
        %get3A_182 = arith.constant 32 : index
        %get3A_183 = tpu.vector_load %arg12[%get3A_181, %get3A_182] {strides = array<i32>} : memref<80x80xf32, #tpu.memory_space<vmem>>, vector<1x16xf32>,
        %get3A_184 = vector.shape_cast %get3A_183 : vector<1x16xf32> to vector<16xf32>
        %mul3A_185 = arith.mulf %get3A_184, %exp3A : vector<16xf32>
        %swap3A_186 = arith.index_cast %scan3A_144 : i32 to index
        %swap3A_187 = arith.constant 32 : index
        %swap3A_188 = tpu.vector_load %arg16[%swap3A_186, %swap3A_187] {strides = array<i32>} : memref<80x80xf32, #tpu.memory_space<vmem>>, vector<1x16xf32>,
        %swap3A_189 = vector.shape_cast %swap3A_188 : vector<1x16xf32> to vector<16xf32>
        %swap3A_190 = vector.shape_cast %mul3A_185 : vector<16xf32> to vector<1x16xf32>
        tpu.vector_store %arg16[%swap3A_186, %swap3A_187], %swap3A_190 {strides = array<i32>} : memref<80x80xf32, #tpu.memory_space<vmem>>, vector<1x16xf32>,
        %get3A_191 = arith.index_cast %scan3A_144 : i32 to index
        %get3A_192 = arith.constant 48 : index
        %get3A_193 = tpu.vector_load %arg12[%get3A_191, %get3A_192] {strides = array<i32>} : memref<80x80xf32, #tpu.memory_space<vmem>>, vector<1x16xf32>,
        %get3A_194 = vector.shape_cast %get3A_193 : vector<1x16xf32> to vector<16xf32>
        %mul3A_195 = arith.mulf %get3A_194, %exp3A : vector<16xf32>
        %swap3A_196 = arith.index_cast %scan3A_144 : i32 to index
        %swap3A_197 = arith.constant 48 : index
        %swap3A_198 = tpu.vector_load %arg16[%swap3A_196, %swap3A_197] {strides = array<i32>} : memref<80x80xf32, #tpu.memory_space<vmem>>, vector<1x16xf32>,
        %swap3A_199 = vector.shape_cast %swap3A_198 : vector<1x16xf32> to vector<16xf32>
        %swap3A_200 = vector.shape_cast %mul3A_195 : vector<16xf32> to vector<1x16xf32>
        tpu.vector_store %arg16[%swap3A_196, %swap3A_197], %swap3A_200 {strides = array<i32>} : memref<80x80xf32, #tpu.memory_space<vmem>>, vector<1x16xf32>,
        %scan3A_201 = arith.constant 0 : i32
        scf.yield %scan3A_201 : i32
      }
      %scan3A_117 = arith.constant 80 : i32
      %dma_start3A_118 = arith.constant 0 : i32
      %dma_start3A_119 = arith.constant 0 : i32
      %dma_start3A_120 = tpu.memref_slice %arg7[%dma_start3A_118, %dma_start3A_119] : memref<10000x80xf32, #tpu.memory_space<vmem_shared>> -> memref<10000x80xf32, #tpu.memory_space<vmem_shared>>
      tpu.enqueue_indirect_dma source(%arg16 : memref<80x80xf32, #tpu.memory_space<vmem>>) target(%dma_start3A_120 : memref<10000x80xf32, #tpu.memory_space<vmem_shared>>) offsets(%arg10 : memref<80xi32, #tpu.memory_space<vmem>>) semaphore(%arg18 : memref<!tpu.dma_semaphore, #tpu.memory_space<semaphore_mem>>) {add = true}
      %dma_wait3A_121 = arith.constant 0 : i32
      %dma_wait3A_122 = arith.constant 0 : i32
      %dma_wait3A_123 = tpu.memref_slice %arg2[%dma_wait3A_121, %dma_wait3A_122] : memref<10000x80xf32, #tpu.memory_space<hbm>> -> memref<10000x80xf32, #tpu.memory_space<hbm>>
      tpu.wait_indirect_dma semaphore(%arg20 : memref<!tpu.dma_semaphore, #tpu.memory_space<semaphore_mem>>) src(%dma_wait3A_123 : memref<10000x80xf32, #tpu.memory_space<hbm>>) dst(%arg13 : memref<80x80xf32, #tpu.memory_space<vmem>>)
      %dma_wait3A_124 = arith.constant 0 : i32
      %dma_wait3A_125 = arith.constant 0 : i32
      %dma_wait3A_126 = tpu.memref_slice %arg3[%dma_wait3A_124, %dma_wait3A_125] : memref<10000x16xf32, #tpu.memory_space<hbm>> -> memref<10000x16xf32, #tpu.memory_space<hbm>>
      tpu.wait_indirect_dma semaphore(%arg21 : memref<!tpu.dma_semaphore, #tpu.memory_space<semaphore_mem>>) src(%dma_wait3A_126 : memref<10000x16xf32, #tpu.memory_space<hbm>>) dst(%arg15 : memref<80x16xf32, #tpu.memory_space<vmem>>)
      %scan3A_127 = arith.constant 0 : i32
      %scan3A_128 = arith.constant 0 : i32
      %scan3A_129 = arith.constant 80 : i32
      %scan3A_130 = arith.addi %scan3A_128, %scan3A_129 : i32
      %scan3A_131 = arith.constant 1 : i32
      %scan3A_132 = scf.for %scan3A_144 = %scan3A_128 to %scan3A_130 step %scan3A_131 iter_args(%scan3A_145 = %scan3A_127) -> (i32)  : i32 {
        %get3A = arith.index_cast %scan3A_144 : i32 to index
        %get3A_146 = arith.constant 64 : index
        %get3A_147 = tpu.vector_load %arg13[%get3A, %get3A_146] {strides = array<i32>} : memref<80x80xf32, #tpu.memory_space<vmem>>, vector<1x16xf32>,
        %get3A_148 = vector.shape_cast %get3A_147 : vector<1x16xf32> to vector<16xf32>
        %get3A_149 = arith.index_cast %scan3A_144 : i32 to index
        %get3A_150 = arith.constant 0 : index
        %get3A_151 = tpu.vector_load %arg15[%get3A_149, %get3A_150] {strides = array<i32>} : memref<80x16xf32, #tpu.memory_space<vmem>>, vector<1x16xf32>,
        %get3A_152 = vector.shape_cast %get3A_151 : vector<1x16xf32> to vector<16xf32>
        %add3A_153 = arith.addf %get3A_148, %get3A_152 : vector<16xf32>
        %mul3A_154 = arith.constant 2.000000e-01 : f32
        %mul3A_155 = vector.broadcast %mul3A_154 : f32 to vector<16xf32>
        %mul3A_156 = arith.mulf %add3A_153, %mul3A_155 : vector<16xf32>
        %max3A = arith.maximumf %add3A_153, %mul3A_156 : vector<16xf32>
        %exp3A = math.exp %max3A : vector<16xf32>
        %swap3A = arith.index_cast %scan3A_144 : i32 to index
        %swap3A_157 = arith.constant 64 : index
        %swap3A_158 = tpu.vector_load %arg17[%swap3A, %swap3A_157] {strides = array<i32>} : memref<80x80xf32, #tpu.memory_space<vmem>>, vector<1x16xf32>,
        %swap3A_159 = vector.shape_cast %swap3A_158 : vector<1x16xf32> to vector<16xf32>
        %swap3A_160 = vector.shape_cast %exp3A : vector<16xf32> to vector<1x16xf32>
        tpu.vector_store %arg17[%swap3A, %swap3A_157], %swap3A_160 {strides = array<i32>} : memref<80x80xf32, #tpu.memory_space<vmem>>, vector<1x16xf32>,
        %get3A_161 = arith.index_cast %scan3A_144 : i32 to index
        %get3A_162 = arith.constant 0 : index
        %get3A_163 = tpu.vector_load %arg13[%get3A_161, %get3A_162] {strides = array<i32>} : memref<80x80xf32, #tpu.memory_space<vmem>>, vector<1x16xf32>,
        %get3A_164 = vector.shape_cast %get3A_163 : vector<1x16xf32> to vector<16xf32>
        %mul3A_165 = arith.mulf %get3A_164, %exp3A : vector<16xf32>
        %swap3A_166 = arith.index_cast %scan3A_144 : i32 to index
        %swap3A_167 = arith.constant 0 : index
        %swap3A_168 = tpu.vector_load %arg17[%swap3A_166, %swap3A_167] {strides = array<i32>} : memref<80x80xf32, #tpu.memory_space<vmem>>, vector<1x16xf32>,
        %swap3A_169 = vector.shape_cast %swap3A_168 : vector<1x16xf32> to vector<16xf32>
        %swap3A_170 = vector.shape_cast %mul3A_165 : vector<16xf32> to vector<1x16xf32>
        tpu.vector_store %arg17[%swap3A_166, %swap3A_167], %swap3A_170 {strides = array<i32>} : memref<80x80xf32, #tpu.memory_space<vmem>>, vector<1x16xf32>,
        %get3A_171 = arith.index_cast %scan3A_144 : i32 to index
        %get3A_172 = arith.constant 16 : index
        %get3A_173 = tpu.vector_load %arg13[%get3A_171, %get3A_172] {strides = array<i32>} : memref<80x80xf32, #tpu.memory_space<vmem>>, vector<1x16xf32>,
        %get3A_174 = vector.shape_cast %get3A_173 : vector<1x16xf32> to vector<16xf32>
        %mul3A_175 = arith.mulf %get3A_174, %exp3A : vector<16xf32>
        %swap3A_176 = arith.index_cast %scan3A_144 : i32 to index
        %swap3A_177 = arith.constant 16 : index
        %swap3A_178 = tpu.vector_load %arg17[%swap3A_176, %swap3A_177] {strides = array<i32>} : memref<80x80xf32, #tpu.memory_space<vmem>>, vector<1x16xf32>,
        %swap3A_179 = vector.shape_cast %swap3A_178 : vector<1x16xf32> to vector<16xf32>
        %swap3A_180 = vector.shape_cast %mul3A_175 : vector<16xf32> to vector<1x16xf32>
        tpu.vector_store %arg17[%swap3A_176, %swap3A_177], %swap3A_180 {strides = array<i32>} : memref<80x80xf32, #tpu.memory_space<vmem>>, vector<1x16xf32>,
        %get3A_181 = arith.index_cast %scan3A_144 : i32 to index
        %get3A_182 = arith.constant 32 : index
        %get3A_183 = tpu.vector_load %arg13[%get3A_181, %get3A_182] {strides = array<i32>} : memref<80x80xf32, #tpu.memory_space<vmem>>, vector<1x16xf32>,
        %get3A_184 = vector.shape_cast %get3A_183 : vector<1x16xf32> to vector<16xf32>
        %mul3A_185 = arith.mulf %get3A_184, %exp3A : vector<16xf32>
        %swap3A_186 = arith.index_cast %scan3A_144 : i32 to index
        %swap3A_187 = arith.constant 32 : index
        %swap3A_188 = tpu.vector_load %arg17[%swap3A_186, %swap3A_187] {strides = array<i32>} : memref<80x80xf32, #tpu.memory_space<vmem>>, vector<1x16xf32>,
        %swap3A_189 = vector.shape_cast %swap3A_188 : vector<1x16xf32> to vector<16xf32>
        %swap3A_190 = vector.shape_cast %mul3A_185 : vector<16xf32> to vector<1x16xf32>
        tpu.vector_store %arg17[%swap3A_186, %swap3A_187], %swap3A_190 {strides = array<i32>} : memref<80x80xf32, #tpu.memory_space<vmem>>, vector<1x16xf32>,
        %get3A_191 = arith.index_cast %scan3A_144 : i32 to index
        %get3A_192 = arith.constant 48 : index
        %get3A_193 = tpu.vector_load %arg13[%get3A_191, %get3A_192] {strides = array<i32>} : memref<80x80xf32, #tpu.memory_space<vmem>>, vector<1x16xf32>,
        %get3A_194 = vector.shape_cast %get3A_193 : vector<1x16xf32> to vector<16xf32>
        %mul3A_195 = arith.mulf %get3A_194, %exp3A : vector<16xf32>
        %swap3A_196 = arith.index_cast %scan3A_144 : i32 to index
        %swap3A_197 = arith.constant 48 : index
        %swap3A_198 = tpu.vector_load %arg17[%swap3A_196, %swap3A_197] {strides = array<i32>} : memref<80x80xf32, #tpu.memory_space<vmem>>, vector<1x16xf32>,
        %swap3A_199 = vector.shape_cast %swap3A_198 : vector<1x16xf32> to vector<16xf32>
        %swap3A_200 = vector.shape_cast %mul3A_195 : vector<16xf32> to vector<1x16xf32>
        tpu.vector_store %arg17[%swap3A_196, %swap3A_197], %swap3A_200 {strides = array<i32>} : memref<80x80xf32, #tpu.memory_space<vmem>>, vector<1x16xf32>,
        %scan3A_201 = arith.constant 0 : i32
        scf.yield %scan3A_201 : i32
      }
      %scan3A_133 = arith.constant 80 : i32
      %dma_start3A_134 = arith.constant 0 : i32
      %dma_start3A_135 = arith.constant 0 : i32
      %dma_start3A_136 = tpu.memref_slice %arg7[%dma_start3A_134, %dma_start3A_135] : memref<10000x80xf32, #tpu.memory_space<vmem_shared>> -> memref<10000x80xf32, #tpu.memory_space<vmem_shared>>
      tpu.enqueue_indirect_dma source(%arg17 : memref<80x80xf32, #tpu.memory_space<vmem>>) target(%dma_start3A_136 : memref<10000x80xf32, #tpu.memory_space<vmem_shared>>) offsets(%arg11 : memref<80xi32, #tpu.memory_space<vmem>>) semaphore(%arg19 : memref<!tpu.dma_semaphore, #tpu.memory_space<semaphore_mem>>) {add = true}
      %dma_wait3A_137 = arith.constant 0 : i32
      %dma_wait3A_138 = arith.constant 0 : i32
      %dma_wait3A_139 = tpu.memref_slice %arg7[%dma_wait3A_137, %dma_wait3A_138] : memref<10000x80xf32, #tpu.memory_space<vmem_shared>> -> memref<10000x80xf32, #tpu.memory_space<vmem_shared>>
      tpu.wait_indirect_dma semaphore(%arg18 : memref<!tpu.dma_semaphore, #tpu.memory_space<semaphore_mem>>) src(%arg16 : memref<80x80xf32, #tpu.memory_space<vmem>>) dst(%dma_wait3A_139 : memref<10000x80xf32, #tpu.memory_space<vmem_shared>>)
      %dma_wait3A_140 = arith.constant 0 : i32
      %dma_wait3A_141 = arith.constant 0 : i32
      %dma_wait3A_142 = tpu.memref_slice %arg7[%dma_wait3A_140, %dma_wait3A_141] : memref<10000x80xf32, #tpu.memory_space<vmem_shared>> -> memref<10000x80xf32, #tpu.memory_space<vmem_shared>>
      tpu.wait_indirect_dma semaphore(%arg19 : memref<!tpu.dma_semaphore, #tpu.memory_space<semaphore_mem>>) src(%arg17 : memref<80x80xf32, #tpu.memory_space<vmem>>) dst(%dma_wait3A_142 : memref<10000x80xf32, #tpu.memory_space<vmem_shared>>)
      %scan3A_143 = arith.constant 0 : i32
      scf.yield %scan3A_143 : i32
    }
    %scan3A_31 = arith.constant 62 : i32
    %mul3A_32 = arith.constant 10000 : i32
    %mul3A_33 = arith.muli %add3A, %mul3A_32 : i32
    %add3A_34 = arith.constant 9920 : i32
    %add3A_35 = arith.addi %mul3A_33, %add3A_34 : i32
    %dma_start3A = tpu.memref_slice %arg4[%add3A_35] : memref<320000xi32, #tpu.memory_space<hbm>> -> memref<80xi32, #tpu.memory_space<hbm>>
    %dma_start3A_36 = tpu.memref_slice %arg4[%add3A_35] : memref<320000xi32, #tpu.memory_space<hbm>> -> memref<80xi32, #tpu.memory_space<hbm>>
    tpu.enqueue_dma source(%dma_start3A_36 : memref<80xi32, #tpu.memory_space<hbm>>) target(%arg8 : memref<80xi32, #tpu.memory_space<vmem>>) target_semaphore(%arg18 : memref<!tpu.dma_semaphore, #tpu.memory_space<semaphore_mem>>)
    %dma_start3A_37 = tpu.memref_slice %arg5[%add3A_35] : memref<320000xi32, #tpu.memory_space<hbm>> -> memref<80xi32, #tpu.memory_space<hbm>>
    %dma_start3A_38 = tpu.memref_slice %arg5[%add3A_35] : memref<320000xi32, #tpu.memory_space<hbm>> -> memref<80xi32, #tpu.memory_space<hbm>>
    tpu.enqueue_dma source(%dma_start3A_38 : memref<80xi32, #tpu.memory_space<hbm>>) target(%arg10 : memref<80xi32, #tpu.memory_space<vmem>>) target_semaphore(%arg19 : memref<!tpu.dma_semaphore, #tpu.memory_space<semaphore_mem>>)
    %dma_wait3A = tpu.memref_slice %arg4[%add3A_35] : memref<320000xi32, #tpu.memory_space<hbm>> -> memref<80xi32, #tpu.memory_space<hbm>>
    %dma_wait3A_39 = tpu.memref_slice %arg4[%add3A_35] : memref<320000xi32, #tpu.memory_space<hbm>> -> memref<80xi32, #tpu.memory_space<hbm>>
    tpu.wait_dma2 semaphore(%arg18 : memref<!tpu.dma_semaphore, #tpu.memory_space<semaphore_mem>>) src(%dma_wait3A_39 : memref<80xi32, #tpu.memory_space<hbm>>) dst(%arg8 : memref<80xi32, #tpu.memory_space<vmem>>)
    %dma_wait3A_40 = tpu.memref_slice %arg5[%add3A_35] : memref<320000xi32, #tpu.memory_space<hbm>> -> memref<80xi32, #tpu.memory_space<hbm>>
    %dma_wait3A_41 = tpu.memref_slice %arg5[%add3A_35] : memref<320000xi32, #tpu.memory_space<hbm>> -> memref<80xi32, #tpu.memory_space<hbm>>
    tpu.wait_dma2 semaphore(%arg19 : memref<!tpu.dma_semaphore, #tpu.memory_space<semaphore_mem>>) src(%dma_wait3A_41 : memref<80xi32, #tpu.memory_space<hbm>>) dst(%arg10 : memref<80xi32, #tpu.memory_space<vmem>>)
    %dma_start3A_42 = arith.constant 0 : i32
    %dma_start3A_43 = arith.constant 0 : i32
    %dma_start3A_44 = tpu.memref_slice %arg2[%dma_start3A_42, %dma_start3A_43] : memref<10000x80xf32, #tpu.memory_space<hbm>> -> memref<10000x80xf32, #tpu.memory_space<hbm>>
    tpu.enqueue_indirect_dma source(%dma_start3A_44 : memref<10000x80xf32, #tpu.memory_space<hbm>>) target(%arg12 : memref<80x80xf32, #tpu.memory_space<vmem>>) offsets(%arg8 : memref<80xi32, #tpu.memory_space<vmem>>) semaphore(%arg18 : memref<!tpu.dma_semaphore, #tpu.memory_space<semaphore_mem>>)
    %dma_start3A_45 = arith.constant 0 : i32
    %dma_start3A_46 = arith.constant 0 : i32
    %dma_start3A_47 = tpu.memref_slice %arg3[%dma_start3A_45, %dma_start3A_46] : memref<10000x16xf32, #tpu.memory_space<hbm>> -> memref<10000x16xf32, #tpu.memory_space<hbm>>
    tpu.enqueue_indirect_dma source(%dma_start3A_47 : memref<10000x16xf32, #tpu.memory_space<hbm>>) target(%arg14 : memref<80x16xf32, #tpu.memory_space<vmem>>) offsets(%arg10 : memref<80xi32, #tpu.memory_space<vmem>>) semaphore(%arg19 : memref<!tpu.dma_semaphore, #tpu.memory_space<semaphore_mem>>)
    %dma_wait3A_48 = arith.constant 0 : i32
    %dma_wait3A_49 = arith.constant 0 : i32
    %dma_wait3A_50 = tpu.memref_slice %arg2[%dma_wait3A_48, %dma_wait3A_49] : memref<10000x80xf32, #tpu.memory_space<hbm>> -> memref<10000x80xf32, #tpu.memory_space<hbm>>
    tpu.wait_indirect_dma semaphore(%arg18 : memref<!tpu.dma_semaphore, #tpu.memory_space<semaphore_mem>>) src(%dma_wait3A_50 : memref<10000x80xf32, #tpu.memory_space<hbm>>) dst(%arg12 : memref<80x80xf32, #tpu.memory_space<vmem>>)
    %dma_wait3A_51 = arith.constant 0 : i32
    %dma_wait3A_52 = arith.constant 0 : i32
    %dma_wait3A_53 = tpu.memref_slice %arg3[%dma_wait3A_51, %dma_wait3A_52] : memref<10000x16xf32, #tpu.memory_space<hbm>> -> memref<10000x16xf32, #tpu.memory_space<hbm>>
    tpu.wait_indirect_dma semaphore(%arg19 : memref<!tpu.dma_semaphore, #tpu.memory_space<semaphore_mem>>) src(%dma_wait3A_53 : memref<10000x16xf32, #tpu.memory_space<hbm>>) dst(%arg14 : memref<80x16xf32, #tpu.memory_space<vmem>>)
    %scan3A_54 = arith.constant 0 : i32
    %scan3A_55 = arith.constant 0 : i32
    %scan3A_56 = arith.constant 80 : i32
    %scan3A_57 = arith.addi %scan3A_55, %scan3A_56 : i32
    %scan3A_58 = arith.constant 1 : i32
    %scan3A_59 = scf.for %scan3A_66 = %scan3A_55 to %scan3A_57 step %scan3A_58 iter_args(%scan3A_67 = %scan3A_54) -> (i32)  : i32 {
      %get3A = arith.index_cast %scan3A_66 : i32 to index
      %get3A_68 = arith.constant 64 : index
      %get3A_69 = tpu.vector_load %arg12[%get3A, %get3A_68] {strides = array<i32>} : memref<80x80xf32, #tpu.memory_space<vmem>>, vector<1x16xf32>,
      %get3A_70 = vector.shape_cast %get3A_69 : vector<1x16xf32> to vector<16xf32>
      %get3A_71 = arith.index_cast %scan3A_66 : i32 to index
      %get3A_72 = arith.constant 0 : index
      %get3A_73 = tpu.vector_load %arg14[%get3A_71, %get3A_72] {strides = array<i32>} : memref<80x16xf32, #tpu.memory_space<vmem>>, vector<1x16xf32>,
      %get3A_74 = vector.shape_cast %get3A_73 : vector<1x16xf32> to vector<16xf32>
      %add3A_75 = arith.addf %get3A_70, %get3A_74 : vector<16xf32>
      %mul3A_76 = arith.constant 2.000000e-01 : f32
      %mul3A_77 = vector.broadcast %mul3A_76 : f32 to vector<16xf32>
      %mul3A_78 = arith.mulf %add3A_75, %mul3A_77 : vector<16xf32>
      %max3A = arith.maximumf %add3A_75, %mul3A_78 : vector<16xf32>
      %exp3A = math.exp %max3A : vector<16xf32>
      %swap3A = arith.index_cast %scan3A_66 : i32 to index
      %swap3A_79 = arith.constant 64 : index
      %swap3A_80 = tpu.vector_load %arg16[%swap3A, %swap3A_79] {strides = array<i32>} : memref<80x80xf32, #tpu.memory_space<vmem>>, vector<1x16xf32>,
      %swap3A_81 = vector.shape_cast %swap3A_80 : vector<1x16xf32> to vector<16xf32>
      %swap3A_82 = vector.shape_cast %exp3A : vector<16xf32> to vector<1x16xf32>
      tpu.vector_store %arg16[%swap3A, %swap3A_79], %swap3A_82 {strides = array<i32>} : memref<80x80xf32, #tpu.memory_space<vmem>>, vector<1x16xf32>,
      %get3A_83 = arith.index_cast %scan3A_66 : i32 to index
      %get3A_84 = arith.constant 0 : index
      %get3A_85 = tpu.vector_load %arg12[%get3A_83, %get3A_84] {strides = array<i32>} : memref<80x80xf32, #tpu.memory_space<vmem>>, vector<1x16xf32>,
      %get3A_86 = vector.shape_cast %get3A_85 : vector<1x16xf32> to vector<16xf32>
      %mul3A_87 = arith.mulf %get3A_86, %exp3A : vector<16xf32>
      %swap3A_88 = arith.index_cast %scan3A_66 : i32 to index
      %swap3A_89 = arith.constant 0 : index
      %swap3A_90 = tpu.vector_load %arg16[%swap3A_88, %swap3A_89] {strides = array<i32>} : memref<80x80xf32, #tpu.memory_space<vmem>>, vector<1x16xf32>,
      %swap3A_91 = vector.shape_cast %swap3A_90 : vector<1x16xf32> to vector<16xf32>
      %swap3A_92 = vector.shape_cast %mul3A_87 : vector<16xf32> to vector<1x16xf32>
      tpu.vector_store %arg16[%swap3A_88, %swap3A_89], %swap3A_92 {strides = array<i32>} : memref<80x80xf32, #tpu.memory_space<vmem>>, vector<1x16xf32>,
      %get3A_93 = arith.index_cast %scan3A_66 : i32 to index
      %get3A_94 = arith.constant 16 : index
      %get3A_95 = tpu.vector_load %arg12[%get3A_93, %get3A_94] {strides = array<i32>} : memref<80x80xf32, #tpu.memory_space<vmem>>, vector<1x16xf32>,
      %get3A_96 = vector.shape_cast %get3A_95 : vector<1x16xf32> to vector<16xf32>
      %mul3A_97 = arith.mulf %get3A_96, %exp3A : vector<16xf32>
      %swap3A_98 = arith.index_cast %scan3A_66 : i32 to index
      %swap3A_99 = arith.constant 16 : index
      %swap3A_100 = tpu.vector_load %arg16[%swap3A_98, %swap3A_99] {strides = array<i32>} : memref<80x80xf32, #tpu.memory_space<vmem>>, vector<1x16xf32>,
      %swap3A_101 = vector.shape_cast %swap3A_100 : vector<1x16xf32> to vector<16xf32>
      %swap3A_102 = vector.shape_cast %mul3A_97 : vector<16xf32> to vector<1x16xf32>
      tpu.vector_store %arg16[%swap3A_98, %swap3A_99], %swap3A_102 {strides = array<i32>} : memref<80x80xf32, #tpu.memory_space<vmem>>, vector<1x16xf32>,
      %get3A_103 = arith.index_cast %scan3A_66 : i32 to index
      %get3A_104 = arith.constant 32 : index
      %get3A_105 = tpu.vector_load %arg12[%get3A_103, %get3A_104] {strides = array<i32>} : memref<80x80xf32, #tpu.memory_space<vmem>>, vector<1x16xf32>,
      %get3A_106 = vector.shape_cast %get3A_105 : vector<1x16xf32> to vector<16xf32>
      %mul3A_107 = arith.mulf %get3A_106, %exp3A : vector<16xf32>
      %swap3A_108 = arith.index_cast %scan3A_66 : i32 to index
      %swap3A_109 = arith.constant 32 : index
      %swap3A_110 = tpu.vector_load %arg16[%swap3A_108, %swap3A_109] {strides = array<i32>} : memref<80x80xf32, #tpu.memory_space<vmem>>, vector<1x16xf32>,
      %swap3A_111 = vector.shape_cast %swap3A_110 : vector<1x16xf32> to vector<16xf32>
      %swap3A_112 = vector.shape_cast %mul3A_107 : vector<16xf32> to vector<1x16xf32>
      tpu.vector_store %arg16[%swap3A_108, %swap3A_109], %swap3A_112 {strides = array<i32>} : memref<80x80xf32, #tpu.memory_space<vmem>>, vector<1x16xf32>,
      %get3A_113 = arith.index_cast %scan3A_66 : i32 to index
      %get3A_114 = arith.constant 48 : index
      %get3A_115 = tpu.vector_load %arg12[%get3A_113, %get3A_114] {strides = array<i32>} : memref<80x80xf32, #tpu.memory_space<vmem>>, vector<1x16xf32>,
      %get3A_116 = vector.shape_cast %get3A_115 : vector<1x16xf32> to vector<16xf32>
      %mul3A_117 = arith.mulf %get3A_116, %exp3A : vector<16xf32>
      %swap3A_118 = arith.index_cast %scan3A_66 : i32 to index
      %swap3A_119 = arith.constant 48 : index
      %swap3A_120 = tpu.vector_load %arg16[%swap3A_118, %swap3A_119] {strides = array<i32>} : memref<80x80xf32, #tpu.memory_space<vmem>>, vector<1x16xf32>,
      %swap3A_121 = vector.shape_cast %swap3A_120 : vector<1x16xf32> to vector<16xf32>
      %swap3A_122 = vector.shape_cast %mul3A_117 : vector<16xf32> to vector<1x16xf32>
      tpu.vector_store %arg16[%swap3A_118, %swap3A_119], %swap3A_122 {strides = array<i32>} : memref<80x80xf32, #tpu.memory_space<vmem>>, vector<1x16xf32>,
      %scan3A_123 = arith.constant 0 : i32
      scf.yield %scan3A_123 : i32
    }
    %scan3A_60 = arith.constant 80 : i32
    "tpu.region"() ({
      %run_scoped3A = tpu.sem_alloc : memref<!tpu.dma_semaphore, #tpu.memory_space<semaphore_mem>>
      %dma_start3A_66 = arith.constant 0 : i32
      %dma_start3A_67 = arith.constant 0 : i32
      %dma_start3A_68 = tpu.memref_slice %arg7[%dma_start3A_66, %dma_start3A_67] : memref<10000x80xf32, #tpu.memory_space<vmem_shared>> -> memref<10000x80xf32, #tpu.memory_space<vmem_shared>>
      tpu.enqueue_indirect_dma source(%arg16 : memref<80x80xf32, #tpu.memory_space<vmem>>) target(%dma_start3A_68 : memref<10000x80xf32, #tpu.memory_space<vmem_shared>>) offsets(%arg10 : memref<80xi32, #tpu.memory_space<vmem>>) semaphore(%run_scoped3A : memref<!tpu.dma_semaphore, #tpu.memory_space<semaphore_mem>>) {add = true}
      %dma_wait3A_69 = arith.constant 0 : i32
      %dma_wait3A_70 = arith.constant 0 : i32
      %dma_wait3A_71 = tpu.memref_slice %arg7[%dma_wait3A_69, %dma_wait3A_70] : memref<10000x80xf32, #tpu.memory_space<vmem_shared>> -> memref<10000x80xf32, #tpu.memory_space<vmem_shared>>
      tpu.wait_indirect_dma semaphore(%run_scoped3A : memref<!tpu.dma_semaphore, #tpu.memory_space<semaphore_mem>>) src(%arg16 : memref<80x80xf32, #tpu.memory_space<vmem>>) dst(%dma_wait3A_71 : memref<10000x80xf32, #tpu.memory_space<vmem_shared>>)
      tpu.yield
    }) : () -> ()
    %barrier3A_61 = arith.constant 0 : index
    tpu.barrier barrier_id(%barrier3A_61)
    %mul3A_62 = arith.constant 624 : i32
    %mul3A_63 = arith.muli %arg1, %mul3A_62 : i32
    "tpu.region"() ({
      %run_scoped3A = tpu.sem_alloc : memref<!tpu.dma_semaphore, #tpu.memory_space<semaphore_mem>>
      %dma_start3A_66 = arith.constant 0 : i32
      %dma_start3A_67 = tpu.memref_slice %arg6[%arg0, %mul3A_63, %dma_start3A_66] : memref<2x10000x80xf32, #tpu.memory_space<hbm>> -> memref<1x624x80xf32, #tpu.memory_space<hbm>>
      %dma_start3A_68 = tpu.memref_squeeze %dma_start3A_67 : memref<1x624x80xf32, #tpu.memory_space<hbm>> -> memref<624x80xf32, #tpu.memory_space<hbm>>
      %dma_start3A_69 = arith.constant 0 : i32
      %dma_start3A_70 = tpu.memref_slice %arg7[%mul3A_63, %dma_start3A_69] : memref<10000x80xf32, #tpu.memory_space<vmem_shared>> -> memref<624x80xf32, #tpu.memory_space<vmem_shared>>
      tpu.enqueue_dma source(%dma_start3A_70 : memref<624x80xf32, #tpu.memory_space<vmem_shared>>) target(%dma_start3A_68 : memref<624x80xf32, #tpu.memory_space<hbm>>) target_semaphore(%run_scoped3A : memref<!tpu.dma_semaphore, #tpu.memory_space<semaphore_mem>>)
      %dma_wait3A_71 = arith.constant 0 : i32
      %dma_wait3A_72 = tpu.memref_slice %arg6[%arg0, %mul3A_63, %dma_wait3A_71] : memref<2x10000x80xf32, #tpu.memory_space<hbm>> -> memref<1x624x80xf32, #tpu.memory_space<hbm>>
      %dma_wait3A_73 = tpu.memref_squeeze %dma_wait3A_72 : memref<1x624x80xf32, #tpu.memory_space<hbm>> -> memref<624x80xf32, #tpu.memory_space<hbm>>
      %dma_wait3A_74 = arith.constant 0 : i32
      %dma_wait3A_75 = tpu.memref_slice %arg7[%mul3A_63, %dma_wait3A_74] : memref<10000x80xf32, #tpu.memory_space<vmem_shared>> -> memref<624x80xf32, #tpu.memory_space<vmem_shared>>
      tpu.wait_dma2 semaphore(%run_scoped3A : memref<!tpu.dma_semaphore, #tpu.memory_space<semaphore_mem>>) src(%dma_wait3A_75 : memref<624x80xf32, #tpu.memory_space<vmem_shared>>) dst(%dma_wait3A_73 : memref<624x80xf32, #tpu.memory_space<hbm>>)
      tpu.yield
    }) : () -> ()
    %eq3A = arith.constant 15 : i32
    %eq3A_64 = arith.cmpi eq, %arg1, %eq3A : i32
    %convert_element_type3A = arith.extui %eq3A_64 : i1 to i32
    %cond3A = arith.constant 0 : i32
    %cond3A_65 = arith.cmpi ne, %convert_element_type3A, %cond3A : i32
    scf.if %cond3A_65 {
      "tpu.region"() ({
        %run_scoped3A = tpu.sem_alloc : memref<!tpu.dma_semaphore, #tpu.memory_space<semaphore_mem>>
        %dma_start3A_66 = arith.constant 9984 : i32
        %dma_start3A_67 = arith.constant 0 : i32
        %dma_start3A_68 = tpu.memref_slice %arg6[%arg0, %dma_start3A_66, %dma_start3A_67] : memref<2x10000x80xf32, #tpu.memory_space<hbm>> -> memref<1x16x80xf32, #tpu.memory_space<hbm>>
        %dma_start3A_69 = tpu.memref_squeeze %dma_start3A_68 : memref<1x16x80xf32, #tpu.memory_space<hbm>> -> memref<16x80xf32, #tpu.memory_space<hbm>>
        %dma_start3A_70 = arith.constant 9984 : i32
        %dma_start3A_71 = arith.constant 0 : i32
        %dma_start3A_72 = tpu.memref_slice %arg7[%dma_start3A_70, %dma_start3A_71] : memref<10000x80xf32, #tpu.memory_space<vmem_shared>> -> memref<16x80xf32, #tpu.memory_space<vmem_shared>>
        tpu.enqueue_dma source(%dma_start3A_72 : memref<16x80xf32, #tpu.memory_space<vmem_shared>>) target(%dma_start3A_69 : memref<16x80xf32, #tpu.memory_space<hbm>>) target_semaphore(%run_scoped3A : memref<!tpu.dma_semaphore, #tpu.memory_space<semaphore_mem>>)
        %dma_wait3A_73 = arith.constant 9984 : i32
        %dma_wait3A_74 = arith.constant 0 : i32
        %dma_wait3A_75 = tpu.memref_slice %arg6[%arg0, %dma_wait3A_73, %dma_wait3A_74] : memref<2x10000x80xf32, #tpu.memory_space<hbm>> -> memref<1x16x80xf32, #tpu.memory_space<hbm>>
        %dma_wait3A_76 = tpu.memref_squeeze %dma_wait3A_75 : memref<1x16x80xf32, #tpu.memory_space<hbm>> -> memref<16x80xf32, #tpu.memory_space<hbm>>
        %dma_wait3A_77 = arith.constant 9984 : i32
        %dma_wait3A_78 = arith.constant 0 : i32
        %dma_wait3A_79 = tpu.memref_slice %arg7[%dma_wait3A_77, %dma_wait3A_78] : memref<10000x80xf32, #tpu.memory_space<vmem_shared>> -> memref<16x80xf32, #tpu.memory_space<vmem_shared>>
        tpu.wait_dma2 semaphore(%run_scoped3A : memref<!tpu.dma_semaphore, #tpu.memory_space<semaphore_mem>>) src(%dma_wait3A_79 : memref<16x80xf32, #tpu.memory_space<vmem_shared>>) dst(%dma_wait3A_76 : memref<16x80xf32, #tpu.memory_space<hbm>>)
        tpu.yield
      }) : () -> ()
    } else {
    }
    return
  }
}

#map = affine_map<(d0, d1) -> (0, 0)>
#map1 = affine_map<(d0, d1) -> (0)>
#map2 = affine_map<(d0, d1) -> (0, 0, 0)>
module attributes {stable_mosaic.version = 14 : i64} {
  func.func @k(%arg0: i32, %arg1: i32, %arg2: memref<10000x80xf32, #tpu.memory_space<hbm>>, %arg3: memref<10000x16xf32, #tpu.memory_space<hbm>>, %arg4: memref<320000xi32, #tpu.memory_space<hbm>>, %arg5: memref<320000xi32, #tpu.memory_space<hbm>>, %arg6: memref<2x10000x80xf32, #tpu.memory_space<hbm>>, %arg7: memref<10000x80xf32, #tpu.memory_space<vmem_shared>>, %arg8: memref<80xi32, #tpu.memory_space<vmem>>, %arg9: memref<80xi32, #tpu.memory_space<vmem>>, %arg10: memref<80xi32, #tpu.memory_space<vmem>>, %arg11: memref<80xi32, #tpu.memory_space<vmem>>, %arg12: memref<80x80xf32, #tpu.memory_space<vmem>>, %arg13: memref<80x80xf32, #tpu.memory_space<vmem>>, %arg14: memref<80x16xf32, #tpu.memory_space<vmem>>, %arg15: memref<80x16xf32, #tpu.memory_space<vmem>>, %arg16: memref<80x80xf32, #tpu.memory_space<vmem>>, %arg17: memref<80x80xf32, #tpu.memory_space<vmem>>, %arg18: memref<!tpu.dma_semaphore, #tpu.memory_space<semaphore_mem>>, %arg19: memref<!tpu.dma_semaphore, #tpu.memory_space<semaphore_mem>>, %arg20: memref<!tpu.dma_semaphore, #tpu.memory_space<semaphore_mem>>, %arg21: memref<!tpu.dma_semaphore, #tpu.memory_space<semaphore_mem>>) attributes {dimension_semantics = [#tpu.dimension_semantics<core_parallel>, #tpu.dimension_semantics<subcore_parallel>], iteration_bounds = array<i64: 2, 16>, scalar_prefetch = 0 : i64, scratch_operands = 15 : i64, tpu.core_type = #tpu.core_type<sc_vector_subcore>, window_params = [{transform_indices = #map}, {transform_indices = #map}, {transform_indices = #map1}, {transform_indices = #map1}, {transform_indices = #map2}]} {
    %mul3A = arith.constant 16 : i32
    %mul3A_0 = arith.muli %arg0, %mul3A : i32
    %add3A = arith.addi %mul3A_0, %arg1 : i32
    %mul3A_1 = arith.constant 625 : i32
    %mul3A_2 = arith.muli %arg1, %mul3A_1 : i32
    %scan3A = arith.constant 0 : i32
    %scan3A_3 = arith.constant 0 : i32
    %scan3A_4 = arith.constant 400 : i32
    %scan3A_5 = arith.addi %scan3A_3, %scan3A_4 : i32
    %scan3A_6 = arith.constant 1 : i32
    %scan3A_7 = scf.for %scan3A_68 = %scan3A_3 to %scan3A_5 step %scan3A_6 iter_args(%scan3A_69 = %scan3A) -> (i32)  : i32 {
      %jit3A = arith.constant 5 : i32
      %div3A = arith.divsi %scan3A_68, %jit3A : i32
      %sign3A = arith.constant 0 : i32
      %sign3A_70 = arith.cmpi sgt, %scan3A_68, %sign3A : i32
      %sign3A_71 = arith.extui %sign3A_70 : i1 to i32
      %sign3A_72 = arith.constant 0 : i32
      %sign3A_73 = arith.cmpi slt, %scan3A_68, %sign3A_72 : i32
      %sign3A_74 = arith.extui %sign3A_73 : i1 to i32
      %sign3A_75 = arith.subi %sign3A_71, %sign3A_74 : i32
      %sign3A_76 = arith.constant 0 : i32
      %sign3A_77 = arith.cmpi sgt, %jit3A, %sign3A_76 : i32
      %sign3A_78 = arith.extui %sign3A_77 : i1 to i32
      %sign3A_79 = arith.constant 0 : i32
      %sign3A_80 = arith.cmpi slt, %jit3A, %sign3A_79 : i32
      %sign3A_81 = arith.extui %sign3A_80 : i1 to i32
      %sign3A_82 = arith.subi %sign3A_78, %sign3A_81 : i32
      %ne3A = arith.cmpi ne, %sign3A_75, %sign3A_82 : i32
      %rem3A = arith.remsi %scan3A_68, %jit3A : i32
      %ne3A_83 = arith.constant 0 : i32
      %ne3A_84 = arith.cmpi ne, %rem3A, %ne3A_83 : i32
      %and3A = arith.andi %ne3A, %ne3A_84 : i1
      %sub3A = arith.constant 1 : i32
      %sub3A_85 = arith.subi %div3A, %sub3A : i32
      %select_n3A = arith.select %and3A, %sub3A_85, %div3A : i32
      %jit3A_86 = arith.constant 5 : i32
      %eq3A_87 = arith.constant 0 : i32
      %eq3A_88 = arith.cmpi eq, %jit3A_86, %eq3A_87 : i32
      %jit3A_89 = arith.constant 1 : i32
      %select_n3A_90 = arith.select %eq3A_88, %jit3A_89, %jit3A_86 : i32
      %rem3A_91 = arith.remsi %scan3A_68, %select_n3A_90 : i32
      %ne3A_92 = arith.constant 0 : i32
      %ne3A_93 = arith.cmpi ne, %rem3A_91, %ne3A_92 : i32
      %lt3A = arith.constant 0 : i32
      %lt3A_94 = arith.cmpi slt, %rem3A_91, %lt3A : i32
      %lt3A_95 = arith.constant 0 : i32
      %lt3A_96 = arith.cmpi slt, %select_n3A_90, %lt3A_95 : i32
      %ne3A_97 = arith.xori %lt3A_94, %lt3A_96 : i1
      %and3A_98 = arith.andi %ne3A_97, %ne3A_93 : i1
      %add3A_99 = arith.addi %rem3A_91, %select_n3A_90 : i32
      %select_n3A_100 = arith.select %and3A_98, %add3A_99, %rem3A_91 : i32
      %mul3A_101 = arith.constant 16 : i32
      %mul3A_102 = arith.muli %select_n3A_100, %mul3A_101 : i32
      %broadcast_in_dim3A = arith.constant 0.000000e+00 : f32
      %broadcast_in_dim3A_103 = vector.broadcast %broadcast_in_dim3A : f32 to vector<16xf32>
      %swap3A = arith.index_cast %select_n3A : i32 to index
      %swap3A_104 = arith.index_cast %mul3A_102 : i32 to index
      %swap3A_105 = tpu.vector_load %arg16[%swap3A, %swap3A_104] {strides = array<i32>} : memref<80x80xf32, #tpu.memory_space<vmem>>, vector<1x16xf32>,
      %swap3A_106 = vector.shape_cast %swap3A_105 : vector<1x16xf32> to vector<16xf32>
      %swap3A_107 = vector.shape_cast %broadcast_in_dim3A_103 : vector<16xf32> to vector<1x16xf32>
      tpu.vector_store %arg16[%swap3A, %swap3A_104], %swap3A_107 {strides = array<i32>} : memref<80x80xf32, #tpu.memory_space<vmem>>, vector<1x16xf32>,
      %scan3A_108 = arith.constant 0 : i32
      scf.yield %scan3A_108 : i32
    }
    %scan3A_8 = arith.constant 400 : i32
    %add3A_9 = arith.constant 0 : i32
    %add3A_10 = arith.addi %mul3A_2, %add3A_9 : i32
    "tpu.region"() ({
      %run_scoped3A = tpu.sem_alloc : memref<!tpu.dma_semaphore, #tpu.memory_space<semaphore_mem>>
      %dma_start3A_68 = arith.constant 0 : i32
      %dma_start3A_69 = tpu.memref_slice %arg7[%add3A_10, %dma_start3A_68] : memref<10000x80xf32, #tpu.memory_space<vmem_shared>> -> memref<80x80xf32, #tpu.memory_space<vmem_shared>>
      %dma_start3A_70 = arith.constant 0 : i32
      %dma_start3A_71 = tpu.memref_slice %arg7[%add3A_10, %dma_start3A_70] : memref<10000x80xf32, #tpu.memory_space<vmem_shared>> -> memref<80x80xf32, #tpu.memory_space<vmem_shared>>
      tpu.enqueue_dma source(%arg16 : memref<80x80xf32, #tpu.memory_space<vmem>>) target(%dma_start3A_71 : memref<80x80xf32, #tpu.memory_space<vmem_shared>>) target_semaphore(%run_scoped3A : memref<!tpu.dma_semaphore, #tpu.memory_space<semaphore_mem>>)
      %dma_wait3A_72 = arith.constant 0 : i32
      %dma_wait3A_73 = tpu.memref_slice %arg7[%add3A_10, %dma_wait3A_72] : memref<10000x80xf32, #tpu.memory_space<vmem_shared>> -> memref<80x80xf32, #tpu.memory_space<vmem_shared>>
      %dma_wait3A_74 = arith.constant 0 : i32
      %dma_wait3A_75 = tpu.memref_slice %arg7[%add3A_10, %dma_wait3A_74] : memref<10000x80xf32, #tpu.memory_space<vmem_shared>> -> memref<80x80xf32, #tpu.memory_space<vmem_shared>>
      tpu.wait_dma2 semaphore(%run_scoped3A : memref<!tpu.dma_semaphore, #tpu.memory_space<semaphore_mem>>) src(%arg16 : memref<80x80xf32, #tpu.memory_space<vmem>>) dst(%dma_wait3A_75 : memref<80x80xf32, #tpu.memory_space<vmem_shared>>)
      tpu.yield
    }) : () -> ()
    %add3A_11 = arith.constant 80 : i32
    %add3A_12 = arith.addi %mul3A_2, %add3A_11 : i32
    "tpu.region"() ({
      %run_scoped3A = tpu.sem_alloc : memref<!tpu.dma_semaphore, #tpu.memory_space<semaphore_mem>>
      %dma_start3A_68 = arith.constant 0 : i32
      %dma_start3A_69 = tpu.memref_slice %arg7[%add3A_12, %dma_start3A_68] : memref<10000x80xf32, #tpu.memory_space<vmem_shared>> -> memref<80x80xf32, #tpu.memory_space<vmem_shared>>
      %dma_start3A_70 = arith.constant 0 : i32
      %dma_start3A_71 = tpu.memref_slice %arg7[%add3A_12, %dma_start3A_70] : memref<10000x80xf32, #tpu.memory_space<vmem_shared>> -> memref<80x80xf32, #tpu.memory_space<vmem_shared>>
      tpu.enqueue_dma source(%arg16 : memref<80x80xf32, #tpu.memory_space<vmem>>) target(%dma_start3A_71 : memref<80x80xf32, #tpu.memory_space<vmem_shared>>) target_semaphore(%run_scoped3A : memref<!tpu.dma_semaphore, #tpu.memory_space<semaphore_mem>>)
      %dma_wait3A_72 = arith.constant 0 : i32
      %dma_wait3A_73 = tpu.memref_slice %arg7[%add3A_12, %dma_wait3A_72] : memref<10000x80xf32, #tpu.memory_space<vmem_shared>> -> memref<80x80xf32, #tpu.memory_space<vmem_shared>>
      %dma_wait3A_74 = arith.constant 0 : i32
      %dma_wait3A_75 = tpu.memref_slice %arg7[%add3A_12, %dma_wait3A_74] : memref<10000x80xf32, #tpu.memory_space<vmem_shared>> -> memref<80x80xf32, #tpu.memory_space<vmem_shared>>
      tpu.wait_dma2 semaphore(%run_scoped3A : memref<!tpu.dma_semaphore, #tpu.memory_space<semaphore_mem>>) src(%arg16 : memref<80x80xf32, #tpu.memory_space<vmem>>) dst(%dma_wait3A_75 : memref<80x80xf32, #tpu.memory_space<vmem_shared>>)
      tpu.yield
    }) : () -> ()
    %add3A_13 = arith.constant 160 : i32
    %add3A_14 = arith.addi %mul3A_2, %add3A_13 : i32
    "tpu.region"() ({
      %run_scoped3A = tpu.sem_alloc : memref<!tpu.dma_semaphore, #tpu.memory_space<semaphore_mem>>
      %dma_start3A_68 = arith.constant 0 : i32
      %dma_start3A_69 = tpu.memref_slice %arg7[%add3A_14, %dma_start3A_68] : memref<10000x80xf32, #tpu.memory_space<vmem_shared>> -> memref<80x80xf32, #tpu.memory_space<vmem_shared>>
      %dma_start3A_70 = arith.constant 0 : i32
      %dma_start3A_71 = tpu.memref_slice %arg7[%add3A_14, %dma_start3A_70] : memref<10000x80xf32, #tpu.memory_space<vmem_shared>> -> memref<80x80xf32, #tpu.memory_space<vmem_shared>>
      tpu.enqueue_dma source(%arg16 : memref<80x80xf32, #tpu.memory_space<vmem>>) target(%dma_start3A_71 : memref<80x80xf32, #tpu.memory_space<vmem_shared>>) target_semaphore(%run_scoped3A : memref<!tpu.dma_semaphore, #tpu.memory_space<semaphore_mem>>)
      %dma_wait3A_72 = arith.constant 0 : i32
      %dma_wait3A_73 = tpu.memref_slice %arg7[%add3A_14, %dma_wait3A_72] : memref<10000x80xf32, #tpu.memory_space<vmem_shared>> -> memref<80x80xf32, #tpu.memory_space<vmem_shared>>
      %dma_wait3A_74 = arith.constant 0 : i32
      %dma_wait3A_75 = tpu.memref_slice %arg7[%add3A_14, %dma_wait3A_74] : memref<10000x80xf32, #tpu.memory_space<vmem_shared>> -> memref<80x80xf32, #tpu.memory_space<vmem_shared>>
      tpu.wait_dma2 semaphore(%run_scoped3A : memref<!tpu.dma_semaphore, #tpu.memory_space<semaphore_mem>>) src(%arg16 : memref<80x80xf32, #tpu.memory_space<vmem>>) dst(%dma_wait3A_75 : memref<80x80xf32, #tpu.memory_space<vmem_shared>>)
      tpu.yield
    }) : () -> ()
    %add3A_15 = arith.constant 240 : i32
    %add3A_16 = arith.addi %mul3A_2, %add3A_15 : i32
    "tpu.region"() ({
      %run_scoped3A = tpu.sem_alloc : memref<!tpu.dma_semaphore, #tpu.memory_space<semaphore_mem>>
      %dma_start3A_68 = arith.constant 0 : i32
      %dma_start3A_69 = tpu.memref_slice %arg7[%add3A_16, %dma_start3A_68] : memref<10000x80xf32, #tpu.memory_space<vmem_shared>> -> memref<80x80xf32, #tpu.memory_space<vmem_shared>>
      %dma_start3A_70 = arith.constant 0 : i32
      %dma_start3A_71 = tpu.memref_slice %arg7[%add3A_16, %dma_start3A_70] : memref<10000x80xf32, #tpu.memory_space<vmem_shared>> -> memref<80x80xf32, #tpu.memory_space<vmem_shared>>
      tpu.enqueue_dma source(%arg16 : memref<80x80xf32, #tpu.memory_space<vmem>>) target(%dma_start3A_71 : memref<80x80xf32, #tpu.memory_space<vmem_shared>>) target_semaphore(%run_scoped3A : memref<!tpu.dma_semaphore, #tpu.memory_space<semaphore_mem>>)
      %dma_wait3A_72 = arith.constant 0 : i32
      %dma_wait3A_73 = tpu.memref_slice %arg7[%add3A_16, %dma_wait3A_72] : memref<10000x80xf32, #tpu.memory_space<vmem_shared>> -> memref<80x80xf32, #tpu.memory_space<vmem_shared>>
      %dma_wait3A_74 = arith.constant 0 : i32
      %dma_wait3A_75 = tpu.memref_slice %arg7[%add3A_16, %dma_wait3A_74] : memref<10000x80xf32, #tpu.memory_space<vmem_shared>> -> memref<80x80xf32, #tpu.memory_space<vmem_shared>>
      tpu.wait_dma2 semaphore(%run_scoped3A : memref<!tpu.dma_semaphore, #tpu.memory_space<semaphore_mem>>) src(%arg16 : memref<80x80xf32, #tpu.memory_space<vmem>>) dst(%dma_wait3A_75 : memref<80x80xf32, #tpu.memory_space<vmem_shared>>)
      tpu.yield
    }) : () -> ()
    %add3A_17 = arith.constant 320 : i32
    %add3A_18 = arith.addi %mul3A_2, %add3A_17 : i32
    "tpu.region"() ({
      %run_scoped3A = tpu.sem_alloc : memref<!tpu.dma_semaphore, #tpu.memory_space<semaphore_mem>>
      %dma_start3A_68 = arith.constant 0 : i32
      %dma_start3A_69 = tpu.memref_slice %arg7[%add3A_18, %dma_start3A_68] : memref<10000x80xf32, #tpu.memory_space<vmem_shared>> -> memref<80x80xf32, #tpu.memory_space<vmem_shared>>
      %dma_start3A_70 = arith.constant 0 : i32
      %dma_start3A_71 = tpu.memref_slice %arg7[%add3A_18, %dma_start3A_70] : memref<10000x80xf32, #tpu.memory_space<vmem_shared>> -> memref<80x80xf32, #tpu.memory_space<vmem_shared>>
      tpu.enqueue_dma source(%arg16 : memref<80x80xf32, #tpu.memory_space<vmem>>) target(%dma_start3A_71 : memref<80x80xf32, #tpu.memory_space<vmem_shared>>) target_semaphore(%run_scoped3A : memref<!tpu.dma_semaphore, #tpu.memory_space<semaphore_mem>>)
      %dma_wait3A_72 = arith.constant 0 : i32
      %dma_wait3A_73 = tpu.memref_slice %arg7[%add3A_18, %dma_wait3A_72] : memref<10000x80xf32, #tpu.memory_space<vmem_shared>> -> memref<80x80xf32, #tpu.memory_space<vmem_shared>>
      %dma_wait3A_74 = arith.constant 0 : i32
      %dma_wait3A_75 = tpu.memref_slice %arg7[%add3A_18, %dma_wait3A_74] : memref<10000x80xf32, #tpu.memory_space<vmem_shared>> -> memref<80x80xf32, #tpu.memory_space<vmem_shared>>
      tpu.wait_dma2 semaphore(%run_scoped3A : memref<!tpu.dma_semaphore, #tpu.memory_space<semaphore_mem>>) src(%arg16 : memref<80x80xf32, #tpu.memory_space<vmem>>) dst(%dma_wait3A_75 : memref<80x80xf32, #tpu.memory_space<vmem_shared>>)
      tpu.yield
    }) : () -> ()
    %add3A_19 = arith.constant 400 : i32
    %add3A_20 = arith.addi %mul3A_2, %add3A_19 : i32
    "tpu.region"() ({
      %run_scoped3A = tpu.sem_alloc : memref<!tpu.dma_semaphore, #tpu.memory_space<semaphore_mem>>
      %dma_start3A_68 = arith.constant 0 : i32
      %dma_start3A_69 = tpu.memref_slice %arg7[%add3A_20, %dma_start3A_68] : memref<10000x80xf32, #tpu.memory_space<vmem_shared>> -> memref<80x80xf32, #tpu.memory_space<vmem_shared>>
      %dma_start3A_70 = arith.constant 0 : i32
      %dma_start3A_71 = tpu.memref_slice %arg7[%add3A_20, %dma_start3A_70] : memref<10000x80xf32, #tpu.memory_space<vmem_shared>> -> memref<80x80xf32, #tpu.memory_space<vmem_shared>>
      tpu.enqueue_dma source(%arg16 : memref<80x80xf32, #tpu.memory_space<vmem>>) target(%dma_start3A_71 : memref<80x80xf32, #tpu.memory_space<vmem_shared>>) target_semaphore(%run_scoped3A : memref<!tpu.dma_semaphore, #tpu.memory_space<semaphore_mem>>)
      %dma_wait3A_72 = arith.constant 0 : i32
      %dma_wait3A_73 = tpu.memref_slice %arg7[%add3A_20, %dma_wait3A_72] : memref<10000x80xf32, #tpu.memory_space<vmem_shared>> -> memref<80x80xf32, #tpu.memory_space<vmem_shared>>
      %dma_wait3A_74 = arith.constant 0 : i32
      %dma_wait3A_75 = tpu.memref_slice %arg7[%add3A_20, %dma_wait3A_74] : memref<10000x80xf32, #tpu.memory_space<vmem_shared>> -> memref<80x80xf32, #tpu.memory_space<vmem_shared>>
      tpu.wait_dma2 semaphore(%run_scoped3A : memref<!tpu.dma_semaphore, #tpu.memory_space<semaphore_mem>>) src(%arg16 : memref<80x80xf32, #tpu.memory_space<vmem>>) dst(%dma_wait3A_75 : memref<80x80xf32, #tpu.memory_space<vmem_shared>>)
      tpu.yield
    }) : () -> ()
    %add3A_21 = arith.constant 480 : i32
    %add3A_22 = arith.addi %mul3A_2, %add3A_21 : i32
    "tpu.region"() ({
      %run_scoped3A = tpu.sem_alloc : memref<!tpu.dma_semaphore, #tpu.memory_space<semaphore_mem>>
      %dma_start3A_68 = arith.constant 0 : i32
      %dma_start3A_69 = tpu.memref_slice %arg7[%add3A_22, %dma_start3A_68] : memref<10000x80xf32, #tpu.memory_space<vmem_shared>> -> memref<80x80xf32, #tpu.memory_space<vmem_shared>>
      %dma_start3A_70 = arith.constant 0 : i32
      %dma_start3A_71 = tpu.memref_slice %arg7[%add3A_22, %dma_start3A_70] : memref<10000x80xf32, #tpu.memory_space<vmem_shared>> -> memref<80x80xf32, #tpu.memory_space<vmem_shared>>
      tpu.enqueue_dma source(%arg16 : memref<80x80xf32, #tpu.memory_space<vmem>>) target(%dma_start3A_71 : memref<80x80xf32, #tpu.memory_space<vmem_shared>>) target_semaphore(%run_scoped3A : memref<!tpu.dma_semaphore, #tpu.memory_space<semaphore_mem>>)
      %dma_wait3A_72 = arith.constant 0 : i32
      %dma_wait3A_73 = tpu.memref_slice %arg7[%add3A_22, %dma_wait3A_72] : memref<10000x80xf32, #tpu.memory_space<vmem_shared>> -> memref<80x80xf32, #tpu.memory_space<vmem_shared>>
      %dma_wait3A_74 = arith.constant 0 : i32
      %dma_wait3A_75 = tpu.memref_slice %arg7[%add3A_22, %dma_wait3A_74] : memref<10000x80xf32, #tpu.memory_space<vmem_shared>> -> memref<80x80xf32, #tpu.memory_space<vmem_shared>>
      tpu.wait_dma2 semaphore(%run_scoped3A : memref<!tpu.dma_semaphore, #tpu.memory_space<semaphore_mem>>) src(%arg16 : memref<80x80xf32, #tpu.memory_space<vmem>>) dst(%dma_wait3A_75 : memref<80x80xf32, #tpu.memory_space<vmem_shared>>)
      tpu.yield
    }) : () -> ()
    %add3A_23 = arith.constant 560 : i32
    %add3A_24 = arith.addi %mul3A_2, %add3A_23 : i32
    "tpu.region"() ({
      %run_scoped3A = tpu.sem_alloc : memref<!tpu.dma_semaphore, #tpu.memory_space<semaphore_mem>>
      %dma_start3A_68 = arith.constant 0 : i32
      %dma_start3A_69 = arith.constant 0 : i32
      %dma_start3A_70 = tpu.memref_slice %arg16[%dma_start3A_68, %dma_start3A_69] : memref<80x80xf32, #tpu.memory_space<vmem>> -> memref<65x80xf32, #tpu.memory_space<vmem>>
      %dma_start3A_71 = arith.constant 0 : i32
      %dma_start3A_72 = tpu.memref_slice %arg7[%add3A_24, %dma_start3A_71] : memref<10000x80xf32, #tpu.memory_space<vmem_shared>> -> memref<65x80xf32, #tpu.memory_space<vmem_shared>>
      %dma_start3A_73 = arith.constant 0 : i32
      %dma_start3A_74 = tpu.memref_slice %arg7[%add3A_24, %dma_start3A_73] : memref<10000x80xf32, #tpu.memory_space<vmem_shared>> -> memref<65x80xf32, #tpu.memory_space<vmem_shared>>
      %dma_start3A_75 = arith.constant 0 : i32
      %dma_start3A_76 = arith.constant 0 : i32
      %dma_start3A_77 = tpu.memref_slice %arg16[%dma_start3A_75, %dma_start3A_76] : memref<80x80xf32, #tpu.memory_space<vmem>> -> memref<65x80xf32, #tpu.memory_space<vmem>>
      tpu.enqueue_dma source(%dma_start3A_77 : memref<65x80xf32, #tpu.memory_space<vmem>>) target(%dma_start3A_74 : memref<65x80xf32, #tpu.memory_space<vmem_shared>>) target_semaphore(%run_scoped3A : memref<!tpu.dma_semaphore, #tpu.memory_space<semaphore_mem>>)
      %dma_wait3A_78 = arith.constant 0 : i32
      %dma_wait3A_79 = arith.constant 0 : i32
      %dma_wait3A_80 = tpu.memref_slice %arg16[%dma_wait3A_78, %dma_wait3A_79] : memref<80x80xf32, #tpu.memory_space<vmem>> -> memref<65x80xf32, #tpu.memory_space<vmem>>
      %dma_wait3A_81 = arith.constant 0 : i32
      %dma_wait3A_82 = tpu.memref_slice %arg7[%add3A_24, %dma_wait3A_81] : memref<10000x80xf32, #tpu.memory_space<vmem_shared>> -> memref<65x80xf32, #tpu.memory_space<vmem_shared>>
      %dma_wait3A_83 = arith.constant 0 : i32
      %dma_wait3A_84 = tpu.memref_slice %arg7[%add3A_24, %dma_wait3A_83] : memref<10000x80xf32, #tpu.memory_space<vmem_shared>> -> memref<65x80xf32, #tpu.memory_space<vmem_shared>>
      %dma_wait3A_85 = arith.constant 0 : i32
      %dma_wait3A_86 = arith.constant 0 : i32
      %dma_wait3A_87 = tpu.memref_slice %arg16[%dma_wait3A_85, %dma_wait3A_86] : memref<80x80xf32, #tpu.memory_space<vmem>> -> memref<65x80xf32, #tpu.memory_space<vmem>>
      tpu.wait_dma2 semaphore(%run_scoped3A : memref<!tpu.dma_semaphore, #tpu.memory_space<semaphore_mem>>) src(%dma_wait3A_87 : memref<65x80xf32, #tpu.memory_space<vmem>>) dst(%dma_wait3A_84 : memref<65x80xf32, #tpu.memory_space<vmem_shared>>)
      tpu.yield
    }) : () -> ()
    %barrier3A = arith.constant 0 : index
    tpu.barrier barrier_id(%barrier3A)
    %iota3A = tpu.iota {dimensions = array<i32: 0>} : vector<16xi32>
    %shift_right_arithmetic3A = arith.constant 3 : i32
    %shift_right_arithmetic3A_25 = vector.broadcast %shift_right_arithmetic3A : i32 to vector<16xi32>
    %shift_right_arithmetic3A_26 = arith.shrsi %iota3A, %shift_right_arithmetic3A_25 : vector<16xi32>
    %scan3A_27 = arith.constant 0 : i32
    %scan3A_28 = arith.constant 0 : i32
    %scan3A_29 = arith.constant 62 : i32
    %scan3A_30 = arith.addi %scan3A_28, %scan3A_29 : i32
    %scan3A_31 = arith.constant 1 : i32
    %scan3A_32 = scf.for %scan3A_68 = %scan3A_28 to %scan3A_30 step %scan3A_31 iter_args(%scan3A_69 = %scan3A_27) -> (i32)  : i32 {
      %mul3A_70 = arith.constant 10000 : i32
      %mul3A_71 = arith.muli %add3A, %mul3A_70 : i32
      %mul3A_72 = arith.constant 2 : i32
      %mul3A_73 = arith.muli %mul3A_72, %scan3A_68 : i32
      %mul3A_74 = arith.constant 80 : i32
      %mul3A_75 = arith.muli %mul3A_73, %mul3A_74 : i32
      %add3A_76 = arith.addi %mul3A_71, %mul3A_75 : i32
      %add3A_77 = arith.constant 80 : i32
      %add3A_78 = arith.addi %add3A_76, %add3A_77 : i32
      %dma_start3A_79 = tpu.memref_slice %arg4[%add3A_76] : memref<320000xi32, #tpu.memory_space<hbm>> -> memref<80xi32, #tpu.memory_space<hbm>>
      %dma_start3A_80 = tpu.memref_slice %arg4[%add3A_76] : memref<320000xi32, #tpu.memory_space<hbm>> -> memref<80xi32, #tpu.memory_space<hbm>>
      tpu.enqueue_dma source(%dma_start3A_80 : memref<80xi32, #tpu.memory_space<hbm>>) target(%arg8 : memref<80xi32, #tpu.memory_space<vmem>>) target_semaphore(%arg18 : memref<!tpu.dma_semaphore, #tpu.memory_space<semaphore_mem>>)
      %dma_start3A_81 = tpu.memref_slice %arg5[%add3A_76] : memref<320000xi32, #tpu.memory_space<hbm>> -> memref<80xi32, #tpu.memory_space<hbm>>
      %dma_start3A_82 = tpu.memref_slice %arg5[%add3A_76] : memref<320000xi32, #tpu.memory_space<hbm>> -> memref<80xi32, #tpu.memory_space<hbm>>
      tpu.enqueue_dma source(%dma_start3A_82 : memref<80xi32, #tpu.memory_space<hbm>>) target(%arg10 : memref<80xi32, #tpu.memory_space<vmem>>) target_semaphore(%arg19 : memref<!tpu.dma_semaphore, #tpu.memory_space<semaphore_mem>>)
      %dma_start3A_83 = tpu.memref_slice %arg4[%add3A_78] : memref<320000xi32, #tpu.memory_space<hbm>> -> memref<80xi32, #tpu.memory_space<hbm>>
      %dma_start3A_84 = tpu.memref_slice %arg4[%add3A_78] : memref<320000xi32, #tpu.memory_space<hbm>> -> memref<80xi32, #tpu.memory_space<hbm>>
      tpu.enqueue_dma source(%dma_start3A_84 : memref<80xi32, #tpu.memory_space<hbm>>) target(%arg9 : memref<80xi32, #tpu.memory_space<vmem>>) target_semaphore(%arg20 : memref<!tpu.dma_semaphore, #tpu.memory_space<semaphore_mem>>)
      %dma_start3A_85 = tpu.memref_slice %arg5[%add3A_78] : memref<320000xi32, #tpu.memory_space<hbm>> -> memref<80xi32, #tpu.memory_space<hbm>>
      %dma_start3A_86 = tpu.memref_slice %arg5[%add3A_78] : memref<320000xi32, #tpu.memory_space<hbm>> -> memref<80xi32, #tpu.memory_space<hbm>>
      tpu.enqueue_dma source(%dma_start3A_86 : memref<80xi32, #tpu.memory_space<hbm>>) target(%arg11 : memref<80xi32, #tpu.memory_space<vmem>>) target_semaphore(%arg21 : memref<!tpu.dma_semaphore, #tpu.memory_space<semaphore_mem>>)
      %dma_wait3A_87 = tpu.memref_slice %arg4[%add3A_76] : memref<320000xi32, #tpu.memory_space<hbm>> -> memref<80xi32, #tpu.memory_space<hbm>>
      %dma_wait3A_88 = tpu.memref_slice %arg4[%add3A_76] : memref<320000xi32, #tpu.memory_space<hbm>> -> memref<80xi32, #tpu.memory_space<hbm>>
      tpu.wait_dma2 semaphore(%arg18 : memref<!tpu.dma_semaphore, #tpu.memory_space<semaphore_mem>>) src(%dma_wait3A_88 : memref<80xi32, #tpu.memory_space<hbm>>) dst(%arg8 : memref<80xi32, #tpu.memory_space<vmem>>)
      %dma_wait3A_89 = tpu.memref_slice %arg5[%add3A_76] : memref<320000xi32, #tpu.memory_space<hbm>> -> memref<80xi32, #tpu.memory_space<hbm>>
      %dma_wait3A_90 = tpu.memref_slice %arg5[%add3A_76] : memref<320000xi32, #tpu.memory_space<hbm>> -> memref<80xi32, #tpu.memory_space<hbm>>
      tpu.wait_dma2 semaphore(%arg19 : memref<!tpu.dma_semaphore, #tpu.memory_space<semaphore_mem>>) src(%dma_wait3A_90 : memref<80xi32, #tpu.memory_space<hbm>>) dst(%arg10 : memref<80xi32, #tpu.memory_space<vmem>>)
      %dma_start3A_91 = arith.constant 0 : i32
      %dma_start3A_92 = arith.constant 0 : i32
      %dma_start3A_93 = tpu.memref_slice %arg2[%dma_start3A_91, %dma_start3A_92] : memref<10000x80xf32, #tpu.memory_space<hbm>> -> memref<10000x80xf32, #tpu.memory_space<hbm>>
      tpu.enqueue_indirect_dma source(%dma_start3A_93 : memref<10000x80xf32, #tpu.memory_space<hbm>>) target(%arg12 : memref<80x80xf32, #tpu.memory_space<vmem>>) offsets(%arg8 : memref<80xi32, #tpu.memory_space<vmem>>) semaphore(%arg18 : memref<!tpu.dma_semaphore, #tpu.memory_space<semaphore_mem>>)
      %dma_start3A_94 = arith.constant 0 : i32
      %dma_start3A_95 = arith.constant 0 : i32
      %dma_start3A_96 = tpu.memref_slice %arg3[%dma_start3A_94, %dma_start3A_95] : memref<10000x16xf32, #tpu.memory_space<hbm>> -> memref<10000x16xf32, #tpu.memory_space<hbm>>
      tpu.enqueue_indirect_dma source(%dma_start3A_96 : memref<10000x16xf32, #tpu.memory_space<hbm>>) target(%arg14 : memref<80x16xf32, #tpu.memory_space<vmem>>) offsets(%arg10 : memref<80xi32, #tpu.memory_space<vmem>>) semaphore(%arg19 : memref<!tpu.dma_semaphore, #tpu.memory_space<semaphore_mem>>)
      %dma_wait3A_97 = tpu.memref_slice %arg4[%add3A_78] : memref<320000xi32, #tpu.memory_space<hbm>> -> memref<80xi32, #tpu.memory_space<hbm>>
      %dma_wait3A_98 = tpu.memref_slice %arg4[%add3A_78] : memref<320000xi32, #tpu.memory_space<hbm>> -> memref<80xi32, #tpu.memory_space<hbm>>
      tpu.wait_dma2 semaphore(%arg20 : memref<!tpu.dma_semaphore, #tpu.memory_space<semaphore_mem>>) src(%dma_wait3A_98 : memref<80xi32, #tpu.memory_space<hbm>>) dst(%arg9 : memref<80xi32, #tpu.memory_space<vmem>>)
      %dma_wait3A_99 = tpu.memref_slice %arg5[%add3A_78] : memref<320000xi32, #tpu.memory_space<hbm>> -> memref<80xi32, #tpu.memory_space<hbm>>
      %dma_wait3A_100 = tpu.memref_slice %arg5[%add3A_78] : memref<320000xi32, #tpu.memory_space<hbm>> -> memref<80xi32, #tpu.memory_space<hbm>>
      tpu.wait_dma2 semaphore(%arg21 : memref<!tpu.dma_semaphore, #tpu.memory_space<semaphore_mem>>) src(%dma_wait3A_100 : memref<80xi32, #tpu.memory_space<hbm>>) dst(%arg11 : memref<80xi32, #tpu.memory_space<vmem>>)
      %dma_start3A_101 = arith.constant 0 : i32
      %dma_start3A_102 = arith.constant 0 : i32
      %dma_start3A_103 = tpu.memref_slice %arg2[%dma_start3A_101, %dma_start3A_102] : memref<10000x80xf32, #tpu.memory_space<hbm>> -> memref<10000x80xf32, #tpu.memory_space<hbm>>
      tpu.enqueue_indirect_dma source(%dma_start3A_103 : memref<10000x80xf32, #tpu.memory_space<hbm>>) target(%arg13 : memref<80x80xf32, #tpu.memory_space<vmem>>) offsets(%arg9 : memref<80xi32, #tpu.memory_space<vmem>>) semaphore(%arg20 : memref<!tpu.dma_semaphore, #tpu.memory_space<semaphore_mem>>)
      %dma_start3A_104 = arith.constant 0 : i32
      %dma_start3A_105 = arith.constant 0 : i32
      %dma_start3A_106 = tpu.memref_slice %arg3[%dma_start3A_104, %dma_start3A_105] : memref<10000x16xf32, #tpu.memory_space<hbm>> -> memref<10000x16xf32, #tpu.memory_space<hbm>>
      tpu.enqueue_indirect_dma source(%dma_start3A_106 : memref<10000x16xf32, #tpu.memory_space<hbm>>) target(%arg15 : memref<80x16xf32, #tpu.memory_space<vmem>>) offsets(%arg11 : memref<80xi32, #tpu.memory_space<vmem>>) semaphore(%arg21 : memref<!tpu.dma_semaphore, #tpu.memory_space<semaphore_mem>>)
      %dma_wait3A_107 = arith.constant 0 : i32
      %dma_wait3A_108 = arith.constant 0 : i32
      %dma_wait3A_109 = tpu.memref_slice %arg2[%dma_wait3A_107, %dma_wait3A_108] : memref<10000x80xf32, #tpu.memory_space<hbm>> -> memref<10000x80xf32, #tpu.memory_space<hbm>>
      tpu.wait_indirect_dma semaphore(%arg18 : memref<!tpu.dma_semaphore, #tpu.memory_space<semaphore_mem>>) src(%dma_wait3A_109 : memref<10000x80xf32, #tpu.memory_space<hbm>>) dst(%arg12 : memref<80x80xf32, #tpu.memory_space<vmem>>)
      %dma_wait3A_110 = arith.constant 0 : i32
      %dma_wait3A_111 = arith.constant 0 : i32
      %dma_wait3A_112 = tpu.memref_slice %arg3[%dma_wait3A_110, %dma_wait3A_111] : memref<10000x16xf32, #tpu.memory_space<hbm>> -> memref<10000x16xf32, #tpu.memory_space<hbm>>
      tpu.wait_indirect_dma semaphore(%arg19 : memref<!tpu.dma_semaphore, #tpu.memory_space<semaphore_mem>>) src(%dma_wait3A_112 : memref<10000x16xf32, #tpu.memory_space<hbm>>) dst(%arg14 : memref<80x16xf32, #tpu.memory_space<vmem>>)
      %scan3A_113 = arith.constant 0 : i32
      %scan3A_114 = arith.constant 0 : i32
      %scan3A_115 = arith.constant 80 : i32
      %scan3A_116 = arith.addi %scan3A_114, %scan3A_115 : i32
      %scan3A_117 = arith.constant 1 : i32
      %scan3A_118 = scf.for %scan3A_146 = %scan3A_114 to %scan3A_116 step %scan3A_117 iter_args(%scan3A_147 = %scan3A_113) -> (i32)  : i32 {
        %get3A = arith.index_cast %scan3A_146 : i32 to index
        %get3A_148 = arith.constant 64 : index
        %get3A_149 = tpu.vector_load %arg12[%get3A, %get3A_148] {strides = array<i32>} : memref<80x80xf32, #tpu.memory_space<vmem>>, vector<1x16xf32>,
        %get3A_150 = vector.shape_cast %get3A_149 : vector<1x16xf32> to vector<16xf32>
        %get3A_151 = arith.index_cast %scan3A_146 : i32 to index
        %get3A_152 = arith.constant 0 : index
        %get3A_153 = tpu.vector_load %arg14[%get3A_151, %get3A_152] {strides = array<i32>} : memref<80x16xf32, #tpu.memory_space<vmem>>, vector<1x16xf32>,
        %get3A_154 = vector.shape_cast %get3A_153 : vector<1x16xf32> to vector<16xf32>
        %add3A_155 = arith.addf %get3A_150, %get3A_154 : vector<16xf32>
        %mul3A_156 = arith.constant 2.000000e-01 : f32
        %mul3A_157 = vector.broadcast %mul3A_156 : f32 to vector<16xf32>
        %mul3A_158 = arith.mulf %add3A_155, %mul3A_157 : vector<16xf32>
        %max3A = arith.maximumf %add3A_155, %mul3A_158 : vector<16xf32>
        %exp3A = math.exp %max3A : vector<16xf32>
        %swap3A = arith.index_cast %scan3A_146 : i32 to index
        %swap3A_159 = arith.constant 64 : index
        %swap3A_160 = tpu.vector_load %arg16[%swap3A, %swap3A_159] {strides = array<i32>} : memref<80x80xf32, #tpu.memory_space<vmem>>, vector<1x16xf32>,
        %swap3A_161 = vector.shape_cast %swap3A_160 : vector<1x16xf32> to vector<16xf32>
        %swap3A_162 = vector.shape_cast %exp3A : vector<16xf32> to vector<1x16xf32>
        tpu.vector_store %arg16[%swap3A, %swap3A_159], %swap3A_162 {strides = array<i32>} : memref<80x80xf32, #tpu.memory_space<vmem>>, vector<1x16xf32>,
        %add3A_163 = arith.constant 0 : i32
        %add3A_164 = vector.broadcast %add3A_163 : i32 to vector<16xi32>
        %add3A_165 = arith.addi %shift_right_arithmetic3A_26, %add3A_164 : vector<16xi32>
        %broadcast_in_dim3A = vector.shape_cast %add3A_165 : vector<16xi32> to vector<16x1xi32>
        %gather3A = vector.shape_cast %broadcast_in_dim3A : vector<16x1xi32> to vector<16xi32>
        %gather3A_166 = tpu.dynamic_gather %exp3A[%gather3A] in [0] : vector<16xf32>, vector<16xi32> -> vector<16xf32>
        %get3A_167 = arith.index_cast %scan3A_146 : i32 to index
        %get3A_168 = arith.constant 0 : index
        %get3A_169 = tpu.vector_load %arg12[%get3A_167, %get3A_168] {strides = array<i32>} : memref<80x80xf32, #tpu.memory_space<vmem>>, vector<1x16xf32>,
        %get3A_170 = vector.shape_cast %get3A_169 : vector<1x16xf32> to vector<16xf32>
        %mul3A_171 = arith.mulf %get3A_170, %gather3A_166 : vector<16xf32>
        %swap3A_172 = arith.index_cast %scan3A_146 : i32 to index
        %swap3A_173 = arith.constant 0 : index
        %swap3A_174 = tpu.vector_load %arg16[%swap3A_172, %swap3A_173] {strides = array<i32>} : memref<80x80xf32, #tpu.memory_space<vmem>>, vector<1x16xf32>,
        %swap3A_175 = vector.shape_cast %swap3A_174 : vector<1x16xf32> to vector<16xf32>
        %swap3A_176 = vector.shape_cast %mul3A_171 : vector<16xf32> to vector<1x16xf32>
        tpu.vector_store %arg16[%swap3A_172, %swap3A_173], %swap3A_176 {strides = array<i32>} : memref<80x80xf32, #tpu.memory_space<vmem>>, vector<1x16xf32>,
        %add3A_177 = arith.constant 2 : i32
        %add3A_178 = vector.broadcast %add3A_177 : i32 to vector<16xi32>
        %add3A_179 = arith.addi %shift_right_arithmetic3A_26, %add3A_178 : vector<16xi32>
        %broadcast_in_dim3A_180 = vector.shape_cast %add3A_179 : vector<16xi32> to vector<16x1xi32>
        %gather3A_181 = vector.shape_cast %broadcast_in_dim3A_180 : vector<16x1xi32> to vector<16xi32>
        %gather3A_182 = tpu.dynamic_gather %exp3A[%gather3A_181] in [0] : vector<16xf32>, vector<16xi32> -> vector<16xf32>
        %get3A_183 = arith.index_cast %scan3A_146 : i32 to index
        %get3A_184 = arith.constant 16 : index
        %get3A_185 = tpu.vector_load %arg12[%get3A_183, %get3A_184] {strides = array<i32>} : memref<80x80xf32, #tpu.memory_space<vmem>>, vector<1x16xf32>,
        %get3A_186 = vector.shape_cast %get3A_185 : vector<1x16xf32> to vector<16xf32>
        %mul3A_187 = arith.mulf %get3A_186, %gather3A_182 : vector<16xf32>
        %swap3A_188 = arith.index_cast %scan3A_146 : i32 to index
        %swap3A_189 = arith.constant 16 : index
        %swap3A_190 = tpu.vector_load %arg16[%swap3A_188, %swap3A_189] {strides = array<i32>} : memref<80x80xf32, #tpu.memory_space<vmem>>, vector<1x16xf32>,
        %swap3A_191 = vector.shape_cast %swap3A_190 : vector<1x16xf32> to vector<16xf32>
        %swap3A_192 = vector.shape_cast %mul3A_187 : vector<16xf32> to vector<1x16xf32>
        tpu.vector_store %arg16[%swap3A_188, %swap3A_189], %swap3A_192 {strides = array<i32>} : memref<80x80xf32, #tpu.memory_space<vmem>>, vector<1x16xf32>,
        %add3A_193 = arith.constant 4 : i32
        %add3A_194 = vector.broadcast %add3A_193 : i32 to vector<16xi32>
        %add3A_195 = arith.addi %shift_right_arithmetic3A_26, %add3A_194 : vector<16xi32>
        %broadcast_in_dim3A_196 = vector.shape_cast %add3A_195 : vector<16xi32> to vector<16x1xi32>
        %gather3A_197 = vector.shape_cast %broadcast_in_dim3A_196 : vector<16x1xi32> to vector<16xi32>
        %gather3A_198 = tpu.dynamic_gather %exp3A[%gather3A_197] in [0] : vector<16xf32>, vector<16xi32> -> vector<16xf32>
        %get3A_199 = arith.index_cast %scan3A_146 : i32 to index
        %get3A_200 = arith.constant 32 : index
        %get3A_201 = tpu.vector_load %arg12[%get3A_199, %get3A_200] {strides = array<i32>} : memref<80x80xf32, #tpu.memory_space<vmem>>, vector<1x16xf32>,
        %get3A_202 = vector.shape_cast %get3A_201 : vector<1x16xf32> to vector<16xf32>
        %mul3A_203 = arith.mulf %get3A_202, %gather3A_198 : vector<16xf32>
        %swap3A_204 = arith.index_cast %scan3A_146 : i32 to index
        %swap3A_205 = arith.constant 32 : index
        %swap3A_206 = tpu.vector_load %arg16[%swap3A_204, %swap3A_205] {strides = array<i32>} : memref<80x80xf32, #tpu.memory_space<vmem>>, vector<1x16xf32>,
        %swap3A_207 = vector.shape_cast %swap3A_206 : vector<1x16xf32> to vector<16xf32>
        %swap3A_208 = vector.shape_cast %mul3A_203 : vector<16xf32> to vector<1x16xf32>
        tpu.vector_store %arg16[%swap3A_204, %swap3A_205], %swap3A_208 {strides = array<i32>} : memref<80x80xf32, #tpu.memory_space<vmem>>, vector<1x16xf32>,
        %add3A_209 = arith.constant 6 : i32
        %add3A_210 = vector.broadcast %add3A_209 : i32 to vector<16xi32>
        %add3A_211 = arith.addi %shift_right_arithmetic3A_26, %add3A_210 : vector<16xi32>
        %broadcast_in_dim3A_212 = vector.shape_cast %add3A_211 : vector<16xi32> to vector<16x1xi32>
        %gather3A_213 = vector.shape_cast %broadcast_in_dim3A_212 : vector<16x1xi32> to vector<16xi32>
        %gather3A_214 = tpu.dynamic_gather %exp3A[%gather3A_213] in [0] : vector<16xf32>, vector<16xi32> -> vector<16xf32>
        %get3A_215 = arith.index_cast %scan3A_146 : i32 to index
        %get3A_216 = arith.constant 48 : index
        %get3A_217 = tpu.vector_load %arg12[%get3A_215, %get3A_216] {strides = array<i32>} : memref<80x80xf32, #tpu.memory_space<vmem>>, vector<1x16xf32>,
        %get3A_218 = vector.shape_cast %get3A_217 : vector<1x16xf32> to vector<16xf32>
        %mul3A_219 = arith.mulf %get3A_218, %gather3A_214 : vector<16xf32>
        %swap3A_220 = arith.index_cast %scan3A_146 : i32 to index
        %swap3A_221 = arith.constant 48 : index
        %swap3A_222 = tpu.vector_load %arg16[%swap3A_220, %swap3A_221] {strides = array<i32>} : memref<80x80xf32, #tpu.memory_space<vmem>>, vector<1x16xf32>,
        %swap3A_223 = vector.shape_cast %swap3A_222 : vector<1x16xf32> to vector<16xf32>
        %swap3A_224 = vector.shape_cast %mul3A_219 : vector<16xf32> to vector<1x16xf32>
        tpu.vector_store %arg16[%swap3A_220, %swap3A_221], %swap3A_224 {strides = array<i32>} : memref<80x80xf32, #tpu.memory_space<vmem>>, vector<1x16xf32>,
        %scan3A_225 = arith.constant 0 : i32
        scf.yield %scan3A_225 : i32
      }
      %scan3A_119 = arith.constant 80 : i32
      %dma_start3A_120 = arith.constant 0 : i32
      %dma_start3A_121 = arith.constant 0 : i32
      %dma_start3A_122 = tpu.memref_slice %arg7[%dma_start3A_120, %dma_start3A_121] : memref<10000x80xf32, #tpu.memory_space<vmem_shared>> -> memref<10000x80xf32, #tpu.memory_space<vmem_shared>>
      tpu.enqueue_indirect_dma source(%arg16 : memref<80x80xf32, #tpu.memory_space<vmem>>) target(%dma_start3A_122 : memref<10000x80xf32, #tpu.memory_space<vmem_shared>>) offsets(%arg10 : memref<80xi32, #tpu.memory_space<vmem>>) semaphore(%arg18 : memref<!tpu.dma_semaphore, #tpu.memory_space<semaphore_mem>>) {add = true}
      %dma_wait3A_123 = arith.constant 0 : i32
      %dma_wait3A_124 = arith.constant 0 : i32
      %dma_wait3A_125 = tpu.memref_slice %arg2[%dma_wait3A_123, %dma_wait3A_124] : memref<10000x80xf32, #tpu.memory_space<hbm>> -> memref<10000x80xf32, #tpu.memory_space<hbm>>
      tpu.wait_indirect_dma semaphore(%arg20 : memref<!tpu.dma_semaphore, #tpu.memory_space<semaphore_mem>>) src(%dma_wait3A_125 : memref<10000x80xf32, #tpu.memory_space<hbm>>) dst(%arg13 : memref<80x80xf32, #tpu.memory_space<vmem>>)
      %dma_wait3A_126 = arith.constant 0 : i32
      %dma_wait3A_127 = arith.constant 0 : i32
      %dma_wait3A_128 = tpu.memref_slice %arg3[%dma_wait3A_126, %dma_wait3A_127] : memref<10000x16xf32, #tpu.memory_space<hbm>> -> memref<10000x16xf32, #tpu.memory_space<hbm>>
      tpu.wait_indirect_dma semaphore(%arg21 : memref<!tpu.dma_semaphore, #tpu.memory_space<semaphore_mem>>) src(%dma_wait3A_128 : memref<10000x16xf32, #tpu.memory_space<hbm>>) dst(%arg15 : memref<80x16xf32, #tpu.memory_space<vmem>>)
      %scan3A_129 = arith.constant 0 : i32
      %scan3A_130 = arith.constant 0 : i32
      %scan3A_131 = arith.constant 80 : i32
      %scan3A_132 = arith.addi %scan3A_130, %scan3A_131 : i32
      %scan3A_133 = arith.constant 1 : i32
      %scan3A_134 = scf.for %scan3A_146 = %scan3A_130 to %scan3A_132 step %scan3A_133 iter_args(%scan3A_147 = %scan3A_129) -> (i32)  : i32 {
        %get3A = arith.index_cast %scan3A_146 : i32 to index
        %get3A_148 = arith.constant 64 : index
        %get3A_149 = tpu.vector_load %arg13[%get3A, %get3A_148] {strides = array<i32>} : memref<80x80xf32, #tpu.memory_space<vmem>>, vector<1x16xf32>,
        %get3A_150 = vector.shape_cast %get3A_149 : vector<1x16xf32> to vector<16xf32>
        %get3A_151 = arith.index_cast %scan3A_146 : i32 to index
        %get3A_152 = arith.constant 0 : index
        %get3A_153 = tpu.vector_load %arg15[%get3A_151, %get3A_152] {strides = array<i32>} : memref<80x16xf32, #tpu.memory_space<vmem>>, vector<1x16xf32>,
        %get3A_154 = vector.shape_cast %get3A_153 : vector<1x16xf32> to vector<16xf32>
        %add3A_155 = arith.addf %get3A_150, %get3A_154 : vector<16xf32>
        %mul3A_156 = arith.constant 2.000000e-01 : f32
        %mul3A_157 = vector.broadcast %mul3A_156 : f32 to vector<16xf32>
        %mul3A_158 = arith.mulf %add3A_155, %mul3A_157 : vector<16xf32>
        %max3A = arith.maximumf %add3A_155, %mul3A_158 : vector<16xf32>
        %exp3A = math.exp %max3A : vector<16xf32>
        %swap3A = arith.index_cast %scan3A_146 : i32 to index
        %swap3A_159 = arith.constant 64 : index
        %swap3A_160 = tpu.vector_load %arg17[%swap3A, %swap3A_159] {strides = array<i32>} : memref<80x80xf32, #tpu.memory_space<vmem>>, vector<1x16xf32>,
        %swap3A_161 = vector.shape_cast %swap3A_160 : vector<1x16xf32> to vector<16xf32>
        %swap3A_162 = vector.shape_cast %exp3A : vector<16xf32> to vector<1x16xf32>
        tpu.vector_store %arg17[%swap3A, %swap3A_159], %swap3A_162 {strides = array<i32>} : memref<80x80xf32, #tpu.memory_space<vmem>>, vector<1x16xf32>,
        %add3A_163 = arith.constant 0 : i32
        %add3A_164 = vector.broadcast %add3A_163 : i32 to vector<16xi32>
        %add3A_165 = arith.addi %shift_right_arithmetic3A_26, %add3A_164 : vector<16xi32>
        %broadcast_in_dim3A = vector.shape_cast %add3A_165 : vector<16xi32> to vector<16x1xi32>
        %gather3A = vector.shape_cast %broadcast_in_dim3A : vector<16x1xi32> to vector<16xi32>
        %gather3A_166 = tpu.dynamic_gather %exp3A[%gather3A] in [0] : vector<16xf32>, vector<16xi32> -> vector<16xf32>
        %get3A_167 = arith.index_cast %scan3A_146 : i32 to index
        %get3A_168 = arith.constant 0 : index
        %get3A_169 = tpu.vector_load %arg13[%get3A_167, %get3A_168] {strides = array<i32>} : memref<80x80xf32, #tpu.memory_space<vmem>>, vector<1x16xf32>,
        %get3A_170 = vector.shape_cast %get3A_169 : vector<1x16xf32> to vector<16xf32>
        %mul3A_171 = arith.mulf %get3A_170, %gather3A_166 : vector<16xf32>
        %swap3A_172 = arith.index_cast %scan3A_146 : i32 to index
        %swap3A_173 = arith.constant 0 : index
        %swap3A_174 = tpu.vector_load %arg17[%swap3A_172, %swap3A_173] {strides = array<i32>} : memref<80x80xf32, #tpu.memory_space<vmem>>, vector<1x16xf32>,
        %swap3A_175 = vector.shape_cast %swap3A_174 : vector<1x16xf32> to vector<16xf32>
        %swap3A_176 = vector.shape_cast %mul3A_171 : vector<16xf32> to vector<1x16xf32>
        tpu.vector_store %arg17[%swap3A_172, %swap3A_173], %swap3A_176 {strides = array<i32>} : memref<80x80xf32, #tpu.memory_space<vmem>>, vector<1x16xf32>,
        %add3A_177 = arith.constant 2 : i32
        %add3A_178 = vector.broadcast %add3A_177 : i32 to vector<16xi32>
        %add3A_179 = arith.addi %shift_right_arithmetic3A_26, %add3A_178 : vector<16xi32>
        %broadcast_in_dim3A_180 = vector.shape_cast %add3A_179 : vector<16xi32> to vector<16x1xi32>
        %gather3A_181 = vector.shape_cast %broadcast_in_dim3A_180 : vector<16x1xi32> to vector<16xi32>
        %gather3A_182 = tpu.dynamic_gather %exp3A[%gather3A_181] in [0] : vector<16xf32>, vector<16xi32> -> vector<16xf32>
        %get3A_183 = arith.index_cast %scan3A_146 : i32 to index
        %get3A_184 = arith.constant 16 : index
        %get3A_185 = tpu.vector_load %arg13[%get3A_183, %get3A_184] {strides = array<i32>} : memref<80x80xf32, #tpu.memory_space<vmem>>, vector<1x16xf32>,
        %get3A_186 = vector.shape_cast %get3A_185 : vector<1x16xf32> to vector<16xf32>
        %mul3A_187 = arith.mulf %get3A_186, %gather3A_182 : vector<16xf32>
        %swap3A_188 = arith.index_cast %scan3A_146 : i32 to index
        %swap3A_189 = arith.constant 16 : index
        %swap3A_190 = tpu.vector_load %arg17[%swap3A_188, %swap3A_189] {strides = array<i32>} : memref<80x80xf32, #tpu.memory_space<vmem>>, vector<1x16xf32>,
        %swap3A_191 = vector.shape_cast %swap3A_190 : vector<1x16xf32> to vector<16xf32>
        %swap3A_192 = vector.shape_cast %mul3A_187 : vector<16xf32> to vector<1x16xf32>
        tpu.vector_store %arg17[%swap3A_188, %swap3A_189], %swap3A_192 {strides = array<i32>} : memref<80x80xf32, #tpu.memory_space<vmem>>, vector<1x16xf32>,
        %add3A_193 = arith.constant 4 : i32
        %add3A_194 = vector.broadcast %add3A_193 : i32 to vector<16xi32>
        %add3A_195 = arith.addi %shift_right_arithmetic3A_26, %add3A_194 : vector<16xi32>
        %broadcast_in_dim3A_196 = vector.shape_cast %add3A_195 : vector<16xi32> to vector<16x1xi32>
        %gather3A_197 = vector.shape_cast %broadcast_in_dim3A_196 : vector<16x1xi32> to vector<16xi32>
        %gather3A_198 = tpu.dynamic_gather %exp3A[%gather3A_197] in [0] : vector<16xf32>, vector<16xi32> -> vector<16xf32>
        %get3A_199 = arith.index_cast %scan3A_146 : i32 to index
        %get3A_200 = arith.constant 32 : index
        %get3A_201 = tpu.vector_load %arg13[%get3A_199, %get3A_200] {strides = array<i32>} : memref<80x80xf32, #tpu.memory_space<vmem>>, vector<1x16xf32>,
        %get3A_202 = vector.shape_cast %get3A_201 : vector<1x16xf32> to vector<16xf32>
        %mul3A_203 = arith.mulf %get3A_202, %gather3A_198 : vector<16xf32>
        %swap3A_204 = arith.index_cast %scan3A_146 : i32 to index
        %swap3A_205 = arith.constant 32 : index
        %swap3A_206 = tpu.vector_load %arg17[%swap3A_204, %swap3A_205] {strides = array<i32>} : memref<80x80xf32, #tpu.memory_space<vmem>>, vector<1x16xf32>,
        %swap3A_207 = vector.shape_cast %swap3A_206 : vector<1x16xf32> to vector<16xf32>
        %swap3A_208 = vector.shape_cast %mul3A_203 : vector<16xf32> to vector<1x16xf32>
        tpu.vector_store %arg17[%swap3A_204, %swap3A_205], %swap3A_208 {strides = array<i32>} : memref<80x80xf32, #tpu.memory_space<vmem>>, vector<1x16xf32>,
        %add3A_209 = arith.constant 6 : i32
        %add3A_210 = vector.broadcast %add3A_209 : i32 to vector<16xi32>
        %add3A_211 = arith.addi %shift_right_arithmetic3A_26, %add3A_210 : vector<16xi32>
        %broadcast_in_dim3A_212 = vector.shape_cast %add3A_211 : vector<16xi32> to vector<16x1xi32>
        %gather3A_213 = vector.shape_cast %broadcast_in_dim3A_212 : vector<16x1xi32> to vector<16xi32>
        %gather3A_214 = tpu.dynamic_gather %exp3A[%gather3A_213] in [0] : vector<16xf32>, vector<16xi32> -> vector<16xf32>
        %get3A_215 = arith.index_cast %scan3A_146 : i32 to index
        %get3A_216 = arith.constant 48 : index
        %get3A_217 = tpu.vector_load %arg13[%get3A_215, %get3A_216] {strides = array<i32>} : memref<80x80xf32, #tpu.memory_space<vmem>>, vector<1x16xf32>,
        %get3A_218 = vector.shape_cast %get3A_217 : vector<1x16xf32> to vector<16xf32>
        %mul3A_219 = arith.mulf %get3A_218, %gather3A_214 : vector<16xf32>
        %swap3A_220 = arith.index_cast %scan3A_146 : i32 to index
        %swap3A_221 = arith.constant 48 : index
        %swap3A_222 = tpu.vector_load %arg17[%swap3A_220, %swap3A_221] {strides = array<i32>} : memref<80x80xf32, #tpu.memory_space<vmem>>, vector<1x16xf32>,
        %swap3A_223 = vector.shape_cast %swap3A_222 : vector<1x16xf32> to vector<16xf32>
        %swap3A_224 = vector.shape_cast %mul3A_219 : vector<16xf32> to vector<1x16xf32>
        tpu.vector_store %arg17[%swap3A_220, %swap3A_221], %swap3A_224 {strides = array<i32>} : memref<80x80xf32, #tpu.memory_space<vmem>>, vector<1x16xf32>,
        %scan3A_225 = arith.constant 0 : i32
        scf.yield %scan3A_225 : i32
      }
      %scan3A_135 = arith.constant 80 : i32
      %dma_start3A_136 = arith.constant 0 : i32
      %dma_start3A_137 = arith.constant 0 : i32
      %dma_start3A_138 = tpu.memref_slice %arg7[%dma_start3A_136, %dma_start3A_137] : memref<10000x80xf32, #tpu.memory_space<vmem_shared>> -> memref<10000x80xf32, #tpu.memory_space<vmem_shared>>
      tpu.enqueue_indirect_dma source(%arg17 : memref<80x80xf32, #tpu.memory_space<vmem>>) target(%dma_start3A_138 : memref<10000x80xf32, #tpu.memory_space<vmem_shared>>) offsets(%arg11 : memref<80xi32, #tpu.memory_space<vmem>>) semaphore(%arg19 : memref<!tpu.dma_semaphore, #tpu.memory_space<semaphore_mem>>) {add = true}
      %dma_wait3A_139 = arith.constant 0 : i32
      %dma_wait3A_140 = arith.constant 0 : i32
      %dma_wait3A_141 = tpu.memref_slice %arg7[%dma_wait3A_139, %dma_wait3A_140] : memref<10000x80xf32, #tpu.memory_space<vmem_shared>> -> memref<10000x80xf32, #tpu.memory_space<vmem_shared>>
      tpu.wait_indirect_dma semaphore(%arg18 : memref<!tpu.dma_semaphore, #tpu.memory_space<semaphore_mem>>) src(%arg16 : memref<80x80xf32, #tpu.memory_space<vmem>>) dst(%dma_wait3A_141 : memref<10000x80xf32, #tpu.memory_space<vmem_shared>>)
      %dma_wait3A_142 = arith.constant 0 : i32
      %dma_wait3A_143 = arith.constant 0 : i32
      %dma_wait3A_144 = tpu.memref_slice %arg7[%dma_wait3A_142, %dma_wait3A_143] : memref<10000x80xf32, #tpu.memory_space<vmem_shared>> -> memref<10000x80xf32, #tpu.memory_space<vmem_shared>>
      tpu.wait_indirect_dma semaphore(%arg19 : memref<!tpu.dma_semaphore, #tpu.memory_space<semaphore_mem>>) src(%arg17 : memref<80x80xf32, #tpu.memory_space<vmem>>) dst(%dma_wait3A_144 : memref<10000x80xf32, #tpu.memory_space<vmem_shared>>)
      %scan3A_145 = arith.constant 0 : i32
      scf.yield %scan3A_145 : i32
    }
    %scan3A_33 = arith.constant 62 : i32
    %mul3A_34 = arith.constant 10000 : i32
    %mul3A_35 = arith.muli %add3A, %mul3A_34 : i32
    %add3A_36 = arith.constant 9920 : i32
    %add3A_37 = arith.addi %mul3A_35, %add3A_36 : i32
    %dma_start3A = tpu.memref_slice %arg4[%add3A_37] : memref<320000xi32, #tpu.memory_space<hbm>> -> memref<80xi32, #tpu.memory_space<hbm>>
    %dma_start3A_38 = tpu.memref_slice %arg4[%add3A_37] : memref<320000xi32, #tpu.memory_space<hbm>> -> memref<80xi32, #tpu.memory_space<hbm>>
    tpu.enqueue_dma source(%dma_start3A_38 : memref<80xi32, #tpu.memory_space<hbm>>) target(%arg8 : memref<80xi32, #tpu.memory_space<vmem>>) target_semaphore(%arg18 : memref<!tpu.dma_semaphore, #tpu.memory_space<semaphore_mem>>)
    %dma_start3A_39 = tpu.memref_slice %arg5[%add3A_37] : memref<320000xi32, #tpu.memory_space<hbm>> -> memref<80xi32, #tpu.memory_space<hbm>>
    %dma_start3A_40 = tpu.memref_slice %arg5[%add3A_37] : memref<320000xi32, #tpu.memory_space<hbm>> -> memref<80xi32, #tpu.memory_space<hbm>>
    tpu.enqueue_dma source(%dma_start3A_40 : memref<80xi32, #tpu.memory_space<hbm>>) target(%arg10 : memref<80xi32, #tpu.memory_space<vmem>>) target_semaphore(%arg19 : memref<!tpu.dma_semaphore, #tpu.memory_space<semaphore_mem>>)
    %dma_wait3A = tpu.memref_slice %arg4[%add3A_37] : memref<320000xi32, #tpu.memory_space<hbm>> -> memref<80xi32, #tpu.memory_space<hbm>>
    %dma_wait3A_41 = tpu.memref_slice %arg4[%add3A_37] : memref<320000xi32, #tpu.memory_space<hbm>> -> memref<80xi32, #tpu.memory_space<hbm>>
    tpu.wait_dma2 semaphore(%arg18 : memref<!tpu.dma_semaphore, #tpu.memory_space<semaphore_mem>>) src(%dma_wait3A_41 : memref<80xi32, #tpu.memory_space<hbm>>) dst(%arg8 : memref<80xi32, #tpu.memory_space<vmem>>)
    %dma_wait3A_42 = tpu.memref_slice %arg5[%add3A_37] : memref<320000xi32, #tpu.memory_space<hbm>> -> memref<80xi32, #tpu.memory_space<hbm>>
    %dma_wait3A_43 = tpu.memref_slice %arg5[%add3A_37] : memref<320000xi32, #tpu.memory_space<hbm>> -> memref<80xi32, #tpu.memory_space<hbm>>
    tpu.wait_dma2 semaphore(%arg19 : memref<!tpu.dma_semaphore, #tpu.memory_space<semaphore_mem>>) src(%dma_wait3A_43 : memref<80xi32, #tpu.memory_space<hbm>>) dst(%arg10 : memref<80xi32, #tpu.memory_space<vmem>>)
    %dma_start3A_44 = arith.constant 0 : i32
    %dma_start3A_45 = arith.constant 0 : i32
    %dma_start3A_46 = tpu.memref_slice %arg2[%dma_start3A_44, %dma_start3A_45] : memref<10000x80xf32, #tpu.memory_space<hbm>> -> memref<10000x80xf32, #tpu.memory_space<hbm>>
    tpu.enqueue_indirect_dma source(%dma_start3A_46 : memref<10000x80xf32, #tpu.memory_space<hbm>>) target(%arg12 : memref<80x80xf32, #tpu.memory_space<vmem>>) offsets(%arg8 : memref<80xi32, #tpu.memory_space<vmem>>) semaphore(%arg18 : memref<!tpu.dma_semaphore, #tpu.memory_space<semaphore_mem>>)
    %dma_start3A_47 = arith.constant 0 : i32
    %dma_start3A_48 = arith.constant 0 : i32
    %dma_start3A_49 = tpu.memref_slice %arg3[%dma_start3A_47, %dma_start3A_48] : memref<10000x16xf32, #tpu.memory_space<hbm>> -> memref<10000x16xf32, #tpu.memory_space<hbm>>
    tpu.enqueue_indirect_dma source(%dma_start3A_49 : memref<10000x16xf32, #tpu.memory_space<hbm>>) target(%arg14 : memref<80x16xf32, #tpu.memory_space<vmem>>) offsets(%arg10 : memref<80xi32, #tpu.memory_space<vmem>>) semaphore(%arg19 : memref<!tpu.dma_semaphore, #tpu.memory_space<semaphore_mem>>)
    %dma_wait3A_50 = arith.constant 0 : i32
    %dma_wait3A_51 = arith.constant 0 : i32
    %dma_wait3A_52 = tpu.memref_slice %arg2[%dma_wait3A_50, %dma_wait3A_51] : memref<10000x80xf32, #tpu.memory_space<hbm>> -> memref<10000x80xf32, #tpu.memory_space<hbm>>
    tpu.wait_indirect_dma semaphore(%arg18 : memref<!tpu.dma_semaphore, #tpu.memory_space<semaphore_mem>>) src(%dma_wait3A_52 : memref<10000x80xf32, #tpu.memory_space<hbm>>) dst(%arg12 : memref<80x80xf32, #tpu.memory_space<vmem>>)
    %dma_wait3A_53 = arith.constant 0 : i32
    %dma_wait3A_54 = arith.constant 0 : i32
    %dma_wait3A_55 = tpu.memref_slice %arg3[%dma_wait3A_53, %dma_wait3A_54] : memref<10000x16xf32, #tpu.memory_space<hbm>> -> memref<10000x16xf32, #tpu.memory_space<hbm>>
    tpu.wait_indirect_dma semaphore(%arg19 : memref<!tpu.dma_semaphore, #tpu.memory_space<semaphore_mem>>) src(%dma_wait3A_55 : memref<10000x16xf32, #tpu.memory_space<hbm>>) dst(%arg14 : memref<80x16xf32, #tpu.memory_space<vmem>>)
    %scan3A_56 = arith.constant 0 : i32
    %scan3A_57 = arith.constant 0 : i32
    %scan3A_58 = arith.constant 80 : i32
    %scan3A_59 = arith.addi %scan3A_57, %scan3A_58 : i32
    %scan3A_60 = arith.constant 1 : i32
    %scan3A_61 = scf.for %scan3A_68 = %scan3A_57 to %scan3A_59 step %scan3A_60 iter_args(%scan3A_69 = %scan3A_56) -> (i32)  : i32 {
      %get3A = arith.index_cast %scan3A_68 : i32 to index
      %get3A_70 = arith.constant 64 : index
      %get3A_71 = tpu.vector_load %arg12[%get3A, %get3A_70] {strides = array<i32>} : memref<80x80xf32, #tpu.memory_space<vmem>>, vector<1x16xf32>,
      %get3A_72 = vector.shape_cast %get3A_71 : vector<1x16xf32> to vector<16xf32>
      %get3A_73 = arith.index_cast %scan3A_68 : i32 to index
      %get3A_74 = arith.constant 0 : index
      %get3A_75 = tpu.vector_load %arg14[%get3A_73, %get3A_74] {strides = array<i32>} : memref<80x16xf32, #tpu.memory_space<vmem>>, vector<1x16xf32>,
      %get3A_76 = vector.shape_cast %get3A_75 : vector<1x16xf32> to vector<16xf32>
      %add3A_77 = arith.addf %get3A_72, %get3A_76 : vector<16xf32>
      %mul3A_78 = arith.constant 2.000000e-01 : f32
      %mul3A_79 = vector.broadcast %mul3A_78 : f32 to vector<16xf32>
      %mul3A_80 = arith.mulf %add3A_77, %mul3A_79 : vector<16xf32>
      %max3A = arith.maximumf %add3A_77, %mul3A_80 : vector<16xf32>
      %exp3A = math.exp %max3A : vector<16xf32>
      %swap3A = arith.index_cast %scan3A_68 : i32 to index
      %swap3A_81 = arith.constant 64 : index
      %swap3A_82 = tpu.vector_load %arg16[%swap3A, %swap3A_81] {strides = array<i32>} : memref<80x80xf32, #tpu.memory_space<vmem>>, vector<1x16xf32>,
      %swap3A_83 = vector.shape_cast %swap3A_82 : vector<1x16xf32> to vector<16xf32>
      %swap3A_84 = vector.shape_cast %exp3A : vector<16xf32> to vector<1x16xf32>
      tpu.vector_store %arg16[%swap3A, %swap3A_81], %swap3A_84 {strides = array<i32>} : memref<80x80xf32, #tpu.memory_space<vmem>>, vector<1x16xf32>,
      %add3A_85 = arith.constant 0 : i32
      %add3A_86 = vector.broadcast %add3A_85 : i32 to vector<16xi32>
      %add3A_87 = arith.addi %shift_right_arithmetic3A_26, %add3A_86 : vector<16xi32>
      %broadcast_in_dim3A = vector.shape_cast %add3A_87 : vector<16xi32> to vector<16x1xi32>
      %gather3A = vector.shape_cast %broadcast_in_dim3A : vector<16x1xi32> to vector<16xi32>
      %gather3A_88 = tpu.dynamic_gather %exp3A[%gather3A] in [0] : vector<16xf32>, vector<16xi32> -> vector<16xf32>
      %get3A_89 = arith.index_cast %scan3A_68 : i32 to index
      %get3A_90 = arith.constant 0 : index
      %get3A_91 = tpu.vector_load %arg12[%get3A_89, %get3A_90] {strides = array<i32>} : memref<80x80xf32, #tpu.memory_space<vmem>>, vector<1x16xf32>,
      %get3A_92 = vector.shape_cast %get3A_91 : vector<1x16xf32> to vector<16xf32>
      %mul3A_93 = arith.mulf %get3A_92, %gather3A_88 : vector<16xf32>
      %swap3A_94 = arith.index_cast %scan3A_68 : i32 to index
      %swap3A_95 = arith.constant 0 : index
      %swap3A_96 = tpu.vector_load %arg16[%swap3A_94, %swap3A_95] {strides = array<i32>} : memref<80x80xf32, #tpu.memory_space<vmem>>, vector<1x16xf32>,
      %swap3A_97 = vector.shape_cast %swap3A_96 : vector<1x16xf32> to vector<16xf32>
      %swap3A_98 = vector.shape_cast %mul3A_93 : vector<16xf32> to vector<1x16xf32>
      tpu.vector_store %arg16[%swap3A_94, %swap3A_95], %swap3A_98 {strides = array<i32>} : memref<80x80xf32, #tpu.memory_space<vmem>>, vector<1x16xf32>,
      %add3A_99 = arith.constant 2 : i32
      %add3A_100 = vector.broadcast %add3A_99 : i32 to vector<16xi32>
      %add3A_101 = arith.addi %shift_right_arithmetic3A_26, %add3A_100 : vector<16xi32>
      %broadcast_in_dim3A_102 = vector.shape_cast %add3A_101 : vector<16xi32> to vector<16x1xi32>
      %gather3A_103 = vector.shape_cast %broadcast_in_dim3A_102 : vector<16x1xi32> to vector<16xi32>
      %gather3A_104 = tpu.dynamic_gather %exp3A[%gather3A_103] in [0] : vector<16xf32>, vector<16xi32> -> vector<16xf32>
      %get3A_105 = arith.index_cast %scan3A_68 : i32 to index
      %get3A_106 = arith.constant 16 : index
      %get3A_107 = tpu.vector_load %arg12[%get3A_105, %get3A_106] {strides = array<i32>} : memref<80x80xf32, #tpu.memory_space<vmem>>, vector<1x16xf32>,
      %get3A_108 = vector.shape_cast %get3A_107 : vector<1x16xf32> to vector<16xf32>
      %mul3A_109 = arith.mulf %get3A_108, %gather3A_104 : vector<16xf32>
      %swap3A_110 = arith.index_cast %scan3A_68 : i32 to index
      %swap3A_111 = arith.constant 16 : index
      %swap3A_112 = tpu.vector_load %arg16[%swap3A_110, %swap3A_111] {strides = array<i32>} : memref<80x80xf32, #tpu.memory_space<vmem>>, vector<1x16xf32>,
      %swap3A_113 = vector.shape_cast %swap3A_112 : vector<1x16xf32> to vector<16xf32>
      %swap3A_114 = vector.shape_cast %mul3A_109 : vector<16xf32> to vector<1x16xf32>
      tpu.vector_store %arg16[%swap3A_110, %swap3A_111], %swap3A_114 {strides = array<i32>} : memref<80x80xf32, #tpu.memory_space<vmem>>, vector<1x16xf32>,
      %add3A_115 = arith.constant 4 : i32
      %add3A_116 = vector.broadcast %add3A_115 : i32 to vector<16xi32>
      %add3A_117 = arith.addi %shift_right_arithmetic3A_26, %add3A_116 : vector<16xi32>
      %broadcast_in_dim3A_118 = vector.shape_cast %add3A_117 : vector<16xi32> to vector<16x1xi32>
      %gather3A_119 = vector.shape_cast %broadcast_in_dim3A_118 : vector<16x1xi32> to vector<16xi32>
      %gather3A_120 = tpu.dynamic_gather %exp3A[%gather3A_119] in [0] : vector<16xf32>, vector<16xi32> -> vector<16xf32>
      %get3A_121 = arith.index_cast %scan3A_68 : i32 to index
      %get3A_122 = arith.constant 32 : index
      %get3A_123 = tpu.vector_load %arg12[%get3A_121, %get3A_122] {strides = array<i32>} : memref<80x80xf32, #tpu.memory_space<vmem>>, vector<1x16xf32>,
      %get3A_124 = vector.shape_cast %get3A_123 : vector<1x16xf32> to vector<16xf32>
      %mul3A_125 = arith.mulf %get3A_124, %gather3A_120 : vector<16xf32>
      %swap3A_126 = arith.index_cast %scan3A_68 : i32 to index
      %swap3A_127 = arith.constant 32 : index
      %swap3A_128 = tpu.vector_load %arg16[%swap3A_126, %swap3A_127] {strides = array<i32>} : memref<80x80xf32, #tpu.memory_space<vmem>>, vector<1x16xf32>,
      %swap3A_129 = vector.shape_cast %swap3A_128 : vector<1x16xf32> to vector<16xf32>
      %swap3A_130 = vector.shape_cast %mul3A_125 : vector<16xf32> to vector<1x16xf32>
      tpu.vector_store %arg16[%swap3A_126, %swap3A_127], %swap3A_130 {strides = array<i32>} : memref<80x80xf32, #tpu.memory_space<vmem>>, vector<1x16xf32>,
      %add3A_131 = arith.constant 6 : i32
      %add3A_132 = vector.broadcast %add3A_131 : i32 to vector<16xi32>
      %add3A_133 = arith.addi %shift_right_arithmetic3A_26, %add3A_132 : vector<16xi32>
      %broadcast_in_dim3A_134 = vector.shape_cast %add3A_133 : vector<16xi32> to vector<16x1xi32>
      %gather3A_135 = vector.shape_cast %broadcast_in_dim3A_134 : vector<16x1xi32> to vector<16xi32>
      %gather3A_136 = tpu.dynamic_gather %exp3A[%gather3A_135] in [0] : vector<16xf32>, vector<16xi32> -> vector<16xf32>
      %get3A_137 = arith.index_cast %scan3A_68 : i32 to index
      %get3A_138 = arith.constant 48 : index
      %get3A_139 = tpu.vector_load %arg12[%get3A_137, %get3A_138] {strides = array<i32>} : memref<80x80xf32, #tpu.memory_space<vmem>>, vector<1x16xf32>,
      %get3A_140 = vector.shape_cast %get3A_139 : vector<1x16xf32> to vector<16xf32>
      %mul3A_141 = arith.mulf %get3A_140, %gather3A_136 : vector<16xf32>
      %swap3A_142 = arith.index_cast %scan3A_68 : i32 to index
      %swap3A_143 = arith.constant 48 : index
      %swap3A_144 = tpu.vector_load %arg16[%swap3A_142, %swap3A_143] {strides = array<i32>} : memref<80x80xf32, #tpu.memory_space<vmem>>, vector<1x16xf32>,
      %swap3A_145 = vector.shape_cast %swap3A_144 : vector<1x16xf32> to vector<16xf32>
      %swap3A_146 = vector.shape_cast %mul3A_141 : vector<16xf32> to vector<1x16xf32>
      tpu.vector_store %arg16[%swap3A_142, %swap3A_143], %swap3A_146 {strides = array<i32>} : memref<80x80xf32, #tpu.memory_space<vmem>>, vector<1x16xf32>,
      %scan3A_147 = arith.constant 0 : i32
      scf.yield %scan3A_147 : i32
    }
    %scan3A_62 = arith.constant 80 : i32
    "tpu.region"() ({
      %run_scoped3A = tpu.sem_alloc : memref<!tpu.dma_semaphore, #tpu.memory_space<semaphore_mem>>
      %dma_start3A_68 = arith.constant 0 : i32
      %dma_start3A_69 = arith.constant 0 : i32
      %dma_start3A_70 = tpu.memref_slice %arg7[%dma_start3A_68, %dma_start3A_69] : memref<10000x80xf32, #tpu.memory_space<vmem_shared>> -> memref<10000x80xf32, #tpu.memory_space<vmem_shared>>
      tpu.enqueue_indirect_dma source(%arg16 : memref<80x80xf32, #tpu.memory_space<vmem>>) target(%dma_start3A_70 : memref<10000x80xf32, #tpu.memory_space<vmem_shared>>) offsets(%arg10 : memref<80xi32, #tpu.memory_space<vmem>>) semaphore(%run_scoped3A : memref<!tpu.dma_semaphore, #tpu.memory_space<semaphore_mem>>) {add = true}
      %dma_wait3A_71 = arith.constant 0 : i32
      %dma_wait3A_72 = arith.constant 0 : i32
      %dma_wait3A_73 = tpu.memref_slice %arg7[%dma_wait3A_71, %dma_wait3A_72] : memref<10000x80xf32, #tpu.memory_space<vmem_shared>> -> memref<10000x80xf32, #tpu.memory_space<vmem_shared>>
      tpu.wait_indirect_dma semaphore(%run_scoped3A : memref<!tpu.dma_semaphore, #tpu.memory_space<semaphore_mem>>) src(%arg16 : memref<80x80xf32, #tpu.memory_space<vmem>>) dst(%dma_wait3A_73 : memref<10000x80xf32, #tpu.memory_space<vmem_shared>>)
      tpu.yield
    }) : () -> ()
    %barrier3A_63 = arith.constant 0 : index
    tpu.barrier barrier_id(%barrier3A_63)
    %mul3A_64 = arith.constant 624 : i32
    %mul3A_65 = arith.muli %arg1, %mul3A_64 : i32
    "tpu.region"() ({
      %run_scoped3A = tpu.sem_alloc : memref<!tpu.dma_semaphore, #tpu.memory_space<semaphore_mem>>
      %dma_start3A_68 = arith.constant 0 : i32
      %dma_start3A_69 = tpu.memref_slice %arg6[%arg0, %mul3A_65, %dma_start3A_68] : memref<2x10000x80xf32, #tpu.memory_space<hbm>> -> memref<1x624x80xf32, #tpu.memory_space<hbm>>
      %dma_start3A_70 = tpu.memref_squeeze %dma_start3A_69 : memref<1x624x80xf32, #tpu.memory_space<hbm>> -> memref<624x80xf32, #tpu.memory_space<hbm>>
      %dma_start3A_71 = arith.constant 0 : i32
      %dma_start3A_72 = tpu.memref_slice %arg7[%mul3A_65, %dma_start3A_71] : memref<10000x80xf32, #tpu.memory_space<vmem_shared>> -> memref<624x80xf32, #tpu.memory_space<vmem_shared>>
      tpu.enqueue_dma source(%dma_start3A_72 : memref<624x80xf32, #tpu.memory_space<vmem_shared>>) target(%dma_start3A_70 : memref<624x80xf32, #tpu.memory_space<hbm>>) target_semaphore(%run_scoped3A : memref<!tpu.dma_semaphore, #tpu.memory_space<semaphore_mem>>)
      %dma_wait3A_73 = arith.constant 0 : i32
      %dma_wait3A_74 = tpu.memref_slice %arg6[%arg0, %mul3A_65, %dma_wait3A_73] : memref<2x10000x80xf32, #tpu.memory_space<hbm>> -> memref<1x624x80xf32, #tpu.memory_space<hbm>>
      %dma_wait3A_75 = tpu.memref_squeeze %dma_wait3A_74 : memref<1x624x80xf32, #tpu.memory_space<hbm>> -> memref<624x80xf32, #tpu.memory_space<hbm>>
      %dma_wait3A_76 = arith.constant 0 : i32
      %dma_wait3A_77 = tpu.memref_slice %arg7[%mul3A_65, %dma_wait3A_76] : memref<10000x80xf32, #tpu.memory_space<vmem_shared>> -> memref<624x80xf32, #tpu.memory_space<vmem_shared>>
      tpu.wait_dma2 semaphore(%run_scoped3A : memref<!tpu.dma_semaphore, #tpu.memory_space<semaphore_mem>>) src(%dma_wait3A_77 : memref<624x80xf32, #tpu.memory_space<vmem_shared>>) dst(%dma_wait3A_75 : memref<624x80xf32, #tpu.memory_space<hbm>>)
      tpu.yield
    }) : () -> ()
    %eq3A = arith.constant 15 : i32
    %eq3A_66 = arith.cmpi eq, %arg1, %eq3A : i32
    %convert_element_type3A = arith.extui %eq3A_66 : i1 to i32
    %cond3A = arith.constant 0 : i32
    %cond3A_67 = arith.cmpi ne, %convert_element_type3A, %cond3A : i32
    scf.if %cond3A_67 {
      "tpu.region"() ({
        %run_scoped3A = tpu.sem_alloc : memref<!tpu.dma_semaphore, #tpu.memory_space<semaphore_mem>>
        %dma_start3A_68 = arith.constant 9984 : i32
        %dma_start3A_69 = arith.constant 0 : i32
        %dma_start3A_70 = tpu.memref_slice %arg6[%arg0, %dma_start3A_68, %dma_start3A_69] : memref<2x10000x80xf32, #tpu.memory_space<hbm>> -> memref<1x16x80xf32, #tpu.memory_space<hbm>>
        %dma_start3A_71 = tpu.memref_squeeze %dma_start3A_70 : memref<1x16x80xf32, #tpu.memory_space<hbm>> -> memref<16x80xf32, #tpu.memory_space<hbm>>
        %dma_start3A_72 = arith.constant 9984 : i32
        %dma_start3A_73 = arith.constant 0 : i32
        %dma_start3A_74 = tpu.memref_slice %arg7[%dma_start3A_72, %dma_start3A_73] : memref<10000x80xf32, #tpu.memory_space<vmem_shared>> -> memref<16x80xf32, #tpu.memory_space<vmem_shared>>
        tpu.enqueue_dma source(%dma_start3A_74 : memref<16x80xf32, #tpu.memory_space<vmem_shared>>) target(%dma_start3A_71 : memref<16x80xf32, #tpu.memory_space<hbm>>) target_semaphore(%run_scoped3A : memref<!tpu.dma_semaphore, #tpu.memory_space<semaphore_mem>>)
        %dma_wait3A_75 = arith.constant 9984 : i32
        %dma_wait3A_76 = arith.constant 0 : i32
        %dma_wait3A_77 = tpu.memref_slice %arg6[%arg0, %dma_wait3A_75, %dma_wait3A_76] : memref<2x10000x80xf32, #tpu.memory_space<hbm>> -> memref<1x16x80xf32, #tpu.memory_space<hbm>>
        %dma_wait3A_78 = tpu.memref_squeeze %dma_wait3A_77 : memref<1x16x80xf32, #tpu.memory_space<hbm>> -> memref<16x80xf32, #tpu.memory_space<hbm>>
        %dma_wait3A_79 = arith.constant 9984 : i32
        %dma_wait3A_80 = arith.constant 0 : i32
        %dma_wait3A_81 = tpu.memref_slice %arg7[%dma_wait3A_79, %dma_wait3A_80] : memref<10000x80xf32, #tpu.memory_space<vmem_shared>> -> memref<16x80xf32, #tpu.memory_space<vmem_shared>>
        tpu.wait_dma2 semaphore(%run_scoped3A : memref<!tpu.dma_semaphore, #tpu.memory_space<semaphore_mem>>) src(%dma_wait3A_81 : memref<16x80xf32, #tpu.memory_space<vmem_shared>>) dst(%dma_wait3A_78 : memref<16x80xf32, #tpu.memory_space<hbm>>)
        tpu.yield
      }) : () -> ()
    } else {
    }
    return
  }
}

#map = affine_map<(d0, d1) -> (0, 0)>
#map1 = affine_map<(d0, d1) -> (0)>
#map2 = affine_map<(d0, d1) -> (0, 0, 0)>
module attributes {stable_mosaic.version = 14 : i64} {
  func.func @k(%arg0: i32, %arg1: i32, %arg2: memref<10000x80xf32, #tpu.memory_space<hbm>>, %arg3: memref<10000x16xf32, #tpu.memory_space<hbm>>, %arg4: memref<320000xi32, #tpu.memory_space<hbm>>, %arg5: memref<320000xi32, #tpu.memory_space<hbm>>, %arg6: memref<2x10000x80xf32, #tpu.memory_space<hbm>>, %arg7: memref<10000x80xf32, #tpu.memory_space<vmem_shared>>, %arg8: memref<80xi32, #tpu.memory_space<vmem>>, %arg9: memref<80xi32, #tpu.memory_space<vmem>>, %arg10: memref<80xi32, #tpu.memory_space<vmem>>, %arg11: memref<80xi32, #tpu.memory_space<vmem>>, %arg12: memref<80x80xf32, #tpu.memory_space<vmem>>, %arg13: memref<80x80xf32, #tpu.memory_space<vmem>>, %arg14: memref<80x16xf32, #tpu.memory_space<vmem>>, %arg15: memref<80x16xf32, #tpu.memory_space<vmem>>, %arg16: memref<80x80xf32, #tpu.memory_space<vmem>>, %arg17: memref<80x80xf32, #tpu.memory_space<vmem>>, %arg18: memref<!tpu.dma_semaphore, #tpu.memory_space<semaphore_mem>>, %arg19: memref<!tpu.dma_semaphore, #tpu.memory_space<semaphore_mem>>, %arg20: memref<!tpu.dma_semaphore, #tpu.memory_space<semaphore_mem>>, %arg21: memref<!tpu.dma_semaphore, #tpu.memory_space<semaphore_mem>>) attributes {dimension_semantics = [#tpu.dimension_semantics<core_parallel>, #tpu.dimension_semantics<subcore_parallel>], iteration_bounds = array<i64: 2, 16>, scalar_prefetch = 0 : i64, scratch_operands = 15 : i64, tpu.core_type = #tpu.core_type<sc_vector_subcore>, window_params = [{transform_indices = #map}, {transform_indices = #map}, {transform_indices = #map1}, {transform_indices = #map1}, {transform_indices = #map2}]} {
    %mul3A = arith.constant 16 : i32
    %mul3A_0 = arith.muli %arg0, %mul3A : i32
    %add3A = arith.addi %mul3A_0, %arg1 : i32
    %mul3A_1 = arith.constant 625 : i32
    %mul3A_2 = arith.muli %arg1, %mul3A_1 : i32
    %scan3A = arith.constant 0 : i32
    %scan3A_3 = arith.constant 0 : i32
    %scan3A_4 = arith.constant 400 : i32
    %scan3A_5 = arith.addi %scan3A_3, %scan3A_4 : i32
    %scan3A_6 = arith.constant 1 : i32
    %scan3A_7 = scf.for %scan3A_66 = %scan3A_3 to %scan3A_5 step %scan3A_6 iter_args(%scan3A_67 = %scan3A) -> (i32)  : i32 {
      %jit3A = arith.constant 5 : i32
      %div3A = arith.divsi %scan3A_66, %jit3A : i32
      %sign3A = arith.constant 0 : i32
      %sign3A_68 = arith.cmpi sgt, %scan3A_66, %sign3A : i32
      %sign3A_69 = arith.extui %sign3A_68 : i1 to i32
      %sign3A_70 = arith.constant 0 : i32
      %sign3A_71 = arith.cmpi slt, %scan3A_66, %sign3A_70 : i32
      %sign3A_72 = arith.extui %sign3A_71 : i1 to i32
      %sign3A_73 = arith.subi %sign3A_69, %sign3A_72 : i32
      %sign3A_74 = arith.constant 0 : i32
      %sign3A_75 = arith.cmpi sgt, %jit3A, %sign3A_74 : i32
      %sign3A_76 = arith.extui %sign3A_75 : i1 to i32
      %sign3A_77 = arith.constant 0 : i32
      %sign3A_78 = arith.cmpi slt, %jit3A, %sign3A_77 : i32
      %sign3A_79 = arith.extui %sign3A_78 : i1 to i32
      %sign3A_80 = arith.subi %sign3A_76, %sign3A_79 : i32
      %ne3A = arith.cmpi ne, %sign3A_73, %sign3A_80 : i32
      %rem3A = arith.remsi %scan3A_66, %jit3A : i32
      %ne3A_81 = arith.constant 0 : i32
      %ne3A_82 = arith.cmpi ne, %rem3A, %ne3A_81 : i32
      %and3A = arith.andi %ne3A, %ne3A_82 : i1
      %sub3A = arith.constant 1 : i32
      %sub3A_83 = arith.subi %div3A, %sub3A : i32
      %select_n3A = arith.select %and3A, %sub3A_83, %div3A : i32
      %jit3A_84 = arith.constant 5 : i32
      %eq3A_85 = arith.constant 0 : i32
      %eq3A_86 = arith.cmpi eq, %jit3A_84, %eq3A_85 : i32
      %jit3A_87 = arith.constant 1 : i32
      %select_n3A_88 = arith.select %eq3A_86, %jit3A_87, %jit3A_84 : i32
      %rem3A_89 = arith.remsi %scan3A_66, %select_n3A_88 : i32
      %ne3A_90 = arith.constant 0 : i32
      %ne3A_91 = arith.cmpi ne, %rem3A_89, %ne3A_90 : i32
      %lt3A = arith.constant 0 : i32
      %lt3A_92 = arith.cmpi slt, %rem3A_89, %lt3A : i32
      %lt3A_93 = arith.constant 0 : i32
      %lt3A_94 = arith.cmpi slt, %select_n3A_88, %lt3A_93 : i32
      %ne3A_95 = arith.xori %lt3A_92, %lt3A_94 : i1
      %and3A_96 = arith.andi %ne3A_95, %ne3A_91 : i1
      %add3A_97 = arith.addi %rem3A_89, %select_n3A_88 : i32
      %select_n3A_98 = arith.select %and3A_96, %add3A_97, %rem3A_89 : i32
      %mul3A_99 = arith.constant 16 : i32
      %mul3A_100 = arith.muli %select_n3A_98, %mul3A_99 : i32
      %broadcast_in_dim3A = arith.constant 0.000000e+00 : f32
      %broadcast_in_dim3A_101 = vector.broadcast %broadcast_in_dim3A : f32 to vector<16xf32>
      %swap3A = arith.index_cast %select_n3A : i32 to index
      %swap3A_102 = arith.index_cast %mul3A_100 : i32 to index
      %swap3A_103 = tpu.vector_load %arg16[%swap3A, %swap3A_102] {strides = array<i32>} : memref<80x80xf32, #tpu.memory_space<vmem>>, vector<1x16xf32>,
      %swap3A_104 = vector.shape_cast %swap3A_103 : vector<1x16xf32> to vector<16xf32>
      %swap3A_105 = vector.shape_cast %broadcast_in_dim3A_101 : vector<16xf32> to vector<1x16xf32>
      tpu.vector_store %arg16[%swap3A, %swap3A_102], %swap3A_105 {strides = array<i32>} : memref<80x80xf32, #tpu.memory_space<vmem>>, vector<1x16xf32>,
      %scan3A_106 = arith.constant 0 : i32
      scf.yield %scan3A_106 : i32
    }
    %scan3A_8 = arith.constant 400 : i32
    %add3A_9 = arith.constant 0 : i32
    %add3A_10 = arith.addi %mul3A_2, %add3A_9 : i32
    "tpu.region"() ({
      %run_scoped3A = tpu.sem_alloc : memref<!tpu.dma_semaphore, #tpu.memory_space<semaphore_mem>>
      %dma_start3A_66 = arith.constant 0 : i32
      %dma_start3A_67 = tpu.memref_slice %arg7[%add3A_10, %dma_start3A_66] : memref<10000x80xf32, #tpu.memory_space<vmem_shared>> -> memref<80x80xf32, #tpu.memory_space<vmem_shared>>
      %dma_start3A_68 = arith.constant 0 : i32
      %dma_start3A_69 = tpu.memref_slice %arg7[%add3A_10, %dma_start3A_68] : memref<10000x80xf32, #tpu.memory_space<vmem_shared>> -> memref<80x80xf32, #tpu.memory_space<vmem_shared>>
      tpu.enqueue_dma source(%arg16 : memref<80x80xf32, #tpu.memory_space<vmem>>) target(%dma_start3A_69 : memref<80x80xf32, #tpu.memory_space<vmem_shared>>) target_semaphore(%run_scoped3A : memref<!tpu.dma_semaphore, #tpu.memory_space<semaphore_mem>>)
      %dma_wait3A_70 = arith.constant 0 : i32
      %dma_wait3A_71 = tpu.memref_slice %arg7[%add3A_10, %dma_wait3A_70] : memref<10000x80xf32, #tpu.memory_space<vmem_shared>> -> memref<80x80xf32, #tpu.memory_space<vmem_shared>>
      %dma_wait3A_72 = arith.constant 0 : i32
      %dma_wait3A_73 = tpu.memref_slice %arg7[%add3A_10, %dma_wait3A_72] : memref<10000x80xf32, #tpu.memory_space<vmem_shared>> -> memref<80x80xf32, #tpu.memory_space<vmem_shared>>
      tpu.wait_dma2 semaphore(%run_scoped3A : memref<!tpu.dma_semaphore, #tpu.memory_space<semaphore_mem>>) src(%arg16 : memref<80x80xf32, #tpu.memory_space<vmem>>) dst(%dma_wait3A_73 : memref<80x80xf32, #tpu.memory_space<vmem_shared>>)
      tpu.yield
    }) : () -> ()
    %add3A_11 = arith.constant 80 : i32
    %add3A_12 = arith.addi %mul3A_2, %add3A_11 : i32
    "tpu.region"() ({
      %run_scoped3A = tpu.sem_alloc : memref<!tpu.dma_semaphore, #tpu.memory_space<semaphore_mem>>
      %dma_start3A_66 = arith.constant 0 : i32
      %dma_start3A_67 = tpu.memref_slice %arg7[%add3A_12, %dma_start3A_66] : memref<10000x80xf32, #tpu.memory_space<vmem_shared>> -> memref<80x80xf32, #tpu.memory_space<vmem_shared>>
      %dma_start3A_68 = arith.constant 0 : i32
      %dma_start3A_69 = tpu.memref_slice %arg7[%add3A_12, %dma_start3A_68] : memref<10000x80xf32, #tpu.memory_space<vmem_shared>> -> memref<80x80xf32, #tpu.memory_space<vmem_shared>>
      tpu.enqueue_dma source(%arg16 : memref<80x80xf32, #tpu.memory_space<vmem>>) target(%dma_start3A_69 : memref<80x80xf32, #tpu.memory_space<vmem_shared>>) target_semaphore(%run_scoped3A : memref<!tpu.dma_semaphore, #tpu.memory_space<semaphore_mem>>)
      %dma_wait3A_70 = arith.constant 0 : i32
      %dma_wait3A_71 = tpu.memref_slice %arg7[%add3A_12, %dma_wait3A_70] : memref<10000x80xf32, #tpu.memory_space<vmem_shared>> -> memref<80x80xf32, #tpu.memory_space<vmem_shared>>
      %dma_wait3A_72 = arith.constant 0 : i32
      %dma_wait3A_73 = tpu.memref_slice %arg7[%add3A_12, %dma_wait3A_72] : memref<10000x80xf32, #tpu.memory_space<vmem_shared>> -> memref<80x80xf32, #tpu.memory_space<vmem_shared>>
      tpu.wait_dma2 semaphore(%run_scoped3A : memref<!tpu.dma_semaphore, #tpu.memory_space<semaphore_mem>>) src(%arg16 : memref<80x80xf32, #tpu.memory_space<vmem>>) dst(%dma_wait3A_73 : memref<80x80xf32, #tpu.memory_space<vmem_shared>>)
      tpu.yield
    }) : () -> ()
    %add3A_13 = arith.constant 160 : i32
    %add3A_14 = arith.addi %mul3A_2, %add3A_13 : i32
    "tpu.region"() ({
      %run_scoped3A = tpu.sem_alloc : memref<!tpu.dma_semaphore, #tpu.memory_space<semaphore_mem>>
      %dma_start3A_66 = arith.constant 0 : i32
      %dma_start3A_67 = tpu.memref_slice %arg7[%add3A_14, %dma_start3A_66] : memref<10000x80xf32, #tpu.memory_space<vmem_shared>> -> memref<80x80xf32, #tpu.memory_space<vmem_shared>>
      %dma_start3A_68 = arith.constant 0 : i32
      %dma_start3A_69 = tpu.memref_slice %arg7[%add3A_14, %dma_start3A_68] : memref<10000x80xf32, #tpu.memory_space<vmem_shared>> -> memref<80x80xf32, #tpu.memory_space<vmem_shared>>
      tpu.enqueue_dma source(%arg16 : memref<80x80xf32, #tpu.memory_space<vmem>>) target(%dma_start3A_69 : memref<80x80xf32, #tpu.memory_space<vmem_shared>>) target_semaphore(%run_scoped3A : memref<!tpu.dma_semaphore, #tpu.memory_space<semaphore_mem>>)
      %dma_wait3A_70 = arith.constant 0 : i32
      %dma_wait3A_71 = tpu.memref_slice %arg7[%add3A_14, %dma_wait3A_70] : memref<10000x80xf32, #tpu.memory_space<vmem_shared>> -> memref<80x80xf32, #tpu.memory_space<vmem_shared>>
      %dma_wait3A_72 = arith.constant 0 : i32
      %dma_wait3A_73 = tpu.memref_slice %arg7[%add3A_14, %dma_wait3A_72] : memref<10000x80xf32, #tpu.memory_space<vmem_shared>> -> memref<80x80xf32, #tpu.memory_space<vmem_shared>>
      tpu.wait_dma2 semaphore(%run_scoped3A : memref<!tpu.dma_semaphore, #tpu.memory_space<semaphore_mem>>) src(%arg16 : memref<80x80xf32, #tpu.memory_space<vmem>>) dst(%dma_wait3A_73 : memref<80x80xf32, #tpu.memory_space<vmem_shared>>)
      tpu.yield
    }) : () -> ()
    %add3A_15 = arith.constant 240 : i32
    %add3A_16 = arith.addi %mul3A_2, %add3A_15 : i32
    "tpu.region"() ({
      %run_scoped3A = tpu.sem_alloc : memref<!tpu.dma_semaphore, #tpu.memory_space<semaphore_mem>>
      %dma_start3A_66 = arith.constant 0 : i32
      %dma_start3A_67 = tpu.memref_slice %arg7[%add3A_16, %dma_start3A_66] : memref<10000x80xf32, #tpu.memory_space<vmem_shared>> -> memref<80x80xf32, #tpu.memory_space<vmem_shared>>
      %dma_start3A_68 = arith.constant 0 : i32
      %dma_start3A_69 = tpu.memref_slice %arg7[%add3A_16, %dma_start3A_68] : memref<10000x80xf32, #tpu.memory_space<vmem_shared>> -> memref<80x80xf32, #tpu.memory_space<vmem_shared>>
      tpu.enqueue_dma source(%arg16 : memref<80x80xf32, #tpu.memory_space<vmem>>) target(%dma_start3A_69 : memref<80x80xf32, #tpu.memory_space<vmem_shared>>) target_semaphore(%run_scoped3A : memref<!tpu.dma_semaphore, #tpu.memory_space<semaphore_mem>>)
      %dma_wait3A_70 = arith.constant 0 : i32
      %dma_wait3A_71 = tpu.memref_slice %arg7[%add3A_16, %dma_wait3A_70] : memref<10000x80xf32, #tpu.memory_space<vmem_shared>> -> memref<80x80xf32, #tpu.memory_space<vmem_shared>>
      %dma_wait3A_72 = arith.constant 0 : i32
      %dma_wait3A_73 = tpu.memref_slice %arg7[%add3A_16, %dma_wait3A_72] : memref<10000x80xf32, #tpu.memory_space<vmem_shared>> -> memref<80x80xf32, #tpu.memory_space<vmem_shared>>
      tpu.wait_dma2 semaphore(%run_scoped3A : memref<!tpu.dma_semaphore, #tpu.memory_space<semaphore_mem>>) src(%arg16 : memref<80x80xf32, #tpu.memory_space<vmem>>) dst(%dma_wait3A_73 : memref<80x80xf32, #tpu.memory_space<vmem_shared>>)
      tpu.yield
    }) : () -> ()
    %add3A_17 = arith.constant 320 : i32
    %add3A_18 = arith.addi %mul3A_2, %add3A_17 : i32
    "tpu.region"() ({
      %run_scoped3A = tpu.sem_alloc : memref<!tpu.dma_semaphore, #tpu.memory_space<semaphore_mem>>
      %dma_start3A_66 = arith.constant 0 : i32
      %dma_start3A_67 = tpu.memref_slice %arg7[%add3A_18, %dma_start3A_66] : memref<10000x80xf32, #tpu.memory_space<vmem_shared>> -> memref<80x80xf32, #tpu.memory_space<vmem_shared>>
      %dma_start3A_68 = arith.constant 0 : i32
      %dma_start3A_69 = tpu.memref_slice %arg7[%add3A_18, %dma_start3A_68] : memref<10000x80xf32, #tpu.memory_space<vmem_shared>> -> memref<80x80xf32, #tpu.memory_space<vmem_shared>>
      tpu.enqueue_dma source(%arg16 : memref<80x80xf32, #tpu.memory_space<vmem>>) target(%dma_start3A_69 : memref<80x80xf32, #tpu.memory_space<vmem_shared>>) target_semaphore(%run_scoped3A : memref<!tpu.dma_semaphore, #tpu.memory_space<semaphore_mem>>)
      %dma_wait3A_70 = arith.constant 0 : i32
      %dma_wait3A_71 = tpu.memref_slice %arg7[%add3A_18, %dma_wait3A_70] : memref<10000x80xf32, #tpu.memory_space<vmem_shared>> -> memref<80x80xf32, #tpu.memory_space<vmem_shared>>
      %dma_wait3A_72 = arith.constant 0 : i32
      %dma_wait3A_73 = tpu.memref_slice %arg7[%add3A_18, %dma_wait3A_72] : memref<10000x80xf32, #tpu.memory_space<vmem_shared>> -> memref<80x80xf32, #tpu.memory_space<vmem_shared>>
      tpu.wait_dma2 semaphore(%run_scoped3A : memref<!tpu.dma_semaphore, #tpu.memory_space<semaphore_mem>>) src(%arg16 : memref<80x80xf32, #tpu.memory_space<vmem>>) dst(%dma_wait3A_73 : memref<80x80xf32, #tpu.memory_space<vmem_shared>>)
      tpu.yield
    }) : () -> ()
    %add3A_19 = arith.constant 400 : i32
    %add3A_20 = arith.addi %mul3A_2, %add3A_19 : i32
    "tpu.region"() ({
      %run_scoped3A = tpu.sem_alloc : memref<!tpu.dma_semaphore, #tpu.memory_space<semaphore_mem>>
      %dma_start3A_66 = arith.constant 0 : i32
      %dma_start3A_67 = tpu.memref_slice %arg7[%add3A_20, %dma_start3A_66] : memref<10000x80xf32, #tpu.memory_space<vmem_shared>> -> memref<80x80xf32, #tpu.memory_space<vmem_shared>>
      %dma_start3A_68 = arith.constant 0 : i32
      %dma_start3A_69 = tpu.memref_slice %arg7[%add3A_20, %dma_start3A_68] : memref<10000x80xf32, #tpu.memory_space<vmem_shared>> -> memref<80x80xf32, #tpu.memory_space<vmem_shared>>
      tpu.enqueue_dma source(%arg16 : memref<80x80xf32, #tpu.memory_space<vmem>>) target(%dma_start3A_69 : memref<80x80xf32, #tpu.memory_space<vmem_shared>>) target_semaphore(%run_scoped3A : memref<!tpu.dma_semaphore, #tpu.memory_space<semaphore_mem>>)
      %dma_wait3A_70 = arith.constant 0 : i32
      %dma_wait3A_71 = tpu.memref_slice %arg7[%add3A_20, %dma_wait3A_70] : memref<10000x80xf32, #tpu.memory_space<vmem_shared>> -> memref<80x80xf32, #tpu.memory_space<vmem_shared>>
      %dma_wait3A_72 = arith.constant 0 : i32
      %dma_wait3A_73 = tpu.memref_slice %arg7[%add3A_20, %dma_wait3A_72] : memref<10000x80xf32, #tpu.memory_space<vmem_shared>> -> memref<80x80xf32, #tpu.memory_space<vmem_shared>>
      tpu.wait_dma2 semaphore(%run_scoped3A : memref<!tpu.dma_semaphore, #tpu.memory_space<semaphore_mem>>) src(%arg16 : memref<80x80xf32, #tpu.memory_space<vmem>>) dst(%dma_wait3A_73 : memref<80x80xf32, #tpu.memory_space<vmem_shared>>)
      tpu.yield
    }) : () -> ()
    %add3A_21 = arith.constant 480 : i32
    %add3A_22 = arith.addi %mul3A_2, %add3A_21 : i32
    "tpu.region"() ({
      %run_scoped3A = tpu.sem_alloc : memref<!tpu.dma_semaphore, #tpu.memory_space<semaphore_mem>>
      %dma_start3A_66 = arith.constant 0 : i32
      %dma_start3A_67 = tpu.memref_slice %arg7[%add3A_22, %dma_start3A_66] : memref<10000x80xf32, #tpu.memory_space<vmem_shared>> -> memref<80x80xf32, #tpu.memory_space<vmem_shared>>
      %dma_start3A_68 = arith.constant 0 : i32
      %dma_start3A_69 = tpu.memref_slice %arg7[%add3A_22, %dma_start3A_68] : memref<10000x80xf32, #tpu.memory_space<vmem_shared>> -> memref<80x80xf32, #tpu.memory_space<vmem_shared>>
      tpu.enqueue_dma source(%arg16 : memref<80x80xf32, #tpu.memory_space<vmem>>) target(%dma_start3A_69 : memref<80x80xf32, #tpu.memory_space<vmem_shared>>) target_semaphore(%run_scoped3A : memref<!tpu.dma_semaphore, #tpu.memory_space<semaphore_mem>>)
      %dma_wait3A_70 = arith.constant 0 : i32
      %dma_wait3A_71 = tpu.memref_slice %arg7[%add3A_22, %dma_wait3A_70] : memref<10000x80xf32, #tpu.memory_space<vmem_shared>> -> memref<80x80xf32, #tpu.memory_space<vmem_shared>>
      %dma_wait3A_72 = arith.constant 0 : i32
      %dma_wait3A_73 = tpu.memref_slice %arg7[%add3A_22, %dma_wait3A_72] : memref<10000x80xf32, #tpu.memory_space<vmem_shared>> -> memref<80x80xf32, #tpu.memory_space<vmem_shared>>
      tpu.wait_dma2 semaphore(%run_scoped3A : memref<!tpu.dma_semaphore, #tpu.memory_space<semaphore_mem>>) src(%arg16 : memref<80x80xf32, #tpu.memory_space<vmem>>) dst(%dma_wait3A_73 : memref<80x80xf32, #tpu.memory_space<vmem_shared>>)
      tpu.yield
    }) : () -> ()
    %add3A_23 = arith.constant 560 : i32
    %add3A_24 = arith.addi %mul3A_2, %add3A_23 : i32
    "tpu.region"() ({
      %run_scoped3A = tpu.sem_alloc : memref<!tpu.dma_semaphore, #tpu.memory_space<semaphore_mem>>
      %dma_start3A_66 = arith.constant 0 : i32
      %dma_start3A_67 = arith.constant 0 : i32
      %dma_start3A_68 = tpu.memref_slice %arg16[%dma_start3A_66, %dma_start3A_67] : memref<80x80xf32, #tpu.memory_space<vmem>> -> memref<65x80xf32, #tpu.memory_space<vmem>>
      %dma_start3A_69 = arith.constant 0 : i32
      %dma_start3A_70 = tpu.memref_slice %arg7[%add3A_24, %dma_start3A_69] : memref<10000x80xf32, #tpu.memory_space<vmem_shared>> -> memref<65x80xf32, #tpu.memory_space<vmem_shared>>
      %dma_start3A_71 = arith.constant 0 : i32
      %dma_start3A_72 = tpu.memref_slice %arg7[%add3A_24, %dma_start3A_71] : memref<10000x80xf32, #tpu.memory_space<vmem_shared>> -> memref<65x80xf32, #tpu.memory_space<vmem_shared>>
      %dma_start3A_73 = arith.constant 0 : i32
      %dma_start3A_74 = arith.constant 0 : i32
      %dma_start3A_75 = tpu.memref_slice %arg16[%dma_start3A_73, %dma_start3A_74] : memref<80x80xf32, #tpu.memory_space<vmem>> -> memref<65x80xf32, #tpu.memory_space<vmem>>
      tpu.enqueue_dma source(%dma_start3A_75 : memref<65x80xf32, #tpu.memory_space<vmem>>) target(%dma_start3A_72 : memref<65x80xf32, #tpu.memory_space<vmem_shared>>) target_semaphore(%run_scoped3A : memref<!tpu.dma_semaphore, #tpu.memory_space<semaphore_mem>>)
      %dma_wait3A_76 = arith.constant 0 : i32
      %dma_wait3A_77 = arith.constant 0 : i32
      %dma_wait3A_78 = tpu.memref_slice %arg16[%dma_wait3A_76, %dma_wait3A_77] : memref<80x80xf32, #tpu.memory_space<vmem>> -> memref<65x80xf32, #tpu.memory_space<vmem>>
      %dma_wait3A_79 = arith.constant 0 : i32
      %dma_wait3A_80 = tpu.memref_slice %arg7[%add3A_24, %dma_wait3A_79] : memref<10000x80xf32, #tpu.memory_space<vmem_shared>> -> memref<65x80xf32, #tpu.memory_space<vmem_shared>>
      %dma_wait3A_81 = arith.constant 0 : i32
      %dma_wait3A_82 = tpu.memref_slice %arg7[%add3A_24, %dma_wait3A_81] : memref<10000x80xf32, #tpu.memory_space<vmem_shared>> -> memref<65x80xf32, #tpu.memory_space<vmem_shared>>
      %dma_wait3A_83 = arith.constant 0 : i32
      %dma_wait3A_84 = arith.constant 0 : i32
      %dma_wait3A_85 = tpu.memref_slice %arg16[%dma_wait3A_83, %dma_wait3A_84] : memref<80x80xf32, #tpu.memory_space<vmem>> -> memref<65x80xf32, #tpu.memory_space<vmem>>
      tpu.wait_dma2 semaphore(%run_scoped3A : memref<!tpu.dma_semaphore, #tpu.memory_space<semaphore_mem>>) src(%dma_wait3A_85 : memref<65x80xf32, #tpu.memory_space<vmem>>) dst(%dma_wait3A_82 : memref<65x80xf32, #tpu.memory_space<vmem_shared>>)
      tpu.yield
    }) : () -> ()
    %barrier3A = arith.constant 0 : index
    tpu.barrier barrier_id(%barrier3A)
    %scan3A_25 = arith.constant 0 : i32
    %scan3A_26 = arith.constant 0 : i32
    %scan3A_27 = arith.constant 62 : i32
    %scan3A_28 = arith.addi %scan3A_26, %scan3A_27 : i32
    %scan3A_29 = arith.constant 1 : i32
    %scan3A_30 = scf.for %scan3A_66 = %scan3A_26 to %scan3A_28 step %scan3A_29 iter_args(%scan3A_67 = %scan3A_25) -> (i32)  : i32 {
      %mul3A_68 = arith.constant 10000 : i32
      %mul3A_69 = arith.muli %add3A, %mul3A_68 : i32
      %mul3A_70 = arith.constant 2 : i32
      %mul3A_71 = arith.muli %mul3A_70, %scan3A_66 : i32
      %mul3A_72 = arith.constant 80 : i32
      %mul3A_73 = arith.muli %mul3A_71, %mul3A_72 : i32
      %add3A_74 = arith.addi %mul3A_69, %mul3A_73 : i32
      %add3A_75 = arith.constant 80 : i32
      %add3A_76 = arith.addi %add3A_74, %add3A_75 : i32
      %dma_start3A_77 = tpu.memref_slice %arg4[%add3A_74] : memref<320000xi32, #tpu.memory_space<hbm>> -> memref<80xi32, #tpu.memory_space<hbm>>
      %dma_start3A_78 = tpu.memref_slice %arg4[%add3A_74] : memref<320000xi32, #tpu.memory_space<hbm>> -> memref<80xi32, #tpu.memory_space<hbm>>
      tpu.enqueue_dma source(%dma_start3A_78 : memref<80xi32, #tpu.memory_space<hbm>>) target(%arg8 : memref<80xi32, #tpu.memory_space<vmem>>) target_semaphore(%arg18 : memref<!tpu.dma_semaphore, #tpu.memory_space<semaphore_mem>>)
      %dma_start3A_79 = tpu.memref_slice %arg5[%add3A_74] : memref<320000xi32, #tpu.memory_space<hbm>> -> memref<80xi32, #tpu.memory_space<hbm>>
      %dma_start3A_80 = tpu.memref_slice %arg5[%add3A_74] : memref<320000xi32, #tpu.memory_space<hbm>> -> memref<80xi32, #tpu.memory_space<hbm>>
      tpu.enqueue_dma source(%dma_start3A_80 : memref<80xi32, #tpu.memory_space<hbm>>) target(%arg10 : memref<80xi32, #tpu.memory_space<vmem>>) target_semaphore(%arg19 : memref<!tpu.dma_semaphore, #tpu.memory_space<semaphore_mem>>)
      %dma_start3A_81 = tpu.memref_slice %arg4[%add3A_76] : memref<320000xi32, #tpu.memory_space<hbm>> -> memref<80xi32, #tpu.memory_space<hbm>>
      %dma_start3A_82 = tpu.memref_slice %arg4[%add3A_76] : memref<320000xi32, #tpu.memory_space<hbm>> -> memref<80xi32, #tpu.memory_space<hbm>>
      tpu.enqueue_dma source(%dma_start3A_82 : memref<80xi32, #tpu.memory_space<hbm>>) target(%arg9 : memref<80xi32, #tpu.memory_space<vmem>>) target_semaphore(%arg20 : memref<!tpu.dma_semaphore, #tpu.memory_space<semaphore_mem>>)
      %dma_start3A_83 = tpu.memref_slice %arg5[%add3A_76] : memref<320000xi32, #tpu.memory_space<hbm>> -> memref<80xi32, #tpu.memory_space<hbm>>
      %dma_start3A_84 = tpu.memref_slice %arg5[%add3A_76] : memref<320000xi32, #tpu.memory_space<hbm>> -> memref<80xi32, #tpu.memory_space<hbm>>
      tpu.enqueue_dma source(%dma_start3A_84 : memref<80xi32, #tpu.memory_space<hbm>>) target(%arg11 : memref<80xi32, #tpu.memory_space<vmem>>) target_semaphore(%arg21 : memref<!tpu.dma_semaphore, #tpu.memory_space<semaphore_mem>>)
      %dma_wait3A_85 = tpu.memref_slice %arg4[%add3A_74] : memref<320000xi32, #tpu.memory_space<hbm>> -> memref<80xi32, #tpu.memory_space<hbm>>
      %dma_wait3A_86 = tpu.memref_slice %arg4[%add3A_74] : memref<320000xi32, #tpu.memory_space<hbm>> -> memref<80xi32, #tpu.memory_space<hbm>>
      tpu.wait_dma2 semaphore(%arg18 : memref<!tpu.dma_semaphore, #tpu.memory_space<semaphore_mem>>) src(%dma_wait3A_86 : memref<80xi32, #tpu.memory_space<hbm>>) dst(%arg8 : memref<80xi32, #tpu.memory_space<vmem>>)
      %dma_wait3A_87 = tpu.memref_slice %arg5[%add3A_74] : memref<320000xi32, #tpu.memory_space<hbm>> -> memref<80xi32, #tpu.memory_space<hbm>>
      %dma_wait3A_88 = tpu.memref_slice %arg5[%add3A_74] : memref<320000xi32, #tpu.memory_space<hbm>> -> memref<80xi32, #tpu.memory_space<hbm>>
      tpu.wait_dma2 semaphore(%arg19 : memref<!tpu.dma_semaphore, #tpu.memory_space<semaphore_mem>>) src(%dma_wait3A_88 : memref<80xi32, #tpu.memory_space<hbm>>) dst(%arg10 : memref<80xi32, #tpu.memory_space<vmem>>)
      %dma_start3A_89 = arith.constant 0 : i32
      %dma_start3A_90 = arith.constant 0 : i32
      %dma_start3A_91 = tpu.memref_slice %arg2[%dma_start3A_89, %dma_start3A_90] : memref<10000x80xf32, #tpu.memory_space<hbm>> -> memref<10000x80xf32, #tpu.memory_space<hbm>>
      tpu.enqueue_indirect_dma source(%dma_start3A_91 : memref<10000x80xf32, #tpu.memory_space<hbm>>) target(%arg12 : memref<80x80xf32, #tpu.memory_space<vmem>>) offsets(%arg8 : memref<80xi32, #tpu.memory_space<vmem>>) semaphore(%arg18 : memref<!tpu.dma_semaphore, #tpu.memory_space<semaphore_mem>>)
      %dma_start3A_92 = arith.constant 0 : i32
      %dma_start3A_93 = arith.constant 0 : i32
      %dma_start3A_94 = tpu.memref_slice %arg3[%dma_start3A_92, %dma_start3A_93] : memref<10000x16xf32, #tpu.memory_space<hbm>> -> memref<10000x16xf32, #tpu.memory_space<hbm>>
      tpu.enqueue_indirect_dma source(%dma_start3A_94 : memref<10000x16xf32, #tpu.memory_space<hbm>>) target(%arg14 : memref<80x16xf32, #tpu.memory_space<vmem>>) offsets(%arg10 : memref<80xi32, #tpu.memory_space<vmem>>) semaphore(%arg19 : memref<!tpu.dma_semaphore, #tpu.memory_space<semaphore_mem>>)
      %dma_wait3A_95 = tpu.memref_slice %arg4[%add3A_76] : memref<320000xi32, #tpu.memory_space<hbm>> -> memref<80xi32, #tpu.memory_space<hbm>>
      %dma_wait3A_96 = tpu.memref_slice %arg4[%add3A_76] : memref<320000xi32, #tpu.memory_space<hbm>> -> memref<80xi32, #tpu.memory_space<hbm>>
      tpu.wait_dma2 semaphore(%arg20 : memref<!tpu.dma_semaphore, #tpu.memory_space<semaphore_mem>>) src(%dma_wait3A_96 : memref<80xi32, #tpu.memory_space<hbm>>) dst(%arg9 : memref<80xi32, #tpu.memory_space<vmem>>)
      %dma_wait3A_97 = tpu.memref_slice %arg5[%add3A_76] : memref<320000xi32, #tpu.memory_space<hbm>> -> memref<80xi32, #tpu.memory_space<hbm>>
      %dma_wait3A_98 = tpu.memref_slice %arg5[%add3A_76] : memref<320000xi32, #tpu.memory_space<hbm>> -> memref<80xi32, #tpu.memory_space<hbm>>
      tpu.wait_dma2 semaphore(%arg21 : memref<!tpu.dma_semaphore, #tpu.memory_space<semaphore_mem>>) src(%dma_wait3A_98 : memref<80xi32, #tpu.memory_space<hbm>>) dst(%arg11 : memref<80xi32, #tpu.memory_space<vmem>>)
      %dma_start3A_99 = arith.constant 0 : i32
      %dma_start3A_100 = arith.constant 0 : i32
      %dma_start3A_101 = tpu.memref_slice %arg2[%dma_start3A_99, %dma_start3A_100] : memref<10000x80xf32, #tpu.memory_space<hbm>> -> memref<10000x80xf32, #tpu.memory_space<hbm>>
      tpu.enqueue_indirect_dma source(%dma_start3A_101 : memref<10000x80xf32, #tpu.memory_space<hbm>>) target(%arg13 : memref<80x80xf32, #tpu.memory_space<vmem>>) offsets(%arg9 : memref<80xi32, #tpu.memory_space<vmem>>) semaphore(%arg20 : memref<!tpu.dma_semaphore, #tpu.memory_space<semaphore_mem>>)
      %dma_start3A_102 = arith.constant 0 : i32
      %dma_start3A_103 = arith.constant 0 : i32
      %dma_start3A_104 = tpu.memref_slice %arg3[%dma_start3A_102, %dma_start3A_103] : memref<10000x16xf32, #tpu.memory_space<hbm>> -> memref<10000x16xf32, #tpu.memory_space<hbm>>
      tpu.enqueue_indirect_dma source(%dma_start3A_104 : memref<10000x16xf32, #tpu.memory_space<hbm>>) target(%arg15 : memref<80x16xf32, #tpu.memory_space<vmem>>) offsets(%arg11 : memref<80xi32, #tpu.memory_space<vmem>>) semaphore(%arg21 : memref<!tpu.dma_semaphore, #tpu.memory_space<semaphore_mem>>)
      %dma_wait3A_105 = arith.constant 0 : i32
      %dma_wait3A_106 = arith.constant 0 : i32
      %dma_wait3A_107 = tpu.memref_slice %arg2[%dma_wait3A_105, %dma_wait3A_106] : memref<10000x80xf32, #tpu.memory_space<hbm>> -> memref<10000x80xf32, #tpu.memory_space<hbm>>
      tpu.wait_indirect_dma semaphore(%arg18 : memref<!tpu.dma_semaphore, #tpu.memory_space<semaphore_mem>>) src(%dma_wait3A_107 : memref<10000x80xf32, #tpu.memory_space<hbm>>) dst(%arg12 : memref<80x80xf32, #tpu.memory_space<vmem>>)
      %dma_wait3A_108 = arith.constant 0 : i32
      %dma_wait3A_109 = arith.constant 0 : i32
      %dma_wait3A_110 = tpu.memref_slice %arg3[%dma_wait3A_108, %dma_wait3A_109] : memref<10000x16xf32, #tpu.memory_space<hbm>> -> memref<10000x16xf32, #tpu.memory_space<hbm>>
      tpu.wait_indirect_dma semaphore(%arg19 : memref<!tpu.dma_semaphore, #tpu.memory_space<semaphore_mem>>) src(%dma_wait3A_110 : memref<10000x16xf32, #tpu.memory_space<hbm>>) dst(%arg14 : memref<80x16xf32, #tpu.memory_space<vmem>>)
      %scan3A_111 = arith.constant 0 : i32
      %scan3A_112 = arith.constant 0 : i32
      %scan3A_113 = arith.constant 80 : i32
      %scan3A_114 = arith.addi %scan3A_112, %scan3A_113 : i32
      %scan3A_115 = arith.constant 1 : i32
      %scan3A_116 = scf.for %scan3A_144 = %scan3A_112 to %scan3A_114 step %scan3A_115 iter_args(%scan3A_145 = %scan3A_111) -> (i32)  : i32 {
        %get3A = arith.index_cast %scan3A_144 : i32 to index
        %get3A_146 = arith.constant 64 : index
        %get3A_147 = tpu.vector_load %arg12[%get3A, %get3A_146] {strides = array<i32>} : memref<80x80xf32, #tpu.memory_space<vmem>>, vector<1x16xf32>,
        %get3A_148 = vector.shape_cast %get3A_147 : vector<1x16xf32> to vector<16xf32>
        %get3A_149 = arith.index_cast %scan3A_144 : i32 to index
        %get3A_150 = arith.constant 0 : index
        %get3A_151 = tpu.vector_load %arg14[%get3A_149, %get3A_150] {strides = array<i32>} : memref<80x16xf32, #tpu.memory_space<vmem>>, vector<1x16xf32>,
        %get3A_152 = vector.shape_cast %get3A_151 : vector<1x16xf32> to vector<16xf32>
        %add3A_153 = arith.addf %get3A_148, %get3A_152 : vector<16xf32>
        %mul3A_154 = arith.constant 2.000000e-01 : f32
        %mul3A_155 = vector.broadcast %mul3A_154 : f32 to vector<16xf32>
        %mul3A_156 = arith.mulf %add3A_153, %mul3A_155 : vector<16xf32>
        %max3A = arith.maximumf %add3A_153, %mul3A_156 : vector<16xf32>
        %exp3A = math.exp %max3A : vector<16xf32>
        %swap3A = arith.index_cast %scan3A_144 : i32 to index
        %swap3A_157 = arith.constant 64 : index
        %swap3A_158 = tpu.vector_load %arg16[%swap3A, %swap3A_157] {strides = array<i32>} : memref<80x80xf32, #tpu.memory_space<vmem>>, vector<1x16xf32>,
        %swap3A_159 = vector.shape_cast %swap3A_158 : vector<1x16xf32> to vector<16xf32>
        %swap3A_160 = vector.shape_cast %exp3A : vector<16xf32> to vector<1x16xf32>
        tpu.vector_store %arg16[%swap3A, %swap3A_157], %swap3A_160 {strides = array<i32>} : memref<80x80xf32, #tpu.memory_space<vmem>>, vector<1x16xf32>,
        %get3A_161 = arith.index_cast %scan3A_144 : i32 to index
        %get3A_162 = arith.constant 0 : index
        %get3A_163 = tpu.vector_load %arg12[%get3A_161, %get3A_162] {strides = array<i32>} : memref<80x80xf32, #tpu.memory_space<vmem>>, vector<1x16xf32>,
        %get3A_164 = vector.shape_cast %get3A_163 : vector<1x16xf32> to vector<16xf32>
        %mul3A_165 = arith.mulf %get3A_164, %exp3A : vector<16xf32>
        %swap3A_166 = arith.index_cast %scan3A_144 : i32 to index
        %swap3A_167 = arith.constant 0 : index
        %swap3A_168 = tpu.vector_load %arg16[%swap3A_166, %swap3A_167] {strides = array<i32>} : memref<80x80xf32, #tpu.memory_space<vmem>>, vector<1x16xf32>,
        %swap3A_169 = vector.shape_cast %swap3A_168 : vector<1x16xf32> to vector<16xf32>
        %swap3A_170 = vector.shape_cast %mul3A_165 : vector<16xf32> to vector<1x16xf32>
        tpu.vector_store %arg16[%swap3A_166, %swap3A_167], %swap3A_170 {strides = array<i32>} : memref<80x80xf32, #tpu.memory_space<vmem>>, vector<1x16xf32>,
        %get3A_171 = arith.index_cast %scan3A_144 : i32 to index
        %get3A_172 = arith.constant 16 : index
        %get3A_173 = tpu.vector_load %arg12[%get3A_171, %get3A_172] {strides = array<i32>} : memref<80x80xf32, #tpu.memory_space<vmem>>, vector<1x16xf32>,
        %get3A_174 = vector.shape_cast %get3A_173 : vector<1x16xf32> to vector<16xf32>
        %mul3A_175 = arith.mulf %get3A_174, %exp3A : vector<16xf32>
        %swap3A_176 = arith.index_cast %scan3A_144 : i32 to index
        %swap3A_177 = arith.constant 16 : index
        %swap3A_178 = tpu.vector_load %arg16[%swap3A_176, %swap3A_177] {strides = array<i32>} : memref<80x80xf32, #tpu.memory_space<vmem>>, vector<1x16xf32>,
        %swap3A_179 = vector.shape_cast %swap3A_178 : vector<1x16xf32> to vector<16xf32>
        %swap3A_180 = vector.shape_cast %mul3A_175 : vector<16xf32> to vector<1x16xf32>
        tpu.vector_store %arg16[%swap3A_176, %swap3A_177], %swap3A_180 {strides = array<i32>} : memref<80x80xf32, #tpu.memory_space<vmem>>, vector<1x16xf32>,
        %get3A_181 = arith.index_cast %scan3A_144 : i32 to index
        %get3A_182 = arith.constant 32 : index
        %get3A_183 = tpu.vector_load %arg12[%get3A_181, %get3A_182] {strides = array<i32>} : memref<80x80xf32, #tpu.memory_space<vmem>>, vector<1x16xf32>,
        %get3A_184 = vector.shape_cast %get3A_183 : vector<1x16xf32> to vector<16xf32>
        %mul3A_185 = arith.mulf %get3A_184, %exp3A : vector<16xf32>
        %swap3A_186 = arith.index_cast %scan3A_144 : i32 to index
        %swap3A_187 = arith.constant 32 : index
        %swap3A_188 = tpu.vector_load %arg16[%swap3A_186, %swap3A_187] {strides = array<i32>} : memref<80x80xf32, #tpu.memory_space<vmem>>, vector<1x16xf32>,
        %swap3A_189 = vector.shape_cast %swap3A_188 : vector<1x16xf32> to vector<16xf32>
        %swap3A_190 = vector.shape_cast %mul3A_185 : vector<16xf32> to vector<1x16xf32>
        tpu.vector_store %arg16[%swap3A_186, %swap3A_187], %swap3A_190 {strides = array<i32>} : memref<80x80xf32, #tpu.memory_space<vmem>>, vector<1x16xf32>,
        %get3A_191 = arith.index_cast %scan3A_144 : i32 to index
        %get3A_192 = arith.constant 48 : index
        %get3A_193 = tpu.vector_load %arg12[%get3A_191, %get3A_192] {strides = array<i32>} : memref<80x80xf32, #tpu.memory_space<vmem>>, vector<1x16xf32>,
        %get3A_194 = vector.shape_cast %get3A_193 : vector<1x16xf32> to vector<16xf32>
        %mul3A_195 = arith.mulf %get3A_194, %exp3A : vector<16xf32>
        %swap3A_196 = arith.index_cast %scan3A_144 : i32 to index
        %swap3A_197 = arith.constant 48 : index
        %swap3A_198 = tpu.vector_load %arg16[%swap3A_196, %swap3A_197] {strides = array<i32>} : memref<80x80xf32, #tpu.memory_space<vmem>>, vector<1x16xf32>,
        %swap3A_199 = vector.shape_cast %swap3A_198 : vector<1x16xf32> to vector<16xf32>
        %swap3A_200 = vector.shape_cast %mul3A_195 : vector<16xf32> to vector<1x16xf32>
        tpu.vector_store %arg16[%swap3A_196, %swap3A_197], %swap3A_200 {strides = array<i32>} : memref<80x80xf32, #tpu.memory_space<vmem>>, vector<1x16xf32>,
        %scan3A_201 = arith.constant 0 : i32
        scf.yield %scan3A_201 : i32
      }
      %scan3A_117 = arith.constant 80 : i32
      %dma_start3A_118 = arith.constant 0 : i32
      %dma_start3A_119 = arith.constant 0 : i32
      %dma_start3A_120 = tpu.memref_slice %arg7[%dma_start3A_118, %dma_start3A_119] : memref<10000x80xf32, #tpu.memory_space<vmem_shared>> -> memref<10000x80xf32, #tpu.memory_space<vmem_shared>>
      tpu.enqueue_indirect_dma source(%arg16 : memref<80x80xf32, #tpu.memory_space<vmem>>) target(%dma_start3A_120 : memref<10000x80xf32, #tpu.memory_space<vmem_shared>>) offsets(%arg10 : memref<80xi32, #tpu.memory_space<vmem>>) semaphore(%arg18 : memref<!tpu.dma_semaphore, #tpu.memory_space<semaphore_mem>>) {add = true}
      %dma_wait3A_121 = arith.constant 0 : i32
      %dma_wait3A_122 = arith.constant 0 : i32
      %dma_wait3A_123 = tpu.memref_slice %arg2[%dma_wait3A_121, %dma_wait3A_122] : memref<10000x80xf32, #tpu.memory_space<hbm>> -> memref<10000x80xf32, #tpu.memory_space<hbm>>
      tpu.wait_indirect_dma semaphore(%arg20 : memref<!tpu.dma_semaphore, #tpu.memory_space<semaphore_mem>>) src(%dma_wait3A_123 : memref<10000x80xf32, #tpu.memory_space<hbm>>) dst(%arg13 : memref<80x80xf32, #tpu.memory_space<vmem>>)
      %dma_wait3A_124 = arith.constant 0 : i32
      %dma_wait3A_125 = arith.constant 0 : i32
      %dma_wait3A_126 = tpu.memref_slice %arg3[%dma_wait3A_124, %dma_wait3A_125] : memref<10000x16xf32, #tpu.memory_space<hbm>> -> memref<10000x16xf32, #tpu.memory_space<hbm>>
      tpu.wait_indirect_dma semaphore(%arg21 : memref<!tpu.dma_semaphore, #tpu.memory_space<semaphore_mem>>) src(%dma_wait3A_126 : memref<10000x16xf32, #tpu.memory_space<hbm>>) dst(%arg15 : memref<80x16xf32, #tpu.memory_space<vmem>>)
      %scan3A_127 = arith.constant 0 : i32
      %scan3A_128 = arith.constant 0 : i32
      %scan3A_129 = arith.constant 80 : i32
      %scan3A_130 = arith.addi %scan3A_128, %scan3A_129 : i32
      %scan3A_131 = arith.constant 1 : i32
      %scan3A_132 = scf.for %scan3A_144 = %scan3A_128 to %scan3A_130 step %scan3A_131 iter_args(%scan3A_145 = %scan3A_127) -> (i32)  : i32 {
        %get3A = arith.index_cast %scan3A_144 : i32 to index
        %get3A_146 = arith.constant 64 : index
        %get3A_147 = tpu.vector_load %arg13[%get3A, %get3A_146] {strides = array<i32>} : memref<80x80xf32, #tpu.memory_space<vmem>>, vector<1x16xf32>,
        %get3A_148 = vector.shape_cast %get3A_147 : vector<1x16xf32> to vector<16xf32>
        %get3A_149 = arith.index_cast %scan3A_144 : i32 to index
        %get3A_150 = arith.constant 0 : index
        %get3A_151 = tpu.vector_load %arg15[%get3A_149, %get3A_150] {strides = array<i32>} : memref<80x16xf32, #tpu.memory_space<vmem>>, vector<1x16xf32>,
        %get3A_152 = vector.shape_cast %get3A_151 : vector<1x16xf32> to vector<16xf32>
        %add3A_153 = arith.addf %get3A_148, %get3A_152 : vector<16xf32>
        %mul3A_154 = arith.constant 2.000000e-01 : f32
        %mul3A_155 = vector.broadcast %mul3A_154 : f32 to vector<16xf32>
        %mul3A_156 = arith.mulf %add3A_153, %mul3A_155 : vector<16xf32>
        %max3A = arith.maximumf %add3A_153, %mul3A_156 : vector<16xf32>
        %exp3A = math.exp %max3A : vector<16xf32>
        %swap3A = arith.index_cast %scan3A_144 : i32 to index
        %swap3A_157 = arith.constant 64 : index
        %swap3A_158 = tpu.vector_load %arg17[%swap3A, %swap3A_157] {strides = array<i32>} : memref<80x80xf32, #tpu.memory_space<vmem>>, vector<1x16xf32>,
        %swap3A_159 = vector.shape_cast %swap3A_158 : vector<1x16xf32> to vector<16xf32>
        %swap3A_160 = vector.shape_cast %exp3A : vector<16xf32> to vector<1x16xf32>
        tpu.vector_store %arg17[%swap3A, %swap3A_157], %swap3A_160 {strides = array<i32>} : memref<80x80xf32, #tpu.memory_space<vmem>>, vector<1x16xf32>,
        %get3A_161 = arith.index_cast %scan3A_144 : i32 to index
        %get3A_162 = arith.constant 0 : index
        %get3A_163 = tpu.vector_load %arg13[%get3A_161, %get3A_162] {strides = array<i32>} : memref<80x80xf32, #tpu.memory_space<vmem>>, vector<1x16xf32>,
        %get3A_164 = vector.shape_cast %get3A_163 : vector<1x16xf32> to vector<16xf32>
        %mul3A_165 = arith.mulf %get3A_164, %exp3A : vector<16xf32>
        %swap3A_166 = arith.index_cast %scan3A_144 : i32 to index
        %swap3A_167 = arith.constant 0 : index
        %swap3A_168 = tpu.vector_load %arg17[%swap3A_166, %swap3A_167] {strides = array<i32>} : memref<80x80xf32, #tpu.memory_space<vmem>>, vector<1x16xf32>,
        %swap3A_169 = vector.shape_cast %swap3A_168 : vector<1x16xf32> to vector<16xf32>
        %swap3A_170 = vector.shape_cast %mul3A_165 : vector<16xf32> to vector<1x16xf32>
        tpu.vector_store %arg17[%swap3A_166, %swap3A_167], %swap3A_170 {strides = array<i32>} : memref<80x80xf32, #tpu.memory_space<vmem>>, vector<1x16xf32>,
        %get3A_171 = arith.index_cast %scan3A_144 : i32 to index
        %get3A_172 = arith.constant 16 : index
        %get3A_173 = tpu.vector_load %arg13[%get3A_171, %get3A_172] {strides = array<i32>} : memref<80x80xf32, #tpu.memory_space<vmem>>, vector<1x16xf32>,
        %get3A_174 = vector.shape_cast %get3A_173 : vector<1x16xf32> to vector<16xf32>
        %mul3A_175 = arith.mulf %get3A_174, %exp3A : vector<16xf32>
        %swap3A_176 = arith.index_cast %scan3A_144 : i32 to index
        %swap3A_177 = arith.constant 16 : index
        %swap3A_178 = tpu.vector_load %arg17[%swap3A_176, %swap3A_177] {strides = array<i32>} : memref<80x80xf32, #tpu.memory_space<vmem>>, vector<1x16xf32>,
        %swap3A_179 = vector.shape_cast %swap3A_178 : vector<1x16xf32> to vector<16xf32>
        %swap3A_180 = vector.shape_cast %mul3A_175 : vector<16xf32> to vector<1x16xf32>
        tpu.vector_store %arg17[%swap3A_176, %swap3A_177], %swap3A_180 {strides = array<i32>} : memref<80x80xf32, #tpu.memory_space<vmem>>, vector<1x16xf32>,
        %get3A_181 = arith.index_cast %scan3A_144 : i32 to index
        %get3A_182 = arith.constant 32 : index
        %get3A_183 = tpu.vector_load %arg13[%get3A_181, %get3A_182] {strides = array<i32>} : memref<80x80xf32, #tpu.memory_space<vmem>>, vector<1x16xf32>,
        %get3A_184 = vector.shape_cast %get3A_183 : vector<1x16xf32> to vector<16xf32>
        %mul3A_185 = arith.mulf %get3A_184, %exp3A : vector<16xf32>
        %swap3A_186 = arith.index_cast %scan3A_144 : i32 to index
        %swap3A_187 = arith.constant 32 : index
        %swap3A_188 = tpu.vector_load %arg17[%swap3A_186, %swap3A_187] {strides = array<i32>} : memref<80x80xf32, #tpu.memory_space<vmem>>, vector<1x16xf32>,
        %swap3A_189 = vector.shape_cast %swap3A_188 : vector<1x16xf32> to vector<16xf32>
        %swap3A_190 = vector.shape_cast %mul3A_185 : vector<16xf32> to vector<1x16xf32>
        tpu.vector_store %arg17[%swap3A_186, %swap3A_187], %swap3A_190 {strides = array<i32>} : memref<80x80xf32, #tpu.memory_space<vmem>>, vector<1x16xf32>,
        %get3A_191 = arith.index_cast %scan3A_144 : i32 to index
        %get3A_192 = arith.constant 48 : index
        %get3A_193 = tpu.vector_load %arg13[%get3A_191, %get3A_192] {strides = array<i32>} : memref<80x80xf32, #tpu.memory_space<vmem>>, vector<1x16xf32>,
        %get3A_194 = vector.shape_cast %get3A_193 : vector<1x16xf32> to vector<16xf32>
        %mul3A_195 = arith.mulf %get3A_194, %exp3A : vector<16xf32>
        %swap3A_196 = arith.index_cast %scan3A_144 : i32 to index
        %swap3A_197 = arith.constant 48 : index
        %swap3A_198 = tpu.vector_load %arg17[%swap3A_196, %swap3A_197] {strides = array<i32>} : memref<80x80xf32, #tpu.memory_space<vmem>>, vector<1x16xf32>,
        %swap3A_199 = vector.shape_cast %swap3A_198 : vector<1x16xf32> to vector<16xf32>
        %swap3A_200 = vector.shape_cast %mul3A_195 : vector<16xf32> to vector<1x16xf32>
        tpu.vector_store %arg17[%swap3A_196, %swap3A_197], %swap3A_200 {strides = array<i32>} : memref<80x80xf32, #tpu.memory_space<vmem>>, vector<1x16xf32>,
        %scan3A_201 = arith.constant 0 : i32
        scf.yield %scan3A_201 : i32
      }
      %scan3A_133 = arith.constant 80 : i32
      %dma_start3A_134 = arith.constant 0 : i32
      %dma_start3A_135 = arith.constant 0 : i32
      %dma_start3A_136 = tpu.memref_slice %arg7[%dma_start3A_134, %dma_start3A_135] : memref<10000x80xf32, #tpu.memory_space<vmem_shared>> -> memref<10000x80xf32, #tpu.memory_space<vmem_shared>>
      tpu.enqueue_indirect_dma source(%arg17 : memref<80x80xf32, #tpu.memory_space<vmem>>) target(%dma_start3A_136 : memref<10000x80xf32, #tpu.memory_space<vmem_shared>>) offsets(%arg11 : memref<80xi32, #tpu.memory_space<vmem>>) semaphore(%arg19 : memref<!tpu.dma_semaphore, #tpu.memory_space<semaphore_mem>>) {add = true}
      %dma_wait3A_137 = arith.constant 0 : i32
      %dma_wait3A_138 = arith.constant 0 : i32
      %dma_wait3A_139 = tpu.memref_slice %arg7[%dma_wait3A_137, %dma_wait3A_138] : memref<10000x80xf32, #tpu.memory_space<vmem_shared>> -> memref<10000x80xf32, #tpu.memory_space<vmem_shared>>
      tpu.wait_indirect_dma semaphore(%arg18 : memref<!tpu.dma_semaphore, #tpu.memory_space<semaphore_mem>>) src(%arg16 : memref<80x80xf32, #tpu.memory_space<vmem>>) dst(%dma_wait3A_139 : memref<10000x80xf32, #tpu.memory_space<vmem_shared>>)
      %dma_wait3A_140 = arith.constant 0 : i32
      %dma_wait3A_141 = arith.constant 0 : i32
      %dma_wait3A_142 = tpu.memref_slice %arg7[%dma_wait3A_140, %dma_wait3A_141] : memref<10000x80xf32, #tpu.memory_space<vmem_shared>> -> memref<10000x80xf32, #tpu.memory_space<vmem_shared>>
      tpu.wait_indirect_dma semaphore(%arg19 : memref<!tpu.dma_semaphore, #tpu.memory_space<semaphore_mem>>) src(%arg17 : memref<80x80xf32, #tpu.memory_space<vmem>>) dst(%dma_wait3A_142 : memref<10000x80xf32, #tpu.memory_space<vmem_shared>>)
      %scan3A_143 = arith.constant 0 : i32
      scf.yield %scan3A_143 : i32
    }
    %scan3A_31 = arith.constant 62 : i32
    %mul3A_32 = arith.constant 10000 : i32
    %mul3A_33 = arith.muli %add3A, %mul3A_32 : i32
    %add3A_34 = arith.constant 9920 : i32
    %add3A_35 = arith.addi %mul3A_33, %add3A_34 : i32
    %dma_start3A = tpu.memref_slice %arg4[%add3A_35] : memref<320000xi32, #tpu.memory_space<hbm>> -> memref<80xi32, #tpu.memory_space<hbm>>
    %dma_start3A_36 = tpu.memref_slice %arg4[%add3A_35] : memref<320000xi32, #tpu.memory_space<hbm>> -> memref<80xi32, #tpu.memory_space<hbm>>
    tpu.enqueue_dma source(%dma_start3A_36 : memref<80xi32, #tpu.memory_space<hbm>>) target(%arg8 : memref<80xi32, #tpu.memory_space<vmem>>) target_semaphore(%arg18 : memref<!tpu.dma_semaphore, #tpu.memory_space<semaphore_mem>>)
    %dma_start3A_37 = tpu.memref_slice %arg5[%add3A_35] : memref<320000xi32, #tpu.memory_space<hbm>> -> memref<80xi32, #tpu.memory_space<hbm>>
    %dma_start3A_38 = tpu.memref_slice %arg5[%add3A_35] : memref<320000xi32, #tpu.memory_space<hbm>> -> memref<80xi32, #tpu.memory_space<hbm>>
    tpu.enqueue_dma source(%dma_start3A_38 : memref<80xi32, #tpu.memory_space<hbm>>) target(%arg10 : memref<80xi32, #tpu.memory_space<vmem>>) target_semaphore(%arg19 : memref<!tpu.dma_semaphore, #tpu.memory_space<semaphore_mem>>)
    %dma_wait3A = tpu.memref_slice %arg4[%add3A_35] : memref<320000xi32, #tpu.memory_space<hbm>> -> memref<80xi32, #tpu.memory_space<hbm>>
    %dma_wait3A_39 = tpu.memref_slice %arg4[%add3A_35] : memref<320000xi32, #tpu.memory_space<hbm>> -> memref<80xi32, #tpu.memory_space<hbm>>
    tpu.wait_dma2 semaphore(%arg18 : memref<!tpu.dma_semaphore, #tpu.memory_space<semaphore_mem>>) src(%dma_wait3A_39 : memref<80xi32, #tpu.memory_space<hbm>>) dst(%arg8 : memref<80xi32, #tpu.memory_space<vmem>>)
    %dma_wait3A_40 = tpu.memref_slice %arg5[%add3A_35] : memref<320000xi32, #tpu.memory_space<hbm>> -> memref<80xi32, #tpu.memory_space<hbm>>
    %dma_wait3A_41 = tpu.memref_slice %arg5[%add3A_35] : memref<320000xi32, #tpu.memory_space<hbm>> -> memref<80xi32, #tpu.memory_space<hbm>>
    tpu.wait_dma2 semaphore(%arg19 : memref<!tpu.dma_semaphore, #tpu.memory_space<semaphore_mem>>) src(%dma_wait3A_41 : memref<80xi32, #tpu.memory_space<hbm>>) dst(%arg10 : memref<80xi32, #tpu.memory_space<vmem>>)
    %dma_start3A_42 = arith.constant 0 : i32
    %dma_start3A_43 = arith.constant 0 : i32
    %dma_start3A_44 = tpu.memref_slice %arg2[%dma_start3A_42, %dma_start3A_43] : memref<10000x80xf32, #tpu.memory_space<hbm>> -> memref<10000x80xf32, #tpu.memory_space<hbm>>
    tpu.enqueue_indirect_dma source(%dma_start3A_44 : memref<10000x80xf32, #tpu.memory_space<hbm>>) target(%arg12 : memref<80x80xf32, #tpu.memory_space<vmem>>) offsets(%arg8 : memref<80xi32, #tpu.memory_space<vmem>>) semaphore(%arg18 : memref<!tpu.dma_semaphore, #tpu.memory_space<semaphore_mem>>)
    %dma_start3A_45 = arith.constant 0 : i32
    %dma_start3A_46 = arith.constant 0 : i32
    %dma_start3A_47 = tpu.memref_slice %arg3[%dma_start3A_45, %dma_start3A_46] : memref<10000x16xf32, #tpu.memory_space<hbm>> -> memref<10000x16xf32, #tpu.memory_space<hbm>>
    tpu.enqueue_indirect_dma source(%dma_start3A_47 : memref<10000x16xf32, #tpu.memory_space<hbm>>) target(%arg14 : memref<80x16xf32, #tpu.memory_space<vmem>>) offsets(%arg10 : memref<80xi32, #tpu.memory_space<vmem>>) semaphore(%arg19 : memref<!tpu.dma_semaphore, #tpu.memory_space<semaphore_mem>>)
    %dma_wait3A_48 = arith.constant 0 : i32
    %dma_wait3A_49 = arith.constant 0 : i32
    %dma_wait3A_50 = tpu.memref_slice %arg2[%dma_wait3A_48, %dma_wait3A_49] : memref<10000x80xf32, #tpu.memory_space<hbm>> -> memref<10000x80xf32, #tpu.memory_space<hbm>>
    tpu.wait_indirect_dma semaphore(%arg18 : memref<!tpu.dma_semaphore, #tpu.memory_space<semaphore_mem>>) src(%dma_wait3A_50 : memref<10000x80xf32, #tpu.memory_space<hbm>>) dst(%arg12 : memref<80x80xf32, #tpu.memory_space<vmem>>)
    %dma_wait3A_51 = arith.constant 0 : i32
    %dma_wait3A_52 = arith.constant 0 : i32
    %dma_wait3A_53 = tpu.memref_slice %arg3[%dma_wait3A_51, %dma_wait3A_52] : memref<10000x16xf32, #tpu.memory_space<hbm>> -> memref<10000x16xf32, #tpu.memory_space<hbm>>
    tpu.wait_indirect_dma semaphore(%arg19 : memref<!tpu.dma_semaphore, #tpu.memory_space<semaphore_mem>>) src(%dma_wait3A_53 : memref<10000x16xf32, #tpu.memory_space<hbm>>) dst(%arg14 : memref<80x16xf32, #tpu.memory_space<vmem>>)
    %scan3A_54 = arith.constant 0 : i32
    %scan3A_55 = arith.constant 0 : i32
    %scan3A_56 = arith.constant 80 : i32
    %scan3A_57 = arith.addi %scan3A_55, %scan3A_56 : i32
    %scan3A_58 = arith.constant 1 : i32
    %scan3A_59 = scf.for %scan3A_66 = %scan3A_55 to %scan3A_57 step %scan3A_58 iter_args(%scan3A_67 = %scan3A_54) -> (i32)  : i32 {
      %get3A = arith.index_cast %scan3A_66 : i32 to index
      %get3A_68 = arith.constant 64 : index
      %get3A_69 = tpu.vector_load %arg12[%get3A, %get3A_68] {strides = array<i32>} : memref<80x80xf32, #tpu.memory_space<vmem>>, vector<1x16xf32>,
      %get3A_70 = vector.shape_cast %get3A_69 : vector<1x16xf32> to vector<16xf32>
      %get3A_71 = arith.index_cast %scan3A_66 : i32 to index
      %get3A_72 = arith.constant 0 : index
      %get3A_73 = tpu.vector_load %arg14[%get3A_71, %get3A_72] {strides = array<i32>} : memref<80x16xf32, #tpu.memory_space<vmem>>, vector<1x16xf32>,
      %get3A_74 = vector.shape_cast %get3A_73 : vector<1x16xf32> to vector<16xf32>
      %add3A_75 = arith.addf %get3A_70, %get3A_74 : vector<16xf32>
      %mul3A_76 = arith.constant 2.000000e-01 : f32
      %mul3A_77 = vector.broadcast %mul3A_76 : f32 to vector<16xf32>
      %mul3A_78 = arith.mulf %add3A_75, %mul3A_77 : vector<16xf32>
      %max3A = arith.maximumf %add3A_75, %mul3A_78 : vector<16xf32>
      %exp3A = math.exp %max3A : vector<16xf32>
      %swap3A = arith.index_cast %scan3A_66 : i32 to index
      %swap3A_79 = arith.constant 64 : index
      %swap3A_80 = tpu.vector_load %arg16[%swap3A, %swap3A_79] {strides = array<i32>} : memref<80x80xf32, #tpu.memory_space<vmem>>, vector<1x16xf32>,
      %swap3A_81 = vector.shape_cast %swap3A_80 : vector<1x16xf32> to vector<16xf32>
      %swap3A_82 = vector.shape_cast %exp3A : vector<16xf32> to vector<1x16xf32>
      tpu.vector_store %arg16[%swap3A, %swap3A_79], %swap3A_82 {strides = array<i32>} : memref<80x80xf32, #tpu.memory_space<vmem>>, vector<1x16xf32>,
      %get3A_83 = arith.index_cast %scan3A_66 : i32 to index
      %get3A_84 = arith.constant 0 : index
      %get3A_85 = tpu.vector_load %arg12[%get3A_83, %get3A_84] {strides = array<i32>} : memref<80x80xf32, #tpu.memory_space<vmem>>, vector<1x16xf32>,
      %get3A_86 = vector.shape_cast %get3A_85 : vector<1x16xf32> to vector<16xf32>
      %mul3A_87 = arith.mulf %get3A_86, %exp3A : vector<16xf32>
      %swap3A_88 = arith.index_cast %scan3A_66 : i32 to index
      %swap3A_89 = arith.constant 0 : index
      %swap3A_90 = tpu.vector_load %arg16[%swap3A_88, %swap3A_89] {strides = array<i32>} : memref<80x80xf32, #tpu.memory_space<vmem>>, vector<1x16xf32>,
      %swap3A_91 = vector.shape_cast %swap3A_90 : vector<1x16xf32> to vector<16xf32>
      %swap3A_92 = vector.shape_cast %mul3A_87 : vector<16xf32> to vector<1x16xf32>
      tpu.vector_store %arg16[%swap3A_88, %swap3A_89], %swap3A_92 {strides = array<i32>} : memref<80x80xf32, #tpu.memory_space<vmem>>, vector<1x16xf32>,
      %get3A_93 = arith.index_cast %scan3A_66 : i32 to index
      %get3A_94 = arith.constant 16 : index
      %get3A_95 = tpu.vector_load %arg12[%get3A_93, %get3A_94] {strides = array<i32>} : memref<80x80xf32, #tpu.memory_space<vmem>>, vector<1x16xf32>,
      %get3A_96 = vector.shape_cast %get3A_95 : vector<1x16xf32> to vector<16xf32>
      %mul3A_97 = arith.mulf %get3A_96, %exp3A : vector<16xf32>
      %swap3A_98 = arith.index_cast %scan3A_66 : i32 to index
      %swap3A_99 = arith.constant 16 : index
      %swap3A_100 = tpu.vector_load %arg16[%swap3A_98, %swap3A_99] {strides = array<i32>} : memref<80x80xf32, #tpu.memory_space<vmem>>, vector<1x16xf32>,
      %swap3A_101 = vector.shape_cast %swap3A_100 : vector<1x16xf32> to vector<16xf32>
      %swap3A_102 = vector.shape_cast %mul3A_97 : vector<16xf32> to vector<1x16xf32>
      tpu.vector_store %arg16[%swap3A_98, %swap3A_99], %swap3A_102 {strides = array<i32>} : memref<80x80xf32, #tpu.memory_space<vmem>>, vector<1x16xf32>,
      %get3A_103 = arith.index_cast %scan3A_66 : i32 to index
      %get3A_104 = arith.constant 32 : index
      %get3A_105 = tpu.vector_load %arg12[%get3A_103, %get3A_104] {strides = array<i32>} : memref<80x80xf32, #tpu.memory_space<vmem>>, vector<1x16xf32>,
      %get3A_106 = vector.shape_cast %get3A_105 : vector<1x16xf32> to vector<16xf32>
      %mul3A_107 = arith.mulf %get3A_106, %exp3A : vector<16xf32>
      %swap3A_108 = arith.index_cast %scan3A_66 : i32 to index
      %swap3A_109 = arith.constant 32 : index
      %swap3A_110 = tpu.vector_load %arg16[%swap3A_108, %swap3A_109] {strides = array<i32>} : memref<80x80xf32, #tpu.memory_space<vmem>>, vector<1x16xf32>,
      %swap3A_111 = vector.shape_cast %swap3A_110 : vector<1x16xf32> to vector<16xf32>
      %swap3A_112 = vector.shape_cast %mul3A_107 : vector<16xf32> to vector<1x16xf32>
      tpu.vector_store %arg16[%swap3A_108, %swap3A_109], %swap3A_112 {strides = array<i32>} : memref<80x80xf32, #tpu.memory_space<vmem>>, vector<1x16xf32>,
      %get3A_113 = arith.index_cast %scan3A_66 : i32 to index
      %get3A_114 = arith.constant 48 : index
      %get3A_115 = tpu.vector_load %arg12[%get3A_113, %get3A_114] {strides = array<i32>} : memref<80x80xf32, #tpu.memory_space<vmem>>, vector<1x16xf32>,
      %get3A_116 = vector.shape_cast %get3A_115 : vector<1x16xf32> to vector<16xf32>
      %mul3A_117 = arith.mulf %get3A_116, %exp3A : vector<16xf32>
      %swap3A_118 = arith.index_cast %scan3A_66 : i32 to index
      %swap3A_119 = arith.constant 48 : index
      %swap3A_120 = tpu.vector_load %arg16[%swap3A_118, %swap3A_119] {strides = array<i32>} : memref<80x80xf32, #tpu.memory_space<vmem>>, vector<1x16xf32>,
      %swap3A_121 = vector.shape_cast %swap3A_120 : vector<1x16xf32> to vector<16xf32>
      %swap3A_122 = vector.shape_cast %mul3A_117 : vector<16xf32> to vector<1x16xf32>
      tpu.vector_store %arg16[%swap3A_118, %swap3A_119], %swap3A_122 {strides = array<i32>} : memref<80x80xf32, #tpu.memory_space<vmem>>, vector<1x16xf32>,
      %scan3A_123 = arith.constant 0 : i32
      scf.yield %scan3A_123 : i32
    }
    %scan3A_60 = arith.constant 80 : i32
    "tpu.region"() ({
      %run_scoped3A = tpu.sem_alloc : memref<!tpu.dma_semaphore, #tpu.memory_space<semaphore_mem>>
      %dma_start3A_66 = arith.constant 0 : i32
      %dma_start3A_67 = arith.constant 0 : i32
      %dma_start3A_68 = tpu.memref_slice %arg7[%dma_start3A_66, %dma_start3A_67] : memref<10000x80xf32, #tpu.memory_space<vmem_shared>> -> memref<10000x80xf32, #tpu.memory_space<vmem_shared>>
      tpu.enqueue_indirect_dma source(%arg16 : memref<80x80xf32, #tpu.memory_space<vmem>>) target(%dma_start3A_68 : memref<10000x80xf32, #tpu.memory_space<vmem_shared>>) offsets(%arg10 : memref<80xi32, #tpu.memory_space<vmem>>) semaphore(%run_scoped3A : memref<!tpu.dma_semaphore, #tpu.memory_space<semaphore_mem>>) {add = true}
      %dma_wait3A_69 = arith.constant 0 : i32
      %dma_wait3A_70 = arith.constant 0 : i32
      %dma_wait3A_71 = tpu.memref_slice %arg7[%dma_wait3A_69, %dma_wait3A_70] : memref<10000x80xf32, #tpu.memory_space<vmem_shared>> -> memref<10000x80xf32, #tpu.memory_space<vmem_shared>>
      tpu.wait_indirect_dma semaphore(%run_scoped3A : memref<!tpu.dma_semaphore, #tpu.memory_space<semaphore_mem>>) src(%arg16 : memref<80x80xf32, #tpu.memory_space<vmem>>) dst(%dma_wait3A_71 : memref<10000x80xf32, #tpu.memory_space<vmem_shared>>)
      tpu.yield
    }) : () -> ()
    %barrier3A_61 = arith.constant 0 : index
    tpu.barrier barrier_id(%barrier3A_61)
    %mul3A_62 = arith.constant 624 : i32
    %mul3A_63 = arith.muli %arg1, %mul3A_62 : i32
    "tpu.region"() ({
      %run_scoped3A = tpu.sem_alloc : memref<!tpu.dma_semaphore, #tpu.memory_space<semaphore_mem>>
      %dma_start3A_66 = arith.constant 0 : i32
      %dma_start3A_67 = tpu.memref_slice %arg6[%arg0, %mul3A_63, %dma_start3A_66] : memref<2x10000x80xf32, #tpu.memory_space<hbm>> -> memref<1x624x80xf32, #tpu.memory_space<hbm>>
      %dma_start3A_68 = tpu.memref_squeeze %dma_start3A_67 : memref<1x624x80xf32, #tpu.memory_space<hbm>> -> memref<624x80xf32, #tpu.memory_space<hbm>>
      %dma_start3A_69 = arith.constant 0 : i32
      %dma_start3A_70 = tpu.memref_slice %arg7[%mul3A_63, %dma_start3A_69] : memref<10000x80xf32, #tpu.memory_space<vmem_shared>> -> memref<624x80xf32, #tpu.memory_space<vmem_shared>>
      tpu.enqueue_dma source(%dma_start3A_70 : memref<624x80xf32, #tpu.memory_space<vmem_shared>>) target(%dma_start3A_68 : memref<624x80xf32, #tpu.memory_space<hbm>>) target_semaphore(%run_scoped3A : memref<!tpu.dma_semaphore, #tpu.memory_space<semaphore_mem>>)
      %dma_wait3A_71 = arith.constant 0 : i32
      %dma_wait3A_72 = tpu.memref_slice %arg6[%arg0, %mul3A_63, %dma_wait3A_71] : memref<2x10000x80xf32, #tpu.memory_space<hbm>> -> memref<1x624x80xf32, #tpu.memory_space<hbm>>
      %dma_wait3A_73 = tpu.memref_squeeze %dma_wait3A_72 : memref<1x624x80xf32, #tpu.memory_space<hbm>> -> memref<624x80xf32, #tpu.memory_space<hbm>>
      %dma_wait3A_74 = arith.constant 0 : i32
      %dma_wait3A_75 = tpu.memref_slice %arg7[%mul3A_63, %dma_wait3A_74] : memref<10000x80xf32, #tpu.memory_space<vmem_shared>> -> memref<624x80xf32, #tpu.memory_space<vmem_shared>>
      tpu.wait_dma2 semaphore(%run_scoped3A : memref<!tpu.dma_semaphore, #tpu.memory_space<semaphore_mem>>) src(%dma_wait3A_75 : memref<624x80xf32, #tpu.memory_space<vmem_shared>>) dst(%dma_wait3A_73 : memref<624x80xf32, #tpu.memory_space<hbm>>)
      tpu.yield
    }) : () -> ()
    %eq3A = arith.constant 15 : i32
    %eq3A_64 = arith.cmpi eq, %arg1, %eq3A : i32
    %convert_element_type3A = arith.extui %eq3A_64 : i1 to i32
    %cond3A = arith.constant 0 : i32
    %cond3A_65 = arith.cmpi ne, %convert_element_type3A, %cond3A : i32
    scf.if %cond3A_65 {
      "tpu.region"() ({
        %run_scoped3A = tpu.sem_alloc : memref<!tpu.dma_semaphore, #tpu.memory_space<semaphore_mem>>
        %dma_start3A_66 = arith.constant 9984 : i32
        %dma_start3A_67 = arith.constant 0 : i32
        %dma_start3A_68 = tpu.memref_slice %arg6[%arg0, %dma_start3A_66, %dma_start3A_67] : memref<2x10000x80xf32, #tpu.memory_space<hbm>> -> memref<1x16x80xf32, #tpu.memory_space<hbm>>
        %dma_start3A_69 = tpu.memref_squeeze %dma_start3A_68 : memref<1x16x80xf32, #tpu.memory_space<hbm>> -> memref<16x80xf32, #tpu.memory_space<hbm>>
        %dma_start3A_70 = arith.constant 9984 : i32
        %dma_start3A_71 = arith.constant 0 : i32
        %dma_start3A_72 = tpu.memref_slice %arg7[%dma_start3A_70, %dma_start3A_71] : memref<10000x80xf32, #tpu.memory_space<vmem_shared>> -> memref<16x80xf32, #tpu.memory_space<vmem_shared>>
        tpu.enqueue_dma source(%dma_start3A_72 : memref<16x80xf32, #tpu.memory_space<vmem_shared>>) target(%dma_start3A_69 : memref<16x80xf32, #tpu.memory_space<hbm>>) target_semaphore(%run_scoped3A : memref<!tpu.dma_semaphore, #tpu.memory_space<semaphore_mem>>)
        %dma_wait3A_73 = arith.constant 9984 : i32
        %dma_wait3A_74 = arith.constant 0 : i32
        %dma_wait3A_75 = tpu.memref_slice %arg6[%arg0, %dma_wait3A_73, %dma_wait3A_74] : memref<2x10000x80xf32, #tpu.memory_space<hbm>> -> memref<1x16x80xf32, #tpu.memory_space<hbm>>
        %dma_wait3A_76 = tpu.memref_squeeze %dma_wait3A_75 : memref<1x16x80xf32, #tpu.memory_space<hbm>> -> memref<16x80xf32, #tpu.memory_space<hbm>>
        %dma_wait3A_77 = arith.constant 9984 : i32
        %dma_wait3A_78 = arith.constant 0 : i32
        %dma_wait3A_79 = tpu.memref_slice %arg7[%dma_wait3A_77, %dma_wait3A_78] : memref<10000x80xf32, #tpu.memory_space<vmem_shared>> -> memref<16x80xf32, #tpu.memory_space<vmem_shared>>
        tpu.wait_dma2 semaphore(%run_scoped3A : memref<!tpu.dma_semaphore, #tpu.memory_space<semaphore_mem>>) src(%dma_wait3A_79 : memref<16x80xf32, #tpu.memory_space<vmem_shared>>) dst(%dma_wait3A_76 : memref<16x80xf32, #tpu.memory_space<hbm>>)
        tpu.yield
      }) : () -> ()
    } else {
    }
    return
  }
}

#map = affine_map<(d0, d1) -> (0, 0)>
#map1 = affine_map<(d0, d1) -> (0)>
module attributes {stable_mosaic.version = 14 : i64} {
  func.func @k(%arg0: i32, %arg1: i32, %arg2: memref<10000x64xf32, #tpu.memory_space<hbm>>, %arg3: memref<10000x64xf32, #tpu.memory_space<hbm>>, %arg4: memref<320000xi32, #tpu.memory_space<hbm>>, %arg5: memref<320000xi32, #tpu.memory_space<hbm>>, %arg6: memref<320000x64xf32, #tpu.memory_space<hbm>>, %arg7: memref<200xi32, #tpu.memory_space<vmem>>, %arg8: memref<200xi32, #tpu.memory_space<vmem>>, %arg9: memref<200xi32, #tpu.memory_space<vmem>>, %arg10: memref<200xi32, #tpu.memory_space<vmem>>, %arg11: memref<200x64xf32, #tpu.memory_space<vmem>>, %arg12: memref<200x64xf32, #tpu.memory_space<vmem>>, %arg13: memref<200x64xf32, #tpu.memory_space<vmem>>, %arg14: memref<200x64xf32, #tpu.memory_space<vmem>>, %arg15: memref<200x64xf32, #tpu.memory_space<vmem>>, %arg16: memref<200x64xf32, #tpu.memory_space<vmem>>, %arg17: memref<!tpu.dma_semaphore, #tpu.memory_space<semaphore_mem>>, %arg18: memref<!tpu.dma_semaphore, #tpu.memory_space<semaphore_mem>>, %arg19: memref<!tpu.dma_semaphore, #tpu.memory_space<semaphore_mem>>, %arg20: memref<!tpu.dma_semaphore, #tpu.memory_space<semaphore_mem>>) attributes {dimension_semantics = [#tpu.dimension_semantics<core_parallel>, #tpu.dimension_semantics<subcore_parallel>], iteration_bounds = array<i64: 2, 16>, scalar_prefetch = 0 : i64, scratch_operands = 14 : i64, tpu.core_type = #tpu.core_type<sc_vector_subcore>, window_params = [{transform_indices = #map}, {transform_indices = #map}, {transform_indices = #map1}, {transform_indices = #map1}, {transform_indices = #map}]} {
    %mul3A = arith.constant 16 : i32
    %mul3A_0 = arith.muli %arg0, %mul3A : i32
    %add3A = arith.addi %mul3A_0, %arg1 : i32
    %scan3A = arith.constant 0 : i32
    %scan3A_1 = arith.constant 0 : i32
    %scan3A_2 = arith.constant 25 : i32
    %scan3A_3 = arith.addi %scan3A_1, %scan3A_2 : i32
    %scan3A_4 = arith.constant 1 : i32
    %scan3A_5 = scf.for %scan3A_7 = %scan3A_1 to %scan3A_3 step %scan3A_4 iter_args(%scan3A_8 = %scan3A) -> (i32)  : i32 {
      %mul3A_9 = arith.constant 10000 : i32
      %mul3A_10 = arith.muli %add3A, %mul3A_9 : i32
      %mul3A_11 = arith.constant 2 : i32
      %mul3A_12 = arith.muli %mul3A_11, %scan3A_7 : i32
      %mul3A_13 = arith.constant 200 : i32
      %mul3A_14 = arith.muli %mul3A_12, %mul3A_13 : i32
      %add3A_15 = arith.addi %mul3A_10, %mul3A_14 : i32
      %add3A_16 = arith.constant 200 : i32
      %add3A_17 = arith.addi %add3A_15, %add3A_16 : i32
      %dma_start3A = tpu.memref_slice %arg4[%add3A_15] : memref<320000xi32, #tpu.memory_space<hbm>> -> memref<200xi32, #tpu.memory_space<hbm>>
      %dma_start3A_18 = tpu.memref_slice %arg4[%add3A_15] : memref<320000xi32, #tpu.memory_space<hbm>> -> memref<200xi32, #tpu.memory_space<hbm>>
      tpu.enqueue_dma source(%dma_start3A_18 : memref<200xi32, #tpu.memory_space<hbm>>) target(%arg7 : memref<200xi32, #tpu.memory_space<vmem>>) target_semaphore(%arg17 : memref<!tpu.dma_semaphore, #tpu.memory_space<semaphore_mem>>)
      %dma_start3A_19 = tpu.memref_slice %arg5[%add3A_15] : memref<320000xi32, #tpu.memory_space<hbm>> -> memref<200xi32, #tpu.memory_space<hbm>>
      %dma_start3A_20 = tpu.memref_slice %arg5[%add3A_15] : memref<320000xi32, #tpu.memory_space<hbm>> -> memref<200xi32, #tpu.memory_space<hbm>>
      tpu.enqueue_dma source(%dma_start3A_20 : memref<200xi32, #tpu.memory_space<hbm>>) target(%arg9 : memref<200xi32, #tpu.memory_space<vmem>>) target_semaphore(%arg18 : memref<!tpu.dma_semaphore, #tpu.memory_space<semaphore_mem>>)
      %dma_start3A_21 = tpu.memref_slice %arg4[%add3A_17] : memref<320000xi32, #tpu.memory_space<hbm>> -> memref<200xi32, #tpu.memory_space<hbm>>
      %dma_start3A_22 = tpu.memref_slice %arg4[%add3A_17] : memref<320000xi32, #tpu.memory_space<hbm>> -> memref<200xi32, #tpu.memory_space<hbm>>
      tpu.enqueue_dma source(%dma_start3A_22 : memref<200xi32, #tpu.memory_space<hbm>>) target(%arg8 : memref<200xi32, #tpu.memory_space<vmem>>) target_semaphore(%arg19 : memref<!tpu.dma_semaphore, #tpu.memory_space<semaphore_mem>>)
      %dma_start3A_23 = tpu.memref_slice %arg5[%add3A_17] : memref<320000xi32, #tpu.memory_space<hbm>> -> memref<200xi32, #tpu.memory_space<hbm>>
      %dma_start3A_24 = tpu.memref_slice %arg5[%add3A_17] : memref<320000xi32, #tpu.memory_space<hbm>> -> memref<200xi32, #tpu.memory_space<hbm>>
      tpu.enqueue_dma source(%dma_start3A_24 : memref<200xi32, #tpu.memory_space<hbm>>) target(%arg10 : memref<200xi32, #tpu.memory_space<vmem>>) target_semaphore(%arg20 : memref<!tpu.dma_semaphore, #tpu.memory_space<semaphore_mem>>)
      %dma_wait3A = tpu.memref_slice %arg4[%add3A_15] : memref<320000xi32, #tpu.memory_space<hbm>> -> memref<200xi32, #tpu.memory_space<hbm>>
      %dma_wait3A_25 = tpu.memref_slice %arg4[%add3A_15] : memref<320000xi32, #tpu.memory_space<hbm>> -> memref<200xi32, #tpu.memory_space<hbm>>
      tpu.wait_dma2 semaphore(%arg17 : memref<!tpu.dma_semaphore, #tpu.memory_space<semaphore_mem>>) src(%dma_wait3A_25 : memref<200xi32, #tpu.memory_space<hbm>>) dst(%arg7 : memref<200xi32, #tpu.memory_space<vmem>>)
      %dma_wait3A_26 = tpu.memref_slice %arg5[%add3A_15] : memref<320000xi32, #tpu.memory_space<hbm>> -> memref<200xi32, #tpu.memory_space<hbm>>
      %dma_wait3A_27 = tpu.memref_slice %arg5[%add3A_15] : memref<320000xi32, #tpu.memory_space<hbm>> -> memref<200xi32, #tpu.memory_space<hbm>>
      tpu.wait_dma2 semaphore(%arg18 : memref<!tpu.dma_semaphore, #tpu.memory_space<semaphore_mem>>) src(%dma_wait3A_27 : memref<200xi32, #tpu.memory_space<hbm>>) dst(%arg9 : memref<200xi32, #tpu.memory_space<vmem>>)
      %dma_start3A_28 = arith.constant 0 : i32
      %dma_start3A_29 = arith.constant 0 : i32
      %dma_start3A_30 = tpu.memref_slice %arg2[%dma_start3A_28, %dma_start3A_29] : memref<10000x64xf32, #tpu.memory_space<hbm>> -> memref<10000x64xf32, #tpu.memory_space<hbm>>
      tpu.enqueue_indirect_dma source(%dma_start3A_30 : memref<10000x64xf32, #tpu.memory_space<hbm>>) target(%arg11 : memref<200x64xf32, #tpu.memory_space<vmem>>) offsets(%arg7 : memref<200xi32, #tpu.memory_space<vmem>>) semaphore(%arg17 : memref<!tpu.dma_semaphore, #tpu.memory_space<semaphore_mem>>)
      %dma_start3A_31 = arith.constant 0 : i32
      %dma_start3A_32 = arith.constant 0 : i32
      %dma_start3A_33 = tpu.memref_slice %arg3[%dma_start3A_31, %dma_start3A_32] : memref<10000x64xf32, #tpu.memory_space<hbm>> -> memref<10000x64xf32, #tpu.memory_space<hbm>>
      tpu.enqueue_indirect_dma source(%dma_start3A_33 : memref<10000x64xf32, #tpu.memory_space<hbm>>) target(%arg13 : memref<200x64xf32, #tpu.memory_space<vmem>>) offsets(%arg9 : memref<200xi32, #tpu.memory_space<vmem>>) semaphore(%arg18 : memref<!tpu.dma_semaphore, #tpu.memory_space<semaphore_mem>>)
      %dma_wait3A_34 = tpu.memref_slice %arg4[%add3A_17] : memref<320000xi32, #tpu.memory_space<hbm>> -> memref<200xi32, #tpu.memory_space<hbm>>
      %dma_wait3A_35 = tpu.memref_slice %arg4[%add3A_17] : memref<320000xi32, #tpu.memory_space<hbm>> -> memref<200xi32, #tpu.memory_space<hbm>>
      tpu.wait_dma2 semaphore(%arg19 : memref<!tpu.dma_semaphore, #tpu.memory_space<semaphore_mem>>) src(%dma_wait3A_35 : memref<200xi32, #tpu.memory_space<hbm>>) dst(%arg8 : memref<200xi32, #tpu.memory_space<vmem>>)
      %dma_wait3A_36 = tpu.memref_slice %arg5[%add3A_17] : memref<320000xi32, #tpu.memory_space<hbm>> -> memref<200xi32, #tpu.memory_space<hbm>>
      %dma_wait3A_37 = tpu.memref_slice %arg5[%add3A_17] : memref<320000xi32, #tpu.memory_space<hbm>> -> memref<200xi32, #tpu.memory_space<hbm>>
      tpu.wait_dma2 semaphore(%arg20 : memref<!tpu.dma_semaphore, #tpu.memory_space<semaphore_mem>>) src(%dma_wait3A_37 : memref<200xi32, #tpu.memory_space<hbm>>) dst(%arg10 : memref<200xi32, #tpu.memory_space<vmem>>)
      %dma_start3A_38 = arith.constant 0 : i32
      %dma_start3A_39 = arith.constant 0 : i32
      %dma_start3A_40 = tpu.memref_slice %arg2[%dma_start3A_38, %dma_start3A_39] : memref<10000x64xf32, #tpu.memory_space<hbm>> -> memref<10000x64xf32, #tpu.memory_space<hbm>>
      tpu.enqueue_indirect_dma source(%dma_start3A_40 : memref<10000x64xf32, #tpu.memory_space<hbm>>) target(%arg12 : memref<200x64xf32, #tpu.memory_space<vmem>>) offsets(%arg8 : memref<200xi32, #tpu.memory_space<vmem>>) semaphore(%arg19 : memref<!tpu.dma_semaphore, #tpu.memory_space<semaphore_mem>>)
      %dma_start3A_41 = arith.constant 0 : i32
      %dma_start3A_42 = arith.constant 0 : i32
      %dma_start3A_43 = tpu.memref_slice %arg3[%dma_start3A_41, %dma_start3A_42] : memref<10000x64xf32, #tpu.memory_space<hbm>> -> memref<10000x64xf32, #tpu.memory_space<hbm>>
      tpu.enqueue_indirect_dma source(%dma_start3A_43 : memref<10000x64xf32, #tpu.memory_space<hbm>>) target(%arg14 : memref<200x64xf32, #tpu.memory_space<vmem>>) offsets(%arg10 : memref<200xi32, #tpu.memory_space<vmem>>) semaphore(%arg20 : memref<!tpu.dma_semaphore, #tpu.memory_space<semaphore_mem>>)
      %dma_wait3A_44 = arith.constant 0 : i32
      %dma_wait3A_45 = arith.constant 0 : i32
      %dma_wait3A_46 = tpu.memref_slice %arg2[%dma_wait3A_44, %dma_wait3A_45] : memref<10000x64xf32, #tpu.memory_space<hbm>> -> memref<10000x64xf32, #tpu.memory_space<hbm>>
      tpu.wait_indirect_dma semaphore(%arg17 : memref<!tpu.dma_semaphore, #tpu.memory_space<semaphore_mem>>) src(%dma_wait3A_46 : memref<10000x64xf32, #tpu.memory_space<hbm>>) dst(%arg11 : memref<200x64xf32, #tpu.memory_space<vmem>>)
      %dma_wait3A_47 = arith.constant 0 : i32
      %dma_wait3A_48 = arith.constant 0 : i32
      %dma_wait3A_49 = tpu.memref_slice %arg3[%dma_wait3A_47, %dma_wait3A_48] : memref<10000x64xf32, #tpu.memory_space<hbm>> -> memref<10000x64xf32, #tpu.memory_space<hbm>>
      tpu.wait_indirect_dma semaphore(%arg18 : memref<!tpu.dma_semaphore, #tpu.memory_space<semaphore_mem>>) src(%dma_wait3A_49 : memref<10000x64xf32, #tpu.memory_space<hbm>>) dst(%arg13 : memref<200x64xf32, #tpu.memory_space<vmem>>)
      %scan3A_50 = arith.constant 0 : i32
      %scan3A_51 = arith.constant 0 : i32
      %scan3A_52 = arith.constant 200 : i32
      %scan3A_53 = arith.addi %scan3A_51, %scan3A_52 : i32
      %scan3A_54 = arith.constant 1 : i32
      %scan3A_55 = scf.for %scan3A_87 = %scan3A_51 to %scan3A_53 step %scan3A_54 iter_args(%scan3A_88 = %scan3A_50) -> (i32)  : i32 {
        %get3A = arith.index_cast %scan3A_87 : i32 to index
        %get3A_89 = arith.constant 0 : index
        %get3A_90 = tpu.vector_load %arg11[%get3A, %get3A_89] {strides = array<i32>} : memref<200x64xf32, #tpu.memory_space<vmem>>, vector<1x16xf32>,
        %get3A_91 = vector.shape_cast %get3A_90 : vector<1x16xf32> to vector<16xf32>
        %get3A_92 = arith.index_cast %scan3A_87 : i32 to index
        %get3A_93 = arith.constant 0 : index
        %get3A_94 = tpu.vector_load %arg13[%get3A_92, %get3A_93] {strides = array<i32>} : memref<200x64xf32, #tpu.memory_space<vmem>>, vector<1x16xf32>,
        %get3A_95 = vector.shape_cast %get3A_94 : vector<1x16xf32> to vector<16xf32>
        %add3A_96 = arith.addf %get3A_91, %get3A_95 : vector<16xf32>
        %swap3A = arith.index_cast %scan3A_87 : i32 to index
        %swap3A_97 = arith.constant 0 : index
        %swap3A_98 = tpu.vector_load %arg15[%swap3A, %swap3A_97] {strides = array<i32>} : memref<200x64xf32, #tpu.memory_space<vmem>>, vector<1x16xf32>,
        %swap3A_99 = vector.shape_cast %swap3A_98 : vector<1x16xf32> to vector<16xf32>
        %swap3A_100 = vector.shape_cast %add3A_96 : vector<16xf32> to vector<1x16xf32>
        tpu.vector_store %arg15[%swap3A, %swap3A_97], %swap3A_100 {strides = array<i32>} : memref<200x64xf32, #tpu.memory_space<vmem>>, vector<1x16xf32>,
        %get3A_101 = arith.index_cast %scan3A_87 : i32 to index
        %get3A_102 = arith.constant 16 : index
        %get3A_103 = tpu.vector_load %arg11[%get3A_101, %get3A_102] {strides = array<i32>} : memref<200x64xf32, #tpu.memory_space<vmem>>, vector<1x16xf32>,
        %get3A_104 = vector.shape_cast %get3A_103 : vector<1x16xf32> to vector<16xf32>
        %get3A_105 = arith.index_cast %scan3A_87 : i32 to index
        %get3A_106 = arith.constant 16 : index
        %get3A_107 = tpu.vector_load %arg13[%get3A_105, %get3A_106] {strides = array<i32>} : memref<200x64xf32, #tpu.memory_space<vmem>>, vector<1x16xf32>,
        %get3A_108 = vector.shape_cast %get3A_107 : vector<1x16xf32> to vector<16xf32>
        %add3A_109 = arith.addf %get3A_104, %get3A_108 : vector<16xf32>
        %swap3A_110 = arith.index_cast %scan3A_87 : i32 to index
        %swap3A_111 = arith.constant 16 : index
        %swap3A_112 = tpu.vector_load %arg15[%swap3A_110, %swap3A_111] {strides = array<i32>} : memref<200x64xf32, #tpu.memory_space<vmem>>, vector<1x16xf32>,
        %swap3A_113 = vector.shape_cast %swap3A_112 : vector<1x16xf32> to vector<16xf32>
        %swap3A_114 = vector.shape_cast %add3A_109 : vector<16xf32> to vector<1x16xf32>
        tpu.vector_store %arg15[%swap3A_110, %swap3A_111], %swap3A_114 {strides = array<i32>} : memref<200x64xf32, #tpu.memory_space<vmem>>, vector<1x16xf32>,
        %get3A_115 = arith.index_cast %scan3A_87 : i32 to index
        %get3A_116 = arith.constant 32 : index
        %get3A_117 = tpu.vector_load %arg11[%get3A_115, %get3A_116] {strides = array<i32>} : memref<200x64xf32, #tpu.memory_space<vmem>>, vector<1x16xf32>,
        %get3A_118 = vector.shape_cast %get3A_117 : vector<1x16xf32> to vector<16xf32>
        %get3A_119 = arith.index_cast %scan3A_87 : i32 to index
        %get3A_120 = arith.constant 32 : index
        %get3A_121 = tpu.vector_load %arg13[%get3A_119, %get3A_120] {strides = array<i32>} : memref<200x64xf32, #tpu.memory_space<vmem>>, vector<1x16xf32>,
        %get3A_122 = vector.shape_cast %get3A_121 : vector<1x16xf32> to vector<16xf32>
        %add3A_123 = arith.addf %get3A_118, %get3A_122 : vector<16xf32>
        %swap3A_124 = arith.index_cast %scan3A_87 : i32 to index
        %swap3A_125 = arith.constant 32 : index
        %swap3A_126 = tpu.vector_load %arg15[%swap3A_124, %swap3A_125] {strides = array<i32>} : memref<200x64xf32, #tpu.memory_space<vmem>>, vector<1x16xf32>,
        %swap3A_127 = vector.shape_cast %swap3A_126 : vector<1x16xf32> to vector<16xf32>
        %swap3A_128 = vector.shape_cast %add3A_123 : vector<16xf32> to vector<1x16xf32>
        tpu.vector_store %arg15[%swap3A_124, %swap3A_125], %swap3A_128 {strides = array<i32>} : memref<200x64xf32, #tpu.memory_space<vmem>>, vector<1x16xf32>,
        %get3A_129 = arith.index_cast %scan3A_87 : i32 to index
        %get3A_130 = arith.constant 48 : index
        %get3A_131 = tpu.vector_load %arg11[%get3A_129, %get3A_130] {strides = array<i32>} : memref<200x64xf32, #tpu.memory_space<vmem>>, vector<1x16xf32>,
        %get3A_132 = vector.shape_cast %get3A_131 : vector<1x16xf32> to vector<16xf32>
        %get3A_133 = arith.index_cast %scan3A_87 : i32 to index
        %get3A_134 = arith.constant 48 : index
        %get3A_135 = tpu.vector_load %arg13[%get3A_133, %get3A_134] {strides = array<i32>} : memref<200x64xf32, #tpu.memory_space<vmem>>, vector<1x16xf32>,
        %get3A_136 = vector.shape_cast %get3A_135 : vector<1x16xf32> to vector<16xf32>
        %add3A_137 = arith.addf %get3A_132, %get3A_136 : vector<16xf32>
        %swap3A_138 = arith.index_cast %scan3A_87 : i32 to index
        %swap3A_139 = arith.constant 48 : index
        %swap3A_140 = tpu.vector_load %arg15[%swap3A_138, %swap3A_139] {strides = array<i32>} : memref<200x64xf32, #tpu.memory_space<vmem>>, vector<1x16xf32>,
        %swap3A_141 = vector.shape_cast %swap3A_140 : vector<1x16xf32> to vector<16xf32>
        %swap3A_142 = vector.shape_cast %add3A_137 : vector<16xf32> to vector<1x16xf32>
        tpu.vector_store %arg15[%swap3A_138, %swap3A_139], %swap3A_142 {strides = array<i32>} : memref<200x64xf32, #tpu.memory_space<vmem>>, vector<1x16xf32>,
        %scan3A_143 = arith.constant 0 : i32
        scf.yield %scan3A_143 : i32
      }
      %scan3A_56 = arith.constant 200 : i32
      %dma_start3A_57 = arith.constant 0 : i32
      %dma_start3A_58 = tpu.memref_slice %arg6[%add3A_15, %dma_start3A_57] : memref<320000x64xf32, #tpu.memory_space<hbm>> -> memref<200x64xf32, #tpu.memory_space<hbm>>
      %dma_start3A_59 = arith.constant 0 : i32
      %dma_start3A_60 = tpu.memref_slice %arg6[%add3A_15, %dma_start3A_59] : memref<320000x64xf32, #tpu.memory_space<hbm>> -> memref<200x64xf32, #tpu.memory_space<hbm>>
      tpu.enqueue_dma source(%arg15 : memref<200x64xf32, #tpu.memory_space<vmem>>) target(%dma_start3A_60 : memref<200x64xf32, #tpu.memory_space<hbm>>) target_semaphore(%arg17 : memref<!tpu.dma_semaphore, #tpu.memory_space<semaphore_mem>>)
      %dma_wait3A_61 = arith.constant 0 : i32
      %dma_wait3A_62 = arith.constant 0 : i32
      %dma_wait3A_63 = tpu.memref_slice %arg2[%dma_wait3A_61, %dma_wait3A_62] : memref<10000x64xf32, #tpu.memory_space<hbm>> -> memref<10000x64xf32, #tpu.memory_space<hbm>>
      tpu.wait_indirect_dma semaphore(%arg19 : memref<!tpu.dma_semaphore, #tpu.memory_space<semaphore_mem>>) src(%dma_wait3A_63 : memref<10000x64xf32, #tpu.memory_space<hbm>>) dst(%arg12 : memref<200x64xf32, #tpu.memory_space<vmem>>)
      %dma_wait3A_64 = arith.constant 0 : i32
      %dma_wait3A_65 = arith.constant 0 : i32
      %dma_wait3A_66 = tpu.memref_slice %arg3[%dma_wait3A_64, %dma_wait3A_65] : memref<10000x64xf32, #tpu.memory_space<hbm>> -> memref<10000x64xf32, #tpu.memory_space<hbm>>
      tpu.wait_indirect_dma semaphore(%arg20 : memref<!tpu.dma_semaphore, #tpu.memory_space<semaphore_mem>>) src(%dma_wait3A_66 : memref<10000x64xf32, #tpu.memory_space<hbm>>) dst(%arg14 : memref<200x64xf32, #tpu.memory_space<vmem>>)
      %scan3A_67 = arith.constant 0 : i32
      %scan3A_68 = arith.constant 0 : i32
      %scan3A_69 = arith.constant 200 : i32
      %scan3A_70 = arith.addi %scan3A_68, %scan3A_69 : i32
      %scan3A_71 = arith.constant 1 : i32
      %scan3A_72 = scf.for %scan3A_87 = %scan3A_68 to %scan3A_70 step %scan3A_71 iter_args(%scan3A_88 = %scan3A_67) -> (i32)  : i32 {
        %get3A = arith.index_cast %scan3A_87 : i32 to index
        %get3A_89 = arith.constant 0 : index
        %get3A_90 = tpu.vector_load %arg12[%get3A, %get3A_89] {strides = array<i32>} : memref<200x64xf32, #tpu.memory_space<vmem>>, vector<1x16xf32>,
        %get3A_91 = vector.shape_cast %get3A_90 : vector<1x16xf32> to vector<16xf32>
        %get3A_92 = arith.index_cast %scan3A_87 : i32 to index
        %get3A_93 = arith.constant 0 : index
        %get3A_94 = tpu.vector_load %arg14[%get3A_92, %get3A_93] {strides = array<i32>} : memref<200x64xf32, #tpu.memory_space<vmem>>, vector<1x16xf32>,
        %get3A_95 = vector.shape_cast %get3A_94 : vector<1x16xf32> to vector<16xf32>
        %add3A_96 = arith.addf %get3A_91, %get3A_95 : vector<16xf32>
        %swap3A = arith.index_cast %scan3A_87 : i32 to index
        %swap3A_97 = arith.constant 0 : index
        %swap3A_98 = tpu.vector_load %arg16[%swap3A, %swap3A_97] {strides = array<i32>} : memref<200x64xf32, #tpu.memory_space<vmem>>, vector<1x16xf32>,
        %swap3A_99 = vector.shape_cast %swap3A_98 : vector<1x16xf32> to vector<16xf32>
        %swap3A_100 = vector.shape_cast %add3A_96 : vector<16xf32> to vector<1x16xf32>
        tpu.vector_store %arg16[%swap3A, %swap3A_97], %swap3A_100 {strides = array<i32>} : memref<200x64xf32, #tpu.memory_space<vmem>>, vector<1x16xf32>,
        %get3A_101 = arith.index_cast %scan3A_87 : i32 to index
        %get3A_102 = arith.constant 16 : index
        %get3A_103 = tpu.vector_load %arg12[%get3A_101, %get3A_102] {strides = array<i32>} : memref<200x64xf32, #tpu.memory_space<vmem>>, vector<1x16xf32>,
        %get3A_104 = vector.shape_cast %get3A_103 : vector<1x16xf32> to vector<16xf32>
        %get3A_105 = arith.index_cast %scan3A_87 : i32 to index
        %get3A_106 = arith.constant 16 : index
        %get3A_107 = tpu.vector_load %arg14[%get3A_105, %get3A_106] {strides = array<i32>} : memref<200x64xf32, #tpu.memory_space<vmem>>, vector<1x16xf32>,
        %get3A_108 = vector.shape_cast %get3A_107 : vector<1x16xf32> to vector<16xf32>
        %add3A_109 = arith.addf %get3A_104, %get3A_108 : vector<16xf32>
        %swap3A_110 = arith.index_cast %scan3A_87 : i32 to index
        %swap3A_111 = arith.constant 16 : index
        %swap3A_112 = tpu.vector_load %arg16[%swap3A_110, %swap3A_111] {strides = array<i32>} : memref<200x64xf32, #tpu.memory_space<vmem>>, vector<1x16xf32>,
        %swap3A_113 = vector.shape_cast %swap3A_112 : vector<1x16xf32> to vector<16xf32>
        %swap3A_114 = vector.shape_cast %add3A_109 : vector<16xf32> to vector<1x16xf32>
        tpu.vector_store %arg16[%swap3A_110, %swap3A_111], %swap3A_114 {strides = array<i32>} : memref<200x64xf32, #tpu.memory_space<vmem>>, vector<1x16xf32>,
        %get3A_115 = arith.index_cast %scan3A_87 : i32 to index
        %get3A_116 = arith.constant 32 : index
        %get3A_117 = tpu.vector_load %arg12[%get3A_115, %get3A_116] {strides = array<i32>} : memref<200x64xf32, #tpu.memory_space<vmem>>, vector<1x16xf32>,
        %get3A_118 = vector.shape_cast %get3A_117 : vector<1x16xf32> to vector<16xf32>
        %get3A_119 = arith.index_cast %scan3A_87 : i32 to index
        %get3A_120 = arith.constant 32 : index
        %get3A_121 = tpu.vector_load %arg14[%get3A_119, %get3A_120] {strides = array<i32>} : memref<200x64xf32, #tpu.memory_space<vmem>>, vector<1x16xf32>,
        %get3A_122 = vector.shape_cast %get3A_121 : vector<1x16xf32> to vector<16xf32>
        %add3A_123 = arith.addf %get3A_118, %get3A_122 : vector<16xf32>
        %swap3A_124 = arith.index_cast %scan3A_87 : i32 to index
        %swap3A_125 = arith.constant 32 : index
        %swap3A_126 = tpu.vector_load %arg16[%swap3A_124, %swap3A_125] {strides = array<i32>} : memref<200x64xf32, #tpu.memory_space<vmem>>, vector<1x16xf32>,
        %swap3A_127 = vector.shape_cast %swap3A_126 : vector<1x16xf32> to vector<16xf32>
        %swap3A_128 = vector.shape_cast %add3A_123 : vector<16xf32> to vector<1x16xf32>
        tpu.vector_store %arg16[%swap3A_124, %swap3A_125], %swap3A_128 {strides = array<i32>} : memref<200x64xf32, #tpu.memory_space<vmem>>, vector<1x16xf32>,
        %get3A_129 = arith.index_cast %scan3A_87 : i32 to index
        %get3A_130 = arith.constant 48 : index
        %get3A_131 = tpu.vector_load %arg12[%get3A_129, %get3A_130] {strides = array<i32>} : memref<200x64xf32, #tpu.memory_space<vmem>>, vector<1x16xf32>,
        %get3A_132 = vector.shape_cast %get3A_131 : vector<1x16xf32> to vector<16xf32>
        %get3A_133 = arith.index_cast %scan3A_87 : i32 to index
        %get3A_134 = arith.constant 48 : index
        %get3A_135 = tpu.vector_load %arg14[%get3A_133, %get3A_134] {strides = array<i32>} : memref<200x64xf32, #tpu.memory_space<vmem>>, vector<1x16xf32>,
        %get3A_136 = vector.shape_cast %get3A_135 : vector<1x16xf32> to vector<16xf32>
        %add3A_137 = arith.addf %get3A_132, %get3A_136 : vector<16xf32>
        %swap3A_138 = arith.index_cast %scan3A_87 : i32 to index
        %swap3A_139 = arith.constant 48 : index
        %swap3A_140 = tpu.vector_load %arg16[%swap3A_138, %swap3A_139] {strides = array<i32>} : memref<200x64xf32, #tpu.memory_space<vmem>>, vector<1x16xf32>,
        %swap3A_141 = vector.shape_cast %swap3A_140 : vector<1x16xf32> to vector<16xf32>
        %swap3A_142 = vector.shape_cast %add3A_137 : vector<16xf32> to vector<1x16xf32>
        tpu.vector_store %arg16[%swap3A_138, %swap3A_139], %swap3A_142 {strides = array<i32>} : memref<200x64xf32, #tpu.memory_space<vmem>>, vector<1x16xf32>,
        %scan3A_143 = arith.constant 0 : i32
        scf.yield %scan3A_143 : i32
      }
      %scan3A_73 = arith.constant 200 : i32
      %dma_start3A_74 = arith.constant 0 : i32
      %dma_start3A_75 = tpu.memref_slice %arg6[%add3A_17, %dma_start3A_74] : memref<320000x64xf32, #tpu.memory_space<hbm>> -> memref<200x64xf32, #tpu.memory_space<hbm>>
      %dma_start3A_76 = arith.constant 0 : i32
      %dma_start3A_77 = tpu.memref_slice %arg6[%add3A_17, %dma_start3A_76] : memref<320000x64xf32, #tpu.memory_space<hbm>> -> memref<200x64xf32, #tpu.memory_space<hbm>>
      tpu.enqueue_dma source(%arg16 : memref<200x64xf32, #tpu.memory_space<vmem>>) target(%dma_start3A_77 : memref<200x64xf32, #tpu.memory_space<hbm>>) target_semaphore(%arg18 : memref<!tpu.dma_semaphore, #tpu.memory_space<semaphore_mem>>)
      %dma_wait3A_78 = arith.constant 0 : i32
      %dma_wait3A_79 = tpu.memref_slice %arg6[%add3A_15, %dma_wait3A_78] : memref<320000x64xf32, #tpu.memory_space<hbm>> -> memref<200x64xf32, #tpu.memory_space<hbm>>
      %dma_wait3A_80 = arith.constant 0 : i32
      %dma_wait3A_81 = tpu.memref_slice %arg6[%add3A_15, %dma_wait3A_80] : memref<320000x64xf32, #tpu.memory_space<hbm>> -> memref<200x64xf32, #tpu.memory_space<hbm>>
      tpu.wait_dma2 semaphore(%arg17 : memref<!tpu.dma_semaphore, #tpu.memory_space<semaphore_mem>>) src(%arg15 : memref<200x64xf32, #tpu.memory_space<vmem>>) dst(%dma_wait3A_81 : memref<200x64xf32, #tpu.memory_space<hbm>>)
      %dma_wait3A_82 = arith.constant 0 : i32
      %dma_wait3A_83 = tpu.memref_slice %arg6[%add3A_17, %dma_wait3A_82] : memref<320000x64xf32, #tpu.memory_space<hbm>> -> memref<200x64xf32, #tpu.memory_space<hbm>>
      %dma_wait3A_84 = arith.constant 0 : i32
      %dma_wait3A_85 = tpu.memref_slice %arg6[%add3A_17, %dma_wait3A_84] : memref<320000x64xf32, #tpu.memory_space<hbm>> -> memref<200x64xf32, #tpu.memory_space<hbm>>
      tpu.wait_dma2 semaphore(%arg18 : memref<!tpu.dma_semaphore, #tpu.memory_space<semaphore_mem>>) src(%arg16 : memref<200x64xf32, #tpu.memory_space<vmem>>) dst(%dma_wait3A_85 : memref<200x64xf32, #tpu.memory_space<hbm>>)
      %scan3A_86 = arith.constant 0 : i32
      scf.yield %scan3A_86 : i32
    }
    %scan3A_6 = arith.constant 25 : i32
    return
  }
}

module attributes {stable_mosaic.version = 14 : i64} {
  func.func @_prep1_body(%arg0: i32, %arg1: memref<1000x128xf32, #tpu.memory_space<vmem>>, %arg2: memref<128x64xf32, #tpu.memory_space<vmem>>, %arg3: memref<64x80xf32, #tpu.memory_space<vmem>>, %arg4: memref<64x16xf32, #tpu.memory_space<vmem>>, %arg5: memref<1000x80xf32, #tpu.memory_space<vmem>>, %arg6: memref<1000x16xf32, #tpu.memory_space<vmem>>) attributes {dimension_semantics = [#tpu.dimension_semantics<arbitrary>], iteration_bounds = array<i64: 10>, scalar_prefetch = 0 : i64, scratch_operands = 0 : i64, tpu.core_type = #tpu.core_type<tc>, window_params = [{transform_indices = @transform_0, window_bounds = array<i64: 1000, 128>}, {pipeline_mode = #tpu.pipeline_mode<synchronous>, transform_indices = @transform_1, window_bounds = array<i64: 128, 64>}, {pipeline_mode = #tpu.pipeline_mode<synchronous>, transform_indices = @transform_2, window_bounds = array<i64: 64, 80>}, {pipeline_mode = #tpu.pipeline_mode<synchronous>, transform_indices = @transform_3, window_bounds = array<i64: 64, 16>}, {transform_indices = @transform_4, window_bounds = array<i64: 1000, 80>}, {transform_indices = @transform_5, window_bounds = array<i64: 1000, 16>}]} {
    %get3A = arith.constant 0 : index
    %get3A_0 = arith.constant 0 : index
    %get3A_1 = vector.load %arg1[%get3A, %get3A_0] : memref<1000x128xf32, #tpu.memory_space<vmem>>, vector<1000x128xf32>
    %get3A_2 = arith.constant 0 : index
    %get3A_3 = arith.constant 0 : index
    %get3A_4 = vector.load %arg2[%get3A_2, %get3A_3] : memref<128x64xf32, #tpu.memory_space<vmem>>, vector<128x64xf32>
    %dot_general3A = arith.constant dense<0.000000e+00> : vector<1000x64xf32>
    %dot_general3A_5 = tpu.matmul %get3A_1, %get3A_4, %dot_general3A {dimension_numbers = #tpu.dot_dimension_numbers<[1], [0], [0], [1], [0, 0, 1, 1], [], []>, transpose_lhs_hint = false} : vector<1000x128xf32>, vector<128x64xf32>, vector<1000x64xf32> -> vector<1000x64xf32>
    %get3A_6 = arith.constant 0 : index
    %get3A_7 = arith.constant 0 : index
    %get3A_8 = vector.load %arg3[%get3A_6, %get3A_7] : memref<64x80xf32, #tpu.memory_space<vmem>>, vector<64x80xf32>
    %dot_general3A_9 = arith.constant dense<0.000000e+00> : vector<1000x80xf32>
    %dot_general3A_10 = tpu.matmul %dot_general3A_5, %get3A_8, %dot_general3A_9 {dimension_numbers = #tpu.dot_dimension_numbers<[1], [0], [0], [1], [0, 0, 1, 1], [], []>, transpose_lhs_hint = false} : vector<1000x64xf32>, vector<64x80xf32>, vector<1000x80xf32> -> vector<1000x80xf32>
    %swap3A = arith.constant 0 : index
    %swap3A_11 = arith.constant 0 : index
    %swap3A_12 = vector.load %arg5[%swap3A, %swap3A_11] : memref<1000x80xf32, #tpu.memory_space<vmem>>, vector<1000x80xf32>
    tpu.vector_store %arg5[%swap3A, %swap3A_11], %dot_general3A_10 {strides = array<i32>} : memref<1000x80xf32, #tpu.memory_space<vmem>>, vector<1000x80xf32>,
    %get3A_13 = arith.constant 0 : index
    %get3A_14 = arith.constant 0 : index
    %get3A_15 = vector.load %arg4[%get3A_13, %get3A_14] : memref<64x16xf32, #tpu.memory_space<vmem>>, vector<64x16xf32>
    %dot_general3A_16 = arith.constant dense<0.000000e+00> : vector<1000x16xf32>
    %dot_general3A_17 = tpu.matmul %dot_general3A_5, %get3A_15, %dot_general3A_16 {dimension_numbers = #tpu.dot_dimension_numbers<[1], [0], [0], [1], [0, 0, 1, 1], [], []>, transpose_lhs_hint = false} : vector<1000x64xf32>, vector<64x16xf32>, vector<1000x16xf32> -> vector<1000x16xf32>
    %swap3A_18 = arith.constant 0 : index
    %swap3A_19 = arith.constant 0 : index
    %swap3A_20 = vector.load %arg6[%swap3A_18, %swap3A_19] : memref<1000x16xf32, #tpu.memory_space<vmem>>, vector<1000x16xf32>
    tpu.vector_store %arg6[%swap3A_18, %swap3A_19], %dot_general3A_17 {strides = array<i32>} : memref<1000x16xf32, #tpu.memory_space<vmem>>, vector<1000x16xf32>,
    return
  }
  func.func @transform_0(%arg0: i32) -> (i32, i32) {
    %c0_i32 = arith.constant 0 : i32
    %c0_i32_0 = arith.constant 0 : i32
    return %arg0, %c0_i32 : i32, i32
  }
  func.func @transform_1(%arg0: i32) -> (i32, i32) {
    %c0_i32 = arith.constant 0 : i32
    %c0_i32_0 = arith.constant 0 : i32
    %c0_i32_1 = arith.constant 0 : i32
    return %c0_i32, %c0_i32_0 : i32, i32
  }
  func.func @transform_2(%arg0: i32) -> (i32, i32) {
    %c0_i32 = arith.constant 0 : i32
    %c0_i32_0 = arith.constant 0 : i32
    %c0_i32_1 = arith.constant 0 : i32
    return %c0_i32, %c0_i32_0 : i32, i32
  }
  func.func @transform_3(%arg0: i32) -> (i32, i32) {
    %c0_i32 = arith.constant 0 : i32
    %c0_i32_0 = arith.constant 0 : i32
    %c0_i32_1 = arith.constant 0 : i32
    return %c0_i32, %c0_i32_0 : i32, i32
  }
  func.func @transform_4(%arg0: i32) -> (i32, i32) {
    %c0_i32 = arith.constant 0 : i32
    %c0_i32_0 = arith.constant 0 : i32
    return %arg0, %c0_i32 : i32, i32
  }
  func.func @transform_5(%arg0: i32) -> (i32, i32) {
    %c0_i32 = arith.constant 0 : i32
    %c0_i32_0 = arith.constant 0 : i32
    return %arg0, %c0_i32 : i32, i32
  }
}

module attributes {stable_mosaic.version = 14 : i64} {
  func.func @_mid_body(%arg0: i32, %arg1: memref<2x1000x80xf32, #tpu.memory_space<vmem>>, %arg2: memref<1000x80xf32, #tpu.memory_space<vmem>>, %arg3: memref<1000x16xf32, #tpu.memory_space<vmem>>, %arg4: memref<64x128xf32, #tpu.memory_space<vmem>>, %arg5: memref<1x64xf32, #tpu.memory_space<vmem>>, %arg6: memref<128x80xf32, #tpu.memory_space<vmem>>, %arg7: memref<128x80xf32, #tpu.memory_space<vmem>>, %arg8: memref<128x16xf32, #tpu.memory_space<vmem>>, %arg9: memref<80x64xf32, #tpu.memory_space<vmem>>, %arg10: memref<80x16xf32, #tpu.memory_space<vmem>>, %arg11: memref<16x64xf32, #tpu.memory_space<vmem>>, %arg12: memref<2x80x64xf32, #tpu.memory_space<vmem>>, %arg13: memref<1000x80xf32, #tpu.memory_space<vmem>>, %arg14: memref<1000x80xf32, #tpu.memory_space<vmem>>, %arg15: memref<1000x16xf32, #tpu.memory_space<vmem>>) attributes {dimension_semantics = [#tpu.dimension_semantics<arbitrary>], iteration_bounds = array<i64: 10>, scalar_prefetch = 0 : i64, scratch_operands = 0 : i64, tpu.core_type = #tpu.core_type<tc>, window_params = [{transform_indices = @transform_0, window_bounds = array<i64: 2, 1000, 80>}, {transform_indices = @transform_1, window_bounds = array<i64: 1000, 80>}, {transform_indices = @transform_2, window_bounds = array<i64: 1000, 16>}, {pipeline_mode = #tpu.pipeline_mode<synchronous>, transform_indices = @transform_3, window_bounds = array<i64: 64, 128>}, {pipeline_mode = #tpu.pipeline_mode<synchronous>, transform_indices = @transform_4, window_bounds = array<i64: 1, 64>}, {pipeline_mode = #tpu.pipeline_mode<synchronous>, transform_indices = @transform_5, window_bounds = array<i64: 128, 80>}, {pipeline_mode = #tpu.pipeline_mode<synchronous>, transform_indices = @transform_6, window_bounds = array<i64: 128, 80>}, {pipeline_mode = #tpu.pipeline_mode<synchronous>, transform_indices = @transform_7, window_bounds = array<i64: 128, 16>}, {pipeline_mode = #tpu.pipeline_mode<synchronous>, transform_indices = @transform_8, window_bounds = array<i64: 80, 64>}, {pipeline_mode = #tpu.pipeline_mode<synchronous>, transform_indices = @transform_9, window_bounds = array<i64: 80, 16>}, {pipeline_mode = #tpu.pipeline_mode<synchronous>, transform_indices = @transform_10, window_bounds = array<i64: 16, 64>}, {pipeline_mode = #tpu.pipeline_mode<synchronous>, transform_indices = @transform_11, window_bounds = array<i64: 2, 80, 64>}, {transform_indices = @transform_12, window_bounds = array<i64: 1000, 80>}, {transform_indices = @transform_13, window_bounds = array<i64: 1000, 80>}, {transform_indices = @transform_14, window_bounds = array<i64: 1000, 16>}]} {
    %get3A = arith.constant 0 : index
    %get3A_0 = arith.constant 0 : index
    %get3A_1 = arith.constant 0 : index
    %get3A_2 = vector.load %arg1[%get3A, %get3A_0, %get3A_1] : memref<2x1000x80xf32, #tpu.memory_space<vmem>>, vector<1x1000x80xf32>
    %get3A_3 = vector.shape_cast %get3A_2 : vector<1x1000x80xf32> to vector<1000x80xf32>
    %get3A_4 = arith.constant 1 : index
    %get3A_5 = arith.constant 0 : index
    %get3A_6 = arith.constant 0 : index
    %get3A_7 = vector.load %arg1[%get3A_4, %get3A_5, %get3A_6] : memref<2x1000x80xf32, #tpu.memory_space<vmem>>, vector<1x1000x80xf32>
    %get3A_8 = vector.shape_cast %get3A_7 : vector<1x1000x80xf32> to vector<1000x80xf32>
    %add3A = arith.addf %get3A_3, %get3A_8 : vector<1000x80xf32>
    %get3A_9 = arith.constant 0 : index
    %get3A_10 = arith.constant 0 : index
    %get3A_11 = vector.load %arg2[%get3A_9, %get3A_10] : memref<1000x80xf32, #tpu.memory_space<vmem>>, vector<1000x80xf32>
    %get3A_12 = arith.constant 0 : index
    %get3A_13 = arith.constant 0 : index
    %get3A_14 = vector.load %arg9[%get3A_12, %get3A_13] : memref<80x64xf32, #tpu.memory_space<vmem>>, vector<80x64xf32>
    %dot_general3A = arith.constant dense<0.000000e+00> : vector<1000x64xf32>
    %dot_general3A_15 = tpu.matmul %get3A_11, %get3A_14, %dot_general3A {dimension_numbers = #tpu.dot_dimension_numbers<[1], [0], [0], [1], [0, 0, 1, 1], [], []>, transpose_lhs_hint = false} : vector<1000x80xf32>, vector<80x64xf32>, vector<1000x64xf32> -> vector<1000x64xf32>
    %get3A_16 = arith.constant 0 : index
    %get3A_17 = arith.constant 0 : index
    %get3A_18 = vector.load %arg10[%get3A_16, %get3A_17] : memref<80x16xf32, #tpu.memory_space<vmem>>, vector<80x16xf32>
    %dot_general3A_19 = arith.constant dense<0.000000e+00> : vector<1000x16xf32>
    %dot_general3A_20 = tpu.matmul %get3A_11, %get3A_18, %dot_general3A_19 {dimension_numbers = #tpu.dot_dimension_numbers<[1], [0], [0], [1], [0, 0, 1, 1], [], []>, transpose_lhs_hint = false} : vector<1000x80xf32>, vector<80x16xf32>, vector<1000x16xf32> -> vector<1000x16xf32>
    %get3A_21 = arith.constant 0 : index
    %get3A_22 = arith.constant 0 : index
    %get3A_23 = vector.load %arg3[%get3A_21, %get3A_22] : memref<1000x16xf32, #tpu.memory_space<vmem>>, vector<1000x16xf32>
    %add3A_24 = arith.addf %dot_general3A_20, %get3A_23 : vector<1000x16xf32>
    %mul3A = arith.constant 2.000000e-01 : f32
    %mul3A_25 = vector.broadcast %mul3A : f32 to vector<1000x16xf32>
    %mul3A_26 = arith.mulf %mul3A_25, %add3A_24 : vector<1000x16xf32>
    %max3A = arith.maximumf %add3A_24, %mul3A_26 : vector<1000x16xf32>
    %exp3A = math.exp %max3A : vector<1000x16xf32>
    %get3A_27 = arith.constant 0 : index
    %get3A_28 = arith.constant 0 : index
    %get3A_29 = vector.load %arg11[%get3A_27, %get3A_28] : memref<16x64xf32, #tpu.memory_space<vmem>>, vector<16x64xf32>
    %dot_general3A_30 = arith.constant dense<0.000000e+00> : vector<1000x64xf32>
    %dot_general3A_31 = tpu.matmul %exp3A, %get3A_29, %dot_general3A_30 {dimension_numbers = #tpu.dot_dimension_numbers<[1], [0], [0], [1], [0, 0, 1, 1], [], []>, transpose_lhs_hint = false} : vector<1000x16xf32>, vector<16x64xf32>, vector<1000x64xf32> -> vector<1000x64xf32>
    %get3A_32 = arith.constant 0 : index
    %get3A_33 = arith.constant 0 : index
    %get3A_34 = arith.constant 0 : index
    %get3A_35 = vector.load %arg12[%get3A_32, %get3A_33, %get3A_34] : memref<2x80x64xf32, #tpu.memory_space<vmem>>, vector<1x80x64xf32>
    %get3A_36 = vector.shape_cast %get3A_35 : vector<1x80x64xf32> to vector<80x64xf32>
    %dot_general3A_37 = arith.constant dense<0.000000e+00> : vector<1000x64xf32>
    %dot_general3A_38 = tpu.matmul %add3A, %get3A_36, %dot_general3A_37 {dimension_numbers = #tpu.dot_dimension_numbers<[1], [0], [0], [1], [0, 0, 1, 1], [], []>, transpose_lhs_hint = false} : vector<1000x80xf32>, vector<80x64xf32>, vector<1000x64xf32> -> vector<1000x64xf32>
    %mul3A_39 = arith.mulf %dot_general3A_15, %dot_general3A_31 : vector<1000x64xf32>
    %add3A_40 = arith.addf %dot_general3A_38, %mul3A_39 : vector<1000x64xf32>
    %get3A_41 = arith.constant 1 : index
    %get3A_42 = arith.constant 0 : index
    %get3A_43 = arith.constant 0 : index
    %get3A_44 = vector.load %arg12[%get3A_41, %get3A_42, %get3A_43] : memref<2x80x64xf32, #tpu.memory_space<vmem>>, vector<1x80x64xf32>
    %get3A_45 = vector.shape_cast %get3A_44 : vector<1x80x64xf32> to vector<80x64xf32>
    %dot_general3A_46 = arith.constant dense<0.000000e+00> : vector<1000x64xf32>
    %dot_general3A_47 = tpu.matmul %add3A, %get3A_45, %dot_general3A_46 {dimension_numbers = #tpu.dot_dimension_numbers<[1], [0], [0], [1], [0, 0, 1, 1], [], []>, transpose_lhs_hint = false} : vector<1000x80xf32>, vector<80x64xf32>, vector<1000x64xf32> -> vector<1000x64xf32>
    %add3A_48 = arith.addf %dot_general3A_47, %dot_general3A_31 : vector<1000x64xf32>
    %add3A_49 = arith.constant 1.000000e-16 : f32
    %add3A_50 = vector.broadcast %add3A_49 : f32 to vector<1000x64xf32>
    %add3A_51 = arith.addf %add3A_48, %add3A_50 : vector<1000x64xf32>
    %div3A = arith.divf %add3A_40, %add3A_51 : vector<1000x64xf32>
    %get3A_52 = arith.constant 0 : index
    %get3A_53 = arith.constant 0 : index
    %get3A_54 = vector.load %arg5[%get3A_52, %get3A_53] : memref<1x64xf32, #tpu.memory_space<vmem>>, vector<1x64xf32>
    %add3A_55 = vector.broadcast %get3A_54 : vector<1x64xf32> to vector<1000x64xf32>
    %add3A_56 = arith.addf %div3A, %add3A_55 : vector<1000x64xf32>
    %gt3A = arith.constant 0.000000e+00 : f32
    %gt3A_57 = vector.broadcast %gt3A : f32 to vector<1000x64xf32>
    %gt3A_58 = arith.cmpf ogt, %add3A_56, %gt3A_57 : vector<1000x64xf32>
    %min3A = arith.constant 0.000000e+00 : f32
    %min3A_59 = vector.broadcast %min3A : f32 to vector<1000x64xf32>
    %min3A_60 = arith.minimumf %add3A_56, %min3A_59 : vector<1000x64xf32>
    %exp3A_61 = math.exp %min3A_60 : vector<1000x64xf32>
    %sub3A = arith.constant 1.000000e+00 : f32
    %sub3A_62 = vector.broadcast %sub3A : f32 to vector<1000x64xf32>
    %sub3A_63 = arith.subf %exp3A_61, %sub3A_62 : vector<1000x64xf32>
    %select_n3A = arith.select %gt3A_58, %add3A_56, %sub3A_63 : vector<1000x64xi1>, vector<1000x64xf32>
    %get3A_64 = arith.constant 0 : index
    %get3A_65 = arith.constant 0 : index
    %get3A_66 = vector.load %arg4[%get3A_64, %get3A_65] : memref<64x128xf32, #tpu.memory_space<vmem>>, vector<64x128xf32>
    %dot_general3A_67 = arith.constant dense<0.000000e+00> : vector<1000x128xf32>
    %dot_general3A_68 = tpu.matmul %select_n3A, %get3A_66, %dot_general3A_67 {dimension_numbers = #tpu.dot_dimension_numbers<[1], [0], [0], [1], [0, 0, 1, 1], [], []>, transpose_lhs_hint = false} : vector<1000x64xf32>, vector<64x128xf32>, vector<1000x128xf32> -> vector<1000x128xf32>
    %get3A_69 = arith.constant 0 : index
    %get3A_70 = arith.constant 0 : index
    %get3A_71 = vector.load %arg6[%get3A_69, %get3A_70] : memref<128x80xf32, #tpu.memory_space<vmem>>, vector<128x80xf32>
    %dot_general3A_72 = arith.constant dense<0.000000e+00> : vector<1000x80xf32>
    %dot_general3A_73 = tpu.matmul %dot_general3A_68, %get3A_71, %dot_general3A_72 {dimension_numbers = #tpu.dot_dimension_numbers<[1], [0], [0], [1], [0, 0, 1, 1], [], []>, transpose_lhs_hint = false} : vector<1000x128xf32>, vector<128x80xf32>, vector<1000x80xf32> -> vector<1000x80xf32>
    %swap3A = arith.constant 0 : index
    %swap3A_74 = arith.constant 0 : index
    %swap3A_75 = vector.load %arg13[%swap3A, %swap3A_74] : memref<1000x80xf32, #tpu.memory_space<vmem>>, vector<1000x80xf32>
    tpu.vector_store %arg13[%swap3A, %swap3A_74], %dot_general3A_73 {strides = array<i32>} : memref<1000x80xf32, #tpu.memory_space<vmem>>, vector<1000x80xf32>,
    %get3A_76 = arith.constant 0 : index
    %get3A_77 = arith.constant 0 : index
    %get3A_78 = vector.load %arg7[%get3A_76, %get3A_77] : memref<128x80xf32, #tpu.memory_space<vmem>>, vector<128x80xf32>
    %dot_general3A_79 = arith.constant dense<0.000000e+00> : vector<1000x80xf32>
    %dot_general3A_80 = tpu.matmul %dot_general3A_68, %get3A_78, %dot_general3A_79 {dimension_numbers = #tpu.dot_dimension_numbers<[1], [0], [0], [1], [0, 0, 1, 1], [], []>, transpose_lhs_hint = false} : vector<1000x128xf32>, vector<128x80xf32>, vector<1000x80xf32> -> vector<1000x80xf32>
    %swap3A_81 = arith.constant 0 : index
    %swap3A_82 = arith.constant 0 : index
    %swap3A_83 = vector.load %arg14[%swap3A_81, %swap3A_82] : memref<1000x80xf32, #tpu.memory_space<vmem>>, vector<1000x80xf32>
    tpu.vector_store %arg14[%swap3A_81, %swap3A_82], %dot_general3A_80 {strides = array<i32>} : memref<1000x80xf32, #tpu.memory_space<vmem>>, vector<1000x80xf32>,
    %get3A_84 = arith.constant 0 : index
    %get3A_85 = arith.constant 0 : index
    %get3A_86 = vector.load %arg8[%get3A_84, %get3A_85] : memref<128x16xf32, #tpu.memory_space<vmem>>, vector<128x16xf32>
    %dot_general3A_87 = arith.constant dense<0.000000e+00> : vector<1000x16xf32>
    %dot_general3A_88 = tpu.matmul %dot_general3A_68, %get3A_86, %dot_general3A_87 {dimension_numbers = #tpu.dot_dimension_numbers<[1], [0], [0], [1], [0, 0, 1, 1], [], []>, transpose_lhs_hint = false} : vector<1000x128xf32>, vector<128x16xf32>, vector<1000x16xf32> -> vector<1000x16xf32>
    %swap3A_89 = arith.constant 0 : index
    %swap3A_90 = arith.constant 0 : index
    %swap3A_91 = vector.load %arg15[%swap3A_89, %swap3A_90] : memref<1000x16xf32, #tpu.memory_space<vmem>>, vector<1000x16xf32>
    tpu.vector_store %arg15[%swap3A_89, %swap3A_90], %dot_general3A_88 {strides = array<i32>} : memref<1000x16xf32, #tpu.memory_space<vmem>>, vector<1000x16xf32>,
    return
  }
  func.func @transform_0(%arg0: i32) -> (i32, i32, i32) {
    %c0_i32 = arith.constant 0 : i32
    %c0_i32_0 = arith.constant 0 : i32
    %c0_i32_1 = arith.constant 0 : i32
    return %c0_i32, %arg0, %c0_i32_0 : i32, i32, i32
  }
  func.func @transform_1(%arg0: i32) -> (i32, i32) {
    %c0_i32 = arith.constant 0 : i32
    %c0_i32_0 = arith.constant 0 : i32
    return %arg0, %c0_i32 : i32, i32
  }
  func.func @transform_2(%arg0: i32) -> (i32, i32) {
    %c0_i32 = arith.constant 0 : i32
    %c0_i32_0 = arith.constant 0 : i32
    return %arg0, %c0_i32 : i32, i32
  }
  func.func @transform_3(%arg0: i32) -> (i32, i32) {
    %c0_i32 = arith.constant 0 : i32
    %c0_i32_0 = arith.constant 0 : i32
    %c0_i32_1 = arith.constant 0 : i32
    return %c0_i32, %c0_i32_0 : i32, i32
  }
  func.func @transform_4(%arg0: i32) -> (i32, i32) {
    %c0_i32 = arith.constant 0 : i32
    %c0_i32_0 = arith.constant 0 : i32
    %c0_i32_1 = arith.constant 0 : i32
    return %c0_i32, %c0_i32_0 : i32, i32
  }
  func.func @transform_5(%arg0: i32) -> (i32, i32) {
    %c0_i32 = arith.constant 0 : i32
    %c0_i32_0 = arith.constant 0 : i32
    %c0_i32_1 = arith.constant 0 : i32
    return %c0_i32, %c0_i32_0 : i32, i32
  }
  func.func @transform_6(%arg0: i32) -> (i32, i32) {
    %c0_i32 = arith.constant 0 : i32
    %c0_i32_0 = arith.constant 0 : i32
    %c0_i32_1 = arith.constant 0 : i32
    return %c0_i32, %c0_i32_0 : i32, i32
  }
  func.func @transform_7(%arg0: i32) -> (i32, i32) {
    %c0_i32 = arith.constant 0 : i32
    %c0_i32_0 = arith.constant 0 : i32
    %c0_i32_1 = arith.constant 0 : i32
    return %c0_i32, %c0_i32_0 : i32, i32
  }
  func.func @transform_8(%arg0: i32) -> (i32, i32) {
    %c0_i32 = arith.constant 0 : i32
    %c0_i32_0 = arith.constant 0 : i32
    %c0_i32_1 = arith.constant 0 : i32
    return %c0_i32, %c0_i32_0 : i32, i32
  }
  func.func @transform_9(%arg0: i32) -> (i32, i32) {
    %c0_i32 = arith.constant 0 : i32
    %c0_i32_0 = arith.constant 0 : i32
    %c0_i32_1 = arith.constant 0 : i32
    return %c0_i32, %c0_i32_0 : i32, i32
  }
  func.func @transform_10(%arg0: i32) -> (i32, i32) {
    %c0_i32 = arith.constant 0 : i32
    %c0_i32_0 = arith.constant 0 : i32
    %c0_i32_1 = arith.constant 0 : i32
    return %c0_i32, %c0_i32_0 : i32, i32
  }
  func.func @transform_11(%arg0: i32) -> (i32, i32, i32) {
    %c0_i32 = arith.constant 0 : i32
    %c0_i32_0 = arith.constant 0 : i32
    %c0_i32_1 = arith.constant 0 : i32
    %c0_i32_2 = arith.constant 0 : i32
    return %c0_i32, %c0_i32_0, %c0_i32_1 : i32, i32, i32
  }
  func.func @transform_12(%arg0: i32) -> (i32, i32) {
    %c0_i32 = arith.constant 0 : i32
    %c0_i32_0 = arith.constant 0 : i32
    return %arg0, %c0_i32 : i32, i32
  }
  func.func @transform_13(%arg0: i32) -> (i32, i32) {
    %c0_i32 = arith.constant 0 : i32
    %c0_i32_0 = arith.constant 0 : i32
    return %arg0, %c0_i32 : i32, i32
  }
  func.func @transform_14(%arg0: i32) -> (i32, i32) {
    %c0_i32 = arith.constant 0 : i32
    %c0_i32_0 = arith.constant 0 : i32
    return %arg0, %c0_i32 : i32, i32
  }
}

module attributes {stable_mosaic.version = 14 : i64} {
  func.func @_fin2_body(%arg0: i32, %arg1: memref<2x1000x80xf32, #tpu.memory_space<vmem>>, %arg2: memref<2x1000x80xf32, #tpu.memory_space<vmem>>, %arg3: memref<1000x80xf32, #tpu.memory_space<vmem>>, %arg4: memref<1000x80xf32, #tpu.memory_space<vmem>>, %arg5: memref<1000x16xf32, #tpu.memory_space<vmem>>, %arg6: memref<1x128xf32, #tpu.memory_space<vmem>>, %arg7: memref<128x128xf32, #tpu.memory_space<vmem>>, %arg8: memref<1x128xf32, #tpu.memory_space<vmem>>, %arg9: memref<128x128xf32, #tpu.memory_space<vmem>>, %arg10: memref<128x128xf32, #tpu.memory_space<vmem>>, %arg11: memref<4x80x128xf32, #tpu.memory_space<vmem>>, %arg12: memref<2x128x64xf32, #tpu.memory_space<vmem>>, %arg13: memref<2x80x128xf32, #tpu.memory_space<vmem>>, %arg14: memref<80x128xf32, #tpu.memory_space<vmem>>, %arg15: memref<80x128xf32, #tpu.memory_space<vmem>>, %arg16: memref<16x128xf32, #tpu.memory_space<vmem>>, %arg17: memref<1000x64xf32, #tpu.memory_space<vmem>>, %arg18: memref<1000x64xf32, #tpu.memory_space<vmem>>, %arg19: memref<1000x64xf32, #tpu.memory_space<vmem>>, %arg20: memref<1000x64xf32, #tpu.memory_space<vmem>>) attributes {dimension_semantics = [#tpu.dimension_semantics<arbitrary>], iteration_bounds = array<i64: 10>, scalar_prefetch = 0 : i64, scratch_operands = 0 : i64, tpu.core_type = #tpu.core_type<tc>, window_params = [{transform_indices = @transform_0, window_bounds = array<i64: 2, 1000, 80>}, {transform_indices = @transform_1, window_bounds = array<i64: 2, 1000, 80>}, {transform_indices = @transform_2, window_bounds = array<i64: 1000, 80>}, {transform_indices = @transform_3, window_bounds = array<i64: 1000, 80>}, {transform_indices = @transform_4, window_bounds = array<i64: 1000, 16>}, {pipeline_mode = #tpu.pipeline_mode<synchronous>, transform_indices = @transform_5, window_bounds = array<i64: 1, 128>}, {pipeline_mode = #tpu.pipeline_mode<synchronous>, transform_indices = @transform_6, window_bounds = array<i64: 128, 128>}, {pipeline_mode = #tpu.pipeline_mode<synchronous>, transform_indices = @transform_7, window_bounds = array<i64: 1, 128>}, {pipeline_mode = #tpu.pipeline_mode<synchronous>, transform_indices = @transform_8, window_bounds = array<i64: 128, 128>}, {pipeline_mode = #tpu.pipeline_mode<synchronous>, transform_indices = @transform_9, window_bounds = array<i64: 128, 128>}, {pipeline_mode = #tpu.pipeline_mode<synchronous>, transform_indices = @transform_10, window_bounds = array<i64: 4, 80, 128>}, {pipeline_mode = #tpu.pipeline_mode<synchronous>, transform_indices = @transform_11, window_bounds = array<i64: 2, 128, 64>}, {pipeline_mode = #tpu.pipeline_mode<synchronous>, transform_indices = @transform_12, window_bounds = array<i64: 2, 80, 128>}, {pipeline_mode = #tpu.pipeline_mode<synchronous>, transform_indices = @transform_13, window_bounds = array<i64: 80, 128>}, {pipeline_mode = #tpu.pipeline_mode<synchronous>, transform_indices = @transform_14, window_bounds = array<i64: 80, 128>}, {pipeline_mode = #tpu.pipeline_mode<synchronous>, transform_indices = @transform_15, window_bounds = array<i64: 16, 128>}, {transform_indices = @transform_16, window_bounds = array<i64: 1000, 64>}, {transform_indices = @transform_17, window_bounds = array<i64: 1000, 64>}, {transform_indices = @transform_18, window_bounds = array<i64: 1000, 64>}, {transform_indices = @transform_19, window_bounds = array<i64: 1000, 64>}]} {
    %get3A = arith.constant 0 : index
    %get3A_0 = arith.constant 0 : index
    %get3A_1 = arith.constant 0 : index
    %get3A_2 = vector.load %arg1[%get3A, %get3A_0, %get3A_1] : memref<2x1000x80xf32, #tpu.memory_space<vmem>>, vector<1x1000x80xf32>
    %get3A_3 = vector.shape_cast %get3A_2 : vector<1x1000x80xf32> to vector<1000x80xf32>
    %get3A_4 = arith.constant 1 : index
    %get3A_5 = arith.constant 0 : index
    %get3A_6 = arith.constant 0 : index
    %get3A_7 = vector.load %arg1[%get3A_4, %get3A_5, %get3A_6] : memref<2x1000x80xf32, #tpu.memory_space<vmem>>, vector<1x1000x80xf32>
    %get3A_8 = vector.shape_cast %get3A_7 : vector<1x1000x80xf32> to vector<1000x80xf32>
    %add3A = arith.addf %get3A_3, %get3A_8 : vector<1000x80xf32>
    %get3A_9 = arith.constant 0 : index
    %get3A_10 = arith.constant 0 : index
    %get3A_11 = arith.constant 0 : index
    %get3A_12 = vector.load %arg2[%get3A_9, %get3A_10, %get3A_11] : memref<2x1000x80xf32, #tpu.memory_space<vmem>>, vector<1x1000x80xf32>
    %get3A_13 = vector.shape_cast %get3A_12 : vector<1x1000x80xf32> to vector<1000x80xf32>
    %get3A_14 = arith.constant 1 : index
    %get3A_15 = arith.constant 0 : index
    %get3A_16 = arith.constant 0 : index
    %get3A_17 = vector.load %arg2[%get3A_14, %get3A_15, %get3A_16] : memref<2x1000x80xf32, #tpu.memory_space<vmem>>, vector<1x1000x80xf32>
    %get3A_18 = vector.shape_cast %get3A_17 : vector<1x1000x80xf32> to vector<1000x80xf32>
    %add3A_19 = arith.addf %get3A_13, %get3A_18 : vector<1000x80xf32>
    %get3A_20 = arith.constant 0 : index
    %get3A_21 = arith.constant 0 : index
    %get3A_22 = vector.load %arg3[%get3A_20, %get3A_21] : memref<1000x80xf32, #tpu.memory_space<vmem>>, vector<1000x80xf32>
    %get3A_23 = arith.constant 0 : index
    %get3A_24 = arith.constant 0 : index
    %get3A_25 = vector.load %arg4[%get3A_23, %get3A_24] : memref<1000x80xf32, #tpu.memory_space<vmem>>, vector<1000x80xf32>
    %get3A_26 = arith.constant 0 : index
    %get3A_27 = arith.constant 0 : index
    %get3A_28 = arith.constant 0 : index
    %get3A_29 = vector.load %arg11[%get3A_26, %get3A_27, %get3A_28] : memref<4x80x128xf32, #tpu.memory_space<vmem>>, vector<1x80x128xf32>
    %get3A_30 = vector.shape_cast %get3A_29 : vector<1x80x128xf32> to vector<80x128xf32>
    %get3A_31 = arith.constant 1 : index
    %get3A_32 = arith.constant 0 : index
    %get3A_33 = arith.constant 0 : index
    %get3A_34 = vector.load %arg11[%get3A_31, %get3A_32, %get3A_33] : memref<4x80x128xf32, #tpu.memory_space<vmem>>, vector<1x80x128xf32>
    %get3A_35 = vector.shape_cast %get3A_34 : vector<1x80x128xf32> to vector<80x128xf32>
    %dot_general3A = arith.constant dense<0.000000e+00> : vector<1000x128xf32>
    %dot_general3A_36 = tpu.matmul %get3A_22, %get3A_30, %dot_general3A {dimension_numbers = #tpu.dot_dimension_numbers<[1], [0], [0], [1], [0, 0, 1, 1], [], []>, transpose_lhs_hint = false} : vector<1000x80xf32>, vector<80x128xf32>, vector<1000x128xf32> -> vector<1000x128xf32>
    %dot_general3A_37 = arith.constant dense<0.000000e+00> : vector<1000x128xf32>
    %dot_general3A_38 = tpu.matmul %get3A_25, %get3A_35, %dot_general3A_37 {dimension_numbers = #tpu.dot_dimension_numbers<[1], [0], [0], [1], [0, 0, 1, 1], [], []>, transpose_lhs_hint = false} : vector<1000x80xf32>, vector<80x128xf32>, vector<1000x128xf32> -> vector<1000x128xf32>
    %add3A_39 = arith.addf %dot_general3A_36, %dot_general3A_38 : vector<1000x128xf32>
    %get3A_40 = arith.constant 0 : index
    %get3A_41 = arith.constant 0 : index
    %get3A_42 = vector.load %arg15[%get3A_40, %get3A_41] : memref<80x128xf32, #tpu.memory_space<vmem>>, vector<80x128xf32>
    %dot_general3A_43 = arith.constant dense<0.000000e+00> : vector<1000x128xf32>
    %dot_general3A_44 = tpu.matmul %get3A_22, %get3A_42, %dot_general3A_43 {dimension_numbers = #tpu.dot_dimension_numbers<[1], [0], [0], [1], [0, 0, 1, 1], [], []>, transpose_lhs_hint = false} : vector<1000x80xf32>, vector<80x128xf32>, vector<1000x128xf32> -> vector<1000x128xf32>
    %get3A_45 = arith.constant 0 : index
    %get3A_46 = arith.constant 0 : index
    %get3A_47 = vector.load %arg5[%get3A_45, %get3A_46] : memref<1000x16xf32, #tpu.memory_space<vmem>>, vector<1000x16xf32>
    %get3A_48 = arith.constant 0 : index
    %get3A_49 = arith.constant 0 : index
    %get3A_50 = vector.load %arg16[%get3A_48, %get3A_49] : memref<16x128xf32, #tpu.memory_space<vmem>>, vector<16x128xf32>
    %dot_general3A_51 = arith.constant dense<0.000000e+00> : vector<1000x128xf32>
    %dot_general3A_52 = tpu.matmul %get3A_47, %get3A_50, %dot_general3A_51 {dimension_numbers = #tpu.dot_dimension_numbers<[1], [0], [0], [1], [0, 0, 1, 1], [], []>, transpose_lhs_hint = false} : vector<1000x16xf32>, vector<16x128xf32>, vector<1000x128xf32> -> vector<1000x128xf32>
    %add3A_53 = arith.addf %dot_general3A_44, %dot_general3A_52 : vector<1000x128xf32>
    %mul3A = arith.constant 2.000000e-01 : f32
    %mul3A_54 = vector.broadcast %mul3A : f32 to vector<1000x128xf32>
    %mul3A_55 = arith.mulf %mul3A_54, %add3A_53 : vector<1000x128xf32>
    %max3A = arith.maximumf %add3A_53, %mul3A_55 : vector<1000x128xf32>
    %exp3A = math.exp %max3A : vector<1000x128xf32>
    %get3A_56 = arith.constant 0 : index
    %get3A_57 = arith.constant 0 : index
    %get3A_58 = arith.constant 0 : index
    %get3A_59 = vector.load %arg13[%get3A_56, %get3A_57, %get3A_58] : memref<2x80x128xf32, #tpu.memory_space<vmem>>, vector<1x80x128xf32>
    %get3A_60 = vector.shape_cast %get3A_59 : vector<1x80x128xf32> to vector<80x128xf32>
    %dot_general3A_61 = arith.constant dense<0.000000e+00> : vector<1000x128xf32>
    %dot_general3A_62 = tpu.matmul %add3A, %get3A_60, %dot_general3A_61 {dimension_numbers = #tpu.dot_dimension_numbers<[1], [0], [0], [1], [0, 0, 1, 1], [], []>, transpose_lhs_hint = false} : vector<1000x80xf32>, vector<80x128xf32>, vector<1000x128xf32> -> vector<1000x128xf32>
    %get3A_63 = arith.constant 1 : index
    %get3A_64 = arith.constant 0 : index
    %get3A_65 = arith.constant 0 : index
    %get3A_66 = vector.load %arg13[%get3A_63, %get3A_64, %get3A_65] : memref<2x80x128xf32, #tpu.memory_space<vmem>>, vector<1x80x128xf32>
    %get3A_67 = vector.shape_cast %get3A_66 : vector<1x80x128xf32> to vector<80x128xf32>
    %dot_general3A_68 = arith.constant dense<0.000000e+00> : vector<1000x128xf32>
    %dot_general3A_69 = tpu.matmul %add3A_19, %get3A_67, %dot_general3A_68 {dimension_numbers = #tpu.dot_dimension_numbers<[1], [0], [0], [1], [0, 0, 1, 1], [], []>, transpose_lhs_hint = false} : vector<1000x80xf32>, vector<80x128xf32>, vector<1000x128xf32> -> vector<1000x128xf32>
    %add3A_70 = arith.addf %dot_general3A_62, %dot_general3A_69 : vector<1000x128xf32>
    %get3A_71 = arith.constant 0 : index
    %get3A_72 = arith.constant 0 : index
    %get3A_73 = vector.load %arg14[%get3A_71, %get3A_72] : memref<80x128xf32, #tpu.memory_space<vmem>>, vector<80x128xf32>
    %dot_general3A_74 = arith.constant dense<0.000000e+00> : vector<1000x128xf32>
    %dot_general3A_75 = tpu.matmul %add3A, %get3A_73, %dot_general3A_74 {dimension_numbers = #tpu.dot_dimension_numbers<[1], [0], [0], [1], [0, 0, 1, 1], [], []>, transpose_lhs_hint = false} : vector<1000x80xf32>, vector<80x128xf32>, vector<1000x128xf32> -> vector<1000x128xf32>
    %add3A_76 = arith.addf %dot_general3A_75, %exp3A : vector<1000x128xf32>
    %add3A_77 = arith.constant 1.000000e-16 : f32
    %add3A_78 = vector.broadcast %add3A_77 : f32 to vector<1000x128xf32>
    %add3A_79 = arith.addf %add3A_76, %add3A_78 : vector<1000x128xf32>
    %mul3A_80 = arith.mulf %add3A_39, %exp3A : vector<1000x128xf32>
    %add3A_81 = arith.addf %add3A_70, %mul3A_80 : vector<1000x128xf32>
    %div3A = arith.divf %add3A_81, %add3A_79 : vector<1000x128xf32>
    %get3A_82 = arith.constant 0 : index
    %get3A_83 = arith.constant 0 : index
    %get3A_84 = vector.load %arg6[%get3A_82, %get3A_83] : memref<1x128xf32, #tpu.memory_space<vmem>>, vector<1x128xf32>
    %add3A_85 = vector.broadcast %get3A_84 : vector<1x128xf32> to vector<1000x128xf32>
    %add3A_86 = arith.addf %div3A, %add3A_85 : vector<1000x128xf32>
    %gt3A = arith.constant 0.000000e+00 : f32
    %gt3A_87 = vector.broadcast %gt3A : f32 to vector<1000x128xf32>
    %gt3A_88 = arith.cmpf ogt, %add3A_86, %gt3A_87 : vector<1000x128xf32>
    %min3A = arith.constant 0.000000e+00 : f32
    %min3A_89 = vector.broadcast %min3A : f32 to vector<1000x128xf32>
    %min3A_90 = arith.minimumf %add3A_86, %min3A_89 : vector<1000x128xf32>
    %exp3A_91 = math.exp %min3A_90 : vector<1000x128xf32>
    %sub3A = arith.constant 1.000000e+00 : f32
    %sub3A_92 = vector.broadcast %sub3A : f32 to vector<1000x128xf32>
    %sub3A_93 = arith.subf %exp3A_91, %sub3A_92 : vector<1000x128xf32>
    %select_n3A = arith.select %gt3A_88, %add3A_86, %sub3A_93 : vector<1000x128xi1>, vector<1000x128xf32>
    %get3A_94 = arith.constant 0 : index
    %get3A_95 = arith.constant 0 : index
    %get3A_96 = vector.load %arg7[%get3A_94, %get3A_95] : memref<128x128xf32, #tpu.memory_space<vmem>>, vector<128x128xf32>
    %dot_general3A_97 = arith.constant dense<0.000000e+00> : vector<1000x128xf32>
    %dot_general3A_98 = tpu.matmul %select_n3A, %get3A_96, %dot_general3A_97 {dimension_numbers = #tpu.dot_dimension_numbers<[1], [0], [0], [1], [0, 0, 1, 1], [], []>, transpose_lhs_hint = false} : vector<1000x128xf32>, vector<128x128xf32>, vector<1000x128xf32> -> vector<1000x128xf32>
    %get3A_99 = arith.constant 0 : index
    %get3A_100 = arith.constant 0 : index
    %get3A_101 = vector.load %arg8[%get3A_99, %get3A_100] : memref<1x128xf32, #tpu.memory_space<vmem>>, vector<1x128xf32>
    %add3A_102 = vector.broadcast %get3A_101 : vector<1x128xf32> to vector<1000x128xf32>
    %add3A_103 = arith.addf %dot_general3A_98, %add3A_102 : vector<1000x128xf32>
    %get3A_104 = arith.constant 0 : index
    %get3A_105 = arith.constant 0 : index
    %get3A_106 = vector.load %arg9[%get3A_104, %get3A_105] : memref<128x128xf32, #tpu.memory_space<vmem>>, vector<128x128xf32>
    %dot_general3A_107 = arith.constant dense<0.000000e+00> : vector<1000x128xf32>
    %dot_general3A_108 = tpu.matmul %add3A_103, %get3A_106, %dot_general3A_107 {dimension_numbers = #tpu.dot_dimension_numbers<[1], [0], [0], [1], [0, 0, 1, 1], [], []>, transpose_lhs_hint = false} : vector<1000x128xf32>, vector<128x128xf32>, vector<1000x128xf32> -> vector<1000x128xf32>
    %get3A_109 = arith.constant 0 : index
    %get3A_110 = arith.constant 0 : index
    %get3A_111 = vector.load %arg10[%get3A_109, %get3A_110] : memref<128x128xf32, #tpu.memory_space<vmem>>, vector<128x128xf32>
    %dot_general3A_112 = arith.constant dense<0.000000e+00> : vector<1000x128xf32>
    %dot_general3A_113 = tpu.matmul %add3A_103, %get3A_111, %dot_general3A_112 {dimension_numbers = #tpu.dot_dimension_numbers<[1], [0], [0], [1], [0, 0, 1, 1], [], []>, transpose_lhs_hint = false} : vector<1000x128xf32>, vector<128x128xf32>, vector<1000x128xf32> -> vector<1000x128xf32>
    %get3A_114 = arith.constant 0 : index
    %get3A_115 = arith.constant 0 : index
    %get3A_116 = arith.constant 0 : index
    %get3A_117 = vector.load %arg12[%get3A_114, %get3A_115, %get3A_116] : memref<2x128x64xf32, #tpu.memory_space<vmem>>, vector<1x128x64xf32>
    %get3A_118 = vector.shape_cast %get3A_117 : vector<1x128x64xf32> to vector<128x64xf32>
    %dot_general3A_119 = arith.constant dense<0.000000e+00> : vector<1000x64xf32>
    %dot_general3A_120 = tpu.matmul %dot_general3A_108, %get3A_118, %dot_general3A_119 {dimension_numbers = #tpu.dot_dimension_numbers<[1], [0], [0], [1], [0, 0, 1, 1], [], []>, transpose_lhs_hint = false} : vector<1000x128xf32>, vector<128x64xf32>, vector<1000x64xf32> -> vector<1000x64xf32>
    %swap3A = arith.constant 0 : index
    %swap3A_121 = arith.constant 0 : index
    %swap3A_122 = vector.load %arg17[%swap3A, %swap3A_121] : memref<1000x64xf32, #tpu.memory_space<vmem>>, vector<1000x64xf32>
    tpu.vector_store %arg17[%swap3A, %swap3A_121], %dot_general3A_120 {strides = array<i32>} : memref<1000x64xf32, #tpu.memory_space<vmem>>, vector<1000x64xf32>,
    %get3A_123 = arith.constant 0 : index
    %get3A_124 = arith.constant 0 : index
    %get3A_125 = arith.constant 0 : index
    %get3A_126 = vector.load %arg12[%get3A_123, %get3A_124, %get3A_125] : memref<2x128x64xf32, #tpu.memory_space<vmem>>, vector<1x128x64xf32>
    %get3A_127 = vector.shape_cast %get3A_126 : vector<1x128x64xf32> to vector<128x64xf32>
    %dot_general3A_128 = arith.constant dense<0.000000e+00> : vector<1000x64xf32>
    %dot_general3A_129 = tpu.matmul %dot_general3A_113, %get3A_127, %dot_general3A_128 {dimension_numbers = #tpu.dot_dimension_numbers<[1], [0], [0], [1], [0, 0, 1, 1], [], []>, transpose_lhs_hint = false} : vector<1000x128xf32>, vector<128x64xf32>, vector<1000x64xf32> -> vector<1000x64xf32>
    %swap3A_130 = arith.constant 0 : index
    %swap3A_131 = arith.constant 0 : index
    %swap3A_132 = vector.load %arg18[%swap3A_130, %swap3A_131] : memref<1000x64xf32, #tpu.memory_space<vmem>>, vector<1000x64xf32>
    tpu.vector_store %arg18[%swap3A_130, %swap3A_131], %dot_general3A_129 {strides = array<i32>} : memref<1000x64xf32, #tpu.memory_space<vmem>>, vector<1000x64xf32>,
    %get3A_133 = arith.constant 1 : index
    %get3A_134 = arith.constant 0 : index
    %get3A_135 = arith.constant 0 : index
    %get3A_136 = vector.load %arg12[%get3A_133, %get3A_134, %get3A_135] : memref<2x128x64xf32, #tpu.memory_space<vmem>>, vector<1x128x64xf32>
    %get3A_137 = vector.shape_cast %get3A_136 : vector<1x128x64xf32> to vector<128x64xf32>
    %dot_general3A_138 = arith.constant dense<0.000000e+00> : vector<1000x64xf32>
    %dot_general3A_139 = tpu.matmul %dot_general3A_108, %get3A_137, %dot_general3A_138 {dimension_numbers = #tpu.dot_dimension_numbers<[1], [0], [0], [1], [0, 0, 1, 1], [], []>, transpose_lhs_hint = false} : vector<1000x128xf32>, vector<128x64xf32>, vector<1000x64xf32> -> vector<1000x64xf32>
    %swap3A_140 = arith.constant 0 : index
    %swap3A_141 = arith.constant 0 : index
    %swap3A_142 = vector.load %arg19[%swap3A_140, %swap3A_141] : memref<1000x64xf32, #tpu.memory_space<vmem>>, vector<1000x64xf32>
    tpu.vector_store %arg19[%swap3A_140, %swap3A_141], %dot_general3A_139 {strides = array<i32>} : memref<1000x64xf32, #tpu.memory_space<vmem>>, vector<1000x64xf32>,
    %get3A_143 = arith.constant 1 : index
    %get3A_144 = arith.constant 0 : index
    %get3A_145 = arith.constant 0 : index
    %get3A_146 = vector.load %arg12[%get3A_143, %get3A_144, %get3A_145] : memref<2x128x64xf32, #tpu.memory_space<vmem>>, vector<1x128x64xf32>
    %get3A_147 = vector.shape_cast %get3A_146 : vector<1x128x64xf32> to vector<128x64xf32>
    %dot_general3A_148 = arith.constant dense<0.000000e+00> : vector<1000x64xf32>
    %dot_general3A_149 = tpu.matmul %dot_general3A_113, %get3A_147, %dot_general3A_148 {dimension_numbers = #tpu.dot_dimension_numbers<[1], [0], [0], [1], [0, 0, 1, 1], [], []>, transpose_lhs_hint = false} : vector<1000x128xf32>, vector<128x64xf32>, vector<1000x64xf32> -> vector<1000x64xf32>
    %swap3A_150 = arith.constant 0 : index
    %swap3A_151 = arith.constant 0 : index
    %swap3A_152 = vector.load %arg20[%swap3A_150, %swap3A_151] : memref<1000x64xf32, #tpu.memory_space<vmem>>, vector<1000x64xf32>
    tpu.vector_store %arg20[%swap3A_150, %swap3A_151], %dot_general3A_149 {strides = array<i32>} : memref<1000x64xf32, #tpu.memory_space<vmem>>, vector<1000x64xf32>,
    return
  }
  func.func @transform_0(%arg0: i32) -> (i32, i32, i32) {
    %c0_i32 = arith.constant 0 : i32
    %c0_i32_0 = arith.constant 0 : i32
    %c0_i32_1 = arith.constant 0 : i32
    return %c0_i32, %arg0, %c0_i32_0 : i32, i32, i32
  }
  func.func @transform_1(%arg0: i32) -> (i32, i32, i32) {
    %c0_i32 = arith.constant 0 : i32
    %c0_i32_0 = arith.constant 0 : i32
    %c0_i32_1 = arith.constant 0 : i32
    return %c0_i32, %arg0, %c0_i32_0 : i32, i32, i32
  }
  func.func @transform_2(%arg0: i32) -> (i32, i32) {
    %c0_i32 = arith.constant 0 : i32
    %c0_i32_0 = arith.constant 0 : i32
    return %arg0, %c0_i32 : i32, i32
  }
  func.func @transform_3(%arg0: i32) -> (i32, i32) {
    %c0_i32 = arith.constant 0 : i32
    %c0_i32_0 = arith.constant 0 : i32
    return %arg0, %c0_i32 : i32, i32
  }
  func.func @transform_4(%arg0: i32) -> (i32, i32) {
    %c0_i32 = arith.constant 0 : i32
    %c0_i32_0 = arith.constant 0 : i32
    return %arg0, %c0_i32 : i32, i32
  }
  func.func @transform_5(%arg0: i32) -> (i32, i32) {
    %c0_i32 = arith.constant 0 : i32
    %c0_i32_0 = arith.constant 0 : i32
    %c0_i32_1 = arith.constant 0 : i32
    return %c0_i32, %c0_i32_0 : i32, i32
  }
  func.func @transform_6(%arg0: i32) -> (i32, i32) {
    %c0_i32 = arith.constant 0 : i32
    %c0_i32_0 = arith.constant 0 : i32
    %c0_i32_1 = arith.constant 0 : i32
    return %c0_i32, %c0_i32_0 : i32, i32
  }
  func.func @transform_7(%arg0: i32) -> (i32, i32) {
    %c0_i32 = arith.constant 0 : i32
    %c0_i32_0 = arith.constant 0 : i32
    %c0_i32_1 = arith.constant 0 : i32
    return %c0_i32, %c0_i32_0 : i32, i32
  }
  func.func @transform_8(%arg0: i32) -> (i32, i32) {
    %c0_i32 = arith.constant 0 : i32
    %c0_i32_0 = arith.constant 0 : i32
    %c0_i32_1 = arith.constant 0 : i32
    return %c0_i32, %c0_i32_0 : i32, i32
  }
  func.func @transform_9(%arg0: i32) -> (i32, i32) {
    %c0_i32 = arith.constant 0 : i32
    %c0_i32_0 = arith.constant 0 : i32
    %c0_i32_1 = arith.constant 0 : i32
    return %c0_i32, %c0_i32_0 : i32, i32
  }
  func.func @transform_10(%arg0: i32) -> (i32, i32, i32) {
    %c0_i32 = arith.constant 0 : i32
    %c0_i32_0 = arith.constant 0 : i32
    %c0_i32_1 = arith.constant 0 : i32
    %c0_i32_2 = arith.constant 0 : i32
    return %c0_i32, %c0_i32_0, %c0_i32_1 : i32, i32, i32
  }
  func.func @transform_11(%arg0: i32) -> (i32, i32, i32) {
    %c0_i32 = arith.constant 0 : i32
    %c0_i32_0 = arith.constant 0 : i32
    %c0_i32_1 = arith.constant 0 : i32
    %c0_i32_2 = arith.constant 0 : i32
    return %c0_i32, %c0_i32_0, %c0_i32_1 : i32, i32, i32
  }
  func.func @transform_12(%arg0: i32) -> (i32, i32, i32) {
    %c0_i32 = arith.constant 0 : i32
    %c0_i32_0 = arith.constant 0 : i32
    %c0_i32_1 = arith.constant 0 : i32
    %c0_i32_2 = arith.constant 0 : i32
    return %c0_i32, %c0_i32_0, %c0_i32_1 : i32, i32, i32
  }
  func.func @transform_13(%arg0: i32) -> (i32, i32) {
    %c0_i32 = arith.constant 0 : i32
    %c0_i32_0 = arith.constant 0 : i32
    %c0_i32_1 = arith.constant 0 : i32
    return %c0_i32, %c0_i32_0 : i32, i32
  }
  func.func @transform_14(%arg0: i32) -> (i32, i32) {
    %c0_i32 = arith.constant 0 : i32
    %c0_i32_0 = arith.constant 0 : i32
    %c0_i32_1 = arith.constant 0 : i32
    return %c0_i32, %c0_i32_0 : i32, i32
  }
  func.func @transform_15(%arg0: i32) -> (i32, i32) {
    %c0_i32 = arith.constant 0 : i32
    %c0_i32_0 = arith.constant 0 : i32
    %c0_i32_1 = arith.constant 0 : i32
    return %c0_i32, %c0_i32_0 : i32, i32
  }
  func.func @transform_16(%arg0: i32) -> (i32, i32) {
    %c0_i32 = arith.constant 0 : i32
    %c0_i32_0 = arith.constant 0 : i32
    return %arg0, %c0_i32 : i32, i32
  }
  func.func @transform_17(%arg0: i32) -> (i32, i32) {
    %c0_i32 = arith.constant 0 : i32
    %c0_i32_0 = arith.constant 0 : i32
    return %arg0, %c0_i32 : i32, i32
  }
  func.func @transform_18(%arg0: i32) -> (i32, i32) {
    %c0_i32 = arith.constant 0 : i32
    %c0_i32_0 = arith.constant 0 : i32
    return %arg0, %c0_i32 : i32, i32
  }
  func.func @transform_19(%arg0: i32) -> (i32, i32) {
    %c0_i32 = arith.constant 0 : i32
    %c0_i32_0 = arith.constant 0 : i32
    return %arg0, %c0_i32 : i32, i32
  }
}

module attributes {stable_mosaic.version = 14 : i64} {
  func.func @_mlp_body(%arg0: i32, %arg1: memref<2000x64xf32, #tpu.memory_space<vmem>>, %arg2: memref<2000x64xf32, #tpu.memory_space<vmem>>, %arg3: memref<2000x16xf32, #tpu.memory_space<vmem>>, %arg4: memref<16x128xf32, #tpu.memory_space<vmem>>, %arg5: memref<1x128xf32, #tpu.memory_space<vmem>>, %arg6: memref<128x2xf32, #tpu.memory_space<vmem>>, %arg7: memref<1x2xf32, #tpu.memory_space<vmem>>, %arg8: memref<64x128xf32, #tpu.memory_space<vmem>>, %arg9: memref<64x128xf32, #tpu.memory_space<vmem>>, %arg10: memref<2000x2xf32, #tpu.memory_space<vmem>>) attributes {dimension_semantics = [#tpu.dimension_semantics<arbitrary>], iteration_bounds = array<i64: 160>, scalar_prefetch = 0 : i64, scratch_operands = 0 : i64, tpu.core_type = #tpu.core_type<tc>, window_params = [{transform_indices = @transform_0, window_bounds = array<i64: 2000, 64>}, {transform_indices = @transform_1, window_bounds = array<i64: 2000, 64>}, {transform_indices = @transform_2, window_bounds = array<i64: 2000, 16>}, {pipeline_mode = #tpu.pipeline_mode<synchronous>, transform_indices = @transform_3, window_bounds = array<i64: 16, 128>}, {pipeline_mode = #tpu.pipeline_mode<synchronous>, transform_indices = @transform_4, window_bounds = array<i64: 1, 128>}, {pipeline_mode = #tpu.pipeline_mode<synchronous>, transform_indices = @transform_5, window_bounds = array<i64: 128, 2>}, {pipeline_mode = #tpu.pipeline_mode<synchronous>, transform_indices = @transform_6, window_bounds = array<i64: 1, 2>}, {pipeline_mode = #tpu.pipeline_mode<synchronous>, transform_indices = @transform_7, window_bounds = array<i64: 64, 128>}, {pipeline_mode = #tpu.pipeline_mode<synchronous>, transform_indices = @transform_8, window_bounds = array<i64: 64, 128>}, {transform_indices = @transform_9, window_bounds = array<i64: 2000, 2>}]} {
    %get3A = arith.constant 0 : index
    %get3A_0 = arith.constant 0 : index
    %get3A_1 = vector.load %arg3[%get3A, %get3A_0] : memref<2000x16xf32, #tpu.memory_space<vmem>>, vector<2000x16xf32>
    %get3A_2 = arith.constant 0 : index
    %get3A_3 = arith.constant 0 : index
    %get3A_4 = vector.load %arg4[%get3A_2, %get3A_3] : memref<16x128xf32, #tpu.memory_space<vmem>>, vector<16x128xf32>
    %dot_general3A = arith.constant dense<0.000000e+00> : vector<2000x128xf32>
    %dot_general3A_5 = tpu.matmul %get3A_1, %get3A_4, %dot_general3A {dimension_numbers = #tpu.dot_dimension_numbers<[1], [0], [0], [1], [0, 0, 1, 1], [], []>, transpose_lhs_hint = false} : vector<2000x16xf32>, vector<16x128xf32>, vector<2000x128xf32> -> vector<2000x128xf32>
    %get3A_6 = arith.constant 0 : index
    %get3A_7 = arith.constant 0 : index
    %get3A_8 = vector.load %arg1[%get3A_6, %get3A_7] : memref<2000x64xf32, #tpu.memory_space<vmem>>, vector<2000x64xf32>
    %get3A_9 = arith.constant 0 : index
    %get3A_10 = arith.constant 0 : index
    %get3A_11 = vector.load %arg8[%get3A_9, %get3A_10] : memref<64x128xf32, #tpu.memory_space<vmem>>, vector<64x128xf32>
    %dot_general3A_12 = arith.constant dense<0.000000e+00> : vector<2000x128xf32>
    %dot_general3A_13 = tpu.matmul %get3A_8, %get3A_11, %dot_general3A_12 {dimension_numbers = #tpu.dot_dimension_numbers<[1], [0], [0], [1], [0, 0, 1, 1], [], []>, transpose_lhs_hint = false} : vector<2000x64xf32>, vector<64x128xf32>, vector<2000x128xf32> -> vector<2000x128xf32>
    %get3A_14 = arith.constant 0 : index
    %get3A_15 = arith.constant 0 : index
    %get3A_16 = vector.load %arg2[%get3A_14, %get3A_15] : memref<2000x64xf32, #tpu.memory_space<vmem>>, vector<2000x64xf32>
    %get3A_17 = arith.constant 0 : index
    %get3A_18 = arith.constant 0 : index
    %get3A_19 = vector.load %arg9[%get3A_17, %get3A_18] : memref<64x128xf32, #tpu.memory_space<vmem>>, vector<64x128xf32>
    %dot_general3A_20 = arith.constant dense<0.000000e+00> : vector<2000x128xf32>
    %dot_general3A_21 = tpu.matmul %get3A_16, %get3A_19, %dot_general3A_20 {dimension_numbers = #tpu.dot_dimension_numbers<[1], [0], [0], [1], [0, 0, 1, 1], [], []>, transpose_lhs_hint = false} : vector<2000x64xf32>, vector<64x128xf32>, vector<2000x128xf32> -> vector<2000x128xf32>
    %add3A = arith.addf %dot_general3A_13, %dot_general3A_21 : vector<2000x128xf32>
    %add3A_22 = arith.addf %add3A, %dot_general3A_5 : vector<2000x128xf32>
    %get3A_23 = arith.constant 0 : index
    %get3A_24 = arith.constant 0 : index
    %get3A_25 = vector.load %arg5[%get3A_23, %get3A_24] : memref<1x128xf32, #tpu.memory_space<vmem>>, vector<1x128xf32>
    %add3A_26 = vector.broadcast %get3A_25 : vector<1x128xf32> to vector<2000x128xf32>
    %add3A_27 = arith.addf %add3A_22, %add3A_26 : vector<2000x128xf32>
    %max3A = arith.constant 0.000000e+00 : f32
    %max3A_28 = vector.broadcast %max3A : f32 to vector<2000x128xf32>
    %max3A_29 = arith.maximumf %add3A_27, %max3A_28 : vector<2000x128xf32>
    %get3A_30 = arith.constant 0 : index
    %get3A_31 = arith.constant 0 : index
    %get3A_32 = vector.load %arg6[%get3A_30, %get3A_31] : memref<128x2xf32, #tpu.memory_space<vmem>>, vector<128x2xf32>
    %dot_general3A_33 = arith.constant dense<0.000000e+00> : vector<2000x2xf32>
    %dot_general3A_34 = tpu.matmul %max3A_29, %get3A_32, %dot_general3A_33 {dimension_numbers = #tpu.dot_dimension_numbers<[1], [0], [0], [1], [0, 0, 1, 1], [], []>, transpose_lhs_hint = false} : vector<2000x128xf32>, vector<128x2xf32>, vector<2000x2xf32> -> vector<2000x2xf32>
    %get3A_35 = arith.constant 0 : index
    %get3A_36 = arith.constant 0 : index
    %get3A_37 = vector.load %arg7[%get3A_35, %get3A_36] : memref<1x2xf32, #tpu.memory_space<vmem>>, vector<1x2xf32>
    %add3A_38 = vector.broadcast %get3A_37 : vector<1x2xf32> to vector<2000x2xf32>
    %add3A_39 = arith.addf %dot_general3A_34, %add3A_38 : vector<2000x2xf32>
    %reduce_max3A = arith.constant dense<0xFF800000> : vector<2000xf32>
    %reduce_max3A_40 = vector.multi_reduction <maximumf>, %add3A_39, %reduce_max3A [1] : vector<2000x2xf32> to vector<2000xf32>
    %broadcast_in_dim3A = vector.shape_cast %reduce_max3A_40 : vector<2000xf32> to vector<2000x1xf32>
    %sub3A = vector.broadcast %broadcast_in_dim3A : vector<2000x1xf32> to vector<2000x2xf32>
    %sub3A_41 = arith.subf %add3A_39, %sub3A : vector<2000x2xf32>
    %exp3A = math.exp %sub3A_41 : vector<2000x2xf32>
    %reduce_sum3A = arith.constant dense<0.000000e+00> : vector<2000xf32>
    %reduce_sum3A_42 = vector.multi_reduction <add>, %exp3A, %reduce_sum3A [1] : vector<2000x2xf32> to vector<2000xf32>
    %broadcast_in_dim3A_43 = vector.shape_cast %reduce_sum3A_42 : vector<2000xf32> to vector<2000x1xf32>
    %log3A = math.log %broadcast_in_dim3A_43 : vector<2000x1xf32>
    %add3A_44 = arith.addf %broadcast_in_dim3A, %log3A : vector<2000x1xf32>
    %sub3A_45 = vector.broadcast %add3A_44 : vector<2000x1xf32> to vector<2000x2xf32>
    %sub3A_46 = arith.subf %add3A_39, %sub3A_45 : vector<2000x2xf32>
    %swap3A = arith.constant 0 : index
    %swap3A_47 = arith.constant 0 : index
    %swap3A_48 = vector.load %arg10[%swap3A, %swap3A_47] : memref<2000x2xf32, #tpu.memory_space<vmem>>, vector<2000x2xf32>
    tpu.vector_store %arg10[%swap3A, %swap3A_47], %sub3A_46 {strides = array<i32>} : memref<2000x2xf32, #tpu.memory_space<vmem>>, vector<2000x2xf32>,
    return
  }
  func.func @transform_0(%arg0: i32) -> (i32, i32) {
    %c0_i32 = arith.constant 0 : i32
    %c0_i32_0 = arith.constant 0 : i32
    return %arg0, %c0_i32 : i32, i32
  }
  func.func @transform_1(%arg0: i32) -> (i32, i32) {
    %c0_i32 = arith.constant 0 : i32
    %c0_i32_0 = arith.constant 0 : i32
    return %arg0, %c0_i32 : i32, i32
  }
  func.func @transform_2(%arg0: i32) -> (i32, i32) {
    %c0_i32 = arith.constant 0 : i32
    %c0_i32_0 = arith.constant 0 : i32
    return %arg0, %c0_i32 : i32, i32
  }
  func.func @transform_3(%arg0: i32) -> (i32, i32) {
    %c0_i32 = arith.constant 0 : i32
    %c0_i32_0 = arith.constant 0 : i32
    %c0_i32_1 = arith.constant 0 : i32
    return %c0_i32, %c0_i32_0 : i32, i32
  }
  func.func @transform_4(%arg0: i32) -> (i32, i32) {
    %c0_i32 = arith.constant 0 : i32
    %c0_i32_0 = arith.constant 0 : i32
    %c0_i32_1 = arith.constant 0 : i32
    return %c0_i32, %c0_i32_0 : i32, i32
  }
  func.func @transform_5(%arg0: i32) -> (i32, i32) {
    %c0_i32 = arith.constant 0 : i32
    %c0_i32_0 = arith.constant 0 : i32
    %c0_i32_1 = arith.constant 0 : i32
    return %c0_i32, %c0_i32_0 : i32, i32
  }
  func.func @transform_6(%arg0: i32) -> (i32, i32) {
    %c0_i32 = arith.constant 0 : i32
    %c0_i32_0 = arith.constant 0 : i32
    %c0_i32_1 = arith.constant 0 : i32
    return %c0_i32, %c0_i32_0 : i32, i32
  }
  func.func @transform_7(%arg0: i32) -> (i32, i32) {
    %c0_i32 = arith.constant 0 : i32
    %c0_i32_0 = arith.constant 0 : i32
    %c0_i32_1 = arith.constant 0 : i32
    return %c0_i32, %c0_i32_0 : i32, i32
  }
  func.func @transform_8(%arg0: i32) -> (i32, i32) {
    %c0_i32 = arith.constant 0 : i32
    %c0_i32_0 = arith.constant 0 : i32
    %c0_i32_1 = arith.constant 0 : i32
    return %c0_i32, %c0_i32_0 : i32, i32
  }
  func.func @transform_9(%arg0: i32) -> (i32, i32) {
    %c0_i32 = arith.constant 0 : i32
    %c0_i32_0 = arith.constant 0 : i32
    return %arg0, %c0_i32 : i32, i32
  }
}

</mosaic_0001>

<sc_bundles>
// kernel: kernel.11.cloned.1.call-start
scs
__scs_entry_jumppad:
0x0: {  	(pc) =	sbr.rel $0x88, $3  }
0x1: {  	(tag) =	ssettag $0x0;
	lr =	simm.s32 $0x1  }
0x2: {  	[smem:$0x3F90] =	sst lr;
	_ =	strace $0xD0000000  }
0x3: {  	_ = 	snop  }
0x4: {  	_ = 	snop  }
0x5: {  	_ = 	snop  }
0x6: {  	_ = 	snop  }
0x7: {  	_ = 	snop  }
__scs_overlays_trampoline_lowered:
0x8: {  	[smem:$0x3F9F] =	sst s0  }
0x9: {  	[smem:$0x3FA0] =	sst s1  }
0xa: {  	[smem:$0x3FA1] =	sst s2  }
0xb: {  	[smem:$0x3FA2] =	sst s3  }
0xc: {  	[smem:$0x3FA3] =	sst s4  }
0xd: {  	[smem:$0x3FA4] =	sst s5  }
0xe: {  	[smem:$0x3FA5] =	sst s6  }
0xf: {  	[smem:$0x3FA6] =	sst s7  }
0x10: {  	[smem:$0x3FA7] =	sst s8  }
0x11: {  	[smem:$0x3FA8] =	sst s9;
	s0 =	simm.s32 @!p0 $0x0  }
0x12: {  	s1 =	sld [smem:$0x3F8E];
	s0 =	simm.s32 @p0 $0x1  }
0x13: {  	[smem:$0x3FA9] =	sst s0;
	s0 =	simm.s32 @!p1 $0x0  }
0x14: {  	s2 =	sld [smem:$0x3F8D];
	s0 =	simm.s32 @p1 $0x1  }
0x15: {  	[smem:$0x3FAA] =	sst s0;
	s0 =	simm.s32 @!p2 $0x0  }
0x16: {  	s3 =	sld [smem:$0x3FDB];
	s0 =	simm.s32 @p2 $0x1  }
0x17: {  	s4 =	simm.s32 $0x1BF5;
	[smem:$0x3FAC] =	sst s0  }
0x18: {  	s0 =	sld [smem:$0x3F8F];
	_ =	swait.ge [sflag:s4], $0x0  }
0x19: {  	s7 =	sld [smem:$0x3F90]  }
0x1a: {  	s8 =	sadd.s32 $0xFFFFE003, lr  }
0x1b: {  	s9 =	sadd.s32 $0xFFFFFEF7, lr;
	s5 =	simm.s32 $0xFFFFFFFF;
	p2 =	slt.u32 s8, $0xFFFFF086  }
0x1c: {  	p1 =	slt.u32 s9, $0xF7A;
	s5 =	simm.s32 @!p2 $0x0  }
0x1d: {  	s5 =	simm.s32 @p1 $0x1;
	p0 =	seq.s32 s7, s2  }
0x1e: {  	s7 =	smul.u32 @!p0 $0xF7A, s2;
	p2 =	seq.s32 @!p0 s5, $0x0  }
0x1f: {  	s9 =	smul.u32 $0xF7A, s1;
	s8 =	simm.s32 @!p0 $0x1BF5;
	p2 =	por !p2, p0  }
0x20: {  	[sflag:s8] =	ssyncset.s32 @!p0 $0xFFFFF086;
	s6 =	sadd.s32 @!p0 s3, s7;
	s7 =	simm.s32 @!p0 $0x108  }
0x21: {  	s3 =	sadd.s32 s3, s9;
	s6 =	sadd.s32 @!p0 $0x88, s6;
	s7 =	simm.s32 @p2 $0x1082  }
0x22: {  	[simem:s7], [sflag:s8] =	dma.local @!p0 [hbm:s6], $0xF7A  }
0x23: {  	s9 =	sor.u32 $0xD0000000, s2;
	s6 =	simm.s32 $0x108;
	_ =	swait.ge @!p0 [sflag:s8], $0x0  }
0x24: {  	s3 =	sadd.s32 $0x88, s3;
	s6 =	simm.s32 @!p1 $0x1082;
	[sflag:s4] =	ssyncset.s32 $0xFFFFF086  }
0x25: {  	[simem:s6], [sflag:s4] =	dma.local [hbm:s3], $0xF7A  }
0x26: {  	[smem:$0x3F90] =	sst s1;
	(tag) =	ssettag s2;
	_ =	strace s9  }
0x27: {  	s1 =	sld [smem:$0x3FA0]  }
0x28: {  	s2 =	sld [smem:$0x3FA1]  }
0x29: {  	s4 =	sld [smem:$0x3FA3]  }
0x2a: {  	p0 =	seq.s32 s5, $0x0;
	s5 =	sld [smem:$0x3FA4]  }
0x2b: {  	s6 =	sld [smem:$0x3FA5]  }
0x2c: {  	s7 =	sld [smem:$0x3FA6]  }
0x2d: {  	s3 =	simm.s32 $0x108;
	s8 =	sld [smem:$0x3FA7]  }
0x2e: {  	s3 =	simm.s32 @!p0 $0x1082;
	s9 =	sld [smem:$0x3FA8]  }
0x2f: {  	lr =	sadd.s32 s0, s3;
	s0 =	sld [smem:$0x3F9F]  }
0x30: {  	s3 =	sld [smem:$0x3FA2]  }
0x31: {  	[smem:$0x3FAB] =	sst s10  }
0x32: {  	s10 =	sld [smem:$0x3FA9];
	_ =	sdelay $0x3  }
0x33: {  	p0 =	seq.s32 s10, $0x1;
	s10 =	sld [smem:$0x3FAB];
	_ =	sdelay $0x3  }
0x34: {  	[smem:$0x3FAB] =	sst s10  }
0x35: {  	s10 =	sld [smem:$0x3FAA];
	_ =	sdelay $0x3  }
0x36: {  	p1 =	seq.s32 s10, $0x1;
	s10 =	sld [smem:$0x3FAB];
	_ =	sdelay $0x3  }
0x37: {  	[smem:$0x3FAB] =	sst s10  }
0x38: {  	s10 =	sld [smem:$0x3FAC]  }
0x39: {  	_ = 	snop;
	(pc) =	sbr.ind lr, $3  }
0x3a: {  	_ = 	snop  }
0x3b: {  	_ = 	snop  }
0x3c: {  	p2 =	seq.s32 s10, $0x1;
	s10 =	sld [smem:$0x3FAB]  }
0x3d: {  	_ =	shalt  }
0x3e: {  	_ =	shalt  }
0x3f: {  	_ =	shalt  }
0x40: {  	_ =	shalt  }
0x41: {  	_ =	shalt  }
0x42: {  	_ =	shalt  }
0x43: {  	_ =	shalt  }
0x44: {  	_ =	shalt  }
0x45: {  	_ =	shalt  }
0x46: {  	_ =	shalt  }
0x47: {  	_ =	shalt  }
0x48: {  	_ =	shalt  }
0x49: {  	_ =	shalt  }
0x4a: {  	_ =	shalt  }
0x4b: {  	_ =	shalt  }
0x4c: {  	_ =	shalt  }
0x4d: {  	_ =	shalt  }
0x4e: {  	_ =	shalt  }
0x4f: {  	_ =	shalt  }
0x50: {  	_ =	shalt  }
0x51: {  	_ =	shalt  }
0x52: {  	_ =	shalt  }
0x53: {  	_ =	shalt  }
0x54: {  	_ =	shalt  }
0x55: {  	_ =	shalt  }
0x56: {  	_ =	shalt  }
0x57: {  	_ =	shalt  }
0x58: {  	_ =	shalt  }
0x59: {  	_ =	shalt  }
0x5a: {  	_ =	shalt  }
0x5b: {  	_ =	shalt  }
0x5c: {  	_ =	shalt  }
0x5d: {  	_ =	shalt  }
0x5e: {  	_ =	shalt  }
0x5f: {  	_ =	shalt  }
0x60: {  	_ =	shalt  }
0x61: {  	_ =	shalt  }
0x62: {  	_ =	shalt  }
0x63: {  	_ =	shalt  }
0x64: {  	_ =	shalt  }
0x65: {  	_ =	shalt  }
0x66: {  	_ =	shalt  }
0x67: {  	_ =	shalt  }
0x68: {  	_ =	shalt  }
0x69: {  	_ =	shalt  }
0x6a: {  	_ =	shalt  }
0x6b: {  	_ =	shalt  }
0x6c: {  	_ =	shalt  }
0x6d: {  	_ =	shalt  }
0x6e: {  	_ =	shalt  }
0x6f: {  	_ =	shalt  }
0x70: {  	_ =	shalt  }
0x71: {  	_ =	shalt  }
0x72: {  	_ =	shalt  }
0x73: {  	_ =	shalt  }
0x74: {  	_ =	shalt  }
0x75: {  	_ =	shalt  }
0x76: {  	_ =	shalt  }
0x77: {  	_ =	shalt  }
0x78: {  	_ =	shalt  }
0x79: {  	_ =	shalt  }
0x7a: {  	_ =	shalt  }
0x7b: {  	_ =	shalt  }
0x7c: {  	_ =	shalt  }
0x7d: {  	_ =	shalt  }
0x7e: {  	_ =	shalt  }
0x7f: {  	_ =	shalt  }
0x80: {  	_ =	shalt  }
0x81: {  	_ =	shalt  }
0x82: {  	_ =	shalt  }
0x83: {  	_ =	shalt  }
0x84: {  	_ =	shalt  }
0x85: {  	_ =	shalt  }
0x86: {  	_ =	shalt  }
0x87: {  	_ =	shalt  }
.Lfunc_end0:
.L_simem_size_0:
called_computation_lowered:
.L_overlay_start_0:
0x88: {  	s2 =	sld [smem:$0x3FD9]  }
0x89: {  	s3 =	sld [smem:$0x3FFE];
	_ =	sdelay $0x1  }
0x8a: {  	s1 =	srdreg.scid  }
0x8b: {  	s0 =	sand.u32 $0x1, s1  }
0x8c: {  	s17 =	sshll.u32 s0, $0xA;
	s2 =	sadd.s32 s3, s2  }
0x8d: {  	s2 =	sadd.s32 s2, s17  }
0x8e: {  	[smem:$0x3FB7] =	sst s2  }
0x8f: {  	_ = 	snop  }
0x90: {  	s2 =	sld [smem:$0x3FD0];
	(tm) =	ssettm $0x1  }
0x91: {  	s18 =	sld [smem:$0x3FFB];
	_ =	sdelay $0x3  }
0x92: {  	_ =	strace s18  }
0x93: {  	s3 =	sld [smem:$0x3FFC];
	_ =	sdelay $0x3  }
0x94: {  	_ =	strace s3  }
0x95: {  	s3 =	sld [smem:$0x3FFD];
	_ =	sdelay $0x3  }
0x96: {  	_ =	strace s3  }
0x97: {  	_ =	strace $0x8FFFFFFF  }
0x98: {  	s19 =	sld [smem:$0x3FDB];
	_ =	sdelay $0x1  }
0x99: {  	s4 =	simm.s32 $_scs_section_size  }
0x9a: {  	s5 =	simm.s32 $_size__tile_overlayer_lowered;
	s6 =	simm.s32 $_tile_overlayer_lowered  }
0x9b: {  	s22 =	simm.s32 $0x1BFF;
	s21 =	sshll.u32 s6, $0x1;
	s3 =	sadd.s32 s4, s19  }
0x9c: {  	s7 =	simm.s32 $0x0;
	s20 =	sshll.u32 s5, $0x1;
	s5 =	sadd.s32 s21, s3  }
0x9d: {  	[timem:s7], [sflag:s22] =	dma.local [hbm:s5], s20  }
0x9e: {  	_ =	swait.ge [sflag:s22], s20  }
0x9f: {  	s4 =	ssub.s32 $0x0, s20;
	[sflag:s22] =	ssyncset.done $0x0  }
0xa0: {  	[sflag:s22] =	ssyncadd.s32 s4;
	_ =	sdelay $0x1  }
0xa1: {  	s23 =	simm.s32 $0x1B8B  }
0xa2: {  	_ =	swait.ge [sflag:s23], $0x1  }
0xa3: {  	[sflag:s23] =	ssyncset.done $0x0  }
0xa4: {  	s25 =	simm.s32 $0x1B8E;
	s24 =	sld [smem:$0x3FFE];
	[sflag:s23] =	ssyncadd.s32 $0xFFFFFFFF  }
0xa5: {  	s26 =	simm.s32 $execute0_lowered;
	[smem:$0x3FD2] =	sst s25  }
0xa6: {  	s5 =	sshll.u32 s26, $0x1;
	_ =	strace $0x80000046;
	[dreg:$0x1] =	wrdreg $0xFFFFFFFF  }
0xa7: {  	s28 =	simm.s32 $_size_execute0_lowered;
	s3 =	sadd.s32 s3, s5;
	[dreg:$0x0] =	wrdreg $0x0  }
0xa8: {  	s5 =	sshll.u32 s28, $0x1;
	[dreg:$0x2] =	wrdreg s3  }
0xa9: {  	[dreg:$0x3] =	wrdreg s5  }
0xaa: {  	[dreg:$0x4] =	wrdreg $0xC0  }
0xab: {  	_ =	task [dreg:s7], $0x5FFFF  }
0xac: {  	[dreg:$0x1] =	wrdreg $0xFFFFFFFF  }
0xad: {  	[dreg:$0x0] =	wrdreg $0x60  }
0xae: {  	[dreg:$0x2] =	wrdreg s24  }
0xaf: {  	[dreg:$0x3] =	wrdreg s2  }
0xb0: {  	[dreg:$0x4] =	wrdreg $0x0  }
0xb1: {  	[dreg:$0x5] =	wrdreg $0x9  }
0xb2: {  	_ =	task.clear_ibuf [dreg:s7], $0x6FFFF;
	_ =	strace $0x90000046  }
0xb3: {  	s29 =	simm.s32 $0x9;
	_ =	strace $0x80000048  }
0xb4: {  	_ =	swait.ge [sflag:s29], $0x1  }
0xb5: {  	[sflag:s29] =	ssyncadd.s32 $0xFFFFFFFF  }
0xb6: {  	_ =	strace $0x90000048  }
0xb7: {  	_ =	sfence  }
0xb8: {  	s30 =	sld [smem:$0x0];
	_ =	sdelay $0x2  }
0xb9: {  	s31 =	sshll.u32 s1, $0xD;
	s1 =	sshrl.u32 s1, $0x2  }
0xba: {  	s3 =	sand.u32 $0x4000, s31;
	s1 =	sadd.s32 s1, s30  }
0xbb: {  	s0 =	sor.u32 s3, s0;
	s1 =	sshll.u32 s1, $0x11  }
0xbc: {  	s0 =	sor.u32 s1, s0  }
0xbd: {  	s0 =	sadd.s32 $0x8F2B, s0  }
0xbe: {  	[sflag:s0] =	ssyncadd.remote.s32 $0x1  }
0xbf: {  	_ =	sfence.sel $0xFFFF  }
0xc0: {  	[dreg:$0x0] =	wrdreg $0xFFFFFFFF;
	(pc) =	sbr.abs _section_cstart, $3  }
0xc1: {  	[dreg:$0x1] =	wrdreg $0xFFFFFFFF  }
0xc2: {  	_ =	task.clear_ibuf [dreg:s7], $0x2FFFF;
	_ =	strace $0x9FFFFFFF  }
0xc3: {  	(tm) =	ssettm $0x7FFFFFFF  }
tec
execute0_lowered:
.L_overlay_start_1:
0x0: {  	(tag) =	ssettag $0x1  }
0x1: {  	s0 =	rddreg [dreg:$0x0]  }
0x2: {  	s1 =	rddreg [dreg:$0x1]  }
0x3: {  	s2 =	rddreg [dreg:$0x2];
	s3 =	simm.s32 $0x0  }
0x4: {  	s14 =	srdreg.scid;
	s13 =	stileid.u32;
	s28 =	simm.s32 $0xC3F0  }
0x5: {  	s29 =	simm.s32 $0xC3A0;
	s30 =	simm.s32 $0xC440;
	s31 =	simm.s32 $0x1  }
0x6: {  	[smem:$0x7FF] =	sst s3;
	s5 =	sadd.s32 $0x41800, s0;
	s6 =	sadd.s32 $0x10800, s0  }
0x7: {  	s3 =	sand.u32 $0x1, s14;
	s4 =	smul.u32 $0x30D40, s13;
	s7 =	sadd.s32 $0x6A00, s0  }
0x8: {  	s0 =	sadd.s32 $0x5A000, s0;
	s20 =	smul.u32 $0xC300, s13;
	p0 =	sne.s32 s13, $0xF  }
0x9: {  	s14 =	simm.s32 $0x11990;
	_ =	strace $0x80000047;
	s8 =	ssub.s32 $0x2, s3  }
0xa: {  	s10 =	sshll.u32 s3, $0x4;
	s3 =	smul.u32 $0xC3500, s3;
	s9 =	sshrl.u32 s8, $0x1  }
0xb: {  	s4 =	sshrl.u32 s4, $0x2;
	s10 =	sor.u32 s13, s10;
	s25 =	sadd.s32 s20, s2  }
0xc: {  	s13 =	simm.s32 $0xFB90;
	s9 =	ssub.s32 s8, s9;
	s8 =	sadd.s32 s4, s2  }
0xd: {  	s11 =	smul.u32 $0x2710, s10;
	s23 =	sadd.s32 s20, s3;
	s4 =	sadd.s32 $0x1900, s8  }
0xe: {  	s3 =	sshrl.u32 s3, $0x3;
	s15 =	sadd.s32 $0x3200, s8;
	[dreg:$0x4] =	wrdreg s4  }
0xf: {  	s10 =	simm.s32 $0x4;
	s16 =	sadd.s32 $0x4B00, s8;
	[dreg:$0x5] =	wrdreg s15  }
0x10: {  	s17 =	sadd.s32 $0x6400, s8;
	s18 =	sadd.s32 $0x7D00, s8;
	[dreg:$0x6] =	wrdreg s16  }
0x11: {  	s12 =	sadd.s32 $0x9600, s8;
	s21 =	sadd.s32 $0xAF00, s8;
	[dreg:$0x7] =	wrdreg s17  }
0x12: {  	s24 =	sshrl.u32 s23, $0x3;
	s3 =	sadd.s32 s0, s3;
	[dreg:$0x8] =	wrdreg s18  }
0x13: {  	s26 =	smax.u32 s9, $0x1;
	s23 =	simm.s32 $0x5;
	[dreg:$0x9] =	wrdreg s12  }
0x14: {  	s9 =	simm.s32 $0x3;
	s19 =	sshrl.u32 s11, $0x3;
	[dreg:$0xa] =	wrdreg s21  }
0x15: {  	s0 =	sadd.s32 s0, s24;
	s3 =	sadd.s32 $0x18600, s3;
	[dreg:$0xf] =	wrdreg s26  }
0x16: {  	s26 =	simm.s32 $0xC350;
	s12 =	simm.s32 $0xDD90;
	[dreg:$0xd] =	wrdreg s0  }
0x17: {  	s15 =	simm.s32 $0x0;
	s4 =	sadd.s32 $0x4D8, s19;
	[dreg:$0xe] =	wrdreg s3  }
0x18: {  	s3 =	sadd.s32 $0xC3000, s2;
	s0 =	sshrl.u32 s25, $0x3;
	s22 =	sadd.s32 s6, s4  }
0x19: {  	v1 =	vlaneseq.u32;
	s4 =	sadd.s32 s7, s4;
	[dreg:$0x10] =	wrdreg s0;
	s25 =	sshrl.u32 @!p0 s3, $0x3  }
0x1a: {  	v0 =	vimm.f32 $0.0e+00;
	v1 =	vshrl.u32 v1, $0x3;
	s0 =	simm.s32 $0x2;
	s3 =	simm.s32 $0x50;
	[dreg:$0xb] =	wrdreg s22  }
0x1b: {  	v2 =	vor.u32 $0x2, v1;
	v3 =	vor.u32 $0x4, v1;
	v4 =	vor.u32 $0x6, v1;
	[dreg:$0xc] =	wrdreg s4;
	s22 =	simm.s32 $0x10090;
	s4 =	simm.s32 $0xC490  }
.LBB2_1:
0x1c: {  	s16 =	simm.s32 $0x0  }
0x1d: {  	s16 =	smul.u32 $0xCCCD, s16;
	_ =	sdelay $0x1  }
0x1e: {  	s17 =	sshrl.u32 s16, $0x12  }
0x1f: {  	s18 =	simm.s32 $0x0;
	s16 =	simm.s32 $0x1;
	s19 =	smul.u32 $0x5, s17  }
.LBB2_2:
0x20: {  	s20 =	smul.u32 $0xCCCD, s16  }
0x21: {  	s21 =	smov.u32 s16;
	s17 =	smul.u32 $0x140, s17;
	p1 =	sne.s32 s16, $0x18F  }
.Ltmp0:
0x22: {  	s18 =	ssub.s32 s18, s19;
	(pc) =	sbr.rel @p1 .LBB2_2-.Ltmp0, $4  }
0x23: {  	s16 =	sadd.s32 $0x1, s16;
	s18 =	sand.u32 $0xFFFF, s18  }
0x24: {  	s19 =	sshrl.u32 s17, $0x2;
	s24 =	sshll.u32 s18, $0x4;
	s18 =	smov.u32 s21  }
0x25: {  	s17 =	sshrl.u32 s20, $0x12;
	s20 =	sadd.s32 s24, s19  }
0x26: {  	s19 =	smul.u32 $0x5, s17;
	[tilespmem:s20+$0x10090] =	vst v0  }
0x27: {  	_ = 	snop  }
0x28: {  	s17 =	smul.u32 $0x140, s17;
	s16 =	ssub.s32 s18, s19  }
0x29: {  	s16 =	sand.u32 $0xFFFF, s16  }
0x2a: {  	s17 =	sshrl.u32 s17, $0x2;
	s16 =	sshll.u32 s16, $0x4  }
0x2b: {  	s16 =	sadd.s32 s16, s17  }
0x2c: {  	[tilespmem:s16+$0x10090] =	vst v0  }
0x2d: {  	[spmem:s8] =	stream.linear.scatter [tilespmem:s22], [sflag:$0x5], $0x1900, $0x38;
	[tilespmem:$0x13290] =	vst v63  }
0x2e: {  	_ =	swait.ge [sflag:s23], $0x1900  }
0x2f: {  	[sflag:s23] =	ssyncset.done $0x0  }
0x30: {  	s24 =	rddreg [dreg:$0x4];
	[sflag:s23] =	ssyncadd.s32 $0xFFFFE700  }
0x31: {  	[spmem:s24] =	stream.linear.scatter [tilespmem:s22], [sflag:$0x5], $0x1900, $0x38;
	[tilespmem:$0x13290] =	vst v63  }
0x32: {  	_ =	swait.ge [sflag:s23], $0x1900  }
0x33: {  	[sflag:s23] =	ssyncset.done $0x0  }
0x34: {  	s17 =	rddreg [dreg:$0x5];
	[sflag:s23] =	ssyncadd.s32 $0xFFFFE700  }
0x35: {  	[spmem:s17] =	stream.linear.scatter [tilespmem:s22], [sflag:$0x5], $0x1900, $0x38;
	[tilespmem:$0x13290] =	vst v63  }
0x36: {  	_ =	swait.ge [sflag:s23], $0x1900  }
0x37: {  	[sflag:s23] =	ssyncset.done $0x0  }
0x38: {  	s18 =	rddreg [dreg:$0x6];
	[sflag:s23] =	ssyncadd.s32 $0xFFFFE700  }
0x39: {  	[spmem:s18] =	stream.linear.scatter [tilespmem:s22], [sflag:$0x5], $0x1900, $0x38;
	[tilespmem:$0x13290] =	vst v63  }
0x3a: {  	_ =	swait.ge [sflag:s23], $0x1900  }
0x3b: {  	[sflag:s23] =	ssyncset.done $0x0  }
0x3c: {  	s19 =	rddreg [dreg:$0x7];
	[sflag:s23] =	ssyncadd.s32 $0xFFFFE700  }
0x3d: {  	[spmem:s19] =	stream.linear.scatter [tilespmem:s22], [sflag:$0x5], $0x1900, $0x38;
	[tilespmem:$0x13290] =	vst v63  }
0x3e: {  	_ =	swait.ge [sflag:s23], $0x1900  }
0x3f: {  	[sflag:s23] =	ssyncset.done $0x0  }
0x40: {  	s20 =	rddreg [dreg:$0x8];
	[sflag:s23] =	ssyncadd.s32 $0xFFFFE700  }
0x41: {  	[spmem:s20] =	stream.linear.scatter [tilespmem:s22], [sflag:$0x5], $0x1900, $0x38;
	[tilespmem:$0x13290] =	vst v63  }
0x42: {  	_ =	swait.ge [sflag:s23], $0x1900  }
0x43: {  	[sflag:s23] =	ssyncset.done $0x0  }
0x44: {  	s21 =	rddreg [dreg:$0x9];
	[sflag:s23] =	ssyncadd.s32 $0xFFFFE700  }
0x45: {  	[spmem:s21] =	stream.linear.scatter [tilespmem:s22], [sflag:$0x5], $0x1900, $0x38;
	[tilespmem:$0x13290] =	vst v63  }
0x46: {  	_ =	swait.ge [sflag:s23], $0x1900  }
0x47: {  	[sflag:s23] =	ssyncset.done $0x0  }
0x48: {  	s24 =	rddreg [dreg:$0xa];
	[sflag:s23] =	ssyncadd.s32 $0xFFFFE700  }
0x49: {  	[spmem:s24] =	stream.linear.scatter [tilespmem:s22], [sflag:$0x5], $0x1450, $0x38;
	[tilespmem:$0x13290] =	vst v63  }
0x4a: {  	_ =	swait.ge [sflag:s23], $0x1450  }
0x4b: {  	[sflag:s23] =	ssyncset.done $0x0  }
0x4c: {  	[sflag:s23] =	ssyncadd.s32 $0xFFFFEBB0  }
0x4d: {  	s16 =	simm.s32 $0x0;
	s17 =	simm.s32 $0x0;
	[bflag:$0x0] =	sbarrier.arrive $0xFFFF  }
.LBB2_4:
0x4e: {  	s18 =	smul.u32 $0xA0, s17;
	_ =	sdelay $0x1  }
0x4f: {  	s18 =	sadd.s32 s11, s18  }
0x50: {  	s18 =	sshrl.u32 s18, $0x3  }
0x51: {  	s19 =	sadd.s32 s6, s18  }
0x52: {  	[tilespmem:s26], [sflag:$0x1] =	stream.linear.gather [hbm4b:s19+s16], $0x50, $0x38;
	[tilespmem:$0x13290] =	vst v63  }
0x53: {  	s21 =	sadd.s32 s7, s18;
	s18 =	sadd.s32 $0xA, s18  }
0x54: {  	[tilespmem:s28], [sflag:$0x2] =	stream.linear.gather [hbm4b:s21+s16], $0x50, $0x38;
	[tilespmem:$0x13290] =	vst v63  }
0x55: {  	s24 =	sadd.s32 s6, s18  }
0x56: {  	[tilespmem:s29], [sflag:$0x3] =	stream.linear.gather [hbm4b:s24+s16], $0x50, $0x38;
	[tilespmem:$0x13290] =	vst v63  }
0x57: {  	s18 =	sadd.s32 s7, s18  }
0x58: {  	[tilespmem:s30], [sflag:$0x4] =	stream.linear.gather [hbm4b:s18+s16], $0x50, $0x38;
	[tilespmem:$0x13290] =	vst v63  }
0x59: {  	_ =	swait.ge [sflag:s31], $0x50  }
0x5a: {  	[sflag:s31] =	ssyncset.done $0x0  }
0x5b: {  	[sflag:s31] =	ssyncadd.s32 $0xFFFFFFB0  }
0x5c: {  	_ =	swait.ge [sflag:s0], $0x50  }
0x5d: {  	[sflag:s0] =	ssyncset.done $0x0  }
0x5e: {  	[sflag:s0] =	ssyncadd.s32 $0xFFFFFFB0  }
0x5f: {  	[tilespmem:s4], [sflag:$0x1] =	stream.indirect.gather [hbm4b:s5+s3], $0x50, s26, s3, $0xb8;
	[tilespmem:$0x13290] =	vst v63  }
0x60: {  	s19 =	simm.s32 $0xF690  }
0x61: {  	[tilespmem:s19], [sflag:$0x2] =	stream.indirect.gather [hbm4b:s1+s3], $0x10, s28, s3, $0xb8;
	[tilespmem:$0x13290] =	vst v63  }
0x62: {  	_ =	swait.ge [sflag:s9], $0x50  }
0x63: {  	[sflag:s9] =	ssyncset.done $0x0  }
0x64: {  	[sflag:s9] =	ssyncadd.s32 $0xFFFFFFB0  }
0x65: {  	_ =	swait.ge [sflag:s10], $0x50  }
0x66: {  	[sflag:s10] =	ssyncset.done $0x0  }
0x67: {  	[sflag:s10] =	ssyncadd.s32 $0xFFFFFFB0  }
0x68: {  	[tilespmem:s12], [sflag:$0x3] =	stream.indirect.gather [hbm4b:s5+s3], $0x50, s29, s3, $0xb8;
	[tilespmem:$0x13290] =	vst v63  }
0x69: {  	_ = 	snop  }
0x6a: {  	[tilespmem:s13], [sflag:$0x4] =	stream.indirect.gather [hbm4b:s1+s3], $0x10, s30, s3, $0xb8;
	[tilespmem:$0x13290] =	vst v63  }
0x6b: {  	_ =	swait.ge [sflag:s31], $0x1900  }
0x6c: {  	[sflag:s31] =	ssyncset.done $0x0  }
0x6d: {  	[sflag:s31] =	ssyncadd.s32 $0xFFFFE700  }
0x6e: {  	_ =	swait.ge [sflag:s0], $0x500  }
0x6f: {  	[sflag:s0] =	ssyncset.done $0x0  }
0x70: {  	s18 =	simm.s32 $0x0;
	[sflag:s0] =	ssyncadd.s32 $0xFFFFFB00  }
0x71: {  	s20 =	simm.s32 $0x140;
	v5 =	vld [tilespmem:s18+$0xC4D0]  }
.LBB2_5:
0x72: {  	p1 =	sne.s32 s20, $0x62C0;
	v6 =	vld [tilespmem:s19+$0x0];
	_ =	sdelay $0x4  }
0x73: {  	v5 =	vadd.f32 v6, v5;
	_ =	sdelay $0x1  }
0x74: {  	v6 =	vmul.f32 $2.000000030e-01, v5;
	_ =	sdelay $0x1  }
0x75: {  	v5 =	vmax.f32 v5, v6  }
0x76: {  	v5 =	vmul.f32 $1.442695020e+00, v5;
	_ =	sdelay $0x1  }
0x77: {  	(erf) = vpow2.f32 v5;
	_ =	sdelay $0x4  }
0x78: {  	v5 =	vld [tilespmem:s18+$0xC490]  }
0x79: {  	v6 =	vld [tilespmem:s18+$0xC4A0]  }
0x7a: {  	v7 =	vld [tilespmem:s18+$0xC4B0]  }
0x7b: {  	v8 =	vld [tilespmem:s18+$0xC4C0]  }
0x7c: {  	v9 =	vpop (erf)  }
0x7d: {  	[tilespmem:s18+$0x100D0] =	vst v9;
	v10 =	vperm.xlane v9, v1;
	v11 =	vperm.xlane v9, v2  }
0x7e: {  	v12 =	vperm.xlane v9, v3;
	v9 =	vperm.xlane v9, v4  }
0x7f: {  	v5 =	vmul.f32 v5, v10;
	v6 =	vmul.f32 v6, v11  }
.Ltmp1:
0x80: {  	v7 =	vmul.f32 v7, v12;
	v8 =	vmul.f32 v8, v9;
	(pc) =	sbr.rel @p1 .LBB2_5-.Ltmp1, $4  }
0x81: {  	[tilespmem:s18+$0x10090] =	vst v5  }
0x82: {  	[tilespmem:s18+$0x100A0] =	vst v6  }
0x83: {  	s21 =	sshra.s32 s20, $0x2;
	[tilespmem:s18+$0x100B0] =	vst v7  }
0x84: {  	s20 =	sadd.s32 $0x140, s20;
	s19 =	sadd.s32 $0x10, s19;
	v5 =	vld [tilespmem:s21+$0xC4D0];
	[tilespmem:s18+$0x100C0] =	vst v8;
	s18 =	smov.u32 s21  }
0x85: {  	v6 =	vld [tilespmem:s19+$0x0];
	_ =	sdelay $0x4  }
0x86: {  	v5 =	vadd.f32 v6, v5;
	_ =	sdelay $0x1  }
0x87: {  	v6 =	vmul.f32 $2.000000030e-01, v5;
	_ =	sdelay $0x1  }
0x88: {  	v5 =	vmax.f32 v5, v6  }
0x89: {  	v5 =	vmul.f32 $1.442695020e+00, v5;
	_ =	sdelay $0x1  }
0x8a: {  	(erf) = vpow2.f32 v5;
	_ =	sdelay $0x6  }
0x8b: {  	v5 =	vld [tilespmem:s18+$0xC490]  }
0x8c: {  	v6 =	vld [tilespmem:s18+$0xC4A0]  }
0x8d: {  	v7 =	vld [tilespmem:s18+$0xC4B0];
	v8 =	vpop (erf)  }
0x8e: {  	v9 =	vld [tilespmem:s18+$0xC4C0];
	v10 =	vperm.xlane v8, v1  }
0x8f: {  	v11 =	vperm.xlane v8, v2  }
0x90: {  	v12 =	vperm.xlane v8, v3;
	v5 =	vmul.f32 v5, v10  }
0x91: {  	[tilespmem:s18+$0x100D0] =	vst v8;
	v8 =	vperm.xlane v8, v4;
	v6 =	vmul.f32 v6, v11  }
0x92: {  	v7 =	vmul.f32 v7, v12;
	[tilespmem:s18+$0x10090] =	vst v5  }
0x93: {  	v5 =	vmul.f32 v9, v8;
	[tilespmem:s18+$0x100A0] =	vst v6  }
0x94: {  	[tilespmem:s18+$0x100B0] =	vst v7  }
0x95: {  	[tilespmem:s18+$0x100C0] =	vst v5  }
0x96: {  	[spmem:s2] =	stream.indirect.scatter.add.f32 [tilespmem:s22], [sflag:$0x1], $0x50, s28, s3, $0xb8;
	[tilespmem:$0x13290] =	vst v63  }
0x97: {  	_ =	swait.ge [sflag:s9], $0x1900  }
0x98: {  	[sflag:s9] =	ssyncset.done $0x0  }
0x99: {  	[sflag:s9] =	ssyncadd.s32 $0xFFFFE700  }
0x9a: {  	_ =	swait.ge [sflag:s10], $0x500  }
0x9b: {  	[sflag:s10] =	ssyncset.done $0x0  }
0x9c: {  	s18 =	simm.s32 $0x0;
	[sflag:s10] =	ssyncadd.s32 $0xFFFFFB00  }
0x9d: {  	s19 =	simm.s32 $0xFB90;
	s20 =	simm.s32 $0x140;
	v5 =	vld [tilespmem:s18+$0xDDD0]  }
.LBB2_7:
0x9e: {  	p1 =	sne.s32 s20, $0x62C0;
	v6 =	vld [tilespmem:s19+$0x0];
	_ =	sdelay $0x4  }
0x9f: {  	v5 =	vadd.f32 v6, v5;
	_ =	sdelay $0x1  }
0xa0: {  	v6 =	vmul.f32 $2.000000030e-01, v5;
	_ =	sdelay $0x1  }
0xa1: {  	v5 =	vmax.f32 v5, v6  }
0xa2: {  	v5 =	vmul.f32 $1.442695020e+00, v5;
	_ =	sdelay $0x1  }
0xa3: {  	(erf) = vpow2.f32 v5;
	_ =	sdelay $0x4  }
0xa4: {  	v5 =	vld [tilespmem:s18+$0xDD90]  }
0xa5: {  	v6 =	vld [tilespmem:s18+$0xDDA0]  }
0xa6: {  	v7 =	vld [tilespmem:s18+$0xDDB0]  }
0xa7: {  	v8 =	vld [tilespmem:s18+$0xDDC0]  }
0xa8: {  	v9 =	vpop (erf)  }
0xa9: {  	[tilespmem:s18+$0x119D0] =	vst v9;
	v10 =	vperm.xlane v9, v1;
	v11 =	vperm.xlane v9, v2  }
0xaa: {  	v12 =	vperm.xlane v9, v3;
	v9 =	vperm.xlane v9, v4  }
0xab: {  	v5 =	vmul.f32 v5, v10;
	v6 =	vmul.f32 v6, v11  }
.Ltmp2:
0xac: {  	v7 =	vmul.f32 v7, v12;
	v8 =	vmul.f32 v8, v9;
	(pc) =	sbr.rel @p1 .LBB2_7-.Ltmp2, $4  }
0xad: {  	[tilespmem:s18+$0x11990] =	vst v5  }
0xae: {  	[tilespmem:s18+$0x119A0] =	vst v6  }
0xaf: {  	s21 =	sshra.s32 s20, $0x2;
	[tilespmem:s18+$0x119B0] =	vst v7  }
0xb0: {  	s20 =	sadd.s32 $0x140, s20;
	s19 =	sadd.s32 $0x10, s19;
	v5 =	vld [tilespmem:s21+$0xDDD0];
	[tilespmem:s18+$0x119C0] =	vst v8;
	s18 =	smov.u32 s21  }
0xb1: {  	v6 =	vld [tilespmem:s19+$0x0];
	_ =	sdelay $0x4  }
0xb2: {  	v5 =	vadd.f32 v6, v5;
	_ =	sdelay $0x1  }
0xb3: {  	v6 =	vmul.f32 $2.000000030e-01, v5;
	_ =	sdelay $0x1  }
0xb4: {  	v5 =	vmax.f32 v5, v6  }
0xb5: {  	v5 =	vmul.f32 $1.442695020e+00, v5;
	_ =	sdelay $0x1  }
0xb6: {  	(erf) = vpow2.f32 v5;
	_ =	sdelay $0x6  }
0xb7: {  	v5 =	vld [tilespmem:s18+$0xDD90]  }
0xb8: {  	v6 =	vld [tilespmem:s18+$0xDDA0]  }
0xb9: {  	v7 =	vld [tilespmem:s18+$0xDDB0];
	v8 =	vpop (erf)  }
0xba: {  	v9 =	vld [tilespmem:s18+$0xDDC0];
	v10 =	vperm.xlane v8, v1  }
0xbb: {  	v11 =	vperm.xlane v8, v2  }
0xbc: {  	v12 =	vperm.xlane v8, v3;
	v5 =	vmul.f32 v5, v10  }
0xbd: {  	[tilespmem:s18+$0x119D0] =	vst v8;
	v8 =	vperm.xlane v8, v4;
	v6 =	vmul.f32 v6, v11  }
0xbe: {  	v7 =	vmul.f32 v7, v12;
	[tilespmem:s18+$0x11990] =	vst v5  }
0xbf: {  	v5 =	vmul.f32 v9, v8;
	[tilespmem:s18+$0x119A0] =	vst v6  }
0xc0: {  	[tilespmem:s18+$0x119B0] =	vst v7  }
0xc1: {  	s17 =	sadd.s32 $0x1, s17;
	[tilespmem:s18+$0x119C0] =	vst v5  }
0xc2: {  	[spmem:s2] =	stream.indirect.scatter.add.f32 [tilespmem:s14], [sflag:$0x2], $0x50, s30, s3, $0xb8;
	[tilespmem:$0x13290] =	vst v63  }
0xc3: {  	p1 =	sne.s32 s17, $0x3E;
	_ =	swait.ge [sflag:s31], $0x1900  }
.Ltmp3:
0xc4: {  	[sflag:s31] =	ssyncset.done $0x0;
	(pc) =	sbr.rel @p1 .LBB2_4-.Ltmp3, $4  }
0xc5: {  	[sflag:s31] =	ssyncadd.s32 $0xFFFFE700  }
0xc6: {  	_ =	swait.ge [sflag:s0], $0x1900  }
0xc7: {  	[sflag:s0] =	ssyncset.done $0x0  }
0xc8: {  	[sflag:s0] =	ssyncadd.s32 $0xFFFFE700  }
0xc9: {  	s16 =	simm.s32 $0x0;
	s17 =	rddreg [dreg:$0xb]  }
0xca: {  	[tilespmem:s26], [sflag:$0x1] =	stream.linear.gather [hbm4b:s17+s16], $0x50, $0x38;
	[tilespmem:$0x13290] =	vst v63  }
0xcb: {  	s24 =	rddreg [dreg:$0xc]  }
0xcc: {  	[tilespmem:s28], [sflag:$0x2] =	stream.linear.gather [hbm4b:s24+s16], $0x50, $0x38;
	[tilespmem:$0x13290] =	vst v63  }
0xcd: {  	_ =	swait.ge [sflag:s31], $0x50  }
0xce: {  	[sflag:s31] =	ssyncset.done $0x0  }
0xcf: {  	[sflag:s31] =	ssyncadd.s32 $0xFFFFFFB0  }
0xd0: {  	_ =	swait.ge [sflag:s0], $0x50  }
0xd1: {  	[sflag:s0] =	ssyncset.done $0x0  }
0xd2: {  	[sflag:s0] =	ssyncadd.s32 $0xFFFFFFB0  }
0xd3: {  	[tilespmem:s4], [sflag:$0x1] =	stream.indirect.gather [hbm4b:s5+s3], $0x50, s26, s3, $0xb8;
	[tilespmem:$0x13290] =	vst v63  }
0xd4: {  	s17 =	simm.s32 $0xF690  }
0xd5: {  	[tilespmem:s17], [sflag:$0x2] =	stream.indirect.gather [hbm4b:s1+s3], $0x10, s28, s3, $0xb8;
	[tilespmem:$0x13290] =	vst v63  }
0xd6: {  	_ =	swait.ge [sflag:s31], $0x1900  }
0xd7: {  	[sflag:s31] =	ssyncset.done $0x0  }
0xd8: {  	[sflag:s31] =	ssyncadd.s32 $0xFFFFE700  }
0xd9: {  	_ =	swait.ge [sflag:s0], $0x500  }
0xda: {  	[sflag:s0] =	ssyncset.done $0x0  }
0xdb: {  	s16 =	simm.s32 $0x0;
	[sflag:s0] =	ssyncadd.s32 $0xFFFFFB00  }
0xdc: {  	s18 =	simm.s32 $0x140;
	v5 =	vld [tilespmem:s16+$0xC4D0]  }
.LBB2_10:
0xdd: {  	p1 =	sne.s32 s18, $0x62C0;
	v6 =	vld [tilespmem:s17+$0x0];
	_ =	sdelay $0x4  }
0xde: {  	v5 =	vadd.f32 v6, v5;
	_ =	sdelay $0x1  }
0xdf: {  	v6 =	vmul.f32 $2.000000030e-01, v5;
	_ =	sdelay $0x1  }
0xe0: {  	v5 =	vmax.f32 v5, v6  }
0xe1: {  	v5 =	vmul.f32 $1.442695020e+00, v5;
	_ =	sdelay $0x1  }
0xe2: {  	(erf) = vpow2.f32 v5;
	_ =	sdelay $0x4  }
0xe3: {  	v5 =	vld [tilespmem:s16+$0xC490]  }
0xe4: {  	v6 =	vld [tilespmem:s16+$0xC4A0]  }
0xe5: {  	v7 =	vld [tilespmem:s16+$0xC4B0]  }
0xe6: {  	v8 =	vld [tilespmem:s16+$0xC4C0]  }
0xe7: {  	v9 =	vpop (erf)  }
0xe8: {  	[tilespmem:s16+$0x100D0] =	vst v9;
	v10 =	vperm.xlane v9, v1;
	v11 =	vperm.xlane v9, v2  }
0xe9: {  	v12 =	vperm.xlane v9, v3;
	v9 =	vperm.xlane v9, v4  }
0xea: {  	v5 =	vmul.f32 v5, v10;
	v6 =	vmul.f32 v6, v11  }
.Ltmp4:
0xeb: {  	v7 =	vmul.f32 v7, v12;
	v8 =	vmul.f32 v8, v9;
	(pc) =	sbr.rel @p1 .LBB2_10-.Ltmp4, $4  }
0xec: {  	[tilespmem:s16+$0x10090] =	vst v5  }
0xed: {  	[tilespmem:s16+$0x100A0] =	vst v6  }
0xee: {  	s19 =	sshra.s32 s18, $0x2;
	[tilespmem:s16+$0x100B0] =	vst v7  }
0xef: {  	s18 =	sadd.s32 $0x140, s18;
	s17 =	sadd.s32 $0x10, s17;
	v5 =	vld [tilespmem:s19+$0xC4D0];
	[tilespmem:s16+$0x100C0] =	vst v8;
	s16 =	smov.u32 s19  }
0xf0: {  	v6 =	vld [tilespmem:s17+$0x0];
	_ =	sdelay $0x4  }
0xf1: {  	v5 =	vadd.f32 v6, v5;
	_ =	sdelay $0x1  }
0xf2: {  	v6 =	vmul.f32 $2.000000030e-01, v5;
	_ =	sdelay $0x1  }
0xf3: {  	v5 =	vmax.f32 v5, v6  }
0xf4: {  	v5 =	vmul.f32 $1.442695020e+00, v5;
	_ =	sdelay $0x1  }
0xf5: {  	(erf) = vpow2.f32 v5;
	_ =	sdelay $0x6  }
0xf6: {  	v5 =	vld [tilespmem:s16+$0xC490]  }
0xf7: {  	v6 =	vld [tilespmem:s16+$0xC4A0]  }
0xf8: {  	v7 =	vld [tilespmem:s16+$0xC4B0];
	v8 =	vpop (erf)  }
0xf9: {  	v9 =	vld [tilespmem:s16+$0xC4C0];
	v10 =	vperm.xlane v8, v1  }
0xfa: {  	v11 =	vperm.xlane v8, v2  }
0xfb: {  	v12 =	vperm.xlane v8, v3;
	v5 =	vmul.f32 v5, v10  }
0xfc: {  	[tilespmem:s16+$0x100D0] =	vst v8;
	v8 =	vperm.xlane v8, v4;
	v6 =	vmul.f32 v6, v11  }
0xfd: {  	v7 =	vmul.f32 v7, v12;
	[tilespmem:s16+$0x10090] =	vst v5  }
0xfe: {  	v5 =	vmul.f32 v9, v8;
	[tilespmem:s16+$0x100A0] =	vst v6  }
0xff: {  	[tilespmem:s16+$0x100B0] =	vst v7  }
0x100: {  	[tilespmem:s16+$0x100C0] =	vst v5  }
0x101: {  	[spmem:s2] =	stream.indirect.scatter.add.f32 [tilespmem:s22], [sflag:$0x5], $0x50, s28, s3, $0xb8;
	[tilespmem:$0x13290] =	vst v63  }
0x102: {  	_ =	swait.ge [sflag:s23], $0x1900  }
0x103: {  	[sflag:s23] =	ssyncset.done $0x0  }
0x104: {  	[sflag:s23] =	ssyncadd.s32 $0xFFFFE700  }
0x105: {  	s20 =	stileid.u32;
	[bflag:$0x0] =	sbarrier.arrive $0xFFFF  }
0x106: {  	s16 =	sshll.u32 s20, $0x6;
	s21 =	rddreg [dreg:$0xd]  }
0x107: {  	s16 =	sor.u32 $0x1C05, s16;
	s18 =	rddreg [dreg:$0x10]  }
0x108: {  	[hbm:s21], [sflag:s16] =	dma.local [spmem:s18], $0x1860  }
0x109: {  	_ =	swait.ge [sflag:s23], $0x1860  }
0x10a: {  	[sflag:s23] =	ssyncset.done $0x0  }
0x10b: {  	s17 =	rddreg [dreg:$0xe];
	[sflag:s23] =	ssyncadd.s32 $0xFFFFE7A0  }
0x10c: {  	[hbm:s17], [sflag:s16] =	dma.local @!p0 [spmem:s25], $0xA0  }
0x10d: {  	s16 =	simm.s32 @!p0 $0x5  }
0x10e: {  	_ =	swait.ge @!p0 [sflag:s16], $0xA0  }
0x10f: {  	s15 =	sadd.s32 $0x1, s15;
	s24 =	rddreg [dreg:$0xf]  }
0x110: {  	p1 =	sne.s32 s15, s24  }
.Ltmp5:
0x111: {  	_ = 	snop;
	(pc) =	sbr.rel @p1 .LBB2_1-.Ltmp5, $3  }
0x112: {  	_ =	sdelay $0x1  }
0x113: {  	[sflag:s16] =	ssyncset.done @!p0 $0x0  }
0x114: {  	[sflag:s16] =	ssyncadd.s32 @!p0 $0xFFFFFF60  }
0x115: {  	_ =	sfence.sel $0x180000  }
0x116: {  	[bflag:$0x0] =	sbarrier.arrive $0xFFFF  }
0x117: {  	_ =	strace $0x90000047  }
0x118: {  	s0 =	stileid.u32;
	[bflag:$0x2] =	sbarrier.arrive $0xFFFF  }
0x119: {  	p0 =	sne.s32 s0, $0x0;
	s0 =	rddreg [dreg:$0x3]  }
0x11a: {  	s0 =	sadd.s32 @!p0 $0x100000, s0  }
0x11b: {  	[sflag:s0] =	ssyncadd.tile.s32 @!p0 $0x1;
	_ =	shalt  }
.Lfunc_end2:
_tile_overlayer_lowered:
.L_overlay_start_2:
0x11c: {  	(tag) =	ssettag $0x2  }
0x11d: {  	s0 =	rddreg [dreg:$0x0];
	s2 =	stileid.u32  }
0x11e: {  	s1 =	rddreg [dreg:$0x1];
	p0 =	sne.s32 s2, $0x0  }
0x11f: {  	s3 =	rddreg [dreg:$0x2];
	[bflag:$0x3] =	sbarrier.arrive $0xFFFF;
	s2 =	simm.s32 @!p0 $0x1C05  }
0x120: {  	[timem:s3], [sflag:s2] =	dma.local @!p0 [hbm:s0], s1  }
0x121: {  	s0 =	simm.s32 @!p0 $0x5  }
0x122: {  	_ =	swait.ge @!p0 [sflag:s0], s1  }
0x123: {  	s1 =	ssub.s32 @!p0 $0x0, s1;
	[sflag:s0] =	ssyncset.done @!p0 $0x0  }
0x124: {  	[sflag:s0] =	ssyncadd.s32 @!p0 s1  }
0x125: {  	[bflag:$0x3] =	sbarrier.arrive $0xFFFF  }
0x126: {  	_ =	shalt  }

// kernel: kernel.14.cloned.1.call-start
scs
__scs_entry_jumppad:
0x0: {  	(pc) =	sbr.rel $0x88, $3  }
0x1: {  	(tag) =	ssettag $0x0;
	lr =	simm.s32 $0x1  }
0x2: {  	[smem:$0x3F90] =	sst lr;
	_ =	strace $0xD0000000  }
0x3: {  	_ = 	snop  }
0x4: {  	_ = 	snop  }
0x5: {  	_ = 	snop  }
0x6: {  	_ = 	snop  }
0x7: {  	_ = 	snop  }
__scs_overlays_trampoline_lowered:
0x8: {  	[smem:$0x3F9F] =	sst s0  }
0x9: {  	[smem:$0x3FA0] =	sst s1  }
0xa: {  	[smem:$0x3FA1] =	sst s2  }
0xb: {  	[smem:$0x3FA2] =	sst s3  }
0xc: {  	[smem:$0x3FA3] =	sst s4  }
0xd: {  	[smem:$0x3FA4] =	sst s5  }
0xe: {  	[smem:$0x3FA5] =	sst s6  }
0xf: {  	[smem:$0x3FA6] =	sst s7  }
0x10: {  	[smem:$0x3FA7] =	sst s8  }
0x11: {  	[smem:$0x3FA8] =	sst s9;
	s0 =	simm.s32 @!p0 $0x0  }
0x12: {  	s1 =	sld [smem:$0x3F8E];
	s0 =	simm.s32 @p0 $0x1  }
0x13: {  	[smem:$0x3FA9] =	sst s0;
	s0 =	simm.s32 @!p1 $0x0  }
0x14: {  	s2 =	sld [smem:$0x3F8D];
	s0 =	simm.s32 @p1 $0x1  }
0x15: {  	[smem:$0x3FAA] =	sst s0;
	s0 =	simm.s32 @!p2 $0x0  }
0x16: {  	s3 =	sld [smem:$0x3FDB];
	s0 =	simm.s32 @p2 $0x1  }
0x17: {  	s4 =	simm.s32 $0x1BF5;
	[smem:$0x3FAC] =	sst s0  }
0x18: {  	s0 =	sld [smem:$0x3F8F];
	_ =	swait.ge [sflag:s4], $0x0  }
0x19: {  	s7 =	sld [smem:$0x3F90]  }
0x1a: {  	s8 =	sadd.s32 $0xFFFFE003, lr  }
0x1b: {  	s9 =	sadd.s32 $0xFFFFFEF7, lr;
	s5 =	simm.s32 $0xFFFFFFFF;
	p2 =	slt.u32 s8, $0xFFFFF086  }
0x1c: {  	p1 =	slt.u32 s9, $0xF7A;
	s5 =	simm.s32 @!p2 $0x0  }
0x1d: {  	s5 =	simm.s32 @p1 $0x1;
	p0 =	seq.s32 s7, s2  }
0x1e: {  	s7 =	smul.u32 @!p0 $0xF7A, s2;
	p2 =	seq.s32 @!p0 s5, $0x0  }
0x1f: {  	s9 =	smul.u32 $0xF7A, s1;
	s8 =	simm.s32 @!p0 $0x1BF5;
	p2 =	por !p2, p0  }
0x20: {  	[sflag:s8] =	ssyncset.s32 @!p0 $0xFFFFF086;
	s6 =	sadd.s32 @!p0 s3, s7;
	s7 =	simm.s32 @!p0 $0x108  }
0x21: {  	s3 =	sadd.s32 s3, s9;
	s6 =	sadd.s32 @!p0 $0x88, s6;
	s7 =	simm.s32 @p2 $0x1082  }
0x22: {  	[simem:s7], [sflag:s8] =	dma.local @!p0 [hbm:s6], $0xF7A  }
0x23: {  	s9 =	sor.u32 $0xD0000000, s2;
	s6 =	simm.s32 $0x108;
	_ =	swait.ge @!p0 [sflag:s8], $0x0  }
0x24: {  	s3 =	sadd.s32 $0x88, s3;
	s6 =	simm.s32 @!p1 $0x1082;
	[sflag:s4] =	ssyncset.s32 $0xFFFFF086  }
0x25: {  	[simem:s6], [sflag:s4] =	dma.local [hbm:s3], $0xF7A  }
0x26: {  	[smem:$0x3F90] =	sst s1;
	(tag) =	ssettag s2;
	_ =	strace s9  }
0x27: {  	s1 =	sld [smem:$0x3FA0]  }
0x28: {  	s2 =	sld [smem:$0x3FA1]  }
0x29: {  	s4 =	sld [smem:$0x3FA3]  }
0x2a: {  	p0 =	seq.s32 s5, $0x0;
	s5 =	sld [smem:$0x3FA4]  }
0x2b: {  	s6 =	sld [smem:$0x3FA5]  }
0x2c: {  	s7 =	sld [smem:$0x3FA6]  }
0x2d: {  	s3 =	simm.s32 $0x108;
	s8 =	sld [smem:$0x3FA7]  }
0x2e: {  	s3 =	simm.s32 @!p0 $0x1082;
	s9 =	sld [smem:$0x3FA8]  }
0x2f: {  	lr =	sadd.s32 s0, s3;
	s0 =	sld [smem:$0x3F9F]  }
0x30: {  	s3 =	sld [smem:$0x3FA2]  }
0x31: {  	[smem:$0x3FAB] =	sst s10  }
0x32: {  	s10 =	sld [smem:$0x3FA9];
	_ =	sdelay $0x3  }
0x33: {  	p0 =	seq.s32 s10, $0x1;
	s10 =	sld [smem:$0x3FAB];
	_ =	sdelay $0x3  }
0x34: {  	[smem:$0x3FAB] =	sst s10  }
0x35: {  	s10 =	sld [smem:$0x3FAA];
	_ =	sdelay $0x3  }
0x36: {  	p1 =	seq.s32 s10, $0x1;
	s10 =	sld [smem:$0x3FAB];
	_ =	sdelay $0x3  }
0x37: {  	[smem:$0x3FAB] =	sst s10  }
0x38: {  	s10 =	sld [smem:$0x3FAC]  }
0x39: {  	_ = 	snop;
	(pc) =	sbr.ind lr, $3  }
0x3a: {  	_ = 	snop  }
0x3b: {  	_ = 	snop  }
0x3c: {  	p2 =	seq.s32 s10, $0x1;
	s10 =	sld [smem:$0x3FAB]  }
0x3d: {  	_ =	shalt  }
0x3e: {  	_ =	shalt  }
0x3f: {  	_ =	shalt  }
0x40: {  	_ =	shalt  }
0x41: {  	_ =	shalt  }
0x42: {  	_ =	shalt  }
0x43: {  	_ =	shalt  }
0x44: {  	_ =	shalt  }
0x45: {  	_ =	shalt  }
0x46: {  	_ =	shalt  }
0x47: {  	_ =	shalt  }
0x48: {  	_ =	shalt  }
0x49: {  	_ =	shalt  }
0x4a: {  	_ =	shalt  }
0x4b: {  	_ =	shalt  }
0x4c: {  	_ =	shalt  }
0x4d: {  	_ =	shalt  }
0x4e: {  	_ =	shalt  }
0x4f: {  	_ =	shalt  }
0x50: {  	_ =	shalt  }
0x51: {  	_ =	shalt  }
0x52: {  	_ =	shalt  }
0x53: {  	_ =	shalt  }
0x54: {  	_ =	shalt  }
0x55: {  	_ =	shalt  }
0x56: {  	_ =	shalt  }
0x57: {  	_ =	shalt  }
0x58: {  	_ =	shalt  }
0x59: {  	_ =	shalt  }
0x5a: {  	_ =	shalt  }
0x5b: {  	_ =	shalt  }
0x5c: {  	_ =	shalt  }
0x5d: {  	_ =	shalt  }
0x5e: {  	_ =	shalt  }
0x5f: {  	_ =	shalt  }
0x60: {  	_ =	shalt  }
0x61: {  	_ =	shalt  }
0x62: {  	_ =	shalt  }
0x63: {  	_ =	shalt  }
0x64: {  	_ =	shalt  }
0x65: {  	_ =	shalt  }
0x66: {  	_ =	shalt  }
0x67: {  	_ =	shalt  }
0x68: {  	_ =	shalt  }
0x69: {  	_ =	shalt  }
0x6a: {  	_ =	shalt  }
0x6b: {  	_ =	shalt  }
0x6c: {  	_ =	shalt  }
0x6d: {  	_ =	shalt  }
0x6e: {  	_ =	shalt  }
0x6f: {  	_ =	shalt  }
0x70: {  	_ =	shalt  }
0x71: {  	_ =	shalt  }
0x72: {  	_ =	shalt  }
0x73: {  	_ =	shalt  }
0x74: {  	_ =	shalt  }
0x75: {  	_ =	shalt  }
0x76: {  	_ =	shalt  }
0x77: {  	_ =	shalt  }
0x78: {  	_ =	shalt  }
0x79: {  	_ =	shalt  }
0x7a: {  	_ =	shalt  }
0x7b: {  	_ =	shalt  }
0x7c: {  	_ =	shalt  }
0x7d: {  	_ =	shalt  }
0x7e: {  	_ =	shalt  }
0x7f: {  	_ =	shalt  }
0x80: {  	_ =	shalt  }
0x81: {  	_ =	shalt  }
0x82: {  	_ =	shalt  }
0x83: {  	_ =	shalt  }
0x84: {  	_ =	shalt  }
0x85: {  	_ =	shalt  }
0x86: {  	_ =	shalt  }
0x87: {  	_ =	shalt  }
.Lfunc_end0:
.L_simem_size_0:
called_computation.1_lowered:
.L_overlay_start_0:
0x88: {  	s2 =	sld [smem:$0x3FD9]  }
0x89: {  	s3 =	sld [smem:$0x3FFE];
	_ =	sdelay $0x1  }
0x8a: {  	s1 =	srdreg.scid  }
0x8b: {  	s0 =	sand.u32 $0x1, s1  }
0x8c: {  	s17 =	sshll.u32 s0, $0xA;
	s2 =	sadd.s32 s3, s2  }
0x8d: {  	s2 =	sadd.s32 s2, s17  }
0x8e: {  	[smem:$0x3FB7] =	sst s2  }
0x8f: {  	_ = 	snop  }
0x90: {  	s18 =	sld [smem:$0x3FD0];
	(tm) =	ssettm $0x1  }
0x91: {  	s19 =	sld [smem:$0x3FFB];
	_ =	sdelay $0x3  }
0x92: {  	_ =	strace s19  }
0x93: {  	s2 =	sld [smem:$0x3FFC];
	_ =	sdelay $0x3  }
0x94: {  	_ =	strace s2  }
0x95: {  	s2 =	sld [smem:$0x3FFD];
	_ =	sdelay $0x3  }
0x96: {  	_ =	strace s2  }
0x97: {  	_ =	strace $0x8FFFFFFF  }
0x98: {  	s20 =	sld [smem:$0x3FDB];
	_ =	sdelay $0x1  }
0x99: {  	s4 =	simm.s32 $_scs_section_size  }
0x9a: {  	s5 =	simm.s32 $_size__tile_overlayer_lowered;
	s6 =	simm.s32 $_tile_overlayer_lowered  }
0x9b: {  	s7 =	simm.s32 $0x1BFF;
	s21 =	sshll.u32 s6, $0x1;
	s4 =	sadd.s32 s4, s20  }
0x9c: {  	s22 =	simm.s32 $0x0;
	s5 =	sshll.u32 s5, $0x1;
	s6 =	sadd.s32 s21, s4  }
0x9d: {  	[timem:s22], [sflag:s7] =	dma.local [hbm:s6], s5  }
0x9e: {  	_ =	swait.ge [sflag:s7], s5  }
0x9f: {  	s5 =	ssub.s32 $0x0, s5;
	[sflag:s7] =	ssyncset.done $0x0  }
0xa0: {  	[sflag:s7] =	ssyncadd.s32 s5;
	_ =	sdelay $0x1  }
0xa1: {  	s23 =	simm.s32 $0x1B8B  }
0xa2: {  	_ =	swait.ge [sflag:s23], $0x1  }
0xa3: {  	[sflag:s23] =	ssyncset.done $0x0  }
0xa4: {  	[sflag:s23] =	ssyncadd.s32 $0xFFFFFFFF  }
0xa5: {  	s5 =	sld [smem:$0x0]  }
0xa6: {  	s6 =	sand.u32 $0xFFFFFFFE, s1  }
0xa7: {  	p0 =	sne.s32 s1, s6  }
0xa8: {  	s6 =	sshll.u32 @p0 s6, $0xE  }
0xa9: {  	s6 =	sadd.s32 @p0 $0x11B8D, s6;
	s7 =	sshll.u32 @p0 s5, $0x11  }
0xaa: {  	s6 =	sor.u32 @p0 s7, s6  }
0xab: {  	[sflag:s6] =	ssyncadd.remote.s32 @p0 $0x1;
	_ =	sdelay $0x1  }
0xac: {  	s6 =	simm.s32 @p0 $0x1B8D  }
0xad: {  	_ =	swait.eq @p0 [sflag:s6], $0x1  }
0xae: {  	[sflag:s6] =	ssyncadd.s32 @p0 $0xFFFFFFFF  }
0xaf: {  	s7 =	sshll.u32 @!p0 s1, $0xE  }
0xb0: {  	s7 =	sor.u32 @!p0 $0x4000, s7;
	s6 =	simm.s32 @!p0 $0x1B8D  }
0xb1: {  	s5 =	sshll.u32 @!p0 s5, $0x11;
	s7 =	sadd.s32 @!p0 $0x11B8D, s7;
	_ =	swait.eq @!p0 [sflag:s6], $0x1  }
0xb2: {  	s5 =	sor.u32 @!p0 s5, s7;
	[sflag:s6] =	ssyncadd.s32 @!p0 $0xFFFFFFFF  }
0xb3: {  	s25 =	simm.s32 $0x1B8E;
	s24 =	sld [smem:$0x3FFE];
	[sflag:s5] =	ssyncadd.remote.s32 @!p0 $0x1  }
0xb4: {  	s26 =	simm.s32 $execute0_lowered;
	[smem:$0x3FD2] =	sst s25  }
0xb5: {  	s6 =	sshll.u32 s26, $0x1;
	_ =	strace $0x8000004C;
	[dreg:$0x1] =	wrdreg $0xFFFFFFFF  }
0xb6: {  	s28 =	simm.s32 $_size_execute0_lowered;
	s4 =	sadd.s32 s4, s6;
	[dreg:$0x0] =	wrdreg $0x0  }
0xb7: {  	s6 =	sshll.u32 s28, $0x1;
	[dreg:$0x2] =	wrdreg s4  }
0xb8: {  	[dreg:$0x3] =	wrdreg s6  }
0xb9: {  	[dreg:$0x4] =	wrdreg $0xC0  }
0xba: {  	_ =	task [dreg:s22], $0x5FFFF  }
0xbb: {  	[dreg:$0x1] =	wrdreg $0xFFFFFFFF  }
0xbc: {  	[dreg:$0x0] =	wrdreg $0x60  }
0xbd: {  	[dreg:$0x2] =	wrdreg s24  }
0xbe: {  	[dreg:$0x3] =	wrdreg s18  }
0xbf: {  	[dreg:$0x4] =	wrdreg $0x0  }
0xc0: {  	[dreg:$0x5] =	wrdreg $0x9  }
0xc1: {  	_ =	task.clear_ibuf [dreg:s22], $0x6FFFF;
	_ =	strace $0x9000004C  }
0xc2: {  	s29 =	simm.s32 $0x9;
	_ =	strace $0x8000004E  }
0xc3: {  	_ =	swait.ge [sflag:s29], $0x1  }
0xc4: {  	[sflag:s29] =	ssyncadd.s32 $0xFFFFFFFF  }
0xc5: {  	_ =	strace $0x9000004E  }
0xc6: {  	_ =	sfence  }
0xc7: {  	s30 =	sld [smem:$0x0];
	_ =	sdelay $0x2  }
0xc8: {  	s31 =	sshll.u32 s1, $0xD;
	s1 =	sshrl.u32 s1, $0x2  }
0xc9: {  	s4 =	sand.u32 $0x4000, s31;
	s1 =	sadd.s32 s1, s30  }
0xca: {  	s0 =	sor.u32 s4, s0;
	s1 =	sshll.u32 s1, $0x11  }
0xcb: {  	s0 =	sor.u32 s1, s0  }
0xcc: {  	s0 =	sadd.s32 $0x8F2B, s0  }
0xcd: {  	[sflag:s0] =	ssyncadd.remote.s32 $0x1  }
0xce: {  	_ =	sfence.sel $0xFFFF  }
0xcf: {  	[dreg:$0x0] =	wrdreg $0xFFFFFFFF;
	(pc) =	sbr.abs _section_cstart, $3  }
0xd0: {  	[dreg:$0x1] =	wrdreg $0xFFFFFFFF  }
0xd1: {  	_ =	task.clear_ibuf [dreg:s22], $0x2FFFF;
	_ =	strace $0x9FFFFFFF  }
0xd2: {  	(tm) =	ssettm $0x7FFFFFFF  }
0xd3: {  	_ =	shalt  }
tec
execute0_lowered:
.L_overlay_start_1:
0x0: {  	(tag) =	ssettag $0x1  }
0x1: {  	s0 =	rddreg [dreg:$0x0]  }
0x2: {  	s1 =	rddreg [dreg:$0x1]  }
0x3: {  	s2 =	rddreg [dreg:$0x2];
	s3 =	simm.s32 $0x0  }
0x4: {  	s14 =	srdreg.scid;
	s13 =	stileid.u32;
	s28 =	simm.s32 $0xC3F0  }
0x5: {  	s29 =	simm.s32 $0xC3A0;
	s30 =	simm.s32 $0xC440;
	s31 =	simm.s32 $0x1  }
0x6: {  	[smem:$0x7FF] =	sst s3;
	s5 =	sadd.s32 $0xD9200, s0;
	s6 =	sadd.s32 $0x10800, s0  }
0x7: {  	s3 =	sand.u32 $0x1, s14;
	s4 =	smul.u32 $0x30D40, s13;
	s7 =	sadd.s32 $0x6A00, s0  }
0x8: {  	s0 =	sadd.s32 $0xF1A00, s0;
	s20 =	smul.u32 $0xC300, s13;
	p0 =	sne.s32 s13, $0xF  }
0x9: {  	s14 =	simm.s32 $0x11990;
	_ =	strace $0x8000004D;
	s8 =	ssub.s32 $0x2, s3  }
0xa: {  	s10 =	sshll.u32 s3, $0x4;
	s3 =	smul.u32 $0xC3500, s3;
	s9 =	sshrl.u32 s8, $0x1  }
0xb: {  	s4 =	sshrl.u32 s4, $0x2;
	s10 =	sor.u32 s13, s10;
	s25 =	sadd.s32 s20, s2  }
0xc: {  	s13 =	simm.s32 $0xFB90;
	s9 =	ssub.s32 s8, s9;
	s8 =	sadd.s32 s4, s2  }
0xd: {  	s11 =	smul.u32 $0x2710, s10;
	s23 =	sadd.s32 s20, s3;
	s4 =	sadd.s32 $0x1900, s8  }
0xe: {  	s3 =	sshrl.u32 s3, $0x3;
	s15 =	sadd.s32 $0x3200, s8;
	[dreg:$0x4] =	wrdreg s4  }
0xf: {  	s10 =	simm.s32 $0x4;
	s16 =	sadd.s32 $0x4B00, s8;
	[dreg:$0x5] =	wrdreg s15  }
0x10: {  	s17 =	sadd.s32 $0x6400, s8;
	s18 =	sadd.s32 $0x7D00, s8;
	[dreg:$0x6] =	wrdreg s16  }
0x11: {  	s12 =	sadd.s32 $0x9600, s8;
	s21 =	sadd.s32 $0xAF00, s8;
	[dreg:$0x7] =	wrdreg s17  }
0x12: {  	s24 =	sshrl.u32 s23, $0x3;
	s3 =	sadd.s32 s0, s3;
	[dreg:$0x8] =	wrdreg s18  }
0x13: {  	s26 =	smax.u32 s9, $0x1;
	s23 =	simm.s32 $0x5;
	[dreg:$0x9] =	wrdreg s12  }
0x14: {  	s9 =	simm.s32 $0x3;
	s19 =	sshrl.u32 s11, $0x3;
	[dreg:$0xa] =	wrdreg s21  }
0x15: {  	s0 =	sadd.s32 s0, s24;
	s3 =	sadd.s32 $0x18600, s3;
	[dreg:$0xf] =	wrdreg s26  }
0x16: {  	s26 =	simm.s32 $0xC350;
	s12 =	simm.s32 $0xDD90;
	[dreg:$0xd] =	wrdreg s0  }
0x17: {  	s15 =	simm.s32 $0x0;
	s4 =	sadd.s32 $0x4D8, s19;
	[dreg:$0xe] =	wrdreg s3  }
0x18: {  	s3 =	sadd.s32 $0xC3000, s2;
	s0 =	sshrl.u32 s25, $0x3;
	s22 =	sadd.s32 s6, s4  }
0x19: {  	s4 =	sadd.s32 s7, s4;
	[dreg:$0x10] =	wrdreg s0;
	s25 =	sshrl.u32 @!p0 s3, $0x3  }
0x1a: {  	s0 =	simm.s32 $0x2;
	s3 =	simm.s32 $0x50;
	[dreg:$0xb] =	wrdreg s22  }
0x1b: {  	v0 =	vimm.f32 $0.0e+00;
	[dreg:$0xc] =	wrdreg s4;
	s22 =	simm.s32 $0x10090;
	s4 =	simm.s32 $0xC490  }
.LBB2_1:
0x1c: {  	s16 =	simm.s32 $0x0  }
0x1d: {  	s16 =	smul.u32 $0xCCCD, s16;
	_ =	sdelay $0x1  }
0x1e: {  	s17 =	sshrl.u32 s16, $0x12  }
0x1f: {  	s18 =	simm.s32 $0x0;
	s16 =	simm.s32 $0x1;
	s19 =	smul.u32 $0x5, s17  }
.LBB2_2:
0x20: {  	s20 =	smul.u32 $0xCCCD, s16  }
0x21: {  	s21 =	smov.u32 s16;
	s17 =	smul.u32 $0x140, s17;
	p1 =	sne.s32 s16, $0x18F  }
.Ltmp0:
0x22: {  	s18 =	ssub.s32 s18, s19;
	(pc) =	sbr.rel @p1 .LBB2_2-.Ltmp0, $4  }
0x23: {  	s16 =	sadd.s32 $0x1, s16;
	s18 =	sand.u32 $0xFFFF, s18  }
0x24: {  	s19 =	sshrl.u32 s17, $0x2;
	s24 =	sshll.u32 s18, $0x4;
	s18 =	smov.u32 s21  }
0x25: {  	s17 =	sshrl.u32 s20, $0x12;
	s20 =	sadd.s32 s24, s19  }
0x26: {  	s19 =	smul.u32 $0x5, s17;
	[tilespmem:s20+$0x10090] =	vst v0  }
0x27: {  	_ = 	snop  }
0x28: {  	s17 =	smul.u32 $0x140, s17;
	s16 =	ssub.s32 s18, s19  }
0x29: {  	s16 =	sand.u32 $0xFFFF, s16  }
0x2a: {  	s17 =	sshrl.u32 s17, $0x2;
	s16 =	sshll.u32 s16, $0x4  }
0x2b: {  	s16 =	sadd.s32 s16, s17  }
0x2c: {  	[tilespmem:s16+$0x10090] =	vst v0  }
0x2d: {  	[spmem:s8] =	stream.linear.scatter [tilespmem:s22], [sflag:$0x5], $0x1900, $0x38;
	[tilespmem:$0x13290] =	vst v63  }
0x2e: {  	_ =	swait.ge [sflag:s23], $0x1900  }
0x2f: {  	[sflag:s23] =	ssyncset.done $0x0  }
0x30: {  	s24 =	rddreg [dreg:$0x4];
	[sflag:s23] =	ssyncadd.s32 $0xFFFFE700  }
0x31: {  	[spmem:s24] =	stream.linear.scatter [tilespmem:s22], [sflag:$0x5], $0x1900, $0x38;
	[tilespmem:$0x13290] =	vst v63  }
0x32: {  	_ =	swait.ge [sflag:s23], $0x1900  }
0x33: {  	[sflag:s23] =	ssyncset.done $0x0  }
0x34: {  	s17 =	rddreg [dreg:$0x5];
	[sflag:s23] =	ssyncadd.s32 $0xFFFFE700  }
0x35: {  	[spmem:s17] =	stream.linear.scatter [tilespmem:s22], [sflag:$0x5], $0x1900, $0x38;
	[tilespmem:$0x13290] =	vst v63  }
0x36: {  	_ =	swait.ge [sflag:s23], $0x1900  }
0x37: {  	[sflag:s23] =	ssyncset.done $0x0  }
0x38: {  	s18 =	rddreg [dreg:$0x6];
	[sflag:s23] =	ssyncadd.s32 $0xFFFFE700  }
0x39: {  	[spmem:s18] =	stream.linear.scatter [tilespmem:s22], [sflag:$0x5], $0x1900, $0x38;
	[tilespmem:$0x13290] =	vst v63  }
0x3a: {  	_ =	swait.ge [sflag:s23], $0x1900  }
0x3b: {  	[sflag:s23] =	ssyncset.done $0x0  }
0x3c: {  	s19 =	rddreg [dreg:$0x7];
	[sflag:s23] =	ssyncadd.s32 $0xFFFFE700  }
0x3d: {  	[spmem:s19] =	stream.linear.scatter [tilespmem:s22], [sflag:$0x5], $0x1900, $0x38;
	[tilespmem:$0x13290] =	vst v63  }
0x3e: {  	_ =	swait.ge [sflag:s23], $0x1900  }
0x3f: {  	[sflag:s23] =	ssyncset.done $0x0  }
0x40: {  	s20 =	rddreg [dreg:$0x8];
	[sflag:s23] =	ssyncadd.s32 $0xFFFFE700  }
0x41: {  	[spmem:s20] =	stream.linear.scatter [tilespmem:s22], [sflag:$0x5], $0x1900, $0x38;
	[tilespmem:$0x13290] =	vst v63  }
0x42: {  	_ =	swait.ge [sflag:s23], $0x1900  }
0x43: {  	[sflag:s23] =	ssyncset.done $0x0  }
0x44: {  	s21 =	rddreg [dreg:$0x9];
	[sflag:s23] =	ssyncadd.s32 $0xFFFFE700  }
0x45: {  	[spmem:s21] =	stream.linear.scatter [tilespmem:s22], [sflag:$0x5], $0x1900, $0x38;
	[tilespmem:$0x13290] =	vst v63  }
0x46: {  	_ =	swait.ge [sflag:s23], $0x1900  }
0x47: {  	[sflag:s23] =	ssyncset.done $0x0  }
0x48: {  	s24 =	rddreg [dreg:$0xa];
	[sflag:s23] =	ssyncadd.s32 $0xFFFFE700  }
0x49: {  	[spmem:s24] =	stream.linear.scatter [tilespmem:s22], [sflag:$0x5], $0x1450, $0x38;
	[tilespmem:$0x13290] =	vst v63  }
0x4a: {  	_ =	swait.ge [sflag:s23], $0x1450  }
0x4b: {  	[sflag:s23] =	ssyncset.done $0x0  }
0x4c: {  	[sflag:s23] =	ssyncadd.s32 $0xFFFFEBB0  }
0x4d: {  	s16 =	simm.s32 $0x0;
	s17 =	simm.s32 $0x0;
	[bflag:$0x0] =	sbarrier.arrive $0xFFFF  }
.LBB2_4:
0x4e: {  	s18 =	smul.u32 $0xA0, s17;
	_ =	sdelay $0x1  }
0x4f: {  	s18 =	sadd.s32 s11, s18  }
0x50: {  	s18 =	sshrl.u32 s18, $0x3  }
0x51: {  	s19 =	sadd.s32 s6, s18  }
0x52: {  	[tilespmem:s26], [sflag:$0x1] =	stream.linear.gather [hbm4b:s19+s16], $0x50, $0x38;
	[tilespmem:$0x13290] =	vst v63  }
0x53: {  	s21 =	sadd.s32 s7, s18;
	s18 =	sadd.s32 $0xA, s18  }
0x54: {  	[tilespmem:s28], [sflag:$0x2] =	stream.linear.gather [hbm4b:s21+s16], $0x50, $0x38;
	[tilespmem:$0x13290] =	vst v63  }
0x55: {  	s24 =	sadd.s32 s6, s18  }
0x56: {  	[tilespmem:s29], [sflag:$0x3] =	stream.linear.gather [hbm4b:s24+s16], $0x50, $0x38;
	[tilespmem:$0x13290] =	vst v63  }
0x57: {  	s18 =	sadd.s32 s7, s18  }
0x58: {  	[tilespmem:s30], [sflag:$0x4] =	stream.linear.gather [hbm4b:s18+s16], $0x50, $0x38;
	[tilespmem:$0x13290] =	vst v63  }
0x59: {  	_ =	swait.ge [sflag:s31], $0x50  }
0x5a: {  	[sflag:s31] =	ssyncset.done $0x0  }
0x5b: {  	[sflag:s31] =	ssyncadd.s32 $0xFFFFFFB0  }
0x5c: {  	_ =	swait.ge [sflag:s0], $0x50  }
0x5d: {  	[sflag:s0] =	ssyncset.done $0x0  }
0x5e: {  	[sflag:s0] =	ssyncadd.s32 $0xFFFFFFB0  }
0x5f: {  	[tilespmem:s4], [sflag:$0x1] =	stream.indirect.gather [hbm4b:s5+s3], $0x50, s26, s3, $0xb8;
	[tilespmem:$0x13290] =	vst v63  }
0x60: {  	s19 =	simm.s32 $0xF690  }
0x61: {  	[tilespmem:s19], [sflag:$0x2] =	stream.indirect.gather [hbm4b:s1+s3], $0x10, s28, s3, $0xb8;
	[tilespmem:$0x13290] =	vst v63  }
0x62: {  	_ =	swait.ge [sflag:s9], $0x50  }
0x63: {  	[sflag:s9] =	ssyncset.done $0x0  }
0x64: {  	[sflag:s9] =	ssyncadd.s32 $0xFFFFFFB0  }
0x65: {  	_ =	swait.ge [sflag:s10], $0x50  }
0x66: {  	[sflag:s10] =	ssyncset.done $0x0  }
0x67: {  	[sflag:s10] =	ssyncadd.s32 $0xFFFFFFB0  }
0x68: {  	[tilespmem:s12], [sflag:$0x3] =	stream.indirect.gather [hbm4b:s5+s3], $0x50, s29, s3, $0xb8;
	[tilespmem:$0x13290] =	vst v63  }
0x69: {  	_ = 	snop  }
0x6a: {  	[tilespmem:s13], [sflag:$0x4] =	stream.indirect.gather [hbm4b:s1+s3], $0x10, s30, s3, $0xb8;
	[tilespmem:$0x13290] =	vst v63  }
0x6b: {  	_ =	swait.ge [sflag:s31], $0x1900  }
0x6c: {  	[sflag:s31] =	ssyncset.done $0x0  }
0x6d: {  	[sflag:s31] =	ssyncadd.s32 $0xFFFFE700  }
0x6e: {  	_ =	swait.ge [sflag:s0], $0x500  }
0x6f: {  	[sflag:s0] =	ssyncset.done $0x0  }
0x70: {  	s18 =	simm.s32 $0x0;
	[sflag:s0] =	ssyncadd.s32 $0xFFFFFB00  }
0x71: {  	s20 =	simm.s32 $0x140;
	v1 =	vld [tilespmem:s18+$0xC4D0]  }
.LBB2_5:
0x72: {  	p1 =	sne.s32 s20, $0x62C0;
	v2 =	vld [tilespmem:s19+$0x0];
	_ =	sdelay $0x4  }
0x73: {  	v1 =	vadd.f32 v2, v1;
	_ =	sdelay $0x1  }
0x74: {  	v2 =	vmul.f32 $2.000000030e-01, v1;
	_ =	sdelay $0x1  }
0x75: {  	v1 =	vmax.f32 v1, v2  }
0x76: {  	v1 =	vmul.f32 $1.442695020e+00, v1;
	_ =	sdelay $0x1  }
0x77: {  	(erf) = vpow2.f32 v1;
	_ =	sdelay $0x2  }
0x78: {  	v1 =	vld [tilespmem:s18+$0xC490]  }
0x79: {  	v2 =	vld [tilespmem:s18+$0xC4A0]  }
0x7a: {  	v3 =	vld [tilespmem:s18+$0xC4B0]  }
0x7b: {  	v4 =	vld [tilespmem:s18+$0xC4C0];
	_ =	sdelay $0x2  }
0x7c: {  	v5 =	vpop (erf)  }
0x7d: {  	[tilespmem:s18+$0x100D0] =	vst v5;
	v1 =	vmul.f32 v5, v1;
	v2 =	vmul.f32 v5, v2  }
.Ltmp1:
0x7e: {  	v3 =	vmul.f32 v3, v5;
	v4 =	vmul.f32 v4, v5;
	(pc) =	sbr.rel @p1 .LBB2_5-.Ltmp1, $4  }
0x7f: {  	[tilespmem:s18+$0x10090] =	vst v1  }
0x80: {  	[tilespmem:s18+$0x100A0] =	vst v2  }
0x81: {  	s21 =	sshra.s32 s20, $0x2;
	[tilespmem:s18+$0x100B0] =	vst v3  }
0x82: {  	s20 =	sadd.s32 $0x140, s20;
	s19 =	sadd.s32 $0x10, s19;
	v1 =	vld [tilespmem:s21+$0xC4D0];
	[tilespmem:s18+$0x100C0] =	vst v4;
	s18 =	smov.u32 s21  }
0x83: {  	v2 =	vld [tilespmem:s19+$0x0];
	_ =	sdelay $0x4  }
0x84: {  	v1 =	vadd.f32 v2, v1;
	_ =	sdelay $0x1  }
0x85: {  	v2 =	vmul.f32 $2.000000030e-01, v1;
	_ =	sdelay $0x1  }
0x86: {  	v1 =	vmax.f32 v1, v2  }
0x87: {  	v1 =	vmul.f32 $1.442695020e+00, v1;
	_ =	sdelay $0x1  }
0x88: {  	(erf) = vpow2.f32 v1;
	_ =	sdelay $0x4  }
0x89: {  	v1 =	vld [tilespmem:s18+$0xC490]  }
0x8a: {  	v2 =	vld [tilespmem:s18+$0xC4A0]  }
0x8b: {  	v3 =	vld [tilespmem:s18+$0xC4B0]  }
0x8c: {  	v4 =	vld [tilespmem:s18+$0xC4C0]  }
0x8d: {  	v5 =	vpop (erf)  }
0x8e: {  	v1 =	vmul.f32 v5, v1  }
0x8f: {  	[tilespmem:s18+$0x100D0] =	vst v5;
	v2 =	vmul.f32 v5, v2  }
0x90: {  	v3 =	vmul.f32 v3, v5;
	[tilespmem:s18+$0x10090] =	vst v1  }
0x91: {  	v1 =	vmul.f32 v4, v5;
	[tilespmem:s18+$0x100A0] =	vst v2  }
0x92: {  	[tilespmem:s18+$0x100B0] =	vst v3  }
0x93: {  	[tilespmem:s18+$0x100C0] =	vst v1  }
0x94: {  	[spmem:s2] =	stream.indirect.scatter.add.f32 [tilespmem:s22], [sflag:$0x1], $0x50, s28, s3, $0xb8;
	[tilespmem:$0x13290] =	vst v63  }
0x95: {  	_ =	swait.ge [sflag:s9], $0x1900  }
0x96: {  	[sflag:s9] =	ssyncset.done $0x0  }
0x97: {  	[sflag:s9] =	ssyncadd.s32 $0xFFFFE700  }
0x98: {  	_ =	swait.ge [sflag:s10], $0x500  }
0x99: {  	[sflag:s10] =	ssyncset.done $0x0  }
0x9a: {  	s18 =	simm.s32 $0x0;
	[sflag:s10] =	ssyncadd.s32 $0xFFFFFB00  }
0x9b: {  	s19 =	simm.s32 $0xFB90;
	s20 =	simm.s32 $0x140;
	v1 =	vld [tilespmem:s18+$0xDDD0]  }
.LBB2_7:
0x9c: {  	p1 =	sne.s32 s20, $0x62C0;
	v2 =	vld [tilespmem:s19+$0x0];
	_ =	sdelay $0x4  }
0x9d: {  	v1 =	vadd.f32 v2, v1;
	_ =	sdelay $0x1  }
0x9e: {  	v2 =	vmul.f32 $2.000000030e-01, v1;
	_ =	sdelay $0x1  }
0x9f: {  	v1 =	vmax.f32 v1, v2  }
0xa0: {  	v1 =	vmul.f32 $1.442695020e+00, v1;
	_ =	sdelay $0x1  }
0xa1: {  	(erf) = vpow2.f32 v1;
	_ =	sdelay $0x2  }
0xa2: {  	v1 =	vld [tilespmem:s18+$0xDD90]  }
0xa3: {  	v2 =	vld [tilespmem:s18+$0xDDA0]  }
0xa4: {  	v3 =	vld [tilespmem:s18+$0xDDB0]  }
0xa5: {  	v4 =	vld [tilespmem:s18+$0xDDC0];
	_ =	sdelay $0x2  }
0xa6: {  	v5 =	vpop (erf)  }
0xa7: {  	[tilespmem:s18+$0x119D0] =	vst v5;
	v1 =	vmul.f32 v5, v1;
	v2 =	vmul.f32 v5, v2  }
.Ltmp2:
0xa8: {  	v3 =	vmul.f32 v3, v5;
	v4 =	vmul.f32 v4, v5;
	(pc) =	sbr.rel @p1 .LBB2_7-.Ltmp2, $4  }
0xa9: {  	[tilespmem:s18+$0x11990] =	vst v1  }
0xaa: {  	[tilespmem:s18+$0x119A0] =	vst v2  }
0xab: {  	s21 =	sshra.s32 s20, $0x2;
	[tilespmem:s18+$0x119B0] =	vst v3  }
0xac: {  	s20 =	sadd.s32 $0x140, s20;
	s19 =	sadd.s32 $0x10, s19;
	v1 =	vld [tilespmem:s21+$0xDDD0];
	[tilespmem:s18+$0x119C0] =	vst v4;
	s18 =	smov.u32 s21  }
0xad: {  	v2 =	vld [tilespmem:s19+$0x0];
	_ =	sdelay $0x4  }
0xae: {  	v1 =	vadd.f32 v2, v1;
	_ =	sdelay $0x1  }
0xaf: {  	v2 =	vmul.f32 $2.000000030e-01, v1;
	_ =	sdelay $0x1  }
0xb0: {  	v1 =	vmax.f32 v1, v2  }
0xb1: {  	v1 =	vmul.f32 $1.442695020e+00, v1;
	_ =	sdelay $0x1  }
0xb2: {  	(erf) = vpow2.f32 v1;
	_ =	sdelay $0x4  }
0xb3: {  	v1 =	vld [tilespmem:s18+$0xDD90]  }
0xb4: {  	v2 =	vld [tilespmem:s18+$0xDDA0]  }
0xb5: {  	v3 =	vld [tilespmem:s18+$0xDDB0]  }
0xb6: {  	v4 =	vld [tilespmem:s18+$0xDDC0]  }
0xb7: {  	v5 =	vpop (erf)  }
0xb8: {  	v1 =	vmul.f32 v5, v1  }
0xb9: {  	[tilespmem:s18+$0x119D0] =	vst v5;
	v2 =	vmul.f32 v5, v2  }
0xba: {  	v3 =	vmul.f32 v3, v5;
	[tilespmem:s18+$0x11990] =	vst v1  }
0xbb: {  	v1 =	vmul.f32 v4, v5;
	[tilespmem:s18+$0x119A0] =	vst v2  }
0xbc: {  	[tilespmem:s18+$0x119B0] =	vst v3  }
0xbd: {  	s17 =	sadd.s32 $0x1, s17;
	[tilespmem:s18+$0x119C0] =	vst v1  }
0xbe: {  	[spmem:s2] =	stream.indirect.scatter.add.f32 [tilespmem:s14], [sflag:$0x2], $0x50, s30, s3, $0xb8;
	[tilespmem:$0x13290] =	vst v63  }
0xbf: {  	p1 =	sne.s32 s17, $0x3E;
	_ =	swait.ge [sflag:s31], $0x1900  }
.Ltmp3:
0xc0: {  	[sflag:s31] =	ssyncset.done $0x0;
	(pc) =	sbr.rel @p1 .LBB2_4-.Ltmp3, $4  }
0xc1: {  	[sflag:s31] =	ssyncadd.s32 $0xFFFFE700  }
0xc2: {  	_ =	swait.ge [sflag:s0], $0x1900  }
0xc3: {  	[sflag:s0] =	ssyncset.done $0x0  }
0xc4: {  	[sflag:s0] =	ssyncadd.s32 $0xFFFFE700  }
0xc5: {  	s16 =	simm.s32 $0x0;
	s17 =	rddreg [dreg:$0xb]  }
0xc6: {  	[tilespmem:s26], [sflag:$0x1] =	stream.linear.gather [hbm4b:s17+s16], $0x50, $0x38;
	[tilespmem:$0x13290] =	vst v63  }
0xc7: {  	s24 =	rddreg [dreg:$0xc]  }
0xc8: {  	[tilespmem:s28], [sflag:$0x2] =	stream.linear.gather [hbm4b:s24+s16], $0x50, $0x38;
	[tilespmem:$0x13290] =	vst v63  }
0xc9: {  	_ =	swait.ge [sflag:s31], $0x50  }
0xca: {  	[sflag:s31] =	ssyncset.done $0x0  }
0xcb: {  	[sflag:s31] =	ssyncadd.s32 $0xFFFFFFB0  }
0xcc: {  	_ =	swait.ge [sflag:s0], $0x50  }
0xcd: {  	[sflag:s0] =	ssyncset.done $0x0  }
0xce: {  	[sflag:s0] =	ssyncadd.s32 $0xFFFFFFB0  }
0xcf: {  	[tilespmem:s4], [sflag:$0x1] =	stream.indirect.gather [hbm4b:s5+s3], $0x50, s26, s3, $0xb8;
	[tilespmem:$0x13290] =	vst v63  }
0xd0: {  	s17 =	simm.s32 $0xF690  }
0xd1: {  	[tilespmem:s17], [sflag:$0x2] =	stream.indirect.gather [hbm4b:s1+s3], $0x10, s28, s3, $0xb8;
	[tilespmem:$0x13290] =	vst v63  }
0xd2: {  	_ =	swait.ge [sflag:s31], $0x1900  }
0xd3: {  	[sflag:s31] =	ssyncset.done $0x0  }
0xd4: {  	[sflag:s31] =	ssyncadd.s32 $0xFFFFE700  }
0xd5: {  	_ =	swait.ge [sflag:s0], $0x500  }
0xd6: {  	[sflag:s0] =	ssyncset.done $0x0  }
0xd7: {  	s16 =	simm.s32 $0x0;
	[sflag:s0] =	ssyncadd.s32 $0xFFFFFB00  }
0xd8: {  	s18 =	simm.s32 $0x140;
	v1 =	vld [tilespmem:s16+$0xC4D0]  }
.LBB2_10:
0xd9: {  	p1 =	sne.s32 s18, $0x62C0;
	v2 =	vld [tilespmem:s17+$0x0];
	_ =	sdelay $0x4  }
0xda: {  	v1 =	vadd.f32 v2, v1;
	_ =	sdelay $0x1  }
0xdb: {  	v2 =	vmul.f32 $2.000000030e-01, v1;
	_ =	sdelay $0x1  }
0xdc: {  	v1 =	vmax.f32 v1, v2  }
0xdd: {  	v1 =	vmul.f32 $1.442695020e+00, v1;
	_ =	sdelay $0x1  }
0xde: {  	(erf) = vpow2.f32 v1;
	_ =	sdelay $0x2  }
0xdf: {  	v1 =	vld [tilespmem:s16+$0xC490]  }
0xe0: {  	v2 =	vld [tilespmem:s16+$0xC4A0]  }
0xe1: {  	v3 =	vld [tilespmem:s16+$0xC4B0]  }
0xe2: {  	v4 =	vld [tilespmem:s16+$0xC4C0];
	_ =	sdelay $0x2  }
0xe3: {  	v5 =	vpop (erf)  }
0xe4: {  	[tilespmem:s16+$0x100D0] =	vst v5;
	v1 =	vmul.f32 v5, v1;
	v2 =	vmul.f32 v5, v2  }
.Ltmp4:
0xe5: {  	v3 =	vmul.f32 v3, v5;
	v4 =	vmul.f32 v4, v5;
	(pc) =	sbr.rel @p1 .LBB2_10-.Ltmp4, $4  }
0xe6: {  	[tilespmem:s16+$0x10090] =	vst v1  }
0xe7: {  	[tilespmem:s16+$0x100A0] =	vst v2  }
0xe8: {  	s19 =	sshra.s32 s18, $0x2;
	[tilespmem:s16+$0x100B0] =	vst v3  }
0xe9: {  	s18 =	sadd.s32 $0x140, s18;
	s17 =	sadd.s32 $0x10, s17;
	v1 =	vld [tilespmem:s19+$0xC4D0];
	[tilespmem:s16+$0x100C0] =	vst v4;
	s16 =	smov.u32 s19  }
0xea: {  	v2 =	vld [tilespmem:s17+$0x0];
	_ =	sdelay $0x4  }
0xeb: {  	v1 =	vadd.f32 v2, v1;
	_ =	sdelay $0x1  }
0xec: {  	v2 =	vmul.f32 $2.000000030e-01, v1;
	_ =	sdelay $0x1  }
0xed: {  	v1 =	vmax.f32 v1, v2  }
0xee: {  	v1 =	vmul.f32 $1.442695020e+00, v1;
	_ =	sdelay $0x1  }
0xef: {  	(erf) = vpow2.f32 v1;
	_ =	sdelay $0x4  }
0xf0: {  	v1 =	vld [tilespmem:s16+$0xC490]  }
0xf1: {  	v2 =	vld [tilespmem:s16+$0xC4A0]  }
0xf2: {  	v3 =	vld [tilespmem:s16+$0xC4B0]  }
0xf3: {  	v4 =	vld [tilespmem:s16+$0xC4C0]  }
0xf4: {  	v5 =	vpop (erf)  }
0xf5: {  	v1 =	vmul.f32 v5, v1  }
0xf6: {  	[tilespmem:s16+$0x100D0] =	vst v5;
	v2 =	vmul.f32 v5, v2  }
0xf7: {  	v3 =	vmul.f32 v3, v5;
	[tilespmem:s16+$0x10090] =	vst v1  }
0xf8: {  	v1 =	vmul.f32 v4, v5;
	[tilespmem:s16+$0x100A0] =	vst v2  }
0xf9: {  	[tilespmem:s16+$0x100B0] =	vst v3  }
0xfa: {  	[tilespmem:s16+$0x100C0] =	vst v1  }
0xfb: {  	[spmem:s2] =	stream.indirect.scatter.add.f32 [tilespmem:s22], [sflag:$0x5], $0x50, s28, s3, $0xb8;
	[tilespmem:$0x13290] =	vst v63  }
0xfc: {  	_ =	swait.ge [sflag:s23], $0x1900  }
0xfd: {  	[sflag:s23] =	ssyncset.done $0x0  }
0xfe: {  	[sflag:s23] =	ssyncadd.s32 $0xFFFFE700  }
0xff: {  	s20 =	stileid.u32;
	[bflag:$0x0] =	sbarrier.arrive $0xFFFF  }
0x100: {  	s16 =	sshll.u32 s20, $0x6;
	s21 =	rddreg [dreg:$0xd]  }
0x101: {  	s16 =	sor.u32 $0x1C05, s16;
	s18 =	rddreg [dreg:$0x10]  }
0x102: {  	[hbm:s21], [sflag:s16] =	dma.local [spmem:s18], $0x1860  }
0x103: {  	_ =	swait.ge [sflag:s23], $0x1860  }
0x104: {  	[sflag:s23] =	ssyncset.done $0x0  }
0x105: {  	s17 =	rddreg [dreg:$0xe];
	[sflag:s23] =	ssyncadd.s32 $0xFFFFE7A0  }
0x106: {  	[hbm:s17], [sflag:s16] =	dma.local @!p0 [spmem:s25], $0xA0  }
0x107: {  	s16 =	simm.s32 @!p0 $0x5  }
0x108: {  	_ =	swait.ge @!p0 [sflag:s16], $0xA0  }
0x109: {  	s15 =	sadd.s32 $0x1, s15;
	s24 =	rddreg [dreg:$0xf]  }
0x10a: {  	p1 =	sne.s32 s15, s24  }
.Ltmp5:
0x10b: {  	_ = 	snop;
	(pc) =	sbr.rel @p1 .LBB2_1-.Ltmp5, $3  }
0x10c: {  	_ =	sdelay $0x1  }
0x10d: {  	[sflag:s16] =	ssyncset.done @!p0 $0x0  }
0x10e: {  	[sflag:s16] =	ssyncadd.s32 @!p0 $0xFFFFFF60  }
0x10f: {  	_ =	sfence.sel $0x180000  }
0x110: {  	[bflag:$0x0] =	sbarrier.arrive $0xFFFF  }
0x111: {  	_ =	strace $0x9000004D  }
0x112: {  	s0 =	stileid.u32;
	[bflag:$0x2] =	sbarrier.arrive $0xFFFF  }
0x113: {  	p0 =	sne.s32 s0, $0x0;
	s0 =	rddreg [dreg:$0x3]  }
0x114: {  	s0 =	sadd.s32 @!p0 $0x100000, s0  }
0x115: {  	[sflag:s0] =	ssyncadd.tile.s32 @!p0 $0x1;
	_ =	shalt  }
.Lfunc_end2:
_tile_overlayer_lowered:
.L_overlay_start_2:
0x116: {  	(tag) =	ssettag $0x2  }
0x117: {  	s0 =	rddreg [dreg:$0x0];
	s2 =	stileid.u32  }
0x118: {  	s1 =	rddreg [dreg:$0x1];
	p0 =	sne.s32 s2, $0x0  }
0x119: {  	s3 =	rddreg [dreg:$0x2];
	[bflag:$0x3] =	sbarrier.arrive $0xFFFF;
	s2 =	simm.s32 @!p0 $0x1C05  }
0x11a: {  	[timem:s3], [sflag:s2] =	dma.local @!p0 [hbm:s0], s1  }
0x11b: {  	s0 =	simm.s32 @!p0 $0x5  }
0x11c: {  	_ =	swait.ge @!p0 [sflag:s0], s1  }
0x11d: {  	s1 =	ssub.s32 @!p0 $0x0, s1;
	[sflag:s0] =	ssyncset.done @!p0 $0x0  }
0x11e: {  	[sflag:s0] =	ssyncadd.s32 @!p0 s1  }
0x11f: {  	[bflag:$0x3] =	sbarrier.arrive $0xFFFF  }
0x120: {  	_ =	shalt  }

// kernel: kernel.17.cloned.1.call-start
scs
__scs_entry_jumppad:
0x0: {  	(pc) =	sbr.rel $0x88, $3  }
0x1: {  	(tag) =	ssettag $0x0;
	lr =	simm.s32 $0x1  }
0x2: {  	[smem:$0x3F90] =	sst lr;
	_ =	strace $0xD0000000  }
0x3: {  	_ = 	snop  }
0x4: {  	_ = 	snop  }
0x5: {  	_ = 	snop  }
0x6: {  	_ = 	snop  }
0x7: {  	_ = 	snop  }
__scs_overlays_trampoline_lowered:
0x8: {  	[smem:$0x3F9F] =	sst s0  }
0x9: {  	[smem:$0x3FA0] =	sst s1  }
0xa: {  	[smem:$0x3FA1] =	sst s2  }
0xb: {  	[smem:$0x3FA2] =	sst s3  }
0xc: {  	[smem:$0x3FA3] =	sst s4  }
0xd: {  	[smem:$0x3FA4] =	sst s5  }
0xe: {  	[smem:$0x3FA5] =	sst s6  }
0xf: {  	[smem:$0x3FA6] =	sst s7  }
0x10: {  	[smem:$0x3FA7] =	sst s8  }
0x11: {  	[smem:$0x3FA8] =	sst s9;
	s0 =	simm.s32 @!p0 $0x0  }
0x12: {  	s1 =	sld [smem:$0x3F8E];
	s0 =	simm.s32 @p0 $0x1  }
0x13: {  	[smem:$0x3FA9] =	sst s0;
	s0 =	simm.s32 @!p1 $0x0  }
0x14: {  	s2 =	sld [smem:$0x3F8D];
	s0 =	simm.s32 @p1 $0x1  }
0x15: {  	[smem:$0x3FAA] =	sst s0;
	s0 =	simm.s32 @!p2 $0x0  }
0x16: {  	s3 =	sld [smem:$0x3FDB];
	s0 =	simm.s32 @p2 $0x1  }
0x17: {  	s4 =	simm.s32 $0x1BF5;
	[smem:$0x3FAC] =	sst s0  }
0x18: {  	s0 =	sld [smem:$0x3F8F];
	_ =	swait.ge [sflag:s4], $0x0  }
0x19: {  	s7 =	sld [smem:$0x3F90]  }
0x1a: {  	s8 =	sadd.s32 $0xFFFFE003, lr  }
0x1b: {  	s9 =	sadd.s32 $0xFFFFFEF7, lr;
	s5 =	simm.s32 $0xFFFFFFFF;
	p2 =	slt.u32 s8, $0xFFFFF086  }
0x1c: {  	p1 =	slt.u32 s9, $0xF7A;
	s5 =	simm.s32 @!p2 $0x0  }
0x1d: {  	s5 =	simm.s32 @p1 $0x1;
	p0 =	seq.s32 s7, s2  }
0x1e: {  	s7 =	smul.u32 @!p0 $0xF7A, s2;
	p2 =	seq.s32 @!p0 s5, $0x0  }
0x1f: {  	s9 =	smul.u32 $0xF7A, s1;
	s8 =	simm.s32 @!p0 $0x1BF5;
	p2 =	por !p2, p0  }
0x20: {  	[sflag:s8] =	ssyncset.s32 @!p0 $0xFFFFF086;
	s6 =	sadd.s32 @!p0 s3, s7;
	s7 =	simm.s32 @!p0 $0x108  }
0x21: {  	s3 =	sadd.s32 s3, s9;
	s6 =	sadd.s32 @!p0 $0x88, s6;
	s7 =	simm.s32 @p2 $0x1082  }
0x22: {  	[simem:s7], [sflag:s8] =	dma.local @!p0 [hbm:s6], $0xF7A  }
0x23: {  	s9 =	sor.u32 $0xD0000000, s2;
	s6 =	simm.s32 $0x108;
	_ =	swait.ge @!p0 [sflag:s8], $0x0  }
0x24: {  	s3 =	sadd.s32 $0x88, s3;
	s6 =	simm.s32 @!p1 $0x1082;
	[sflag:s4] =	ssyncset.s32 $0xFFFFF086  }
0x25: {  	[simem:s6], [sflag:s4] =	dma.local [hbm:s3], $0xF7A  }
0x26: {  	[smem:$0x3F90] =	sst s1;
	(tag) =	ssettag s2;
	_ =	strace s9  }
0x27: {  	s1 =	sld [smem:$0x3FA0]  }
0x28: {  	s2 =	sld [smem:$0x3FA1]  }
0x29: {  	s4 =	sld [smem:$0x3FA3]  }
0x2a: {  	p0 =	seq.s32 s5, $0x0;
	s5 =	sld [smem:$0x3FA4]  }
0x2b: {  	s6 =	sld [smem:$0x3FA5]  }
0x2c: {  	s7 =	sld [smem:$0x3FA6]  }
0x2d: {  	s3 =	simm.s32 $0x108;
	s8 =	sld [smem:$0x3FA7]  }
0x2e: {  	s3 =	simm.s32 @!p0 $0x1082;
	s9 =	sld [smem:$0x3FA8]  }
0x2f: {  	lr =	sadd.s32 s0, s3;
	s0 =	sld [smem:$0x3F9F]  }
0x30: {  	s3 =	sld [smem:$0x3FA2]  }
0x31: {  	[smem:$0x3FAB] =	sst s10  }
0x32: {  	s10 =	sld [smem:$0x3FA9];
	_ =	sdelay $0x3  }
0x33: {  	p0 =	seq.s32 s10, $0x1;
	s10 =	sld [smem:$0x3FAB];
	_ =	sdelay $0x3  }
0x34: {  	[smem:$0x3FAB] =	sst s10  }
0x35: {  	s10 =	sld [smem:$0x3FAA];
	_ =	sdelay $0x3  }
0x36: {  	p1 =	seq.s32 s10, $0x1;
	s10 =	sld [smem:$0x3FAB];
	_ =	sdelay $0x3  }
0x37: {  	[smem:$0x3FAB] =	sst s10  }
0x38: {  	s10 =	sld [smem:$0x3FAC]  }
0x39: {  	_ = 	snop;
	(pc) =	sbr.ind lr, $3  }
0x3a: {  	_ = 	snop  }
0x3b: {  	_ = 	snop  }
0x3c: {  	p2 =	seq.s32 s10, $0x1;
	s10 =	sld [smem:$0x3FAB]  }
0x3d: {  	_ =	shalt  }
0x3e: {  	_ =	shalt  }
0x3f: {  	_ =	shalt  }
0x40: {  	_ =	shalt  }
0x41: {  	_ =	shalt  }
0x42: {  	_ =	shalt  }
0x43: {  	_ =	shalt  }
0x44: {  	_ =	shalt  }
0x45: {  	_ =	shalt  }
0x46: {  	_ =	shalt  }
0x47: {  	_ =	shalt  }
0x48: {  	_ =	shalt  }
0x49: {  	_ =	shalt  }
0x4a: {  	_ =	shalt  }
0x4b: {  	_ =	shalt  }
0x4c: {  	_ =	shalt  }
0x4d: {  	_ =	shalt  }
0x4e: {  	_ =	shalt  }
0x4f: {  	_ =	shalt  }
0x50: {  	_ =	shalt  }
0x51: {  	_ =	shalt  }
0x52: {  	_ =	shalt  }
0x53: {  	_ =	shalt  }
0x54: {  	_ =	shalt  }
0x55: {  	_ =	shalt  }
0x56: {  	_ =	shalt  }
0x57: {  	_ =	shalt  }
0x58: {  	_ =	shalt  }
0x59: {  	_ =	shalt  }
0x5a: {  	_ =	shalt  }
0x5b: {  	_ =	shalt  }
0x5c: {  	_ =	shalt  }
0x5d: {  	_ =	shalt  }
0x5e: {  	_ =	shalt  }
0x5f: {  	_ =	shalt  }
0x60: {  	_ =	shalt  }
0x61: {  	_ =	shalt  }
0x62: {  	_ =	shalt  }
0x63: {  	_ =	shalt  }
0x64: {  	_ =	shalt  }
0x65: {  	_ =	shalt  }
0x66: {  	_ =	shalt  }
0x67: {  	_ =	shalt  }
0x68: {  	_ =	shalt  }
0x69: {  	_ =	shalt  }
0x6a: {  	_ =	shalt  }
0x6b: {  	_ =	shalt  }
0x6c: {  	_ =	shalt  }
0x6d: {  	_ =	shalt  }
0x6e: {  	_ =	shalt  }
0x6f: {  	_ =	shalt  }
0x70: {  	_ =	shalt  }
0x71: {  	_ =	shalt  }
0x72: {  	_ =	shalt  }
0x73: {  	_ =	shalt  }
0x74: {  	_ =	shalt  }
0x75: {  	_ =	shalt  }
0x76: {  	_ =	shalt  }
0x77: {  	_ =	shalt  }
0x78: {  	_ =	shalt  }
0x79: {  	_ =	shalt  }
0x7a: {  	_ =	shalt  }
0x7b: {  	_ =	shalt  }
0x7c: {  	_ =	shalt  }
0x7d: {  	_ =	shalt  }
0x7e: {  	_ =	shalt  }
0x7f: {  	_ =	shalt  }
0x80: {  	_ =	shalt  }
0x81: {  	_ =	shalt  }
0x82: {  	_ =	shalt  }
0x83: {  	_ =	shalt  }
0x84: {  	_ =	shalt  }
0x85: {  	_ =	shalt  }
0x86: {  	_ =	shalt  }
0x87: {  	_ =	shalt  }
.Lfunc_end0:
.L_simem_size_0:
called_computation.2_lowered:
.L_overlay_start_0:
0x88: {  	s2 =	sld [smem:$0x3FD9]  }
0x89: {  	s3 =	sld [smem:$0x3FFE];
	_ =	sdelay $0x1  }
0x8a: {  	s1 =	srdreg.scid  }
0x8b: {  	s0 =	sand.u32 $0x1, s1  }
0x8c: {  	s17 =	sshll.u32 s0, $0xA;
	s2 =	sadd.s32 s3, s2  }
0x8d: {  	s2 =	sadd.s32 s2, s17  }
0x8e: {  	[smem:$0x3FB7] =	sst s2  }
0x8f: {  	_ = 	snop  }
0x90: {  	s2 =	sld [smem:$0x3FD0];
	(tm) =	ssettm $0x1  }
0x91: {  	s18 =	sld [smem:$0x3FFB];
	_ =	sdelay $0x3  }
0x92: {  	_ =	strace s18  }
0x93: {  	s3 =	sld [smem:$0x3FFC];
	_ =	sdelay $0x3  }
0x94: {  	_ =	strace s3  }
0x95: {  	s3 =	sld [smem:$0x3FFD];
	_ =	sdelay $0x3  }
0x96: {  	_ =	strace s3  }
0x97: {  	_ =	strace $0x8FFFFFFF  }
0x98: {  	s19 =	sld [smem:$0x3FDB];
	_ =	sdelay $0x1  }
0x99: {  	s4 =	simm.s32 $_scs_section_size  }
0x9a: {  	s5 =	simm.s32 $_size__tile_overlayer_lowered;
	s6 =	simm.s32 $_tile_overlayer_lowered  }
0x9b: {  	s22 =	simm.s32 $0x1BFF;
	s21 =	sshll.u32 s6, $0x1;
	s3 =	sadd.s32 s4, s19  }
0x9c: {  	s7 =	simm.s32 $0x0;
	s20 =	sshll.u32 s5, $0x1;
	s5 =	sadd.s32 s21, s3  }
0x9d: {  	[timem:s7], [sflag:s22] =	dma.local [hbm:s5], s20  }
0x9e: {  	_ =	swait.ge [sflag:s22], s20  }
0x9f: {  	s4 =	ssub.s32 $0x0, s20;
	[sflag:s22] =	ssyncset.done $0x0  }
0xa0: {  	[sflag:s22] =	ssyncadd.s32 s4;
	_ =	sdelay $0x1  }
0xa1: {  	s23 =	simm.s32 $0x1B8B  }
0xa2: {  	_ =	swait.ge [sflag:s23], $0x1  }
0xa3: {  	[sflag:s23] =	ssyncset.done $0x0  }
0xa4: {  	s25 =	simm.s32 $0x1B8E;
	s24 =	sld [smem:$0x3FFE];
	[sflag:s23] =	ssyncadd.s32 $0xFFFFFFFF  }
0xa5: {  	s26 =	simm.s32 $execute0_lowered;
	[smem:$0x3FD2] =	sst s25  }
0xa6: {  	s5 =	sshll.u32 s26, $0x1;
	_ =	strace $0x80000049;
	[dreg:$0x1] =	wrdreg $0xFFFFFFFF  }
0xa7: {  	s28 =	simm.s32 $_size_execute0_lowered;
	s3 =	sadd.s32 s3, s5;
	[dreg:$0x0] =	wrdreg $0x0  }
0xa8: {  	s5 =	sshll.u32 s28, $0x1;
	[dreg:$0x2] =	wrdreg s3  }
0xa9: {  	[dreg:$0x3] =	wrdreg s5  }
0xaa: {  	[dreg:$0x4] =	wrdreg $0xC0  }
0xab: {  	_ =	task [dreg:s7], $0x5FFFF  }
0xac: {  	[dreg:$0x1] =	wrdreg $0xFFFFFFFF  }
0xad: {  	[dreg:$0x0] =	wrdreg $0x60  }
0xae: {  	[dreg:$0x2] =	wrdreg s24  }
0xaf: {  	[dreg:$0x3] =	wrdreg s2  }
0xb0: {  	[dreg:$0x4] =	wrdreg $0x0  }
0xb1: {  	[dreg:$0x5] =	wrdreg $0xA  }
0xb2: {  	_ =	task.clear_ibuf [dreg:s7], $0x6FFFF;
	_ =	strace $0x90000049  }
0xb3: {  	s29 =	simm.s32 $0xA;
	_ =	strace $0x8000004B  }
0xb4: {  	_ =	swait.ge [sflag:s29], $0x1  }
0xb5: {  	[sflag:s29] =	ssyncadd.s32 $0xFFFFFFFF  }
0xb6: {  	_ =	strace $0x9000004B  }
0xb7: {  	_ =	sfence  }
0xb8: {  	s30 =	sld [smem:$0x0];
	_ =	sdelay $0x2  }
0xb9: {  	s31 =	sshll.u32 s1, $0xD;
	s1 =	sshrl.u32 s1, $0x2  }
0xba: {  	s3 =	sand.u32 $0x4000, s31;
	s1 =	sadd.s32 s1, s30  }
0xbb: {  	s0 =	sor.u32 s3, s0;
	s1 =	sshll.u32 s1, $0x11  }
0xbc: {  	s0 =	sor.u32 s1, s0  }
0xbd: {  	s0 =	sadd.s32 $0x8F2B, s0  }
0xbe: {  	[sflag:s0] =	ssyncadd.remote.s32 $0x1  }
0xbf: {  	_ =	sfence.sel $0xFFFF  }
0xc0: {  	[dreg:$0x0] =	wrdreg $0xFFFFFFFF;
	(pc) =	sbr.abs _section_cstart, $3  }
0xc1: {  	[dreg:$0x1] =	wrdreg $0xFFFFFFFF  }
0xc2: {  	_ =	task.clear_ibuf [dreg:s7], $0x2FFFF;
	_ =	strace $0x9FFFFFFF  }
0xc3: {  	(tm) =	ssettm $0x7FFFFFFF  }
tec
execute0_lowered:
.L_overlay_start_1:
0x0: {  	(tag) =	ssettag $0x1  }
0x1: {  	s0 =	rddreg [dreg:$0x0]  }
0x2: {  	s1 =	rddreg [dreg:$0x1]  }
0x3: {  	s2 =	rddreg [dreg:$0x2];
	s3 =	simm.s32 $0x0  }
0x4: {  	s14 =	srdreg.scid;
	s13 =	stileid.u32;
	s28 =	simm.s32 $0xC3F0  }
0x5: {  	s29 =	simm.s32 $0xC3A0;
	s30 =	simm.s32 $0xC440;
	s31 =	simm.s32 $0x1  }
0x6: {  	[smem:$0x7FF] =	sst s3;
	s5 =	sadd.s32 $0x8FC00, s0;
	s6 =	sadd.s32 $0x10800, s0  }
0x7: {  	s3 =	sand.u32 $0x1, s14;
	s4 =	smul.u32 $0x30D40, s13;
	s7 =	sadd.s32 $0x6A00, s0  }
0x8: {  	s0 =	sadd.s32 $0xA8400, s0;
	s20 =	smul.u32 $0xC300, s13;
	p0 =	sne.s32 s13, $0xF  }
0x9: {  	s14 =	simm.s32 $0x11990;
	_ =	strace $0x8000004A;
	s8 =	ssub.s32 $0x2, s3  }
0xa: {  	s10 =	sshll.u32 s3, $0x4;
	s3 =	smul.u32 $0xC3500, s3;
	s9 =	sshrl.u32 s8, $0x1  }
0xb: {  	s4 =	sshrl.u32 s4, $0x2;
	s10 =	sor.u32 s13, s10;
	s25 =	sadd.s32 s20, s2  }
0xc: {  	s13 =	simm.s32 $0xFB90;
	s9 =	ssub.s32 s8, s9;
	s8 =	sadd.s32 s4, s2  }
0xd: {  	s11 =	smul.u32 $0x2710, s10;
	s23 =	sadd.s32 s20, s3;
	s4 =	sadd.s32 $0x1900, s8  }
0xe: {  	s3 =	sshrl.u32 s3, $0x3;
	s15 =	sadd.s32 $0x3200, s8;
	[dreg:$0x4] =	wrdreg s4  }
0xf: {  	s10 =	simm.s32 $0x4;
	s16 =	sadd.s32 $0x4B00, s8;
	[dreg:$0x5] =	wrdreg s15  }
0x10: {  	s17 =	sadd.s32 $0x6400, s8;
	s18 =	sadd.s32 $0x7D00, s8;
	[dreg:$0x6] =	wrdreg s16  }
0x11: {  	s12 =	sadd.s32 $0x9600, s8;
	s21 =	sadd.s32 $0xAF00, s8;
	[dreg:$0x7] =	wrdreg s17  }
0x12: {  	s24 =	sshrl.u32 s23, $0x3;
	s3 =	sadd.s32 s0, s3;
	[dreg:$0x8] =	wrdreg s18  }
0x13: {  	s26 =	smax.u32 s9, $0x1;
	s23 =	simm.s32 $0x5;
	[dreg:$0x9] =	wrdreg s12  }
0x14: {  	s9 =	simm.s32 $0x3;
	s19 =	sshrl.u32 s11, $0x3;
	[dreg:$0xa] =	wrdreg s21  }
0x15: {  	s0 =	sadd.s32 s0, s24;
	s3 =	sadd.s32 $0x18600, s3;
	[dreg:$0xf] =	wrdreg s26  }
0x16: {  	s26 =	simm.s32 $0xC350;
	s12 =	simm.s32 $0xDD90;
	[dreg:$0xd] =	wrdreg s0  }
0x17: {  	s15 =	simm.s32 $0x0;
	s4 =	sadd.s32 $0x4D8, s19;
	[dreg:$0xe] =	wrdreg s3  }
0x18: {  	s3 =	sadd.s32 $0xC3000, s2;
	s0 =	sshrl.u32 s25, $0x3;
	s22 =	sadd.s32 s6, s4  }
0x19: {  	s4 =	sadd.s32 s7, s4;
	[dreg:$0x10] =	wrdreg s0;
	s25 =	sshrl.u32 @!p0 s3, $0x3  }
0x1a: {  	s0 =	simm.s32 $0x2;
	s3 =	simm.s32 $0x50;
	[dreg:$0xb] =	wrdreg s22  }
0x1b: {  	v0 =	vimm.f32 $0.0e+00;
	[dreg:$0xc] =	wrdreg s4;
	s22 =	simm.s32 $0x10090;
	s4 =	simm.s32 $0xC490  }
.LBB2_1:
0x1c: {  	s16 =	simm.s32 $0x0  }
0x1d: {  	s16 =	smul.u32 $0xCCCD, s16;
	_ =	sdelay $0x1  }
0x1e: {  	s17 =	sshrl.u32 s16, $0x12  }
0x1f: {  	s18 =	simm.s32 $0x0;
	s16 =	simm.s32 $0x1;
	s19 =	smul.u32 $0x5, s17  }
.LBB2_2:
0x20: {  	s20 =	smul.u32 $0xCCCD, s16  }
0x21: {  	s21 =	smov.u32 s16;
	s17 =	smul.u32 $0x140, s17;
	p1 =	sne.s32 s16, $0x18F  }
.Ltmp0:
0x22: {  	s18 =	ssub.s32 s18, s19;
	(pc) =	sbr.rel @p1 .LBB2_2-.Ltmp0, $4  }
0x23: {  	s16 =	sadd.s32 $0x1, s16;
	s18 =	sand.u32 $0xFFFF, s18  }
0x24: {  	s19 =	sshrl.u32 s17, $0x2;
	s24 =	sshll.u32 s18, $0x4;
	s18 =	smov.u32 s21  }
0x25: {  	s17 =	sshrl.u32 s20, $0x12;
	s20 =	sadd.s32 s24, s19  }
0x26: {  	s19 =	smul.u32 $0x5, s17;
	[tilespmem:s20+$0x10090] =	vst v0  }
0x27: {  	_ = 	snop  }
0x28: {  	s17 =	smul.u32 $0x140, s17;
	s16 =	ssub.s32 s18, s19  }
0x29: {  	s16 =	sand.u32 $0xFFFF, s16  }
0x2a: {  	s17 =	sshrl.u32 s17, $0x2;
	s16 =	sshll.u32 s16, $0x4  }
0x2b: {  	s16 =	sadd.s32 s16, s17  }
0x2c: {  	[tilespmem:s16+$0x10090] =	vst v0  }
0x2d: {  	[spmem:s8] =	stream.linear.scatter [tilespmem:s22], [sflag:$0x5], $0x1900, $0x38;
	[tilespmem:$0x13290] =	vst v63  }
0x2e: {  	_ =	swait.ge [sflag:s23], $0x1900  }
0x2f: {  	[sflag:s23] =	ssyncset.done $0x0  }
0x30: {  	s24 =	rddreg [dreg:$0x4];
	[sflag:s23] =	ssyncadd.s32 $0xFFFFE700  }
0x31: {  	[spmem:s24] =	stream.linear.scatter [tilespmem:s22], [sflag:$0x5], $0x1900, $0x38;
	[tilespmem:$0x13290] =	vst v63  }
0x32: {  	_ =	swait.ge [sflag:s23], $0x1900  }
0x33: {  	[sflag:s23] =	ssyncset.done $0x0  }
0x34: {  	s17 =	rddreg [dreg:$0x5];
	[sflag:s23] =	ssyncadd.s32 $0xFFFFE700  }
0x35: {  	[spmem:s17] =	stream.linear.scatter [tilespmem:s22], [sflag:$0x5], $0x1900, $0x38;
	[tilespmem:$0x13290] =	vst v63  }
0x36: {  	_ =	swait.ge [sflag:s23], $0x1900  }
0x37: {  	[sflag:s23] =	ssyncset.done $0x0  }
0x38: {  	s18 =	rddreg [dreg:$0x6];
	[sflag:s23] =	ssyncadd.s32 $0xFFFFE700  }
0x39: {  	[spmem:s18] =	stream.linear.scatter [tilespmem:s22], [sflag:$0x5], $0x1900, $0x38;
	[tilespmem:$0x13290] =	vst v63  }
0x3a: {  	_ =	swait.ge [sflag:s23], $0x1900  }
0x3b: {  	[sflag:s23] =	ssyncset.done $0x0  }
0x3c: {  	s19 =	rddreg [dreg:$0x7];
	[sflag:s23] =	ssyncadd.s32 $0xFFFFE700  }
0x3d: {  	[spmem:s19] =	stream.linear.scatter [tilespmem:s22], [sflag:$0x5], $0x1900, $0x38;
	[tilespmem:$0x13290] =	vst v63  }
0x3e: {  	_ =	swait.ge [sflag:s23], $0x1900  }
0x3f: {  	[sflag:s23] =	ssyncset.done $0x0  }
0x40: {  	s20 =	rddreg [dreg:$0x8];
	[sflag:s23] =	ssyncadd.s32 $0xFFFFE700  }
0x41: {  	[spmem:s20] =	stream.linear.scatter [tilespmem:s22], [sflag:$0x5], $0x1900, $0x38;
	[tilespmem:$0x13290] =	vst v63  }
0x42: {  	_ =	swait.ge [sflag:s23], $0x1900  }
0x43: {  	[sflag:s23] =	ssyncset.done $0x0  }
0x44: {  	s21 =	rddreg [dreg:$0x9];
	[sflag:s23] =	ssyncadd.s32 $0xFFFFE700  }
0x45: {  	[spmem:s21] =	stream.linear.scatter [tilespmem:s22], [sflag:$0x5], $0x1900, $0x38;
	[tilespmem:$0x13290] =	vst v63  }
0x46: {  	_ =	swait.ge [sflag:s23], $0x1900  }
0x47: {  	[sflag:s23] =	ssyncset.done $0x0  }
0x48: {  	s24 =	rddreg [dreg:$0xa];
	[sflag:s23] =	ssyncadd.s32 $0xFFFFE700  }
0x49: {  	[spmem:s24] =	stream.linear.scatter [tilespmem:s22], [sflag:$0x5], $0x1450, $0x38;
	[tilespmem:$0x13290] =	vst v63  }
0x4a: {  	_ =	swait.ge [sflag:s23], $0x1450  }
0x4b: {  	[sflag:s23] =	ssyncset.done $0x0  }
0x4c: {  	[sflag:s23] =	ssyncadd.s32 $0xFFFFEBB0  }
0x4d: {  	s16 =	simm.s32 $0x0;
	s17 =	simm.s32 $0x0;
	[bflag:$0x0] =	sbarrier.arrive $0xFFFF  }
.LBB2_4:
0x4e: {  	s18 =	smul.u32 $0xA0, s17;
	_ =	sdelay $0x1  }
0x4f: {  	s18 =	sadd.s32 s11, s18  }
0x50: {  	s18 =	sshrl.u32 s18, $0x3  }
0x51: {  	s19 =	sadd.s32 s6, s18  }
0x52: {  	[tilespmem:s26], [sflag:$0x1] =	stream.linear.gather [hbm4b:s19+s16], $0x50, $0x38;
	[tilespmem:$0x13290] =	vst v63  }
0x53: {  	s21 =	sadd.s32 s7, s18;
	s18 =	sadd.s32 $0xA, s18  }
0x54: {  	[tilespmem:s28], [sflag:$0x2] =	stream.linear.gather [hbm4b:s21+s16], $0x50, $0x38;
	[tilespmem:$0x13290] =	vst v63  }
0x55: {  	s24 =	sadd.s32 s6, s18  }
0x56: {  	[tilespmem:s29], [sflag:$0x3] =	stream.linear.gather [hbm4b:s24+s16], $0x50, $0x38;
	[tilespmem:$0x13290] =	vst v63  }
0x57: {  	s18 =	sadd.s32 s7, s18  }
0x58: {  	[tilespmem:s30], [sflag:$0x4] =	stream.linear.gather [hbm4b:s18+s16], $0x50, $0x38;
	[tilespmem:$0x13290] =	vst v63  }
0x59: {  	_ =	swait.ge [sflag:s31], $0x50  }
0x5a: {  	[sflag:s31] =	ssyncset.done $0x0  }
0x5b: {  	[sflag:s31] =	ssyncadd.s32 $0xFFFFFFB0  }
0x5c: {  	_ =	swait.ge [sflag:s0], $0x50  }
0x5d: {  	[sflag:s0] =	ssyncset.done $0x0  }
0x5e: {  	[sflag:s0] =	ssyncadd.s32 $0xFFFFFFB0  }
0x5f: {  	[tilespmem:s4], [sflag:$0x1] =	stream.indirect.gather [hbm4b:s5+s3], $0x50, s26, s3, $0xb8;
	[tilespmem:$0x13290] =	vst v63  }
0x60: {  	s19 =	simm.s32 $0xF690  }
0x61: {  	[tilespmem:s19], [sflag:$0x2] =	stream.indirect.gather [hbm4b:s1+s3], $0x10, s28, s3, $0xb8;
	[tilespmem:$0x13290] =	vst v63  }
0x62: {  	_ =	swait.ge [sflag:s9], $0x50  }
0x63: {  	[sflag:s9] =	ssyncset.done $0x0  }
0x64: {  	[sflag:s9] =	ssyncadd.s32 $0xFFFFFFB0  }
0x65: {  	_ =	swait.ge [sflag:s10], $0x50  }
0x66: {  	[sflag:s10] =	ssyncset.done $0x0  }
0x67: {  	[sflag:s10] =	ssyncadd.s32 $0xFFFFFFB0  }
0x68: {  	[tilespmem:s12], [sflag:$0x3] =	stream.indirect.gather [hbm4b:s5+s3], $0x50, s29, s3, $0xb8;
	[tilespmem:$0x13290] =	vst v63  }
0x69: {  	_ = 	snop  }
0x6a: {  	[tilespmem:s13], [sflag:$0x4] =	stream.indirect.gather [hbm4b:s1+s3], $0x10, s30, s3, $0xb8;
	[tilespmem:$0x13290] =	vst v63  }
0x6b: {  	_ =	swait.ge [sflag:s31], $0x1900  }
0x6c: {  	[sflag:s31] =	ssyncset.done $0x0  }
0x6d: {  	[sflag:s31] =	ssyncadd.s32 $0xFFFFE700  }
0x6e: {  	_ =	swait.ge [sflag:s0], $0x500  }
0x6f: {  	[sflag:s0] =	ssyncset.done $0x0  }
0x70: {  	s18 =	simm.s32 $0x0;
	[sflag:s0] =	ssyncadd.s32 $0xFFFFFB00  }
0x71: {  	s20 =	simm.s32 $0x140;
	v1 =	vld [tilespmem:s18+$0xC4D0]  }
.LBB2_5:
0x72: {  	p1 =	sne.s32 s20, $0x62C0;
	v2 =	vld [tilespmem:s19+$0x0];
	_ =	sdelay $0x4  }
0x73: {  	v1 =	vadd.f32 v2, v1;
	_ =	sdelay $0x1  }
0x74: {  	v2 =	vmul.f32 $2.000000030e-01, v1;
	_ =	sdelay $0x1  }
0x75: {  	v1 =	vmax.f32 v1, v2  }
0x76: {  	v1 =	vmul.f32 $1.442695020e+00, v1;
	_ =	sdelay $0x1  }
0x77: {  	(erf) = vpow2.f32 v1;
	_ =	sdelay $0x2  }
0x78: {  	v1 =	vld [tilespmem:s18+$0xC490]  }
0x79: {  	v2 =	vld [tilespmem:s18+$0xC4A0]  }
0x7a: {  	v3 =	vld [tilespmem:s18+$0xC4B0]  }
0x7b: {  	v4 =	vld [tilespmem:s18+$0xC4C0];
	_ =	sdelay $0x2  }
0x7c: {  	v5 =	vpop (erf)  }
0x7d: {  	[tilespmem:s18+$0x100D0] =	vst v5;
	v1 =	vmul.f32 v5, v1;
	v2 =	vmul.f32 v5, v2  }
.Ltmp1:
0x7e: {  	v3 =	vmul.f32 v3, v5;
	v4 =	vmul.f32 v4, v5;
	(pc) =	sbr.rel @p1 .LBB2_5-.Ltmp1, $4  }
0x7f: {  	[tilespmem:s18+$0x10090] =	vst v1  }
0x80: {  	[tilespmem:s18+$0x100A0] =	vst v2  }
0x81: {  	s21 =	sshra.s32 s20, $0x2;
	[tilespmem:s18+$0x100B0] =	vst v3  }
0x82: {  	s20 =	sadd.s32 $0x140, s20;
	s19 =	sadd.s32 $0x10, s19;
	v1 =	vld [tilespmem:s21+$0xC4D0];
	[tilespmem:s18+$0x100C0] =	vst v4;
	s18 =	smov.u32 s21  }
0x83: {  	v2 =	vld [tilespmem:s19+$0x0];
	_ =	sdelay $0x4  }
0x84: {  	v1 =	vadd.f32 v2, v1;
	_ =	sdelay $0x1  }
0x85: {  	v2 =	vmul.f32 $2.000000030e-01, v1;
	_ =	sdelay $0x1  }
0x86: {  	v1 =	vmax.f32 v1, v2  }
0x87: {  	v1 =	vmul.f32 $1.442695020e+00, v1;
	_ =	sdelay $0x1  }
0x88: {  	(erf) = vpow2.f32 v1;
	_ =	sdelay $0x4  }
0x89: {  	v1 =	vld [tilespmem:s18+$0xC490]  }
0x8a: {  	v2 =	vld [tilespmem:s18+$0xC4A0]  }
0x8b: {  	v3 =	vld [tilespmem:s18+$0xC4B0]  }
0x8c: {  	v4 =	vld [tilespmem:s18+$0xC4C0]  }
0x8d: {  	v5 =	vpop (erf)  }
0x8e: {  	v1 =	vmul.f32 v5, v1  }
0x8f: {  	[tilespmem:s18+$0x100D0] =	vst v5;
	v2 =	vmul.f32 v5, v2  }
0x90: {  	v3 =	vmul.f32 v3, v5;
	[tilespmem:s18+$0x10090] =	vst v1  }
0x91: {  	v1 =	vmul.f32 v4, v5;
	[tilespmem:s18+$0x100A0] =	vst v2  }
0x92: {  	[tilespmem:s18+$0x100B0] =	vst v3  }
0x93: {  	[tilespmem:s18+$0x100C0] =	vst v1  }
0x94: {  	[spmem:s2] =	stream.indirect.scatter.add.f32 [tilespmem:s22], [sflag:$0x1], $0x50, s28, s3, $0xb8;
	[tilespmem:$0x13290] =	vst v63  }
0x95: {  	_ =	swait.ge [sflag:s9], $0x1900  }
0x96: {  	[sflag:s9] =	ssyncset.done $0x0  }
0x97: {  	[sflag:s9] =	ssyncadd.s32 $0xFFFFE700  }
0x98: {  	_ =	swait.ge [sflag:s10], $0x500  }
0x99: {  	[sflag:s10] =	ssyncset.done $0x0  }
0x9a: {  	s18 =	simm.s32 $0x0;
	[sflag:s10] =	ssyncadd.s32 $0xFFFFFB00  }
0x9b: {  	s19 =	simm.s32 $0xFB90;
	s20 =	simm.s32 $0x140;
	v1 =	vld [tilespmem:s18+$0xDDD0]  }
.LBB2_7:
0x9c: {  	p1 =	sne.s32 s20, $0x62C0;
	v2 =	vld [tilespmem:s19+$0x0];
	_ =	sdelay $0x4  }
0x9d: {  	v1 =	vadd.f32 v2, v1;
	_ =	sdelay $0x1  }
0x9e: {  	v2 =	vmul.f32 $2.000000030e-01, v1;
	_ =	sdelay $0x1  }
0x9f: {  	v1 =	vmax.f32 v1, v2  }
0xa0: {  	v1 =	vmul.f32 $1.442695020e+00, v1;
	_ =	sdelay $0x1  }
0xa1: {  	(erf) = vpow2.f32 v1;
	_ =	sdelay $0x2  }
0xa2: {  	v1 =	vld [tilespmem:s18+$0xDD90]  }
0xa3: {  	v2 =	vld [tilespmem:s18+$0xDDA0]  }
0xa4: {  	v3 =	vld [tilespmem:s18+$0xDDB0]  }
0xa5: {  	v4 =	vld [tilespmem:s18+$0xDDC0];
	_ =	sdelay $0x2  }
0xa6: {  	v5 =	vpop (erf)  }
0xa7: {  	[tilespmem:s18+$0x119D0] =	vst v5;
	v1 =	vmul.f32 v5, v1;
	v2 =	vmul.f32 v5, v2  }
.Ltmp2:
0xa8: {  	v3 =	vmul.f32 v3, v5;
	v4 =	vmul.f32 v4, v5;
	(pc) =	sbr.rel @p1 .LBB2_7-.Ltmp2, $4  }
0xa9: {  	[tilespmem:s18+$0x11990] =	vst v1  }
0xaa: {  	[tilespmem:s18+$0x119A0] =	vst v2  }
0xab: {  	s21 =	sshra.s32 s20, $0x2;
	[tilespmem:s18+$0x119B0] =	vst v3  }
0xac: {  	s20 =	sadd.s32 $0x140, s20;
	s19 =	sadd.s32 $0x10, s19;
	v1 =	vld [tilespmem:s21+$0xDDD0];
	[tilespmem:s18+$0x119C0] =	vst v4;
	s18 =	smov.u32 s21  }
0xad: {  	v2 =	vld [tilespmem:s19+$0x0];
	_ =	sdelay $0x4  }
0xae: {  	v1 =	vadd.f32 v2, v1;
	_ =	sdelay $0x1  }
0xaf: {  	v2 =	vmul.f32 $2.000000030e-01, v1;
	_ =	sdelay $0x1  }
0xb0: {  	v1 =	vmax.f32 v1, v2  }
0xb1: {  	v1 =	vmul.f32 $1.442695020e+00, v1;
	_ =	sdelay $0x1  }
0xb2: {  	(erf) = vpow2.f32 v1;
	_ =	sdelay $0x4  }
0xb3: {  	v1 =	vld [tilespmem:s18+$0xDD90]  }
0xb4: {  	v2 =	vld [tilespmem:s18+$0xDDA0]  }
0xb5: {  	v3 =	vld [tilespmem:s18+$0xDDB0]  }
0xb6: {  	v4 =	vld [tilespmem:s18+$0xDDC0]  }
0xb7: {  	v5 =	vpop (erf)  }
0xb8: {  	v1 =	vmul.f32 v5, v1  }
0xb9: {  	[tilespmem:s18+$0x119D0] =	vst v5;
	v2 =	vmul.f32 v5, v2  }
0xba: {  	v3 =	vmul.f32 v3, v5;
	[tilespmem:s18+$0x11990] =	vst v1  }
0xbb: {  	v1 =	vmul.f32 v4, v5;
	[tilespmem:s18+$0x119A0] =	vst v2  }
0xbc: {  	[tilespmem:s18+$0x119B0] =	vst v3  }
0xbd: {  	s17 =	sadd.s32 $0x1, s17;
	[tilespmem:s18+$0x119C0] =	vst v1  }
0xbe: {  	[spmem:s2] =	stream.indirect.scatter.add.f32 [tilespmem:s14], [sflag:$0x2], $0x50, s30, s3, $0xb8;
	[tilespmem:$0x13290] =	vst v63  }
0xbf: {  	p1 =	sne.s32 s17, $0x3E;
	_ =	swait.ge [sflag:s31], $0x1900  }
.Ltmp3:
0xc0: {  	[sflag:s31] =	ssyncset.done $0x0;
	(pc) =	sbr.rel @p1 .LBB2_4-.Ltmp3, $4  }
0xc1: {  	[sflag:s31] =	ssyncadd.s32 $0xFFFFE700  }
0xc2: {  	_ =	swait.ge [sflag:s0], $0x1900  }
0xc3: {  	[sflag:s0] =	ssyncset.done $0x0  }
0xc4: {  	[sflag:s0] =	ssyncadd.s32 $0xFFFFE700  }
0xc5: {  	s16 =	simm.s32 $0x0;
	s17 =	rddreg [dreg:$0xb]  }
0xc6: {  	[tilespmem:s26], [sflag:$0x1] =	stream.linear.gather [hbm4b:s17+s16], $0x50, $0x38;
	[tilespmem:$0x13290] =	vst v63  }
0xc7: {  	s24 =	rddreg [dreg:$0xc]  }
0xc8: {  	[tilespmem:s28], [sflag:$0x2] =	stream.linear.gather [hbm4b:s24+s16], $0x50, $0x38;
	[tilespmem:$0x13290] =	vst v63  }
0xc9: {  	_ =	swait.ge [sflag:s31], $0x50  }
0xca: {  	[sflag:s31] =	ssyncset.done $0x0  }
0xcb: {  	[sflag:s31] =	ssyncadd.s32 $0xFFFFFFB0  }
0xcc: {  	_ =	swait.ge [sflag:s0], $0x50  }
0xcd: {  	[sflag:s0] =	ssyncset.done $0x0  }
0xce: {  	[sflag:s0] =	ssyncadd.s32 $0xFFFFFFB0  }
0xcf: {  	[tilespmem:s4], [sflag:$0x1] =	stream.indirect.gather [hbm4b:s5+s3], $0x50, s26, s3, $0xb8;
	[tilespmem:$0x13290] =	vst v63  }
0xd0: {  	s17 =	simm.s32 $0xF690  }
0xd1: {  	[tilespmem:s17], [sflag:$0x2] =	stream.indirect.gather [hbm4b:s1+s3], $0x10, s28, s3, $0xb8;
	[tilespmem:$0x13290] =	vst v63  }
0xd2: {  	_ =	swait.ge [sflag:s31], $0x1900  }
0xd3: {  	[sflag:s31] =	ssyncset.done $0x0  }
0xd4: {  	[sflag:s31] =	ssyncadd.s32 $0xFFFFE700  }
0xd5: {  	_ =	swait.ge [sflag:s0], $0x500  }
0xd6: {  	[sflag:s0] =	ssyncset.done $0x0  }
0xd7: {  	s16 =	simm.s32 $0x0;
	[sflag:s0] =	ssyncadd.s32 $0xFFFFFB00  }
0xd8: {  	s18 =	simm.s32 $0x140;
	v1 =	vld [tilespmem:s16+$0xC4D0]  }
.LBB2_10:
0xd9: {  	p1 =	sne.s32 s18, $0x62C0;
	v2 =	vld [tilespmem:s17+$0x0];
	_ =	sdelay $0x4  }
0xda: {  	v1 =	vadd.f32 v2, v1;
	_ =	sdelay $0x1  }
0xdb: {  	v2 =	vmul.f32 $2.000000030e-01, v1;
	_ =	sdelay $0x1  }
0xdc: {  	v1 =	vmax.f32 v1, v2  }
0xdd: {  	v1 =	vmul.f32 $1.442695020e+00, v1;
	_ =	sdelay $0x1  }
0xde: {  	(erf) = vpow2.f32 v1;
	_ =	sdelay $0x2  }
0xdf: {  	v1 =	vld [tilespmem:s16+$0xC490]  }
0xe0: {  	v2 =	vld [tilespmem:s16+$0xC4A0]  }
0xe1: {  	v3 =	vld [tilespmem:s16+$0xC4B0]  }
0xe2: {  	v4 =	vld [tilespmem:s16+$0xC4C0];
	_ =	sdelay $0x2  }
0xe3: {  	v5 =	vpop (erf)  }
0xe4: {  	[tilespmem:s16+$0x100D0] =	vst v5;
	v1 =	vmul.f32 v5, v1;
	v2 =	vmul.f32 v5, v2  }
.Ltmp4:
0xe5: {  	v3 =	vmul.f32 v3, v5;
	v4 =	vmul.f32 v4, v5;
	(pc) =	sbr.rel @p1 .LBB2_10-.Ltmp4, $4  }
0xe6: {  	[tilespmem:s16+$0x10090] =	vst v1  }
0xe7: {  	[tilespmem:s16+$0x100A0] =	vst v2  }
0xe8: {  	s19 =	sshra.s32 s18, $0x2;
	[tilespmem:s16+$0x100B0] =	vst v3  }
0xe9: {  	s18 =	sadd.s32 $0x140, s18;
	s17 =	sadd.s32 $0x10, s17;
	v1 =	vld [tilespmem:s19+$0xC4D0];
	[tilespmem:s16+$0x100C0] =	vst v4;
	s16 =	smov.u32 s19  }
0xea: {  	v2 =	vld [tilespmem:s17+$0x0];
	_ =	sdelay $0x4  }
0xeb: {  	v1 =	vadd.f32 v2, v1;
	_ =	sdelay $0x1  }
0xec: {  	v2 =	vmul.f32 $2.000000030e-01, v1;
	_ =	sdelay $0x1  }
0xed: {  	v1 =	vmax.f32 v1, v2  }
0xee: {  	v1 =	vmul.f32 $1.442695020e+00, v1;
	_ =	sdelay $0x1  }
0xef: {  	(erf) = vpow2.f32 v1;
	_ =	sdelay $0x4  }
0xf0: {  	v1 =	vld [tilespmem:s16+$0xC490]  }
0xf1: {  	v2 =	vld [tilespmem:s16+$0xC4A0]  }
0xf2: {  	v3 =	vld [tilespmem:s16+$0xC4B0]  }
0xf3: {  	v4 =	vld [tilespmem:s16+$0xC4C0]  }
0xf4: {  	v5 =	vpop (erf)  }
0xf5: {  	v1 =	vmul.f32 v5, v1  }
0xf6: {  	[tilespmem:s16+$0x100D0] =	vst v5;
	v2 =	vmul.f32 v5, v2  }
0xf7: {  	v3 =	vmul.f32 v3, v5;
	[tilespmem:s16+$0x10090] =	vst v1  }
0xf8: {  	v1 =	vmul.f32 v4, v5;
	[tilespmem:s16+$0x100A0] =	vst v2  }
0xf9: {  	[tilespmem:s16+$0x100B0] =	vst v3  }
0xfa: {  	[tilespmem:s16+$0x100C0] =	vst v1  }
0xfb: {  	[spmem:s2] =	stream.indirect.scatter.add.f32 [tilespmem:s22], [sflag:$0x5], $0x50, s28, s3, $0xb8;
	[tilespmem:$0x13290] =	vst v63  }
0xfc: {  	_ =	swait.ge [sflag:s23], $0x1900  }
0xfd: {  	[sflag:s23] =	ssyncset.done $0x0  }
0xfe: {  	[sflag:s23] =	ssyncadd.s32 $0xFFFFE700  }
0xff: {  	s20 =	stileid.u32;
	[bflag:$0x0] =	sbarrier.arrive $0xFFFF  }
0x100: {  	s16 =	sshll.u32 s20, $0x6;
	s21 =	rddreg [dreg:$0xd]  }
0x101: {  	s16 =	sor.u32 $0x1C05, s16;
	s18 =	rddreg [dreg:$0x10]  }
0x102: {  	[hbm:s21], [sflag:s16] =	dma.local [spmem:s18], $0x1860  }
0x103: {  	_ =	swait.ge [sflag:s23], $0x1860  }
0x104: {  	[sflag:s23] =	ssyncset.done $0x0  }
0x105: {  	s17 =	rddreg [dreg:$0xe];
	[sflag:s23] =	ssyncadd.s32 $0xFFFFE7A0  }
0x106: {  	[hbm:s17], [sflag:s16] =	dma.local @!p0 [spmem:s25], $0xA0  }
0x107: {  	s16 =	simm.s32 @!p0 $0x5  }
0x108: {  	_ =	swait.ge @!p0 [sflag:s16], $0xA0  }
0x109: {  	s15 =	sadd.s32 $0x1, s15;
	s24 =	rddreg [dreg:$0xf]  }
0x10a: {  	p1 =	sne.s32 s15, s24  }
.Ltmp5:
0x10b: {  	_ = 	snop;
	(pc) =	sbr.rel @p1 .LBB2_1-.Ltmp5, $3  }
0x10c: {  	_ =	sdelay $0x1  }
0x10d: {  	[sflag:s16] =	ssyncset.done @!p0 $0x0  }
0x10e: {  	[sflag:s16] =	ssyncadd.s32 @!p0 $0xFFFFFF60  }
0x10f: {  	_ =	sfence.sel $0x180000  }
0x110: {  	[bflag:$0x0] =	sbarrier.arrive $0xFFFF  }
0x111: {  	_ =	strace $0x9000004A  }
0x112: {  	s0 =	stileid.u32;
	[bflag:$0x2] =	sbarrier.arrive $0xFFFF  }
0x113: {  	p0 =	sne.s32 s0, $0x0;
	s0 =	rddreg [dreg:$0x3]  }
0x114: {  	s0 =	sadd.s32 @!p0 $0x100000, s0  }
0x115: {  	[sflag:s0] =	ssyncadd.tile.s32 @!p0 $0x1;
	_ =	shalt  }
.Lfunc_end2:
_tile_overlayer_lowered:
.L_overlay_start_2:
0x116: {  	(tag) =	ssettag $0x2  }
0x117: {  	s0 =	rddreg [dreg:$0x0];
	s2 =	stileid.u32  }
0x118: {  	s1 =	rddreg [dreg:$0x1];
	p0 =	sne.s32 s2, $0x0  }
0x119: {  	s3 =	rddreg [dreg:$0x2];
	[bflag:$0x3] =	sbarrier.arrive $0xFFFF;
	s2 =	simm.s32 @!p0 $0x1C05  }
0x11a: {  	[timem:s3], [sflag:s2] =	dma.local @!p0 [hbm:s0], s1  }
0x11b: {  	s0 =	simm.s32 @!p0 $0x5  }
0x11c: {  	_ =	swait.ge @!p0 [sflag:s0], s1  }
0x11d: {  	s1 =	ssub.s32 @!p0 $0x0, s1;
	[sflag:s0] =	ssyncset.done @!p0 $0x0  }
0x11e: {  	[sflag:s0] =	ssyncadd.s32 @!p0 s1  }
0x11f: {  	[bflag:$0x3] =	sbarrier.arrive $0xFFFF  }
0x120: {  	_ =	shalt  }

// kernel: kernel.20.cloned.1.call-start
scs
__scs_entry_jumppad:
0x0: {  	(pc) =	sbr.rel $0x88, $3  }
0x1: {  	(tag) =	ssettag $0x0;
	lr =	simm.s32 $0x1  }
0x2: {  	[smem:$0x3F90] =	sst lr;
	_ =	strace $0xD0000000  }
0x3: {  	_ = 	snop  }
0x4: {  	_ = 	snop  }
0x5: {  	_ = 	snop  }
0x6: {  	_ = 	snop  }
0x7: {  	_ = 	snop  }
__scs_overlays_trampoline_lowered:
0x8: {  	[smem:$0x3F9F] =	sst s0  }
0x9: {  	[smem:$0x3FA0] =	sst s1  }
0xa: {  	[smem:$0x3FA1] =	sst s2  }
0xb: {  	[smem:$0x3FA2] =	sst s3  }
0xc: {  	[smem:$0x3FA3] =	sst s4  }
0xd: {  	[smem:$0x3FA4] =	sst s5  }
0xe: {  	[smem:$0x3FA5] =	sst s6  }
0xf: {  	[smem:$0x3FA6] =	sst s7  }
0x10: {  	[smem:$0x3FA7] =	sst s8  }
0x11: {  	[smem:$0x3FA8] =	sst s9;
	s0 =	simm.s32 @!p0 $0x0  }
0x12: {  	s1 =	sld [smem:$0x3F8E];
	s0 =	simm.s32 @p0 $0x1  }
0x13: {  	[smem:$0x3FA9] =	sst s0;
	s0 =	simm.s32 @!p1 $0x0  }
0x14: {  	s2 =	sld [smem:$0x3F8D];
	s0 =	simm.s32 @p1 $0x1  }
0x15: {  	[smem:$0x3FAA] =	sst s0;
	s0 =	simm.s32 @!p2 $0x0  }
0x16: {  	s3 =	sld [smem:$0x3FDB];
	s0 =	simm.s32 @p2 $0x1  }
0x17: {  	s4 =	simm.s32 $0x1BF5;
	[smem:$0x3FAC] =	sst s0  }
0x18: {  	s0 =	sld [smem:$0x3F8F];
	_ =	swait.ge [sflag:s4], $0x0  }
0x19: {  	s7 =	sld [smem:$0x3F90]  }
0x1a: {  	s8 =	sadd.s32 $0xFFFFE003, lr  }
0x1b: {  	s9 =	sadd.s32 $0xFFFFFEF7, lr;
	s5 =	simm.s32 $0xFFFFFFFF;
	p2 =	slt.u32 s8, $0xFFFFF086  }
0x1c: {  	p1 =	slt.u32 s9, $0xF7A;
	s5 =	simm.s32 @!p2 $0x0  }
0x1d: {  	s5 =	simm.s32 @p1 $0x1;
	p0 =	seq.s32 s7, s2  }
0x1e: {  	s7 =	smul.u32 @!p0 $0xF7A, s2;
	p2 =	seq.s32 @!p0 s5, $0x0  }
0x1f: {  	s9 =	smul.u32 $0xF7A, s1;
	s8 =	simm.s32 @!p0 $0x1BF5;
	p2 =	por !p2, p0  }
0x20: {  	[sflag:s8] =	ssyncset.s32 @!p0 $0xFFFFF086;
	s6 =	sadd.s32 @!p0 s3, s7;
	s7 =	simm.s32 @!p0 $0x108  }
0x21: {  	s3 =	sadd.s32 s3, s9;
	s6 =	sadd.s32 @!p0 $0x88, s6;
	s7 =	simm.s32 @p2 $0x1082  }
0x22: {  	[simem:s7], [sflag:s8] =	dma.local @!p0 [hbm:s6], $0xF7A  }
0x23: {  	s9 =	sor.u32 $0xD0000000, s2;
	s6 =	simm.s32 $0x108;
	_ =	swait.ge @!p0 [sflag:s8], $0x0  }
0x24: {  	s3 =	sadd.s32 $0x88, s3;
	s6 =	simm.s32 @!p1 $0x1082;
	[sflag:s4] =	ssyncset.s32 $0xFFFFF086  }
0x25: {  	[simem:s6], [sflag:s4] =	dma.local [hbm:s3], $0xF7A  }
0x26: {  	[smem:$0x3F90] =	sst s1;
	(tag) =	ssettag s2;
	_ =	strace s9  }
0x27: {  	s1 =	sld [smem:$0x3FA0]  }
0x28: {  	s2 =	sld [smem:$0x3FA1]  }
0x29: {  	s4 =	sld [smem:$0x3FA3]  }
0x2a: {  	p0 =	seq.s32 s5, $0x0;
	s5 =	sld [smem:$0x3FA4]  }
0x2b: {  	s6 =	sld [smem:$0x3FA5]  }
0x2c: {  	s7 =	sld [smem:$0x3FA6]  }
0x2d: {  	s3 =	simm.s32 $0x108;
	s8 =	sld [smem:$0x3FA7]  }
0x2e: {  	s3 =	simm.s32 @!p0 $0x1082;
	s9 =	sld [smem:$0x3FA8]  }
0x2f: {  	lr =	sadd.s32 s0, s3;
	s0 =	sld [smem:$0x3F9F]  }
0x30: {  	s3 =	sld [smem:$0x3FA2]  }
0x31: {  	[smem:$0x3FAB] =	sst s10  }
0x32: {  	s10 =	sld [smem:$0x3FA9];
	_ =	sdelay $0x3  }
0x33: {  	p0 =	seq.s32 s10, $0x1;
	s10 =	sld [smem:$0x3FAB];
	_ =	sdelay $0x3  }
0x34: {  	[smem:$0x3FAB] =	sst s10  }
0x35: {  	s10 =	sld [smem:$0x3FAA];
	_ =	sdelay $0x3  }
0x36: {  	p1 =	seq.s32 s10, $0x1;
	s10 =	sld [smem:$0x3FAB];
	_ =	sdelay $0x3  }
0x37: {  	[smem:$0x3FAB] =	sst s10  }
0x38: {  	s10 =	sld [smem:$0x3FAC]  }
0x39: {  	_ = 	snop;
	(pc) =	sbr.ind lr, $3  }
0x3a: {  	_ = 	snop  }
0x3b: {  	_ = 	snop  }
0x3c: {  	p2 =	seq.s32 s10, $0x1;
	s10 =	sld [smem:$0x3FAB]  }
0x3d: {  	_ =	shalt  }
0x3e: {  	_ =	shalt  }
0x3f: {  	_ =	shalt  }
0x40: {  	_ =	shalt  }
0x41: {  	_ =	shalt  }
0x42: {  	_ =	shalt  }
0x43: {  	_ =	shalt  }
0x44: {  	_ =	shalt  }
0x45: {  	_ =	shalt  }
0x46: {  	_ =	shalt  }
0x47: {  	_ =	shalt  }
0x48: {  	_ =	shalt  }
0x49: {  	_ =	shalt  }
0x4a: {  	_ =	shalt  }
0x4b: {  	_ =	shalt  }
0x4c: {  	_ =	shalt  }
0x4d: {  	_ =	shalt  }
0x4e: {  	_ =	shalt  }
0x4f: {  	_ =	shalt  }
0x50: {  	_ =	shalt  }
0x51: {  	_ =	shalt  }
0x52: {  	_ =	shalt  }
0x53: {  	_ =	shalt  }
0x54: {  	_ =	shalt  }
0x55: {  	_ =	shalt  }
0x56: {  	_ =	shalt  }
0x57: {  	_ =	shalt  }
0x58: {  	_ =	shalt  }
0x59: {  	_ =	shalt  }
0x5a: {  	_ =	shalt  }
0x5b: {  	_ =	shalt  }
0x5c: {  	_ =	shalt  }
0x5d: {  	_ =	shalt  }
0x5e: {  	_ =	shalt  }
0x5f: {  	_ =	shalt  }
0x60: {  	_ =	shalt  }
0x61: {  	_ =	shalt  }
0x62: {  	_ =	shalt  }
0x63: {  	_ =	shalt  }
0x64: {  	_ =	shalt  }
0x65: {  	_ =	shalt  }
0x66: {  	_ =	shalt  }
0x67: {  	_ =	shalt  }
0x68: {  	_ =	shalt  }
0x69: {  	_ =	shalt  }
0x6a: {  	_ =	shalt  }
0x6b: {  	_ =	shalt  }
0x6c: {  	_ =	shalt  }
0x6d: {  	_ =	shalt  }
0x6e: {  	_ =	shalt  }
0x6f: {  	_ =	shalt  }
0x70: {  	_ =	shalt  }
0x71: {  	_ =	shalt  }
0x72: {  	_ =	shalt  }
0x73: {  	_ =	shalt  }
0x74: {  	_ =	shalt  }
0x75: {  	_ =	shalt  }
0x76: {  	_ =	shalt  }
0x77: {  	_ =	shalt  }
0x78: {  	_ =	shalt  }
0x79: {  	_ =	shalt  }
0x7a: {  	_ =	shalt  }
0x7b: {  	_ =	shalt  }
0x7c: {  	_ =	shalt  }
0x7d: {  	_ =	shalt  }
0x7e: {  	_ =	shalt  }
0x7f: {  	_ =	shalt  }
0x80: {  	_ =	shalt  }
0x81: {  	_ =	shalt  }
0x82: {  	_ =	shalt  }
0x83: {  	_ =	shalt  }
0x84: {  	_ =	shalt  }
0x85: {  	_ =	shalt  }
0x86: {  	_ =	shalt  }
0x87: {  	_ =	shalt  }
.Lfunc_end0:
.L_simem_size_0:
called_computation.3_lowered:
.L_overlay_start_0:
0x88: {  	s2 =	sld [smem:$0x3FD9]  }
0x89: {  	s3 =	sld [smem:$0x3FFE];
	_ =	sdelay $0x1  }
0x8a: {  	s1 =	srdreg.scid  }
0x8b: {  	s0 =	sand.u32 $0x1, s1  }
0x8c: {  	s17 =	sshll.u32 s0, $0xA;
	s2 =	sadd.s32 s3, s2  }
0x8d: {  	s2 =	sadd.s32 s2, s17  }
0x8e: {  	[smem:$0x3FB7] =	sst s2  }
0x8f: {  	_ = 	snop  }
0x90: {  	s18 =	sld [smem:$0x3FD0];
	(tm) =	ssettm $0x1  }
0x91: {  	s19 =	sld [smem:$0x3FFB];
	_ =	sdelay $0x3  }
0x92: {  	_ =	strace s19  }
0x93: {  	s2 =	sld [smem:$0x3FFC];
	_ =	sdelay $0x3  }
0x94: {  	_ =	strace s2  }
0x95: {  	s2 =	sld [smem:$0x3FFD];
	_ =	sdelay $0x3  }
0x96: {  	_ =	strace s2  }
0x97: {  	_ =	strace $0x8FFFFFFF  }
0x98: {  	s20 =	sld [smem:$0x3FDB];
	_ =	sdelay $0x1  }
0x99: {  	s4 =	simm.s32 $_scs_section_size  }
0x9a: {  	s5 =	simm.s32 $_size__tile_overlayer_lowered;
	s6 =	simm.s32 $_tile_overlayer_lowered  }
0x9b: {  	s7 =	simm.s32 $0x1BFF;
	s21 =	sshll.u32 s6, $0x1;
	s4 =	sadd.s32 s4, s20  }
0x9c: {  	s22 =	simm.s32 $0x0;
	s5 =	sshll.u32 s5, $0x1;
	s6 =	sadd.s32 s21, s4  }
0x9d: {  	[timem:s22], [sflag:s7] =	dma.local [hbm:s6], s5  }
0x9e: {  	_ =	swait.ge [sflag:s7], s5  }
0x9f: {  	s5 =	ssub.s32 $0x0, s5;
	[sflag:s7] =	ssyncset.done $0x0  }
0xa0: {  	[sflag:s7] =	ssyncadd.s32 s5;
	_ =	sdelay $0x1  }
0xa1: {  	s23 =	simm.s32 $0x1B8B  }
0xa2: {  	_ =	swait.ge [sflag:s23], $0x1  }
0xa3: {  	[sflag:s23] =	ssyncset.done $0x0  }
0xa4: {  	[sflag:s23] =	ssyncadd.s32 $0xFFFFFFFF  }
0xa5: {  	s5 =	sld [smem:$0x0]  }
0xa6: {  	s6 =	sand.u32 $0xFFFFFFFE, s1  }
0xa7: {  	p0 =	sne.s32 s1, s6  }
0xa8: {  	s6 =	sshll.u32 @p0 s6, $0xE  }
0xa9: {  	s6 =	sadd.s32 @p0 $0x11B8D, s6;
	s7 =	sshll.u32 @p0 s5, $0x11  }
0xaa: {  	s6 =	sor.u32 @p0 s7, s6  }
0xab: {  	[sflag:s6] =	ssyncadd.remote.s32 @p0 $0x1;
	_ =	sdelay $0x1  }
0xac: {  	s6 =	simm.s32 @p0 $0x1B8D  }
0xad: {  	_ =	swait.eq @p0 [sflag:s6], $0x1  }
0xae: {  	[sflag:s6] =	ssyncadd.s32 @p0 $0xFFFFFFFF  }
0xaf: {  	s7 =	sshll.u32 @!p0 s1, $0xE  }
0xb0: {  	s7 =	sor.u32 @!p0 $0x4000, s7;
	s6 =	simm.s32 @!p0 $0x1B8D  }
0xb1: {  	s5 =	sshll.u32 @!p0 s5, $0x11;
	s7 =	sadd.s32 @!p0 $0x11B8D, s7;
	_ =	swait.eq @!p0 [sflag:s6], $0x1  }
0xb2: {  	s5 =	sor.u32 @!p0 s5, s7;
	[sflag:s6] =	ssyncadd.s32 @!p0 $0xFFFFFFFF  }
0xb3: {  	s25 =	simm.s32 $0x1B8E;
	s24 =	sld [smem:$0x3FFE];
	[sflag:s5] =	ssyncadd.remote.s32 @!p0 $0x1  }
0xb4: {  	s26 =	simm.s32 $execute0_lowered;
	[smem:$0x3FD2] =	sst s25  }
0xb5: {  	s6 =	sshll.u32 s26, $0x1;
	_ =	strace $0x80000052;
	[dreg:$0x1] =	wrdreg $0xFFFFFFFF  }
0xb6: {  	s28 =	simm.s32 $_size_execute0_lowered;
	s4 =	sadd.s32 s4, s6;
	[dreg:$0x0] =	wrdreg $0x0  }
0xb7: {  	s6 =	sshll.u32 s28, $0x1;
	[dreg:$0x2] =	wrdreg s4  }
0xb8: {  	[dreg:$0x3] =	wrdreg s6  }
0xb9: {  	[dreg:$0x4] =	wrdreg $0xC0  }
0xba: {  	_ =	task [dreg:s22], $0x5FFFF  }
0xbb: {  	[dreg:$0x1] =	wrdreg $0xFFFFFFFF  }
0xbc: {  	[dreg:$0x0] =	wrdreg $0x60  }
0xbd: {  	[dreg:$0x2] =	wrdreg s18  }
0xbe: {  	[dreg:$0x3] =	wrdreg s24  }
0xbf: {  	[dreg:$0x4] =	wrdreg $0x9  }
0xc0: {  	_ =	task.clear_ibuf [dreg:s22], $0x5FFFF;
	_ =	strace $0x90000052  }
0xc1: {  	s29 =	simm.s32 $0x9;
	_ =	strace $0x80000054  }
0xc2: {  	_ =	swait.ge [sflag:s29], $0x1  }
0xc3: {  	[sflag:s29] =	ssyncadd.s32 $0xFFFFFFFF  }
0xc4: {  	_ =	strace $0x90000054  }
0xc5: {  	_ =	sfence  }
0xc6: {  	s30 =	sld [smem:$0x0];
	_ =	sdelay $0x2  }
0xc7: {  	s31 =	sshll.u32 s1, $0xD;
	s1 =	sshrl.u32 s1, $0x2  }
0xc8: {  	s4 =	sand.u32 $0x4000, s31;
	s1 =	sadd.s32 s1, s30  }
0xc9: {  	s0 =	sor.u32 s4, s0;
	s1 =	sshll.u32 s1, $0x11  }
0xca: {  	s0 =	sor.u32 s1, s0  }
0xcb: {  	s0 =	sadd.s32 $0x8F2B, s0  }
0xcc: {  	[sflag:s0] =	ssyncadd.remote.s32 $0x1  }
0xcd: {  	_ =	sfence.sel $0xFFFF  }
0xce: {  	[dreg:$0x0] =	wrdreg $0xFFFFFFFF;
	(pc) =	sbr.abs _section_cstart, $3  }
0xcf: {  	[dreg:$0x1] =	wrdreg $0xFFFFFFFF  }
0xd0: {  	_ =	task.clear_ibuf [dreg:s22], $0x2FFFF;
	_ =	strace $0x9FFFFFFF  }
0xd1: {  	(tm) =	ssettm $0x7FFFFFFF  }
tec
execute0_lowered:
.L_overlay_start_1:
0x0: {  	(tag) =	ssettag $0x1  }
0x1: {  	s1 =	rddreg [dreg:$0x0]  }
0x2: {  	s7 =	rddreg [dreg:$0x1]  }
0x3: {  	s0 =	rddreg [dreg:$0x2];
	s2 =	simm.s32 $0x0  }
0x4: {  	s3 =	srdreg.scid;
	s11 =	simm.s32 $0xC8;
	s12 =	simm.s32 $0x258  }
0x5: {  	s13 =	simm.s32 $0x1;
	s14 =	simm.s32 $0x2;
	s15 =	simm.s32 $0x320  }
0x6: {  	s16 =	simm.s32 $0x6720;
	s17 =	simm.s32 $0x3;
	s18 =	simm.s32 $0x4  }
0x7: {  	s19 =	simm.s32 $0x3520;
	s20 =	simm.s32 $0x9920;
	s21 =	simm.s32 $0xCB20  }
0x8: {  	s22 =	simm.s32 $0xFD20;
	s23 =	simm.s32 $0x0;
	[smem:$0x7FF] =	sst s2  }
0x9: {  	s4 =	sadd.s32 $0x2B2A00, s7;
	s5 =	sadd.s32 $0x10800, s7;
	s6 =	sand.u32 $0x1, s3  }
0xa: {  	s3 =	stileid.u32;
	_ =	strace $0x80000053;
	s8 =	ssub.s32 $0x2, s6  }
0xb: {  	s9 =	sshll.u32 s6, $0x4;
	s6 =	sadd.s32 $0x6A00, s7;
	s10 =	sshrl.u32 s8, $0x1  }
0xc: {  	s7 =	sadd.s32 $0x2C6400, s7;
	s9 =	sor.u32 s3, s9;
	s10 =	ssub.s32 s8, s10  }
0xd: {  	s8 =	smul.u32 $0x2710, s9;
	s9 =	smax.u32 s10, $0x1;
	s10 =	simm.s32 $0x190  }
.LBB2_1:
0xe: {  	s24 =	simm.s32 $0x0  }
.LBB2_2:
0xf: {  	s25 =	smul.u32 $0x190, s24;
	_ =	sdelay $0x1  }
0x10: {  	s26 =	sadd.s32 s8, s25  }
0x11: {  	s28 =	sshrl.u32 s26, $0x3  }
0x12: {  	s29 =	simm.s32 $0x0;
	s31 =	sadd.s32 s5, s28  }
0x13: {  	[tilespmem:s29], [sflag:$0x1] =	stream.linear.gather [hbm4b:s31+s29], $0xC8, $0x38;
	[tilespmem:$0x12F20] =	vst v63  }
0x14: {  	s25 =	sadd.s32 $0xC8, s26;
	s28 =	sadd.s32 s6, s28  }
0x15: {  	[tilespmem:s10], [sflag:$0x2] =	stream.linear.gather [hbm4b:s28+s29], $0xC8, $0x38;
	[tilespmem:$0x12F20] =	vst v63  }
0x16: {  	s28 =	sshrl.u32 s25, $0x3  }
0x17: {  	s30 =	sadd.s32 s5, s28  }
0x18: {  	[tilespmem:s11], [sflag:$0x3] =	stream.linear.gather [hbm4b:s30+s29], $0xC8, $0x38;
	[tilespmem:$0x12F20] =	vst v63  }
0x19: {  	s28 =	sadd.s32 s6, s28  }
0x1a: {  	[tilespmem:s12], [sflag:$0x4] =	stream.linear.gather [hbm4b:s28+s29], $0xC8, $0x38;
	[tilespmem:$0x12F20] =	vst v63  }
0x1b: {  	_ =	swait.ge [sflag:s13], $0xC8  }
0x1c: {  	[sflag:s13] =	ssyncset.done $0x0  }
0x1d: {  	[sflag:s13] =	ssyncadd.s32 $0xFFFFFF38  }
0x1e: {  	_ =	swait.ge [sflag:s14], $0xC8  }
0x1f: {  	[sflag:s14] =	ssyncset.done $0x0  }
0x20: {  	[sflag:s14] =	ssyncadd.s32 $0xFFFFFF38  }
0x21: {  	[tilespmem:s15], [sflag:$0x1] =	stream.indirect.gather [hbm4b:s1+s11], $0x40, s29, s11, $0xb8;
	[tilespmem:$0x12F20] =	vst v63  }
0x22: {  	_ = 	snop  }
0x23: {  	[tilespmem:s16], [sflag:$0x2] =	stream.indirect.gather [hbm4b:s4+s11], $0x40, s10, s11, $0xb8;
	[tilespmem:$0x12F20] =	vst v63  }
0x24: {  	_ =	swait.ge [sflag:s17], $0xC8  }
0x25: {  	[sflag:s17] =	ssyncset.done $0x0  }
0x26: {  	[sflag:s17] =	ssyncadd.s32 $0xFFFFFF38  }
0x27: {  	_ =	swait.ge [sflag:s18], $0xC8  }
0x28: {  	[sflag:s18] =	ssyncset.done $0x0  }
0x29: {  	[sflag:s18] =	ssyncadd.s32 $0xFFFFFF38  }
0x2a: {  	[tilespmem:s19], [sflag:$0x3] =	stream.indirect.gather [hbm4b:s1+s11], $0x40, s11, s11, $0xb8;
	[tilespmem:$0x12F20] =	vst v63  }
0x2b: {  	_ = 	snop  }
0x2c: {  	[tilespmem:s20], [sflag:$0x4] =	stream.indirect.gather [hbm4b:s4+s11], $0x40, s12, s11, $0xb8;
	[tilespmem:$0x12F20] =	vst v63  }
0x2d: {  	_ =	swait.ge [sflag:s13], $0x3200  }
0x2e: {  	[sflag:s13] =	ssyncset.done $0x0  }
0x2f: {  	[sflag:s13] =	ssyncadd.s32 $0xFFFFCE00  }
0x30: {  	_ =	swait.ge [sflag:s14], $0x3200  }
0x31: {  	[sflag:s14] =	ssyncset.done $0x0  }
0x32: {  	s28 =	simm.s32 $0x0;
	[sflag:s14] =	ssyncadd.s32 $0xFFFFCE00  }
0x33: {  	v2 =	vld [tilespmem:s28+$0x350]  }
0x34: {  	v4 =	vld [tilespmem:s28+$0x6750]  }
0x35: {  	v5 =	vld [tilespmem:s28+$0x320]  }
0x36: {  	v6 =	vld [tilespmem:s28+$0x6720]  }
0x37: {  	v1 =	vld [tilespmem:s28+$0x330]  }
0x38: {  	v3 =	vld [tilespmem:s28+$0x6730]  }
0x39: {  	v0 =	vld [tilespmem:s28+$0x340];
	v7 =	vadd.f32 v4, v2  }
0x3a: {  	s29 =	simm.s32 $0x40;
	v4 =	vld [tilespmem:s28+$0x6740]  }
0x3b: {  	s30 =	simm.s32 $0x200;
	v2 =	vld [tilespmem:s29+$0x350];
	v5 =	vadd.f32 v6, v5;
	[tilespmem:s28+$0xCB50] =	vst v7  }
.LBB2_3:
0x3c: {  	p0 =	sne.s32 s30, $0xC700;
	v6 =	vld [tilespmem:s29+$0x6750]  }
0x3d: {  	v7 =	vld [tilespmem:s29+$0x320];
	[tilespmem:s28+$0xCB20] =	vst v5;
	v3 =	vadd.f32 v3, v1  }
0x3e: {  	v5 =	vld [tilespmem:s29+$0x6720]  }
.Ltmp0:
0x3f: {  	v1 =	vld [tilespmem:s29+$0x330];
	[tilespmem:s28+$0xCB30] =	vst v3;
	v4 =	vadd.f32 v4, v0;
	(pc) =	sbr.rel @p0 .LBB2_3-.Ltmp0, $4  }
0x40: {  	v3 =	vld [tilespmem:s29+$0x6730]  }
0x41: {  	v0 =	vld [tilespmem:s29+$0x340];
	v6 =	vadd.f32 v6, v2;
	[tilespmem:s28+$0xCB40] =	vst v4;
	s28 =	smov.u32 s29  }
0x42: {  	s29 =	sshra.s32 s30, $0x2;
	v4 =	vld [tilespmem:s28+$0x6740]  }
0x43: {  	s30 =	sadd.s32 $0x100, s30;
	v2 =	vld [tilespmem:s29+$0x350];
	v5 =	vadd.f32 v5, v7;
	[tilespmem:s28+$0xCB50] =	vst v6  }
0x44: {  	v6 =	vld [tilespmem:s29+$0x6750]  }
0x45: {  	v7 =	vld [tilespmem:s29+$0x320];
	[tilespmem:s28+$0xCB20] =	vst v5;
	v1 =	vadd.f32 v3, v1  }
0x46: {  	v3 =	vld [tilespmem:s29+$0x6720]  }
0x47: {  	v5 =	vld [tilespmem:s29+$0x330];
	[tilespmem:s28+$0xCB30] =	vst v1;
	v0 =	vadd.f32 v4, v0  }
0x48: {  	v1 =	vld [tilespmem:s29+$0x6730]  }
0x49: {  	v4 =	vld [tilespmem:s29+$0x340];
	[tilespmem:s28+$0xCB40] =	vst v0  }
0x4a: {  	v0 =	vld [tilespmem:s29+$0x6740];
	_ =	sdelay $0x1  }
0x4b: {  	v2 =	vadd.f32 v6, v2  }
0x4c: {  	v3 =	vadd.f32 v3, v7  }
0x4d: {  	[tilespmem:s29+$0xCB50] =	vst v2;
	v1 =	vadd.f32 v1, v5  }
0x4e: {  	[tilespmem:s29+$0xCB20] =	vst v3;
	v0 =	vadd.f32 v0, v4  }
0x4f: {  	s26 =	sshll.u32 s26, $0x3;
	[tilespmem:s29+$0xCB30] =	vst v1  }
0x50: {  	s26 =	sadd.s32 s7, s26;
	s28 =	simm.s32 $0x0;
	[tilespmem:s29+$0xCB40] =	vst v0  }
0x51: {  	[hbm4b:s26+s28] =	stream.linear.scatter [tilespmem:s21], [sflag:$0x1], $0x3200, $0x38;
	[tilespmem:$0x12F20] =	vst v63  }
0x52: {  	_ =	swait.ge [sflag:s17], $0x3200  }
0x53: {  	[sflag:s17] =	ssyncset.done $0x0  }
0x54: {  	[sflag:s17] =	ssyncadd.s32 $0xFFFFCE00  }
0x55: {  	_ =	swait.ge [sflag:s18], $0x3200  }
0x56: {  	[sflag:s18] =	ssyncset.done $0x0  }
0x57: {  	s28 =	simm.s32 $0x0;
	[sflag:s18] =	ssyncadd.s32 $0xFFFFCE00  }
0x58: {  	v2 =	vld [tilespmem:s28+$0x3550]  }
0x59: {  	v4 =	vld [tilespmem:s28+$0x9950]  }
0x5a: {  	v5 =	vld [tilespmem:s28+$0x3520]  }
0x5b: {  	v6 =	vld [tilespmem:s28+$0x9920]  }
0x5c: {  	v1 =	vld [tilespmem:s28+$0x3530]  }
0x5d: {  	v3 =	vld [tilespmem:s28+$0x9930]  }
0x5e: {  	v0 =	vld [tilespmem:s28+$0x3540];
	v7 =	vadd.f32 v4, v2  }
0x5f: {  	s26 =	simm.s32 $0x40;
	v4 =	vld [tilespmem:s28+$0x9940]  }
0x60: {  	s29 =	simm.s32 $0x200;
	v2 =	vld [tilespmem:s26+$0x3550];
	v5 =	vadd.f32 v6, v5;
	[tilespmem:s28+$0xFD50] =	vst v7  }
.LBB2_5:
0x61: {  	p0 =	sne.s32 s29, $0xC700;
	v6 =	vld [tilespmem:s26+$0x9950]  }
0x62: {  	v7 =	vld [tilespmem:s26+$0x3520];
	[tilespmem:s28+$0xFD20] =	vst v5;
	v3 =	vadd.f32 v3, v1  }
0x63: {  	v5 =	vld [tilespmem:s26+$0x9920]  }
.Ltmp1:
0x64: {  	v1 =	vld [tilespmem:s26+$0x3530];
	[tilespmem:s28+$0xFD30] =	vst v3;
	v4 =	vadd.f32 v4, v0;
	(pc) =	sbr.rel @p0 .LBB2_5-.Ltmp1, $4  }
0x65: {  	v3 =	vld [tilespmem:s26+$0x9930]  }
0x66: {  	v0 =	vld [tilespmem:s26+$0x3540];
	v6 =	vadd.f32 v6, v2;
	[tilespmem:s28+$0xFD40] =	vst v4;
	s28 =	smov.u32 s26  }
0x67: {  	s26 =	sshra.s32 s29, $0x2;
	v4 =	vld [tilespmem:s28+$0x9940]  }
0x68: {  	s29 =	sadd.s32 $0x100, s29;
	v2 =	vld [tilespmem:s26+$0x3550];
	v5 =	vadd.f32 v5, v7;
	[tilespmem:s28+$0xFD50] =	vst v6  }
0x69: {  	v6 =	vld [tilespmem:s26+$0x9950]  }
0x6a: {  	v7 =	vld [tilespmem:s26+$0x3520];
	[tilespmem:s28+$0xFD20] =	vst v5;
	v1 =	vadd.f32 v3, v1  }
0x6b: {  	v62 =	vld [tilespmem:s26+$0x9920]  }
0x6c: {  	v5 =	vld [tilespmem:s26+$0x3530];
	[tilespmem:s28+$0xFD30] =	vst v1;
	v0 =	vadd.f32 v4, v0  }
0x6d: {  	v1 =	vld [tilespmem:s26+$0x9930]  }
0x6e: {  	v63 =	vld [tilespmem:s26+$0x3540];
	[tilespmem:s28+$0xFD40] =	vst v0  }
0x6f: {  	v0 =	vld [tilespmem:s26+$0x9940];
	_ =	sdelay $0x1  }
0x70: {  	v2 =	vadd.f32 v6, v2  }
0x71: {  	v3 =	vadd.f32 v62, v7  }
0x72: {  	[tilespmem:s26+$0xFD50] =	vst v2;
	v1 =	vadd.f32 v1, v5  }
0x73: {  	s25 =	sshll.u32 s25, $0x3;
	[tilespmem:s26+$0xFD20] =	vst v3;
	v0 =	vadd.f32 v0, v63  }
0x74: {  	s25 =	sand.u32 $0x1FFFFFC0, s25;
	[tilespmem:s26+$0xFD30] =	vst v1  }
0x75: {  	s24 =	sadd.s32 $0x1, s24;
	s25 =	sadd.s32 s7, s25;
	[tilespmem:s26+$0xFD40] =	vst v0  }
0x76: {  	[hbm4b:s25+s2] =	stream.linear.scatter [tilespmem:s22], [sflag:$0x2], $0x3200, $0x38;
	[tilespmem:$0x12F20] =	vst v63  }
0x77: {  	p0 =	sne.s32 s24, $0x19;
	_ =	swait.ge [sflag:s13], $0x3200  }
.Ltmp2:
0x78: {  	[sflag:s13] =	ssyncset.done $0x0;
	(pc) =	sbr.rel @p0 .LBB2_2-.Ltmp2, $4  }
0x79: {  	[sflag:s13] =	ssyncadd.s32 $0xFFFFCE00  }
0x7a: {  	_ =	swait.ge [sflag:s14], $0x3200  }
0x7b: {  	[sflag:s14] =	ssyncset.done $0x0  }
0x7c: {  	[sflag:s14] =	ssyncadd.s32 $0xFFFFCE00  }
0x7d: {  	s23 =	sadd.s32 $0x1, s23  }
0x7e: {  	p0 =	sne.s32 s23, s9  }
.Ltmp3:
0x7f: {  	_ = 	snop;
	(pc) =	sbr.rel @p0 .LBB2_1-.Ltmp3, $1  }
0x80: {  	_ =	sdelay $0x3  }
0x81: {  	_ =	sfence.sel $0x180000  }
0x82: {  	[bflag:$0x0] =	sbarrier.arrive $0xFFFF  }
0x83: {  	p0 =	sne.s32 s3, $0x0;
	_ =	strace $0x90000053  }
0x84: {  	s0 =	sadd.s32 @!p0 $0x100000, s0;
	[bflag:$0x2] =	sbarrier.arrive $0xFFFF  }
0x85: {  	[sflag:s0] =	ssyncadd.tile.s32 @!p0 $0x1;
	_ =	shalt  }
.Lfunc_end2:
_tile_overlayer_lowered:
.L_overlay_start_2:
0x86: {  	(tag) =	ssettag $0x2  }
0x87: {  	s0 =	rddreg [dreg:$0x0];
	s2 =	stileid.u32  }
0x88: {  	s1 =	rddreg [dreg:$0x1];
	p0 =	sne.s32 s2, $0x0  }
0x89: {  	s3 =	rddreg [dreg:$0x2];
	[bflag:$0x3] =	sbarrier.arrive $0xFFFF;
	s2 =	simm.s32 @!p0 $0x1C05  }
0x8a: {  	[timem:s3], [sflag:s2] =	dma.local @!p0 [hbm:s0], s1  }
0x8b: {  	s0 =	simm.s32 @!p0 $0x5  }
0x8c: {  	_ =	swait.ge @!p0 [sflag:s0], s1  }
0x8d: {  	s1 =	ssub.s32 @!p0 $0x0, s1;
	[sflag:s0] =	ssyncset.done @!p0 $0x0  }
0x8e: {  	[sflag:s0] =	ssyncadd.s32 @!p0 s1  }
0x8f: {  	[bflag:$0x3] =	sbarrier.arrive $0xFFFF  }
0x90: {  	_ =	shalt  }

// kernel: kernel.23.cloned.1.call-start
scs
__scs_entry_jumppad:
0x0: {  	(pc) =	sbr.rel $0x88, $3  }
0x1: {  	(tag) =	ssettag $0x0;
	lr =	simm.s32 $0x1  }
0x2: {  	[smem:$0x3F90] =	sst lr;
	_ =	strace $0xD0000000  }
0x3: {  	_ = 	snop  }
0x4: {  	_ = 	snop  }
0x5: {  	_ = 	snop  }
0x6: {  	_ = 	snop  }
0x7: {  	_ = 	snop  }
__scs_overlays_trampoline_lowered:
0x8: {  	[smem:$0x3F9F] =	sst s0  }
0x9: {  	[smem:$0x3FA0] =	sst s1  }
0xa: {  	[smem:$0x3FA1] =	sst s2  }
0xb: {  	[smem:$0x3FA2] =	sst s3  }
0xc: {  	[smem:$0x3FA3] =	sst s4  }
0xd: {  	[smem:$0x3FA4] =	sst s5  }
0xe: {  	[smem:$0x3FA5] =	sst s6  }
0xf: {  	[smem:$0x3FA6] =	sst s7  }
0x10: {  	[smem:$0x3FA7] =	sst s8  }
0x11: {  	[smem:$0x3FA8] =	sst s9;
	s0 =	simm.s32 @!p0 $0x0  }
0x12: {  	s1 =	sld [smem:$0x3F8E];
	s0 =	simm.s32 @p0 $0x1  }
0x13: {  	[smem:$0x3FA9] =	sst s0;
	s0 =	simm.s32 @!p1 $0x0  }
0x14: {  	s2 =	sld [smem:$0x3F8D];
	s0 =	simm.s32 @p1 $0x1  }
0x15: {  	[smem:$0x3FAA] =	sst s0;
	s0 =	simm.s32 @!p2 $0x0  }
0x16: {  	s3 =	sld [smem:$0x3FDB];
	s0 =	simm.s32 @p2 $0x1  }
0x17: {  	s4 =	simm.s32 $0x1BF5;
	[smem:$0x3FAC] =	sst s0  }
0x18: {  	s0 =	sld [smem:$0x3F8F];
	_ =	swait.ge [sflag:s4], $0x0  }
0x19: {  	s7 =	sld [smem:$0x3F90]  }
0x1a: {  	s8 =	sadd.s32 $0xFFFFE003, lr  }
0x1b: {  	s9 =	sadd.s32 $0xFFFFFEF7, lr;
	s5 =	simm.s32 $0xFFFFFFFF;
	p2 =	slt.u32 s8, $0xFFFFF086  }
0x1c: {  	p1 =	slt.u32 s9, $0xF7A;
	s5 =	simm.s32 @!p2 $0x0  }
0x1d: {  	s5 =	simm.s32 @p1 $0x1;
	p0 =	seq.s32 s7, s2  }
0x1e: {  	s7 =	smul.u32 @!p0 $0xF7A, s2;
	p2 =	seq.s32 @!p0 s5, $0x0  }
0x1f: {  	s9 =	smul.u32 $0xF7A, s1;
	s8 =	simm.s32 @!p0 $0x1BF5;
	p2 =	por !p2, p0  }
0x20: {  	[sflag:s8] =	ssyncset.s32 @!p0 $0xFFFFF086;
	s6 =	sadd.s32 @!p0 s3, s7;
	s7 =	simm.s32 @!p0 $0x108  }
0x21: {  	s3 =	sadd.s32 s3, s9;
	s6 =	sadd.s32 @!p0 $0x88, s6;
	s7 =	simm.s32 @p2 $0x1082  }
0x22: {  	[simem:s7], [sflag:s8] =	dma.local @!p0 [hbm:s6], $0xF7A  }
0x23: {  	s9 =	sor.u32 $0xD0000000, s2;
	s6 =	simm.s32 $0x108;
	_ =	swait.ge @!p0 [sflag:s8], $0x0  }
0x24: {  	s3 =	sadd.s32 $0x88, s3;
	s6 =	simm.s32 @!p1 $0x1082;
	[sflag:s4] =	ssyncset.s32 $0xFFFFF086  }
0x25: {  	[simem:s6], [sflag:s4] =	dma.local [hbm:s3], $0xF7A  }
0x26: {  	[smem:$0x3F90] =	sst s1;
	(tag) =	ssettag s2;
	_ =	strace s9  }
0x27: {  	s1 =	sld [smem:$0x3FA0]  }
0x28: {  	s2 =	sld [smem:$0x3FA1]  }
0x29: {  	s4 =	sld [smem:$0x3FA3]  }
0x2a: {  	p0 =	seq.s32 s5, $0x0;
	s5 =	sld [smem:$0x3FA4]  }
0x2b: {  	s6 =	sld [smem:$0x3FA5]  }
0x2c: {  	s7 =	sld [smem:$0x3FA6]  }
0x2d: {  	s3 =	simm.s32 $0x108;
	s8 =	sld [smem:$0x3FA7]  }
0x2e: {  	s3 =	simm.s32 @!p0 $0x1082;
	s9 =	sld [smem:$0x3FA8]  }
0x2f: {  	lr =	sadd.s32 s0, s3;
	s0 =	sld [smem:$0x3F9F]  }
0x30: {  	s3 =	sld [smem:$0x3FA2]  }
0x31: {  	[smem:$0x3FAB] =	sst s10  }
0x32: {  	s10 =	sld [smem:$0x3FA9];
	_ =	sdelay $0x3  }
0x33: {  	p0 =	seq.s32 s10, $0x1;
	s10 =	sld [smem:$0x3FAB];
	_ =	sdelay $0x3  }
0x34: {  	[smem:$0x3FAB] =	sst s10  }
0x35: {  	s10 =	sld [smem:$0x3FAA];
	_ =	sdelay $0x3  }
0x36: {  	p1 =	seq.s32 s10, $0x1;
	s10 =	sld [smem:$0x3FAB];
	_ =	sdelay $0x3  }
0x37: {  	[smem:$0x3FAB] =	sst s10  }
0x38: {  	s10 =	sld [smem:$0x3FAC]  }
0x39: {  	_ = 	snop;
	(pc) =	sbr.ind lr, $3  }
0x3a: {  	_ = 	snop  }
0x3b: {  	_ = 	snop  }
0x3c: {  	p2 =	seq.s32 s10, $0x1;
	s10 =	sld [smem:$0x3FAB]  }
0x3d: {  	_ =	shalt  }
0x3e: {  	_ =	shalt  }
0x3f: {  	_ =	shalt  }
0x40: {  	_ =	shalt  }
0x41: {  	_ =	shalt  }
0x42: {  	_ =	shalt  }
0x43: {  	_ =	shalt  }
0x44: {  	_ =	shalt  }
0x45: {  	_ =	shalt  }
0x46: {  	_ =	shalt  }
0x47: {  	_ =	shalt  }
0x48: {  	_ =	shalt  }
0x49: {  	_ =	shalt  }
0x4a: {  	_ =	shalt  }
0x4b: {  	_ =	shalt  }
0x4c: {  	_ =	shalt  }
0x4d: {  	_ =	shalt  }
0x4e: {  	_ =	shalt  }
0x4f: {  	_ =	shalt  }
0x50: {  	_ =	shalt  }
0x51: {  	_ =	shalt  }
0x52: {  	_ =	shalt  }
0x53: {  	_ =	shalt  }
0x54: {  	_ =	shalt  }
0x55: {  	_ =	shalt  }
0x56: {  	_ =	shalt  }
0x57: {  	_ =	shalt  }
0x58: {  	_ =	shalt  }
0x59: {  	_ =	shalt  }
0x5a: {  	_ =	shalt  }
0x5b: {  	_ =	shalt  }
0x5c: {  	_ =	shalt  }
0x5d: {  	_ =	shalt  }
0x5e: {  	_ =	shalt  }
0x5f: {  	_ =	shalt  }
0x60: {  	_ =	shalt  }
0x61: {  	_ =	shalt  }
0x62: {  	_ =	shalt  }
0x63: {  	_ =	shalt  }
0x64: {  	_ =	shalt  }
0x65: {  	_ =	shalt  }
0x66: {  	_ =	shalt  }
0x67: {  	_ =	shalt  }
0x68: {  	_ =	shalt  }
0x69: {  	_ =	shalt  }
0x6a: {  	_ =	shalt  }
0x6b: {  	_ =	shalt  }
0x6c: {  	_ =	shalt  }
0x6d: {  	_ =	shalt  }
0x6e: {  	_ =	shalt  }
0x6f: {  	_ =	shalt  }
0x70: {  	_ =	shalt  }
0x71: {  	_ =	shalt  }
0x72: {  	_ =	shalt  }
0x73: {  	_ =	shalt  }
0x74: {  	_ =	shalt  }
0x75: {  	_ =	shalt  }
0x76: {  	_ =	shalt  }
0x77: {  	_ =	shalt  }
0x78: {  	_ =	shalt  }
0x79: {  	_ =	shalt  }
0x7a: {  	_ =	shalt  }
0x7b: {  	_ =	shalt  }
0x7c: {  	_ =	shalt  }
0x7d: {  	_ =	shalt  }
0x7e: {  	_ =	shalt  }
0x7f: {  	_ =	shalt  }
0x80: {  	_ =	shalt  }
0x81: {  	_ =	shalt  }
0x82: {  	_ =	shalt  }
0x83: {  	_ =	shalt  }
0x84: {  	_ =	shalt  }
0x85: {  	_ =	shalt  }
0x86: {  	_ =	shalt  }
0x87: {  	_ =	shalt  }
.Lfunc_end0:
.L_simem_size_0:
called_computation.4_lowered:
.L_overlay_start_0:
0x88: {  	s2 =	sld [smem:$0x3FD9]  }
0x89: {  	s3 =	sld [smem:$0x3FFE];
	_ =	sdelay $0x1  }
0x8a: {  	s1 =	srdreg.scid  }
0x8b: {  	s0 =	sand.u32 $0x1, s1  }
0x8c: {  	s16 =	sshll.u32 s0, $0xA;
	s2 =	sadd.s32 s3, s2  }
0x8d: {  	s2 =	sadd.s32 s2, s16  }
0x8e: {  	[smem:$0x3FB7] =	sst s2  }
0x8f: {  	_ = 	snop  }
0x90: {  	(tm) =	ssettm $0x1  }
0x91: {  	s17 =	sld [smem:$0x3FFB];
	_ =	sdelay $0x3  }
0x92: {  	_ =	strace s17  }
0x93: {  	s2 =	sld [smem:$0x3FFC];
	_ =	sdelay $0x3  }
0x94: {  	_ =	strace s2  }
0x95: {  	s2 =	sld [smem:$0x3FFD];
	_ =	sdelay $0x3  }
0x96: {  	_ =	strace s2  }
0x97: {  	_ =	strace $0x8FFFFFFF  }
0x98: {  	s18 =	sld [smem:$0x3FDB];
	_ =	sdelay $0x1  }
0x99: {  	s19 =	simm.s32 $_scs_section_size  }
0x9a: {  	s4 =	simm.s32 $_size__tile_overlayer_lowered;
	s5 =	simm.s32 $_tile_overlayer_lowered  }
0x9b: {  	s22 =	simm.s32 $0x1BFF;
	s21 =	sshll.u32 s5, $0x1;
	s2 =	sadd.s32 s19, s18  }
0x9c: {  	s6 =	simm.s32 $0x0;
	s20 =	sshll.u32 s4, $0x1;
	s4 =	sadd.s32 s21, s2  }
0x9d: {  	[timem:s6], [sflag:s22] =	dma.local [hbm:s4], s20  }
0x9e: {  	_ =	swait.ge [sflag:s22], s20  }
0x9f: {  	s3 =	ssub.s32 $0x0, s20;
	[sflag:s22] =	ssyncset.done $0x0  }
0xa0: {  	[sflag:s22] =	ssyncadd.s32 s3;
	_ =	sdelay $0x1  }
0xa1: {  	s23 =	simm.s32 $0x1B8B  }
0xa2: {  	_ =	swait.ge [sflag:s23], $0x1  }
0xa3: {  	[sflag:s23] =	ssyncset.done $0x0  }
0xa4: {  	s25 =	simm.s32 $0x1B8E;
	s24 =	sld [smem:$0x3FFE];
	[sflag:s23] =	ssyncadd.s32 $0xFFFFFFFF  }
0xa5: {  	s26 =	simm.s32 $execute0_lowered;
	[smem:$0x3FD2] =	sst s25  }
0xa6: {  	s4 =	sshll.u32 s26, $0x1;
	_ =	strace $0x8000004F;
	[dreg:$0x1] =	wrdreg $0xFFFFFFFF  }
0xa7: {  	s28 =	simm.s32 $_size_execute0_lowered;
	s2 =	sadd.s32 s2, s4;
	[dreg:$0x0] =	wrdreg $0x0  }
0xa8: {  	s4 =	sshll.u32 s28, $0x1;
	[dreg:$0x2] =	wrdreg s2  }
0xa9: {  	[dreg:$0x3] =	wrdreg s4  }
0xaa: {  	[dreg:$0x4] =	wrdreg $0xC0  }
0xab: {  	_ =	task [dreg:s6], $0x5FFFF  }
0xac: {  	[dreg:$0x1] =	wrdreg $0xFFFFFFFF  }
0xad: {  	[dreg:$0x0] =	wrdreg $0x60  }
0xae: {  	[dreg:$0x2] =	wrdreg s24  }
0xaf: {  	[dreg:$0x3] =	wrdreg $0xA  }
0xb0: {  	_ =	task.clear_ibuf [dreg:s6], $0x4FFFF;
	_ =	strace $0x9000004F  }
0xb1: {  	s29 =	simm.s32 $0xA;
	_ =	strace $0x80000051  }
0xb2: {  	_ =	swait.ge [sflag:s29], $0x1  }
0xb3: {  	[sflag:s29] =	ssyncadd.s32 $0xFFFFFFFF  }
0xb4: {  	_ =	strace $0x90000051  }
0xb5: {  	_ =	sfence  }
0xb6: {  	s30 =	sld [smem:$0x0];
	_ =	sdelay $0x2  }
0xb7: {  	s31 =	sshll.u32 s1, $0xD;
	s1 =	sshrl.u32 s1, $0x2  }
0xb8: {  	s3 =	sand.u32 $0x4000, s31;
	s1 =	sadd.s32 s1, s30  }
0xb9: {  	s0 =	sor.u32 s3, s0;
	s1 =	sshll.u32 s1, $0x11  }
0xba: {  	s0 =	sor.u32 s1, s0  }
0xbb: {  	s0 =	sadd.s32 $0x8F2B, s0  }
0xbc: {  	[sflag:s0] =	ssyncadd.remote.s32 $0x1  }
0xbd: {  	_ =	sfence.sel $0xFFFF  }
0xbe: {  	[dreg:$0x0] =	wrdreg $0xFFFFFFFF;
	(pc) =	sbr.abs _section_cstart, $3  }
0xbf: {  	[dreg:$0x1] =	wrdreg $0xFFFFFFFF  }
0xc0: {  	_ =	task.clear_ibuf [dreg:s6], $0x2FFFF;
	_ =	strace $0x9FFFFFFF  }
0xc1: {  	(tm) =	ssettm $0x7FFFFFFF  }
tec
execute0_lowered:
.L_overlay_start_1:
0x0: {  	(tag) =	ssettag $0x1  }
0x1: {  	s7 =	rddreg [dreg:$0x0]  }
0x2: {  	s0 =	rddreg [dreg:$0x1];
	s1 =	simm.s32 $0x0;
	s3 =	srdreg.scid  }
0x3: {  	s11 =	simm.s32 $0xC8;
	s12 =	simm.s32 $0x258;
	s13 =	simm.s32 $0x1  }
0x4: {  	s14 =	simm.s32 $0x2;
	s15 =	simm.s32 $0x320;
	s16 =	simm.s32 $0x6720  }
0x5: {  	s17 =	simm.s32 $0x3;
	s18 =	simm.s32 $0x4;
	s19 =	simm.s32 $0x3520  }
0x6: {  	s20 =	simm.s32 $0x9920;
	s21 =	simm.s32 $0xCB20;
	s22 =	simm.s32 $0xFD20  }
0x7: {  	s23 =	simm.s32 $0x0;
	[smem:$0x7FF] =	sst s1;
	s2 =	sadd.s32 $0x1A600, s7  }
0x8: {  	s4 =	sadd.s32 $0x2E000, s7;
	s5 =	sadd.s32 $0x10800, s7;
	s6 =	sand.u32 $0x1, s3  }
0x9: {  	s3 =	stileid.u32;
	_ =	strace $0x80000050;
	s8 =	ssub.s32 $0x2, s6  }
0xa: {  	s9 =	sshll.u32 s6, $0x4;
	s6 =	sadd.s32 $0x6A00, s7;
	s10 =	sshrl.u32 s8, $0x1  }
0xb: {  	s7 =	sadd.s32 $0x41A00, s7;
	s9 =	sor.u32 s3, s9;
	s10 =	ssub.s32 s8, s10  }
0xc: {  	s8 =	smul.u32 $0x2710, s9;
	s9 =	smax.u32 s10, $0x1;
	s10 =	simm.s32 $0x190  }
.LBB2_1:
0xd: {  	s24 =	simm.s32 $0x0  }
.LBB2_2:
0xe: {  	s25 =	smul.u32 $0x190, s24;
	_ =	sdelay $0x1  }
0xf: {  	s26 =	sadd.s32 s8, s25  }
0x10: {  	s28 =	sshrl.u32 s26, $0x3  }
0x11: {  	s29 =	simm.s32 $0x0;
	s31 =	sadd.s32 s5, s28  }
0x12: {  	[tilespmem:s29], [sflag:$0x1] =	stream.linear.gather [hbm4b:s31+s29], $0xC8, $0x38;
	[tilespmem:$0x12F20] =	vst v63  }
0x13: {  	s25 =	sadd.s32 $0xC8, s26;
	s28 =	sadd.s32 s6, s28  }
0x14: {  	[tilespmem:s10], [sflag:$0x2] =	stream.linear.gather [hbm4b:s28+s29], $0xC8, $0x38;
	[tilespmem:$0x12F20] =	vst v63  }
0x15: {  	s28 =	sshrl.u32 s25, $0x3  }
0x16: {  	s30 =	sadd.s32 s5, s28  }
0x17: {  	[tilespmem:s11], [sflag:$0x3] =	stream.linear.gather [hbm4b:s30+s29], $0xC8, $0x38;
	[tilespmem:$0x12F20] =	vst v63  }
0x18: {  	s28 =	sadd.s32 s6, s28  }
0x19: {  	[tilespmem:s12], [sflag:$0x4] =	stream.linear.gather [hbm4b:s28+s29], $0xC8, $0x38;
	[tilespmem:$0x12F20] =	vst v63  }
0x1a: {  	_ =	swait.ge [sflag:s13], $0xC8  }
0x1b: {  	[sflag:s13] =	ssyncset.done $0x0  }
0x1c: {  	[sflag:s13] =	ssyncadd.s32 $0xFFFFFF38  }
0x1d: {  	_ =	swait.ge [sflag:s14], $0xC8  }
0x1e: {  	[sflag:s14] =	ssyncset.done $0x0  }
0x1f: {  	[sflag:s14] =	ssyncadd.s32 $0xFFFFFF38  }
0x20: {  	[tilespmem:s15], [sflag:$0x1] =	stream.indirect.gather [hbm4b:s2+s11], $0x40, s29, s11, $0xb8;
	[tilespmem:$0x12F20] =	vst v63  }
0x21: {  	_ = 	snop  }
0x22: {  	[tilespmem:s16], [sflag:$0x2] =	stream.indirect.gather [hbm4b:s4+s11], $0x40, s10, s11, $0xb8;
	[tilespmem:$0x12F20] =	vst v63  }
0x23: {  	_ =	swait.ge [sflag:s17], $0xC8  }
0x24: {  	[sflag:s17] =	ssyncset.done $0x0  }
0x25: {  	[sflag:s17] =	ssyncadd.s32 $0xFFFFFF38  }
0x26: {  	_ =	swait.ge [sflag:s18], $0xC8  }
0x27: {  	[sflag:s18] =	ssyncset.done $0x0  }
0x28: {  	[sflag:s18] =	ssyncadd.s32 $0xFFFFFF38  }
0x29: {  	[tilespmem:s19], [sflag:$0x3] =	stream.indirect.gather [hbm4b:s2+s11], $0x40, s11, s11, $0xb8;
	[tilespmem:$0x12F20] =	vst v63  }
0x2a: {  	_ = 	snop  }
0x2b: {  	[tilespmem:s20], [sflag:$0x4] =	stream.indirect.gather [hbm4b:s4+s11], $0x40, s12, s11, $0xb8;
	[tilespmem:$0x12F20] =	vst v63  }
0x2c: {  	_ =	swait.ge [sflag:s13], $0x3200  }
0x2d: {  	[sflag:s13] =	ssyncset.done $0x0  }
0x2e: {  	[sflag:s13] =	ssyncadd.s32 $0xFFFFCE00  }
0x2f: {  	_ =	swait.ge [sflag:s14], $0x3200  }
0x30: {  	[sflag:s14] =	ssyncset.done $0x0  }
0x31: {  	s28 =	simm.s32 $0x0;
	[sflag:s14] =	ssyncadd.s32 $0xFFFFCE00  }
0x32: {  	v2 =	vld [tilespmem:s28+$0x350]  }
0x33: {  	v4 =	vld [tilespmem:s28+$0x6750]  }
0x34: {  	v5 =	vld [tilespmem:s28+$0x320]  }
0x35: {  	v6 =	vld [tilespmem:s28+$0x6720]  }
0x36: {  	v1 =	vld [tilespmem:s28+$0x330]  }
0x37: {  	v3 =	vld [tilespmem:s28+$0x6730]  }
0x38: {  	v0 =	vld [tilespmem:s28+$0x340];
	v7 =	vadd.f32 v4, v2  }
0x39: {  	s29 =	simm.s32 $0x40;
	v4 =	vld [tilespmem:s28+$0x6740]  }
0x3a: {  	s30 =	simm.s32 $0x200;
	v2 =	vld [tilespmem:s29+$0x350];
	v5 =	vadd.f32 v6, v5;
	[tilespmem:s28+$0xCB50] =	vst v7  }
.LBB2_3:
0x3b: {  	p0 =	sne.s32 s30, $0xC700;
	v6 =	vld [tilespmem:s29+$0x6750]  }
0x3c: {  	v7 =	vld [tilespmem:s29+$0x320];
	[tilespmem:s28+$0xCB20] =	vst v5;
	v3 =	vadd.f32 v3, v1  }
0x3d: {  	v5 =	vld [tilespmem:s29+$0x6720]  }
.Ltmp0:
0x3e: {  	v1 =	vld [tilespmem:s29+$0x330];
	[tilespmem:s28+$0xCB30] =	vst v3;
	v4 =	vadd.f32 v4, v0;
	(pc) =	sbr.rel @p0 .LBB2_3-.Ltmp0, $4  }
0x3f: {  	v3 =	vld [tilespmem:s29+$0x6730]  }
0x40: {  	v0 =	vld [tilespmem:s29+$0x340];
	v6 =	vadd.f32 v6, v2;
	[tilespmem:s28+$0xCB40] =	vst v4;
	s28 =	smov.u32 s29  }
0x41: {  	s29 =	sshra.s32 s30, $0x2;
	v4 =	vld [tilespmem:s28+$0x6740]  }
0x42: {  	s30 =	sadd.s32 $0x100, s30;
	v2 =	vld [tilespmem:s29+$0x350];
	v5 =	vadd.f32 v5, v7;
	[tilespmem:s28+$0xCB50] =	vst v6  }
0x43: {  	v6 =	vld [tilespmem:s29+$0x6750]  }
0x44: {  	v7 =	vld [tilespmem:s29+$0x320];
	[tilespmem:s28+$0xCB20] =	vst v5;
	v1 =	vadd.f32 v3, v1  }
0x45: {  	v3 =	vld [tilespmem:s29+$0x6720]  }
0x46: {  	v5 =	vld [tilespmem:s29+$0x330];
	[tilespmem:s28+$0xCB30] =	vst v1;
	v0 =	vadd.f32 v4, v0  }
0x47: {  	v1 =	vld [tilespmem:s29+$0x6730]  }
0x48: {  	v4 =	vld [tilespmem:s29+$0x340];
	[tilespmem:s28+$0xCB40] =	vst v0  }
0x49: {  	v0 =	vld [tilespmem:s29+$0x6740];
	_ =	sdelay $0x1  }
0x4a: {  	v2 =	vadd.f32 v6, v2  }
0x4b: {  	v3 =	vadd.f32 v3, v7  }
0x4c: {  	[tilespmem:s29+$0xCB50] =	vst v2;
	v1 =	vadd.f32 v1, v5  }
0x4d: {  	[tilespmem:s29+$0xCB20] =	vst v3;
	v0 =	vadd.f32 v0, v4  }
0x4e: {  	s26 =	sshll.u32 s26, $0x3;
	[tilespmem:s29+$0xCB30] =	vst v1  }
0x4f: {  	s26 =	sadd.s32 s7, s26;
	s28 =	simm.s32 $0x0;
	[tilespmem:s29+$0xCB40] =	vst v0  }
0x50: {  	[hbm4b:s26+s28] =	stream.linear.scatter [tilespmem:s21], [sflag:$0x1], $0x3200, $0x38;
	[tilespmem:$0x12F20] =	vst v63  }
0x51: {  	_ =	swait.ge [sflag:s17], $0x3200  }
0x52: {  	[sflag:s17] =	ssyncset.done $0x0  }
0x53: {  	[sflag:s17] =	ssyncadd.s32 $0xFFFFCE00  }
0x54: {  	_ =	swait.ge [sflag:s18], $0x3200  }
0x55: {  	[sflag:s18] =	ssyncset.done $0x0  }
0x56: {  	s28 =	simm.s32 $0x0;
	[sflag:s18] =	ssyncadd.s32 $0xFFFFCE00  }
0x57: {  	v2 =	vld [tilespmem:s28+$0x3550]  }
0x58: {  	v4 =	vld [tilespmem:s28+$0x9950]  }
0x59: {  	v5 =	vld [tilespmem:s28+$0x3520]  }
0x5a: {  	v6 =	vld [tilespmem:s28+$0x9920]  }
0x5b: {  	v1 =	vld [tilespmem:s28+$0x3530]  }
0x5c: {  	v3 =	vld [tilespmem:s28+$0x9930]  }
0x5d: {  	v0 =	vld [tilespmem:s28+$0x3540];
	v7 =	vadd.f32 v4, v2  }
0x5e: {  	s26 =	simm.s32 $0x40;
	v4 =	vld [tilespmem:s28+$0x9940]  }
0x5f: {  	s29 =	simm.s32 $0x200;
	v2 =	vld [tilespmem:s26+$0x3550];
	v5 =	vadd.f32 v6, v5;
	[tilespmem:s28+$0xFD50] =	vst v7  }
.LBB2_5:
0x60: {  	p0 =	sne.s32 s29, $0xC700;
	v6 =	vld [tilespmem:s26+$0x9950]  }
0x61: {  	v7 =	vld [tilespmem:s26+$0x3520];
	[tilespmem:s28+$0xFD20] =	vst v5;
	v3 =	vadd.f32 v3, v1  }
0x62: {  	v5 =	vld [tilespmem:s26+$0x9920]  }
.Ltmp1:
0x63: {  	v1 =	vld [tilespmem:s26+$0x3530];
	[tilespmem:s28+$0xFD30] =	vst v3;
	v4 =	vadd.f32 v4, v0;
	(pc) =	sbr.rel @p0 .LBB2_5-.Ltmp1, $4  }
0x64: {  	v3 =	vld [tilespmem:s26+$0x9930]  }
0x65: {  	v0 =	vld [tilespmem:s26+$0x3540];
	v6 =	vadd.f32 v6, v2;
	[tilespmem:s28+$0xFD40] =	vst v4;
	s28 =	smov.u32 s26  }
0x66: {  	s26 =	sshra.s32 s29, $0x2;
	v4 =	vld [tilespmem:s28+$0x9940]  }
0x67: {  	s29 =	sadd.s32 $0x100, s29;
	v2 =	vld [tilespmem:s26+$0x3550];
	v5 =	vadd.f32 v5, v7;
	[tilespmem:s28+$0xFD50] =	vst v6  }
0x68: {  	v6 =	vld [tilespmem:s26+$0x9950]  }
0x69: {  	v7 =	vld [tilespmem:s26+$0x3520];
	[tilespmem:s28+$0xFD20] =	vst v5;
	v1 =	vadd.f32 v3, v1  }
0x6a: {  	v62 =	vld [tilespmem:s26+$0x9920]  }
0x6b: {  	v5 =	vld [tilespmem:s26+$0x3530];
	[tilespmem:s28+$0xFD30] =	vst v1;
	v0 =	vadd.f32 v4, v0  }
0x6c: {  	v1 =	vld [tilespmem:s26+$0x9930]  }
0x6d: {  	v63 =	vld [tilespmem:s26+$0x3540];
	[tilespmem:s28+$0xFD40] =	vst v0  }
0x6e: {  	v0 =	vld [tilespmem:s26+$0x9940];
	_ =	sdelay $0x1  }
0x6f: {  	v2 =	vadd.f32 v6, v2  }
0x70: {  	v3 =	vadd.f32 v62, v7  }
0x71: {  	[tilespmem:s26+$0xFD50] =	vst v2;
	v1 =	vadd.f32 v1, v5  }
0x72: {  	s25 =	sshll.u32 s25, $0x3;
	[tilespmem:s26+$0xFD20] =	vst v3;
	v0 =	vadd.f32 v0, v63  }
0x73: {  	s25 =	sand.u32 $0x1FFFFFC0, s25;
	[tilespmem:s26+$0xFD30] =	vst v1  }
0x74: {  	s24 =	sadd.s32 $0x1, s24;
	s25 =	sadd.s32 s7, s25;
	[tilespmem:s26+$0xFD40] =	vst v0  }
0x75: {  	[hbm4b:s25+s1] =	stream.linear.scatter [tilespmem:s22], [sflag:$0x2], $0x3200, $0x38;
	[tilespmem:$0x12F20] =	vst v63  }
0x76: {  	p0 =	sne.s32 s24, $0x19;
	_ =	swait.ge [sflag:s13], $0x3200  }
.Ltmp2:
0x77: {  	[sflag:s13] =	ssyncset.done $0x0;
	(pc) =	sbr.rel @p0 .LBB2_2-.Ltmp2, $4  }
0x78: {  	[sflag:s13] =	ssyncadd.s32 $0xFFFFCE00  }
0x79: {  	_ =	swait.ge [sflag:s14], $0x3200  }
0x7a: {  	[sflag:s14] =	ssyncset.done $0x0  }
0x7b: {  	[sflag:s14] =	ssyncadd.s32 $0xFFFFCE00  }
0x7c: {  	s23 =	sadd.s32 $0x1, s23  }
0x7d: {  	p0 =	sne.s32 s23, s9  }
.Ltmp3:
0x7e: {  	_ = 	snop;
	(pc) =	sbr.rel @p0 .LBB2_1-.Ltmp3, $1  }
0x7f: {  	_ =	sdelay $0x3  }
0x80: {  	_ =	sfence.sel $0x180000  }
0x81: {  	[bflag:$0x0] =	sbarrier.arrive $0xFFFF  }
0x82: {  	p0 =	sne.s32 s3, $0x0;
	_ =	strace $0x90000050  }
0x83: {  	s0 =	sadd.s32 @!p0 $0x100000, s0;
	[bflag:$0x2] =	sbarrier.arrive $0xFFFF  }
0x84: {  	[sflag:s0] =	ssyncadd.tile.s32 @!p0 $0x1;
	_ =	shalt  }
.Lfunc_end2:
_tile_overlayer_lowered:
.L_overlay_start_2:
0x85: {  	(tag) =	ssettag $0x2  }
0x86: {  	s0 =	rddreg [dreg:$0x0];
	s2 =	stileid.u32  }
0x87: {  	s1 =	rddreg [dreg:$0x1];
	p0 =	sne.s32 s2, $0x0  }
0x88: {  	s3 =	rddreg [dreg:$0x2];
	[bflag:$0x3] =	sbarrier.arrive $0xFFFF;
	s2 =	simm.s32 @!p0 $0x1C05  }
0x89: {  	[timem:s3], [sflag:s2] =	dma.local @!p0 [hbm:s0], s1  }
0x8a: {  	s0 =	simm.s32 @!p0 $0x5  }
0x8b: {  	_ =	swait.ge @!p0 [sflag:s0], s1  }
0x8c: {  	s1 =	ssub.s32 @!p0 $0x0, s1;
	[sflag:s0] =	ssyncset.done @!p0 $0x0  }
0x8d: {  	[sflag:s0] =	ssyncadd.s32 @!p0 s1  }
0x8e: {  	[bflag:$0x3] =	sbarrier.arrive $0xFFFF  }
0x8f: {  	_ =	shalt  }

</sc_bundles>
